<compile_context>
chip_gen: v7x
topology: tpu7x:2x2x1
jax: 0.10.2.dev20260603
libtpu: 0.0.44.dev20260713+nightly
codegen_flags: <defaults>
</compile_context>

<pallas_src>
import functools

import jax
import jax.numpy as jnp
from jax import lax
from jax.experimental import pallas as pl
from jax.experimental.pallas import tpu as pltpu
from jax.experimental.pallas import tpu_sc as plsc

B = 4
N = 65536
M = N * 3
GRP = 8
CH = M // GRP
PCH = N // GRP
L = 16
NPV = PCH // L
UN = 8
EPS = 1e-07
_MASK31 = 0x7FFFFFFF


def _sc_point_loss(pred, target, weight):
    mesh = plsc.VectorSubcoreMesh(core_axis_name="c", subcore_axis_name="s")

    @functools.partial(
        pl.kernel,
        mesh=mesh,
        out_type=jax.ShapeDtypeStruct((B * L,), jnp.float32),
        compiler_params=pltpu.CompilerParams(needs_layout_passes=False),
        scratch_types=[
            pltpu.VMEM((PCH,), jnp.float32),
            pltpu.VMEM((PCH,), jnp.float32),
            pltpu.VMEM((PCH,), jnp.float32),
            pltpu.VMEM((PCH,), jnp.float32),
            pltpu.VMEM((PCH,), jnp.float32),
            pltpu.VMEM((PCH,), jnp.float32),
            pltpu.VMEM((PCH,), jnp.float32),
            pltpu.VMEM((CH + UN * L,), jnp.int32),
            pltpu.VMEM((CH + UN * L,), jnp.float32),
            pltpu.VMEM((L,), jnp.float32),
            pltpu.VMEM((GRP * L,), jnp.float32),
            pltpu.VMEM((L,), jnp.float32),
            pltpu.VMEM_SHARED((2, GRP * L), jnp.float32),
            pltpu.SemaphoreType.DMA,
        ],
    )
    def k(pred_in, target_in, weight_hbm, out_hbm,
          p0_v, p1_v, p2_v, t0_v, t1_v, t2_v,
          w_v, key_v, wx_v, stage_v, grp_v, out_v, shared, dsem):
        cid = lax.axis_index("c")
        sid = lax.axis_index("s")
        g = sid // GRP
        lid = sid % GRP
        b = cid * 2 + g
        lane = lax.iota(jnp.int32, L)

        r0 = b * N + lid * PCH
        p_bufs = (p0_v, p1_v, p2_v)
        t_bufs = (t0_v, t1_v, t2_v)
        copies = []
        for kc in range(3):
            copies.append(pltpu.async_copy(
                pred_in.at[b * 3 + kc, pl.ds(lid * PCH, PCH)],
                p_bufs[kc], dsem))
            copies.append(pltpu.async_copy(
                target_in.at[b * 3 + kc, pl.ds(lid * PCH, PCH)],
                t_bufs[kc], dsem))
        copies.append(pltpu.async_copy(
            weight_hbm.at[b, pl.ds(lid * PCH, PCH)], w_v, dsem))
        for cp in copies:
            cp.wait()

        zero = jnp.zeros((L,), jnp.float32)
        eps = jnp.float32(EPS)

        def global_sum(vec):
            stage_v[...] = vec
            plsc.subcore_barrier()
            pltpu.sync_copy(stage_v, shared.at[g, pl.ds(lid * L, L)])
            plsc.subcore_barrier()
            pltpu.sync_copy(shared.at[g], grp_v)

            def rd(j, acc):
                return acc + grp_v[pl.ds(j * L, L)]

            return jnp.sum(lax.fori_loop(0, GRP, rd, zero))

        def make_pass_a(kc):
            pb, tb = p_bufs[kc], t_bufs[kc]

            def pass_a(i, acc):
                for u in range(UN):
                    v = i * UN + u
                    sl = pl.ds(v * L, L)
                    p = pb[sl]
                    t = tb[sl]
                    w = w_v[sl]
                    sgn = jnp.where(
                        p >= 0.0, jnp.float32(1.0), jnp.float32(-1.0))
                    xa = jnp.abs(p)
                    ya = t * sgn
                    ratio = ya / jnp.maximum(xa, eps)
                    bits = plsc.bitcast(ratio, jnp.int32)
                    key = jnp.where(
                        bits >= 0, bits, bits ^ jnp.int32(_MASK31))
                    so = pl.ds(kc * PCH + v * L, L)
                    key_v[so] = key
                    wx_v[so] = xa * w
                    acc = acc + xa * w
                return acc

            return pass_a

        tvec = zero
        for kc in range(3):
            tvec = lax.fori_loop(0, NPV // UN, make_pass_a(kc), tvec)
        t_half = global_sum(tvec) * jnp.float32(0.5)

        def count_lt(q):
            qv = jnp.full((L,), q, jnp.int32)

            def body(i, acc):
                for u in range(UN):
                    sl = pl.ds((i * UN + u) * L, L)
                    kk = key_v[sl]
                    vv = wx_v[sl]
                    acc = acc + jnp.where(kk < qv, vv, jnp.float32(0.0))
                return acc

            return lax.fori_loop(0, CH // (UN * L), body, zero)

        c0 = global_sum(count_lt(jnp.int32(0)))
        acc0 = c0 < t_half
        p_key = jnp.where(acc0, jnp.int32(0), jnp.int32(-2147483648))
        f_p = jnp.where(acc0, c0, jnp.float32(0.0))

        def round_body(r, carry):
            p_key, f_p = carry
            q = p_key + (jnp.int32(1) << (30 - r))
            c = global_sum(count_lt(q))
            acc = c < t_half
            return (jnp.where(acc, q, p_key), jnp.where(acc, c, f_p))

        p_key, f_p = lax.fori_loop(0, 7, round_body, (p_key, f_p))

        pkv = jnp.full((L,), p_key, jnp.int32)
        lim = jnp.int32(1 << 24)

        def compact(i, off):
            sl = pl.ds(i * L, L)
            kk = key_v[sl]
            vv = wx_v[sl]
            mask = (kk >= pkv) & ((kk - pkv) < lim)
            plsc.store_compressed(key_v.at[pl.ds(off, L)], kk, mask=mask)
            plsc.store_compressed(wx_v.at[pl.ds(off, L)], vv, mask=mask)
            return off + jnp.max(plsc.all_reduce_population_count(mask))

        cnt = lax.fori_loop(0, CH // L, compact, jnp.int32(0))
        for j in range(UN):
            slp = pl.ds(cnt + j * L, L)
            key_v[slp] = jnp.full((L,), jnp.int32(_MASK31), jnp.int32)
            wx_v[slp] = zero
        nblk = (cnt + (UN * L - 1)) // (UN * L)

        def count_lt2(q):
            qv = jnp.full((L,), q, jnp.int32)

            def body(i, acc):
                for u in range(UN):
                    sl = pl.ds((i * UN + u) * L, L)
                    acc = acc + jnp.where(
                        key_v[sl] < qv, wx_v[sl], jnp.float32(0.0))
                return acc

            return lax.fori_loop(0, nblk, body, zero)

        def round2_body(r, p_key):
            q = p_key + (jnp.int32(1) << (23 - r))
            c = f_p + global_sum(count_lt2(q))
            return jnp.where(c < t_half, q, p_key)

        p_key = lax.fori_loop(0, 24, round2_body, p_key)

        pbits = jnp.where(p_key >= 0, p_key, p_key ^ jnp.int32(_MASK31))
        a_vec = plsc.bitcast(jnp.full((L,), pbits, jnp.int32), jnp.float32)

        def make_pass_c(kc):
            pb, tb = p_bufs[kc], t_bufs[kc]

            def pass_c(i, acc):
                for u in range(UN):
                    sl = pl.ds((i * UN + u) * L, L)
                    p = pb[sl]
                    t = tb[sl]
                    w = w_v[sl]
                    acc = acc + w * jnp.abs(a_vec * p - t)
                return acc

            return pass_c

        num_vec = zero
        for kc in range(3):
            num_vec = lax.fori_loop(0, NPV // UN, make_pass_c(kc), num_vec)

        def pass_w(i, acc):
            return acc + w_v[pl.ds(i * L, L)]

        den_vec = lax.fori_loop(0, PCH // L, pass_w, zero)

        sn = jnp.sum(num_vec)
        sd = jnp.sum(den_vec)
        stage_v[...] = jnp.where(lane == 0, sn,
                                 jnp.where(lane == 1, sd, jnp.float32(0.0)))
        plsc.subcore_barrier()
        pltpu.sync_copy(stage_v, shared.at[g, pl.ds(lid * L, L)])
        plsc.subcore_barrier()
        pltpu.sync_copy(shared.at[g], grp_v)

        def rd8(j, acc):
            return acc + grp_v[pl.ds(j * L, L)]

        gv = lax.fori_loop(0, GRP, rd8, zero)
        num = jnp.sum(jnp.where(lane == 0, gv, jnp.float32(0.0)))
        den = jnp.sum(jnp.where(lane == 1, gv, jnp.float32(0.0)))

        @pl.when(lid == 0)
        def _():
            out_v[...] = jnp.where(
                lane == 0, num, jnp.where(lane == 1, den, jnp.float32(0.0)))
            pltpu.sync_copy(out_v, out_hbm.at[pl.ds(b * L, L)])

    return k(pred, target, weight)


def kernel(pred, target, weight):
    pred_t = jnp.swapaxes(pred, 1, 2).reshape(B * 3, N)
    target_t = jnp.swapaxes(target, 1, 2).reshape(B * 3, N)
    out = _sc_point_loss(pred_t, target_t, weight).reshape(B, L)
    per_batch = out[:, 0]
    denom = 3.0 * jnp.maximum(out[:, 1], EPS)
    return jnp.mean(per_batch / denom)

# --- scband reference (transcript-rebuilt; emitter-appended) ---
"""Pipeline reference for scband-point-loss-77532749628013 (READ-ONLY COPY).

The authoritative reference and input builder live on the scoring server;
editing this copy changes nothing except your own understanding.
"""

import jax, jax.numpy as jnp
import numpy as np

EPS = 1e-07
BETA = 0.0


def _smooth(err, beta=0.0):
    if beta == 0:
        return err
    return jnp.where(err < beta, 0.5 * jnp.square(err) / beta, err - 0.5 * beta)


def _align_scale(x, y, w, eps=1e-07):
    # Solve min_a sum_i w_i * |a * x_i - y_i| (trunc=None branch of align)
    sign = jnp.sign(x)
    x = x * sign
    y = y * sign
    y_div_x = y / jnp.maximum(x, eps)
    order = jnp.argsort(y_div_x, axis=-1)
    y_sorted = jnp.take_along_axis(y_div_x, order, axis=-1)
    wx = jnp.take_along_axis(x * w, order, axis=-1)
    derivatives = 2.0 * jnp.cumsum(wx, axis=-1) - jnp.sum(wx, axis=-1, keepdims=True)
    # searchsorted(derivatives, 0, side='left') == count of elements strictly < 0
    n = derivatives.shape[-1]
    search = jnp.clip(jnp.sum((derivatives < 0).astype(jnp.int32), axis=-1), 0, n - 1)
    a = jnp.take_along_axis(y_sorted, search[..., None], axis=-1)[..., 0]
    return a


def setup_inputs(seed: int = 0) -> dict:
    key = jax.random.key(seed)
    k1, k2, k3 = jax.random.split(key, 3)
    pred = jax.random.normal(k1, (4, 65536, 3), dtype=jnp.float32)
    target = jax.random.normal(k2, (4, 65536, 3), dtype=jnp.float32)
    weight = jax.random.uniform(k3, (4, 65536), dtype=jnp.float32)
    return {"pred": pred, "target": target, "weight": weight}


def reference(pred, target, weight):
    B, N, _ = pred.shape
    x = pred.reshape(B, N * 3)
    y = target.reshape(B, N * 3)
    w = jnp.broadcast_to(weight[..., None], (B, N, 3)).reshape(B, N * 3)
    scale = _align_scale(x, y, w, EPS)  # shape (B,)
    err = jnp.abs(scale[:, None, None] * pred - target)
    per_batch = jnp.sum(weight[..., None] * _smooth(err, BETA), axis=(-1, -2))
    denom = 3.0 * jnp.maximum(jnp.sum(weight, axis=-1), EPS)
    return jnp.mean(per_batch / denom)

if __name__ == "__main__":
    import jax
    _d = setup_inputs()
    print(jax.jit(kernel)(*tuple(_d.values())))

</pallas_src>

<mosaic_0001>
#map = affine_map<(d0, d1) -> (0, 0)>
#map1 = affine_map<(d0, d1) -> (0)>
module attributes {stable_mosaic.version = 14 : i64} {
  func.func @k(%arg0: i32, %arg1: i32, %arg2: memref<12x65536xf32, #tpu.memory_space<hbm>>, %arg3: memref<12x65536xf32, #tpu.memory_space<hbm>>, %arg4: memref<4x65536xf32, #tpu.memory_space<hbm>>, %arg5: memref<64xf32, #tpu.memory_space<hbm>>, %arg6: memref<8192xf32, #tpu.memory_space<vmem>>, %arg7: memref<8192xf32, #tpu.memory_space<vmem>>, %arg8: memref<8192xf32, #tpu.memory_space<vmem>>, %arg9: memref<8192xf32, #tpu.memory_space<vmem>>, %arg10: memref<8192xf32, #tpu.memory_space<vmem>>, %arg11: memref<8192xf32, #tpu.memory_space<vmem>>, %arg12: memref<8192xf32, #tpu.memory_space<vmem>>, %arg13: memref<24704xi32, #tpu.memory_space<vmem>>, %arg14: memref<24704xf32, #tpu.memory_space<vmem>>, %arg15: memref<16xf32, #tpu.memory_space<vmem>>, %arg16: memref<128xf32, #tpu.memory_space<vmem>>, %arg17: memref<16xf32, #tpu.memory_space<vmem>>, %arg18: memref<2x128xf32, #tpu.memory_space<vmem_shared>>, %arg19: memref<!tpu.dma_semaphore, #tpu.memory_space<semaphore_mem>>) attributes {dimension_semantics = [#tpu.dimension_semantics<core_parallel>, #tpu.dimension_semantics<subcore_parallel>], iteration_bounds = array<i64: 2, 16>, scalar_prefetch = 0 : i64, scratch_operands = 14 : i64, tpu.core_type = #tpu.core_type<sc_vector_subcore>, window_params = [{transform_indices = #map}, {transform_indices = #map}, {transform_indices = #map}, {transform_indices = #map1}]} {
    %jit3A = arith.constant 8 : i32
    %div3A = arith.divsi %arg1, %jit3A : i32
    %sign3A = arith.constant 0 : i32
    %sign3A_0 = arith.cmpi sgt, %arg1, %sign3A : i32
    %sign3A_1 = arith.extui %sign3A_0 : i1 to i32
    %sign3A_2 = arith.constant 0 : i32
    %sign3A_3 = arith.cmpi slt, %arg1, %sign3A_2 : i32
    %sign3A_4 = arith.extui %sign3A_3 : i1 to i32
    %sign3A_5 = arith.subi %sign3A_1, %sign3A_4 : i32
    %sign3A_6 = arith.constant 0 : i32
    %sign3A_7 = arith.cmpi sgt, %jit3A, %sign3A_6 : i32
    %sign3A_8 = arith.extui %sign3A_7 : i1 to i32
    %sign3A_9 = arith.constant 0 : i32
    %sign3A_10 = arith.cmpi slt, %jit3A, %sign3A_9 : i32
    %sign3A_11 = arith.extui %sign3A_10 : i1 to i32
    %sign3A_12 = arith.subi %sign3A_8, %sign3A_11 : i32
    %ne3A = arith.cmpi ne, %sign3A_5, %sign3A_12 : i32
    %rem3A = arith.remsi %arg1, %jit3A : i32
    %ne3A_13 = arith.constant 0 : i32
    %ne3A_14 = arith.cmpi ne, %rem3A, %ne3A_13 : i32
    %and3A = arith.andi %ne3A, %ne3A_14 : i1
    %sub3A = arith.constant 1 : i32
    %sub3A_15 = arith.subi %div3A, %sub3A : i32
    %select_n3A = arith.select %and3A, %sub3A_15, %div3A : i32
    %jit3A_16 = arith.constant 8 : i32
    %eq3A = arith.constant 0 : i32
    %eq3A_17 = arith.cmpi eq, %jit3A_16, %eq3A : i32
    %jit3A_18 = arith.constant 1 : i32
    %select_n3A_19 = arith.select %eq3A_17, %jit3A_18, %jit3A_16 : i32
    %rem3A_20 = arith.remsi %arg1, %select_n3A_19 : i32
    %ne3A_21 = arith.constant 0 : i32
    %ne3A_22 = arith.cmpi ne, %rem3A_20, %ne3A_21 : i32
    %lt3A = arith.constant 0 : i32
    %lt3A_23 = arith.cmpi slt, %rem3A_20, %lt3A : i32
    %lt3A_24 = arith.constant 0 : i32
    %lt3A_25 = arith.cmpi slt, %select_n3A_19, %lt3A_24 : i32
    %ne3A_26 = arith.xori %lt3A_23, %lt3A_25 : i1
    %and3A_27 = arith.andi %ne3A_26, %ne3A_22 : i1
    %add3A = arith.addi %rem3A_20, %select_n3A_19 : i32
    %select_n3A_28 = arith.select %and3A_27, %add3A, %rem3A_20 : i32
    %mul3A = arith.constant 2 : i32
    %mul3A_29 = arith.muli %arg0, %mul3A : i32
    %add3A_30 = arith.addi %mul3A_29, %select_n3A : i32
    %iota3A = tpu.iota {dimensions = array<i32: 0>} : vector<16xi32>
    %mul3A_31 = arith.constant 65536 : i32
    %mul3A_32 = arith.muli %add3A_30, %mul3A_31 : i32
    %mul3A_33 = arith.constant 8192 : i32
    %mul3A_34 = arith.muli %select_n3A_28, %mul3A_33 : i32
    %add3A_35 = arith.addi %mul3A_32, %mul3A_34 : i32
    %mul3A_36 = arith.constant 3 : i32
    %mul3A_37 = arith.muli %add3A_30, %mul3A_36 : i32
    %add3A_38 = arith.constant 0 : i32
    %add3A_39 = arith.addi %mul3A_37, %add3A_38 : i32
    %mul3A_40 = arith.constant 8192 : i32
    %mul3A_41 = arith.muli %select_n3A_28, %mul3A_40 : i32
    %dma_start3A = tpu.memref_slice %arg2[%add3A_39, %mul3A_41] : memref<12x65536xf32, #tpu.memory_space<hbm>> -> memref<1x8192xf32, #tpu.memory_space<hbm>>
    %dma_start3A_42 = tpu.memref_squeeze %dma_start3A : memref<1x8192xf32, #tpu.memory_space<hbm>> -> memref<8192xf32, #tpu.memory_space<hbm>>
    %dma_start3A_43 = tpu.memref_slice %arg2[%add3A_39, %mul3A_41] : memref<12x65536xf32, #tpu.memory_space<hbm>> -> memref<1x8192xf32, #tpu.memory_space<hbm>>
    %dma_start3A_44 = tpu.memref_squeeze %dma_start3A_43 : memref<1x8192xf32, #tpu.memory_space<hbm>> -> memref<8192xf32, #tpu.memory_space<hbm>>
    tpu.enqueue_dma source(%dma_start3A_44 : memref<8192xf32, #tpu.memory_space<hbm>>) target(%arg6 : memref<8192xf32, #tpu.memory_space<vmem>>) target_semaphore(%arg19 : memref<!tpu.dma_semaphore, #tpu.memory_space<semaphore_mem>>)
    %mul3A_45 = arith.constant 3 : i32
    %mul3A_46 = arith.muli %add3A_30, %mul3A_45 : i32
    %add3A_47 = arith.constant 0 : i32
    %add3A_48 = arith.addi %mul3A_46, %add3A_47 : i32
    %mul3A_49 = arith.constant 8192 : i32
    %mul3A_50 = arith.muli %select_n3A_28, %mul3A_49 : i32
    %dma_start3A_51 = tpu.memref_slice %arg3[%add3A_48, %mul3A_50] : memref<12x65536xf32, #tpu.memory_space<hbm>> -> memref<1x8192xf32, #tpu.memory_space<hbm>>
    %dma_start3A_52 = tpu.memref_squeeze %dma_start3A_51 : memref<1x8192xf32, #tpu.memory_space<hbm>> -> memref<8192xf32, #tpu.memory_space<hbm>>
    %dma_start3A_53 = tpu.memref_slice %arg3[%add3A_48, %mul3A_50] : memref<12x65536xf32, #tpu.memory_space<hbm>> -> memref<1x8192xf32, #tpu.memory_space<hbm>>
    %dma_start3A_54 = tpu.memref_squeeze %dma_start3A_53 : memref<1x8192xf32, #tpu.memory_space<hbm>> -> memref<8192xf32, #tpu.memory_space<hbm>>
    tpu.enqueue_dma source(%dma_start3A_54 : memref<8192xf32, #tpu.memory_space<hbm>>) target(%arg9 : memref<8192xf32, #tpu.memory_space<vmem>>) target_semaphore(%arg19 : memref<!tpu.dma_semaphore, #tpu.memory_space<semaphore_mem>>)
    %mul3A_55 = arith.constant 3 : i32
    %mul3A_56 = arith.muli %add3A_30, %mul3A_55 : i32
    %add3A_57 = arith.constant 1 : i32
    %add3A_58 = arith.addi %mul3A_56, %add3A_57 : i32
    %mul3A_59 = arith.constant 8192 : i32
    %mul3A_60 = arith.muli %select_n3A_28, %mul3A_59 : i32
    %dma_start3A_61 = tpu.memref_slice %arg2[%add3A_58, %mul3A_60] : memref<12x65536xf32, #tpu.memory_space<hbm>> -> memref<1x8192xf32, #tpu.memory_space<hbm>>
    %dma_start3A_62 = tpu.memref_squeeze %dma_start3A_61 : memref<1x8192xf32, #tpu.memory_space<hbm>> -> memref<8192xf32, #tpu.memory_space<hbm>>
    %dma_start3A_63 = tpu.memref_slice %arg2[%add3A_58, %mul3A_60] : memref<12x65536xf32, #tpu.memory_space<hbm>> -> memref<1x8192xf32, #tpu.memory_space<hbm>>
    %dma_start3A_64 = tpu.memref_squeeze %dma_start3A_63 : memref<1x8192xf32, #tpu.memory_space<hbm>> -> memref<8192xf32, #tpu.memory_space<hbm>>
    tpu.enqueue_dma source(%dma_start3A_64 : memref<8192xf32, #tpu.memory_space<hbm>>) target(%arg7 : memref<8192xf32, #tpu.memory_space<vmem>>) target_semaphore(%arg19 : memref<!tpu.dma_semaphore, #tpu.memory_space<semaphore_mem>>)
    %mul3A_65 = arith.constant 3 : i32
    %mul3A_66 = arith.muli %add3A_30, %mul3A_65 : i32
    %add3A_67 = arith.constant 1 : i32
    %add3A_68 = arith.addi %mul3A_66, %add3A_67 : i32
    %mul3A_69 = arith.constant 8192 : i32
    %mul3A_70 = arith.muli %select_n3A_28, %mul3A_69 : i32
    %dma_start3A_71 = tpu.memref_slice %arg3[%add3A_68, %mul3A_70] : memref<12x65536xf32, #tpu.memory_space<hbm>> -> memref<1x8192xf32, #tpu.memory_space<hbm>>
    %dma_start3A_72 = tpu.memref_squeeze %dma_start3A_71 : memref<1x8192xf32, #tpu.memory_space<hbm>> -> memref<8192xf32, #tpu.memory_space<hbm>>
    %dma_start3A_73 = tpu.memref_slice %arg3[%add3A_68, %mul3A_70] : memref<12x65536xf32, #tpu.memory_space<hbm>> -> memref<1x8192xf32, #tpu.memory_space<hbm>>
    %dma_start3A_74 = tpu.memref_squeeze %dma_start3A_73 : memref<1x8192xf32, #tpu.memory_space<hbm>> -> memref<8192xf32, #tpu.memory_space<hbm>>
    tpu.enqueue_dma source(%dma_start3A_74 : memref<8192xf32, #tpu.memory_space<hbm>>) target(%arg10 : memref<8192xf32, #tpu.memory_space<vmem>>) target_semaphore(%arg19 : memref<!tpu.dma_semaphore, #tpu.memory_space<semaphore_mem>>)
    %mul3A_75 = arith.constant 3 : i32
    %mul3A_76 = arith.muli %add3A_30, %mul3A_75 : i32
    %add3A_77 = arith.constant 2 : i32
    %add3A_78 = arith.addi %mul3A_76, %add3A_77 : i32
    %mul3A_79 = arith.constant 8192 : i32
    %mul3A_80 = arith.muli %select_n3A_28, %mul3A_79 : i32
    %dma_start3A_81 = tpu.memref_slice %arg2[%add3A_78, %mul3A_80] : memref<12x65536xf32, #tpu.memory_space<hbm>> -> memref<1x8192xf32, #tpu.memory_space<hbm>>
    %dma_start3A_82 = tpu.memref_squeeze %dma_start3A_81 : memref<1x8192xf32, #tpu.memory_space<hbm>> -> memref<8192xf32, #tpu.memory_space<hbm>>
    %dma_start3A_83 = tpu.memref_slice %arg2[%add3A_78, %mul3A_80] : memref<12x65536xf32, #tpu.memory_space<hbm>> -> memref<1x8192xf32, #tpu.memory_space<hbm>>
    %dma_start3A_84 = tpu.memref_squeeze %dma_start3A_83 : memref<1x8192xf32, #tpu.memory_space<hbm>> -> memref<8192xf32, #tpu.memory_space<hbm>>
    tpu.enqueue_dma source(%dma_start3A_84 : memref<8192xf32, #tpu.memory_space<hbm>>) target(%arg8 : memref<8192xf32, #tpu.memory_space<vmem>>) target_semaphore(%arg19 : memref<!tpu.dma_semaphore, #tpu.memory_space<semaphore_mem>>)
    %mul3A_85 = arith.constant 3 : i32
    %mul3A_86 = arith.muli %add3A_30, %mul3A_85 : i32
    %add3A_87 = arith.constant 2 : i32
    %add3A_88 = arith.addi %mul3A_86, %add3A_87 : i32
    %mul3A_89 = arith.constant 8192 : i32
    %mul3A_90 = arith.muli %select_n3A_28, %mul3A_89 : i32
    %dma_start3A_91 = tpu.memref_slice %arg3[%add3A_88, %mul3A_90] : memref<12x65536xf32, #tpu.memory_space<hbm>> -> memref<1x8192xf32, #tpu.memory_space<hbm>>
    %dma_start3A_92 = tpu.memref_squeeze %dma_start3A_91 : memref<1x8192xf32, #tpu.memory_space<hbm>> -> memref<8192xf32, #tpu.memory_space<hbm>>
    %dma_start3A_93 = tpu.memref_slice %arg3[%add3A_88, %mul3A_90] : memref<12x65536xf32, #tpu.memory_space<hbm>> -> memref<1x8192xf32, #tpu.memory_space<hbm>>
    %dma_start3A_94 = tpu.memref_squeeze %dma_start3A_93 : memref<1x8192xf32, #tpu.memory_space<hbm>> -> memref<8192xf32, #tpu.memory_space<hbm>>
    tpu.enqueue_dma source(%dma_start3A_94 : memref<8192xf32, #tpu.memory_space<hbm>>) target(%arg11 : memref<8192xf32, #tpu.memory_space<vmem>>) target_semaphore(%arg19 : memref<!tpu.dma_semaphore, #tpu.memory_space<semaphore_mem>>)
    %mul3A_95 = arith.constant 8192 : i32
    %mul3A_96 = arith.muli %select_n3A_28, %mul3A_95 : i32
    %dma_start3A_97 = tpu.memref_slice %arg4[%add3A_30, %mul3A_96] : memref<4x65536xf32, #tpu.memory_space<hbm>> -> memref<1x8192xf32, #tpu.memory_space<hbm>>
    %dma_start3A_98 = tpu.memref_squeeze %dma_start3A_97 : memref<1x8192xf32, #tpu.memory_space<hbm>> -> memref<8192xf32, #tpu.memory_space<hbm>>
    %dma_start3A_99 = tpu.memref_slice %arg4[%add3A_30, %mul3A_96] : memref<4x65536xf32, #tpu.memory_space<hbm>> -> memref<1x8192xf32, #tpu.memory_space<hbm>>
    %dma_start3A_100 = tpu.memref_squeeze %dma_start3A_99 : memref<1x8192xf32, #tpu.memory_space<hbm>> -> memref<8192xf32, #tpu.memory_space<hbm>>
    tpu.enqueue_dma source(%dma_start3A_100 : memref<8192xf32, #tpu.memory_space<hbm>>) target(%arg12 : memref<8192xf32, #tpu.memory_space<vmem>>) target_semaphore(%arg19 : memref<!tpu.dma_semaphore, #tpu.memory_space<semaphore_mem>>)
    %dma_wait3A = tpu.memref_slice %arg2[%add3A_39, %mul3A_41] : memref<12x65536xf32, #tpu.memory_space<hbm>> -> memref<1x8192xf32, #tpu.memory_space<hbm>>
    %dma_wait3A_101 = tpu.memref_squeeze %dma_wait3A : memref<1x8192xf32, #tpu.memory_space<hbm>> -> memref<8192xf32, #tpu.memory_space<hbm>>
    %dma_wait3A_102 = tpu.memref_slice %arg2[%add3A_39, %mul3A_41] : memref<12x65536xf32, #tpu.memory_space<hbm>> -> memref<1x8192xf32, #tpu.memory_space<hbm>>
    %dma_wait3A_103 = tpu.memref_squeeze %dma_wait3A_102 : memref<1x8192xf32, #tpu.memory_space<hbm>> -> memref<8192xf32, #tpu.memory_space<hbm>>
    tpu.wait_dma2 semaphore(%arg19 : memref<!tpu.dma_semaphore, #tpu.memory_space<semaphore_mem>>) src(%dma_wait3A_103 : memref<8192xf32, #tpu.memory_space<hbm>>) dst(%arg6 : memref<8192xf32, #tpu.memory_space<vmem>>)
    %dma_wait3A_104 = tpu.memref_slice %arg3[%add3A_48, %mul3A_50] : memref<12x65536xf32, #tpu.memory_space<hbm>> -> memref<1x8192xf32, #tpu.memory_space<hbm>>
    %dma_wait3A_105 = tpu.memref_squeeze %dma_wait3A_104 : memref<1x8192xf32, #tpu.memory_space<hbm>> -> memref<8192xf32, #tpu.memory_space<hbm>>
    %dma_wait3A_106 = tpu.memref_slice %arg3[%add3A_48, %mul3A_50] : memref<12x65536xf32, #tpu.memory_space<hbm>> -> memref<1x8192xf32, #tpu.memory_space<hbm>>
    %dma_wait3A_107 = tpu.memref_squeeze %dma_wait3A_106 : memref<1x8192xf32, #tpu.memory_space<hbm>> -> memref<8192xf32, #tpu.memory_space<hbm>>
    tpu.wait_dma2 semaphore(%arg19 : memref<!tpu.dma_semaphore, #tpu.memory_space<semaphore_mem>>) src(%dma_wait3A_107 : memref<8192xf32, #tpu.memory_space<hbm>>) dst(%arg9 : memref<8192xf32, #tpu.memory_space<vmem>>)
    %dma_wait3A_108 = tpu.memref_slice %arg2[%add3A_58, %mul3A_60] : memref<12x65536xf32, #tpu.memory_space<hbm>> -> memref<1x8192xf32, #tpu.memory_space<hbm>>
    %dma_wait3A_109 = tpu.memref_squeeze %dma_wait3A_108 : memref<1x8192xf32, #tpu.memory_space<hbm>> -> memref<8192xf32, #tpu.memory_space<hbm>>
    %dma_wait3A_110 = tpu.memref_slice %arg2[%add3A_58, %mul3A_60] : memref<12x65536xf32, #tpu.memory_space<hbm>> -> memref<1x8192xf32, #tpu.memory_space<hbm>>
    %dma_wait3A_111 = tpu.memref_squeeze %dma_wait3A_110 : memref<1x8192xf32, #tpu.memory_space<hbm>> -> memref<8192xf32, #tpu.memory_space<hbm>>
    tpu.wait_dma2 semaphore(%arg19 : memref<!tpu.dma_semaphore, #tpu.memory_space<semaphore_mem>>) src(%dma_wait3A_111 : memref<8192xf32, #tpu.memory_space<hbm>>) dst(%arg7 : memref<8192xf32, #tpu.memory_space<vmem>>)
    %dma_wait3A_112 = tpu.memref_slice %arg3[%add3A_68, %mul3A_70] : memref<12x65536xf32, #tpu.memory_space<hbm>> -> memref<1x8192xf32, #tpu.memory_space<hbm>>
    %dma_wait3A_113 = tpu.memref_squeeze %dma_wait3A_112 : memref<1x8192xf32, #tpu.memory_space<hbm>> -> memref<8192xf32, #tpu.memory_space<hbm>>
    %dma_wait3A_114 = tpu.memref_slice %arg3[%add3A_68, %mul3A_70] : memref<12x65536xf32, #tpu.memory_space<hbm>> -> memref<1x8192xf32, #tpu.memory_space<hbm>>
    %dma_wait3A_115 = tpu.memref_squeeze %dma_wait3A_114 : memref<1x8192xf32, #tpu.memory_space<hbm>> -> memref<8192xf32, #tpu.memory_space<hbm>>
    tpu.wait_dma2 semaphore(%arg19 : memref<!tpu.dma_semaphore, #tpu.memory_space<semaphore_mem>>) src(%dma_wait3A_115 : memref<8192xf32, #tpu.memory_space<hbm>>) dst(%arg10 : memref<8192xf32, #tpu.memory_space<vmem>>)
    %dma_wait3A_116 = tpu.memref_slice %arg2[%add3A_78, %mul3A_80] : memref<12x65536xf32, #tpu.memory_space<hbm>> -> memref<1x8192xf32, #tpu.memory_space<hbm>>
    %dma_wait3A_117 = tpu.memref_squeeze %dma_wait3A_116 : memref<1x8192xf32, #tpu.memory_space<hbm>> -> memref<8192xf32, #tpu.memory_space<hbm>>
    %dma_wait3A_118 = tpu.memref_slice %arg2[%add3A_78, %mul3A_80] : memref<12x65536xf32, #tpu.memory_space<hbm>> -> memref<1x8192xf32, #tpu.memory_space<hbm>>
    %dma_wait3A_119 = tpu.memref_squeeze %dma_wait3A_118 : memref<1x8192xf32, #tpu.memory_space<hbm>> -> memref<8192xf32, #tpu.memory_space<hbm>>
    tpu.wait_dma2 semaphore(%arg19 : memref<!tpu.dma_semaphore, #tpu.memory_space<semaphore_mem>>) src(%dma_wait3A_119 : memref<8192xf32, #tpu.memory_space<hbm>>) dst(%arg8 : memref<8192xf32, #tpu.memory_space<vmem>>)
    %dma_wait3A_120 = tpu.memref_slice %arg3[%add3A_88, %mul3A_90] : memref<12x65536xf32, #tpu.memory_space<hbm>> -> memref<1x8192xf32, #tpu.memory_space<hbm>>
    %dma_wait3A_121 = tpu.memref_squeeze %dma_wait3A_120 : memref<1x8192xf32, #tpu.memory_space<hbm>> -> memref<8192xf32, #tpu.memory_space<hbm>>
    %dma_wait3A_122 = tpu.memref_slice %arg3[%add3A_88, %mul3A_90] : memref<12x65536xf32, #tpu.memory_space<hbm>> -> memref<1x8192xf32, #tpu.memory_space<hbm>>
    %dma_wait3A_123 = tpu.memref_squeeze %dma_wait3A_122 : memref<1x8192xf32, #tpu.memory_space<hbm>> -> memref<8192xf32, #tpu.memory_space<hbm>>
    tpu.wait_dma2 semaphore(%arg19 : memref<!tpu.dma_semaphore, #tpu.memory_space<semaphore_mem>>) src(%dma_wait3A_123 : memref<8192xf32, #tpu.memory_space<hbm>>) dst(%arg11 : memref<8192xf32, #tpu.memory_space<vmem>>)
    %dma_wait3A_124 = tpu.memref_slice %arg4[%add3A_30, %mul3A_96] : memref<4x65536xf32, #tpu.memory_space<hbm>> -> memref<1x8192xf32, #tpu.memory_space<hbm>>
    %dma_wait3A_125 = tpu.memref_squeeze %dma_wait3A_124 : memref<1x8192xf32, #tpu.memory_space<hbm>> -> memref<8192xf32, #tpu.memory_space<hbm>>
    %dma_wait3A_126 = tpu.memref_slice %arg4[%add3A_30, %mul3A_96] : memref<4x65536xf32, #tpu.memory_space<hbm>> -> memref<1x8192xf32, #tpu.memory_space<hbm>>
    %dma_wait3A_127 = tpu.memref_squeeze %dma_wait3A_126 : memref<1x8192xf32, #tpu.memory_space<hbm>> -> memref<8192xf32, #tpu.memory_space<hbm>>
    tpu.wait_dma2 semaphore(%arg19 : memref<!tpu.dma_semaphore, #tpu.memory_space<semaphore_mem>>) src(%dma_wait3A_127 : memref<8192xf32, #tpu.memory_space<hbm>>) dst(%arg12 : memref<8192xf32, #tpu.memory_space<vmem>>)
    %broadcast_in_dim3A = arith.constant 0.000000e+00 : f32
    %broadcast_in_dim3A_128 = vector.broadcast %broadcast_in_dim3A : f32 to vector<16xf32>
    %scan3A = arith.constant 1.000000e-07 : f32
    %scan3A_129 = arith.constant 0 : i32
    %scan3A_130 = arith.constant 64 : i32
    %scan3A_131 = arith.addi %scan3A_129, %scan3A_130 : i32
    %scan3A_132 = arith.constant 1 : i32
    %scan3A_133 = scf.for %scan3A_388 = %scan3A_129 to %scan3A_131 step %scan3A_132 iter_args(%scan3A_389 = %broadcast_in_dim3A_128) -> (vector<16xf32>)  : i32 {
      %mul3A_390 = arith.constant 8 : i32
      %mul3A_391 = arith.muli %scan3A_388, %mul3A_390 : i32
      %add3A_392 = arith.constant 0 : i32
      %add3A_393 = arith.addi %mul3A_391, %add3A_392 : i32
      %mul3A_394 = arith.constant 16 : i32
      %mul3A_395 = arith.muli %add3A_393, %mul3A_394 : i32
      %get3A = arith.index_cast %mul3A_395 : i32 to index
      %get3A_396 = tpu.vector_load %arg6[%get3A] {strides = array<i32>} : memref<8192xf32, #tpu.memory_space<vmem>>, vector<16xf32>,
      %get3A_397 = arith.index_cast %mul3A_395 : i32 to index
      %get3A_398 = tpu.vector_load %arg9[%get3A_397] {strides = array<i32>} : memref<8192xf32, #tpu.memory_space<vmem>>, vector<16xf32>,
      %get3A_399 = arith.index_cast %mul3A_395 : i32 to index
      %get3A_400 = tpu.vector_load %arg12[%get3A_399] {strides = array<i32>} : memref<8192xf32, #tpu.memory_space<vmem>>, vector<16xf32>,
      %ge3A_401 = arith.constant 0.000000e+00 : f32
      %ge3A_402 = vector.broadcast %ge3A_401 : f32 to vector<16xf32>
      %ge3A_403 = arith.cmpf oge, %get3A_396, %ge3A_402 : vector<16xf32>
      %jit3A_404 = arith.constant 1.000000e+00 : f32
      %jit3A_405 = arith.constant -1.000000e+00 : f32
      %broadcast_in_dim3A_406 = vector.broadcast %jit3A_404 : f32 to vector<16xf32>
      %broadcast_in_dim3A_407 = vector.broadcast %jit3A_405 : f32 to vector<16xf32>
      %select_n3A_408 = arith.select %ge3A_403, %broadcast_in_dim3A_406, %broadcast_in_dim3A_407 : vector<16xi1>, vector<16xf32>
      %abs3A = math.absf %get3A_396 : vector<16xf32>
      %mul3A_409 = arith.mulf %get3A_398, %select_n3A_408 : vector<16xf32>
      %max3A = vector.broadcast %scan3A : f32 to vector<16xf32>
      %max3A_410 = arith.maximumf %abs3A, %max3A : vector<16xf32>
      %div3A_411 = arith.divf %mul3A_409, %max3A_410 : vector<16xf32>
      %bitcast3A_412 = vector.bitcast %div3A_411 : vector<16xf32> to vector<16xi32>
      %ge3A_413 = arith.constant 0 : i32
      %ge3A_414 = vector.broadcast %ge3A_413 : i32 to vector<16xi32>
      %ge3A_415 = arith.cmpi sge, %bitcast3A_412, %ge3A_414 : vector<16xi32>
      %xor3A_416 = arith.constant 2147483647 : i32
      %xor3A_417 = vector.broadcast %xor3A_416 : i32 to vector<16xi32>
      %xor3A_418 = arith.xori %bitcast3A_412, %xor3A_417 : vector<16xi32>
      %select_n3A_419 = arith.select %ge3A_415, %bitcast3A_412, %xor3A_418 : vector<16xi1>, vector<16xi32>
      %mul3A_420 = arith.constant 16 : i32
      %mul3A_421 = arith.muli %add3A_393, %mul3A_420 : i32
      %add3A_422 = arith.constant 0 : i32
      %add3A_423 = arith.addi %add3A_422, %mul3A_421 : i32
      %swap3A_424 = arith.index_cast %add3A_423 : i32 to index
      %swap3A_425 = tpu.vector_load %arg13[%swap3A_424] {strides = array<i32>} : memref<24704xi32, #tpu.memory_space<vmem>>, vector<16xi32>,
      tpu.vector_store %arg13[%swap3A_424], %select_n3A_419 {strides = array<i32>} : memref<24704xi32, #tpu.memory_space<vmem>>, vector<16xi32>,
      %mul3A_426 = arith.mulf %abs3A, %get3A_400 : vector<16xf32>
      %swap3A_427 = arith.index_cast %add3A_423 : i32 to index
      %swap3A_428 = tpu.vector_load %arg14[%swap3A_427] {strides = array<i32>} : memref<24704xf32, #tpu.memory_space<vmem>>, vector<16xf32>,
      tpu.vector_store %arg14[%swap3A_427], %mul3A_426 {strides = array<i32>} : memref<24704xf32, #tpu.memory_space<vmem>>, vector<16xf32>,
      %mul3A_429 = arith.mulf %abs3A, %get3A_400 : vector<16xf32>
      %add3A_430 = arith.addf %scan3A_389, %mul3A_429 : vector<16xf32>
      %mul3A_431 = arith.constant 8 : i32
      %mul3A_432 = arith.muli %scan3A_388, %mul3A_431 : i32
      %add3A_433 = arith.constant 1 : i32
      %add3A_434 = arith.addi %mul3A_432, %add3A_433 : i32
      %mul3A_435 = arith.constant 16 : i32
      %mul3A_436 = arith.muli %add3A_434, %mul3A_435 : i32
      %get3A_437 = arith.index_cast %mul3A_436 : i32 to index
      %get3A_438 = tpu.vector_load %arg6[%get3A_437] {strides = array<i32>} : memref<8192xf32, #tpu.memory_space<vmem>>, vector<16xf32>,
      %get3A_439 = arith.index_cast %mul3A_436 : i32 to index
      %get3A_440 = tpu.vector_load %arg9[%get3A_439] {strides = array<i32>} : memref<8192xf32, #tpu.memory_space<vmem>>, vector<16xf32>,
      %get3A_441 = arith.index_cast %mul3A_436 : i32 to index
      %get3A_442 = tpu.vector_load %arg12[%get3A_441] {strides = array<i32>} : memref<8192xf32, #tpu.memory_space<vmem>>, vector<16xf32>,
      %ge3A_443 = arith.constant 0.000000e+00 : f32
      %ge3A_444 = vector.broadcast %ge3A_443 : f32 to vector<16xf32>
      %ge3A_445 = arith.cmpf oge, %get3A_438, %ge3A_444 : vector<16xf32>
      %jit3A_446 = arith.constant 1.000000e+00 : f32
      %jit3A_447 = arith.constant -1.000000e+00 : f32
      %broadcast_in_dim3A_448 = vector.broadcast %jit3A_446 : f32 to vector<16xf32>
      %broadcast_in_dim3A_449 = vector.broadcast %jit3A_447 : f32 to vector<16xf32>
      %select_n3A_450 = arith.select %ge3A_445, %broadcast_in_dim3A_448, %broadcast_in_dim3A_449 : vector<16xi1>, vector<16xf32>
      %abs3A_451 = math.absf %get3A_438 : vector<16xf32>
      %mul3A_452 = arith.mulf %get3A_440, %select_n3A_450 : vector<16xf32>
      %max3A_453 = vector.broadcast %scan3A : f32 to vector<16xf32>
      %max3A_454 = arith.maximumf %abs3A_451, %max3A_453 : vector<16xf32>
      %div3A_455 = arith.divf %mul3A_452, %max3A_454 : vector<16xf32>
      %bitcast3A_456 = vector.bitcast %div3A_455 : vector<16xf32> to vector<16xi32>
      %ge3A_457 = arith.constant 0 : i32
      %ge3A_458 = vector.broadcast %ge3A_457 : i32 to vector<16xi32>
      %ge3A_459 = arith.cmpi sge, %bitcast3A_456, %ge3A_458 : vector<16xi32>
      %xor3A_460 = arith.constant 2147483647 : i32
      %xor3A_461 = vector.broadcast %xor3A_460 : i32 to vector<16xi32>
      %xor3A_462 = arith.xori %bitcast3A_456, %xor3A_461 : vector<16xi32>
      %select_n3A_463 = arith.select %ge3A_459, %bitcast3A_456, %xor3A_462 : vector<16xi1>, vector<16xi32>
      %mul3A_464 = arith.constant 16 : i32
      %mul3A_465 = arith.muli %add3A_434, %mul3A_464 : i32
      %add3A_466 = arith.constant 0 : i32
      %add3A_467 = arith.addi %add3A_466, %mul3A_465 : i32
      %swap3A_468 = arith.index_cast %add3A_467 : i32 to index
      %swap3A_469 = tpu.vector_load %arg13[%swap3A_468] {strides = array<i32>} : memref<24704xi32, #tpu.memory_space<vmem>>, vector<16xi32>,
      tpu.vector_store %arg13[%swap3A_468], %select_n3A_463 {strides = array<i32>} : memref<24704xi32, #tpu.memory_space<vmem>>, vector<16xi32>,
      %mul3A_470 = arith.mulf %abs3A_451, %get3A_442 : vector<16xf32>
      %swap3A_471 = arith.index_cast %add3A_467 : i32 to index
      %swap3A_472 = tpu.vector_load %arg14[%swap3A_471] {strides = array<i32>} : memref<24704xf32, #tpu.memory_space<vmem>>, vector<16xf32>,
      tpu.vector_store %arg14[%swap3A_471], %mul3A_470 {strides = array<i32>} : memref<24704xf32, #tpu.memory_space<vmem>>, vector<16xf32>,
      %mul3A_473 = arith.mulf %abs3A_451, %get3A_442 : vector<16xf32>
      %add3A_474 = arith.addf %add3A_430, %mul3A_473 : vector<16xf32>
      %mul3A_475 = arith.constant 8 : i32
      %mul3A_476 = arith.muli %scan3A_388, %mul3A_475 : i32
      %add3A_477 = arith.constant 2 : i32
      %add3A_478 = arith.addi %mul3A_476, %add3A_477 : i32
      %mul3A_479 = arith.constant 16 : i32
      %mul3A_480 = arith.muli %add3A_478, %mul3A_479 : i32
      %get3A_481 = arith.index_cast %mul3A_480 : i32 to index
      %get3A_482 = tpu.vector_load %arg6[%get3A_481] {strides = array<i32>} : memref<8192xf32, #tpu.memory_space<vmem>>, vector<16xf32>,
      %get3A_483 = arith.index_cast %mul3A_480 : i32 to index
      %get3A_484 = tpu.vector_load %arg9[%get3A_483] {strides = array<i32>} : memref<8192xf32, #tpu.memory_space<vmem>>, vector<16xf32>,
      %get3A_485 = arith.index_cast %mul3A_480 : i32 to index
      %get3A_486 = tpu.vector_load %arg12[%get3A_485] {strides = array<i32>} : memref<8192xf32, #tpu.memory_space<vmem>>, vector<16xf32>,
      %ge3A_487 = arith.constant 0.000000e+00 : f32
      %ge3A_488 = vector.broadcast %ge3A_487 : f32 to vector<16xf32>
      %ge3A_489 = arith.cmpf oge, %get3A_482, %ge3A_488 : vector<16xf32>
      %jit3A_490 = arith.constant 1.000000e+00 : f32
      %jit3A_491 = arith.constant -1.000000e+00 : f32
      %broadcast_in_dim3A_492 = vector.broadcast %jit3A_490 : f32 to vector<16xf32>
      %broadcast_in_dim3A_493 = vector.broadcast %jit3A_491 : f32 to vector<16xf32>
      %select_n3A_494 = arith.select %ge3A_489, %broadcast_in_dim3A_492, %broadcast_in_dim3A_493 : vector<16xi1>, vector<16xf32>
      %abs3A_495 = math.absf %get3A_482 : vector<16xf32>
      %mul3A_496 = arith.mulf %get3A_484, %select_n3A_494 : vector<16xf32>
      %max3A_497 = vector.broadcast %scan3A : f32 to vector<16xf32>
      %max3A_498 = arith.maximumf %abs3A_495, %max3A_497 : vector<16xf32>
      %div3A_499 = arith.divf %mul3A_496, %max3A_498 : vector<16xf32>
      %bitcast3A_500 = vector.bitcast %div3A_499 : vector<16xf32> to vector<16xi32>
      %ge3A_501 = arith.constant 0 : i32
      %ge3A_502 = vector.broadcast %ge3A_501 : i32 to vector<16xi32>
      %ge3A_503 = arith.cmpi sge, %bitcast3A_500, %ge3A_502 : vector<16xi32>
      %xor3A_504 = arith.constant 2147483647 : i32
      %xor3A_505 = vector.broadcast %xor3A_504 : i32 to vector<16xi32>
      %xor3A_506 = arith.xori %bitcast3A_500, %xor3A_505 : vector<16xi32>
      %select_n3A_507 = arith.select %ge3A_503, %bitcast3A_500, %xor3A_506 : vector<16xi1>, vector<16xi32>
      %mul3A_508 = arith.constant 16 : i32
      %mul3A_509 = arith.muli %add3A_478, %mul3A_508 : i32
      %add3A_510 = arith.constant 0 : i32
      %add3A_511 = arith.addi %add3A_510, %mul3A_509 : i32
      %swap3A_512 = arith.index_cast %add3A_511 : i32 to index
      %swap3A_513 = tpu.vector_load %arg13[%swap3A_512] {strides = array<i32>} : memref<24704xi32, #tpu.memory_space<vmem>>, vector<16xi32>,
      tpu.vector_store %arg13[%swap3A_512], %select_n3A_507 {strides = array<i32>} : memref<24704xi32, #tpu.memory_space<vmem>>, vector<16xi32>,
      %mul3A_514 = arith.mulf %abs3A_495, %get3A_486 : vector<16xf32>
      %swap3A_515 = arith.index_cast %add3A_511 : i32 to index
      %swap3A_516 = tpu.vector_load %arg14[%swap3A_515] {strides = array<i32>} : memref<24704xf32, #tpu.memory_space<vmem>>, vector<16xf32>,
      tpu.vector_store %arg14[%swap3A_515], %mul3A_514 {strides = array<i32>} : memref<24704xf32, #tpu.memory_space<vmem>>, vector<16xf32>,
      %mul3A_517 = arith.mulf %abs3A_495, %get3A_486 : vector<16xf32>
      %add3A_518 = arith.addf %add3A_474, %mul3A_517 : vector<16xf32>
      %mul3A_519 = arith.constant 8 : i32
      %mul3A_520 = arith.muli %scan3A_388, %mul3A_519 : i32
      %add3A_521 = arith.constant 3 : i32
      %add3A_522 = arith.addi %mul3A_520, %add3A_521 : i32
      %mul3A_523 = arith.constant 16 : i32
      %mul3A_524 = arith.muli %add3A_522, %mul3A_523 : i32
      %get3A_525 = arith.index_cast %mul3A_524 : i32 to index
      %get3A_526 = tpu.vector_load %arg6[%get3A_525] {strides = array<i32>} : memref<8192xf32, #tpu.memory_space<vmem>>, vector<16xf32>,
      %get3A_527 = arith.index_cast %mul3A_524 : i32 to index
      %get3A_528 = tpu.vector_load %arg9[%get3A_527] {strides = array<i32>} : memref<8192xf32, #tpu.memory_space<vmem>>, vector<16xf32>,
      %get3A_529 = arith.index_cast %mul3A_524 : i32 to index
      %get3A_530 = tpu.vector_load %arg12[%get3A_529] {strides = array<i32>} : memref<8192xf32, #tpu.memory_space<vmem>>, vector<16xf32>,
      %ge3A_531 = arith.constant 0.000000e+00 : f32
      %ge3A_532 = vector.broadcast %ge3A_531 : f32 to vector<16xf32>
      %ge3A_533 = arith.cmpf oge, %get3A_526, %ge3A_532 : vector<16xf32>
      %jit3A_534 = arith.constant 1.000000e+00 : f32
      %jit3A_535 = arith.constant -1.000000e+00 : f32
      %broadcast_in_dim3A_536 = vector.broadcast %jit3A_534 : f32 to vector<16xf32>
      %broadcast_in_dim3A_537 = vector.broadcast %jit3A_535 : f32 to vector<16xf32>
      %select_n3A_538 = arith.select %ge3A_533, %broadcast_in_dim3A_536, %broadcast_in_dim3A_537 : vector<16xi1>, vector<16xf32>
      %abs3A_539 = math.absf %get3A_526 : vector<16xf32>
      %mul3A_540 = arith.mulf %get3A_528, %select_n3A_538 : vector<16xf32>
      %max3A_541 = vector.broadcast %scan3A : f32 to vector<16xf32>
      %max3A_542 = arith.maximumf %abs3A_539, %max3A_541 : vector<16xf32>
      %div3A_543 = arith.divf %mul3A_540, %max3A_542 : vector<16xf32>
      %bitcast3A_544 = vector.bitcast %div3A_543 : vector<16xf32> to vector<16xi32>
      %ge3A_545 = arith.constant 0 : i32
      %ge3A_546 = vector.broadcast %ge3A_545 : i32 to vector<16xi32>
      %ge3A_547 = arith.cmpi sge, %bitcast3A_544, %ge3A_546 : vector<16xi32>
      %xor3A_548 = arith.constant 2147483647 : i32
      %xor3A_549 = vector.broadcast %xor3A_548 : i32 to vector<16xi32>
      %xor3A_550 = arith.xori %bitcast3A_544, %xor3A_549 : vector<16xi32>
      %select_n3A_551 = arith.select %ge3A_547, %bitcast3A_544, %xor3A_550 : vector<16xi1>, vector<16xi32>
      %mul3A_552 = arith.constant 16 : i32
      %mul3A_553 = arith.muli %add3A_522, %mul3A_552 : i32
      %add3A_554 = arith.constant 0 : i32
      %add3A_555 = arith.addi %add3A_554, %mul3A_553 : i32
      %swap3A_556 = arith.index_cast %add3A_555 : i32 to index
      %swap3A_557 = tpu.vector_load %arg13[%swap3A_556] {strides = array<i32>} : memref<24704xi32, #tpu.memory_space<vmem>>, vector<16xi32>,
      tpu.vector_store %arg13[%swap3A_556], %select_n3A_551 {strides = array<i32>} : memref<24704xi32, #tpu.memory_space<vmem>>, vector<16xi32>,
      %mul3A_558 = arith.mulf %abs3A_539, %get3A_530 : vector<16xf32>
      %swap3A_559 = arith.index_cast %add3A_555 : i32 to index
      %swap3A_560 = tpu.vector_load %arg14[%swap3A_559] {strides = array<i32>} : memref<24704xf32, #tpu.memory_space<vmem>>, vector<16xf32>,
      tpu.vector_store %arg14[%swap3A_559], %mul3A_558 {strides = array<i32>} : memref<24704xf32, #tpu.memory_space<vmem>>, vector<16xf32>,
      %mul3A_561 = arith.mulf %abs3A_539, %get3A_530 : vector<16xf32>
      %add3A_562 = arith.addf %add3A_518, %mul3A_561 : vector<16xf32>
      %mul3A_563 = arith.constant 8 : i32
      %mul3A_564 = arith.muli %scan3A_388, %mul3A_563 : i32
      %add3A_565 = arith.constant 4 : i32
      %add3A_566 = arith.addi %mul3A_564, %add3A_565 : i32
      %mul3A_567 = arith.constant 16 : i32
      %mul3A_568 = arith.muli %add3A_566, %mul3A_567 : i32
      %get3A_569 = arith.index_cast %mul3A_568 : i32 to index
      %get3A_570 = tpu.vector_load %arg6[%get3A_569] {strides = array<i32>} : memref<8192xf32, #tpu.memory_space<vmem>>, vector<16xf32>,
      %get3A_571 = arith.index_cast %mul3A_568 : i32 to index
      %get3A_572 = tpu.vector_load %arg9[%get3A_571] {strides = array<i32>} : memref<8192xf32, #tpu.memory_space<vmem>>, vector<16xf32>,
      %get3A_573 = arith.index_cast %mul3A_568 : i32 to index
      %get3A_574 = tpu.vector_load %arg12[%get3A_573] {strides = array<i32>} : memref<8192xf32, #tpu.memory_space<vmem>>, vector<16xf32>,
      %ge3A_575 = arith.constant 0.000000e+00 : f32
      %ge3A_576 = vector.broadcast %ge3A_575 : f32 to vector<16xf32>
      %ge3A_577 = arith.cmpf oge, %get3A_570, %ge3A_576 : vector<16xf32>
      %jit3A_578 = arith.constant 1.000000e+00 : f32
      %jit3A_579 = arith.constant -1.000000e+00 : f32
      %broadcast_in_dim3A_580 = vector.broadcast %jit3A_578 : f32 to vector<16xf32>
      %broadcast_in_dim3A_581 = vector.broadcast %jit3A_579 : f32 to vector<16xf32>
      %select_n3A_582 = arith.select %ge3A_577, %broadcast_in_dim3A_580, %broadcast_in_dim3A_581 : vector<16xi1>, vector<16xf32>
      %abs3A_583 = math.absf %get3A_570 : vector<16xf32>
      %mul3A_584 = arith.mulf %get3A_572, %select_n3A_582 : vector<16xf32>
      %max3A_585 = vector.broadcast %scan3A : f32 to vector<16xf32>
      %max3A_586 = arith.maximumf %abs3A_583, %max3A_585 : vector<16xf32>
      %div3A_587 = arith.divf %mul3A_584, %max3A_586 : vector<16xf32>
      %bitcast3A_588 = vector.bitcast %div3A_587 : vector<16xf32> to vector<16xi32>
      %ge3A_589 = arith.constant 0 : i32
      %ge3A_590 = vector.broadcast %ge3A_589 : i32 to vector<16xi32>
      %ge3A_591 = arith.cmpi sge, %bitcast3A_588, %ge3A_590 : vector<16xi32>
      %xor3A_592 = arith.constant 2147483647 : i32
      %xor3A_593 = vector.broadcast %xor3A_592 : i32 to vector<16xi32>
      %xor3A_594 = arith.xori %bitcast3A_588, %xor3A_593 : vector<16xi32>
      %select_n3A_595 = arith.select %ge3A_591, %bitcast3A_588, %xor3A_594 : vector<16xi1>, vector<16xi32>
      %mul3A_596 = arith.constant 16 : i32
      %mul3A_597 = arith.muli %add3A_566, %mul3A_596 : i32
      %add3A_598 = arith.constant 0 : i32
      %add3A_599 = arith.addi %add3A_598, %mul3A_597 : i32
      %swap3A_600 = arith.index_cast %add3A_599 : i32 to index
      %swap3A_601 = tpu.vector_load %arg13[%swap3A_600] {strides = array<i32>} : memref<24704xi32, #tpu.memory_space<vmem>>, vector<16xi32>,
      tpu.vector_store %arg13[%swap3A_600], %select_n3A_595 {strides = array<i32>} : memref<24704xi32, #tpu.memory_space<vmem>>, vector<16xi32>,
      %mul3A_602 = arith.mulf %abs3A_583, %get3A_574 : vector<16xf32>
      %swap3A_603 = arith.index_cast %add3A_599 : i32 to index
      %swap3A_604 = tpu.vector_load %arg14[%swap3A_603] {strides = array<i32>} : memref<24704xf32, #tpu.memory_space<vmem>>, vector<16xf32>,
      tpu.vector_store %arg14[%swap3A_603], %mul3A_602 {strides = array<i32>} : memref<24704xf32, #tpu.memory_space<vmem>>, vector<16xf32>,
      %mul3A_605 = arith.mulf %abs3A_583, %get3A_574 : vector<16xf32>
      %add3A_606 = arith.addf %add3A_562, %mul3A_605 : vector<16xf32>
      %mul3A_607 = arith.constant 8 : i32
      %mul3A_608 = arith.muli %scan3A_388, %mul3A_607 : i32
      %add3A_609 = arith.constant 5 : i32
      %add3A_610 = arith.addi %mul3A_608, %add3A_609 : i32
      %mul3A_611 = arith.constant 16 : i32
      %mul3A_612 = arith.muli %add3A_610, %mul3A_611 : i32
      %get3A_613 = arith.index_cast %mul3A_612 : i32 to index
      %get3A_614 = tpu.vector_load %arg6[%get3A_613] {strides = array<i32>} : memref<8192xf32, #tpu.memory_space<vmem>>, vector<16xf32>,
      %get3A_615 = arith.index_cast %mul3A_612 : i32 to index
      %get3A_616 = tpu.vector_load %arg9[%get3A_615] {strides = array<i32>} : memref<8192xf32, #tpu.memory_space<vmem>>, vector<16xf32>,
      %get3A_617 = arith.index_cast %mul3A_612 : i32 to index
      %get3A_618 = tpu.vector_load %arg12[%get3A_617] {strides = array<i32>} : memref<8192xf32, #tpu.memory_space<vmem>>, vector<16xf32>,
      %ge3A_619 = arith.constant 0.000000e+00 : f32
      %ge3A_620 = vector.broadcast %ge3A_619 : f32 to vector<16xf32>
      %ge3A_621 = arith.cmpf oge, %get3A_614, %ge3A_620 : vector<16xf32>
      %jit3A_622 = arith.constant 1.000000e+00 : f32
      %jit3A_623 = arith.constant -1.000000e+00 : f32
      %broadcast_in_dim3A_624 = vector.broadcast %jit3A_622 : f32 to vector<16xf32>
      %broadcast_in_dim3A_625 = vector.broadcast %jit3A_623 : f32 to vector<16xf32>
      %select_n3A_626 = arith.select %ge3A_621, %broadcast_in_dim3A_624, %broadcast_in_dim3A_625 : vector<16xi1>, vector<16xf32>
      %abs3A_627 = math.absf %get3A_614 : vector<16xf32>
      %mul3A_628 = arith.mulf %get3A_616, %select_n3A_626 : vector<16xf32>
      %max3A_629 = vector.broadcast %scan3A : f32 to vector<16xf32>
      %max3A_630 = arith.maximumf %abs3A_627, %max3A_629 : vector<16xf32>
      %div3A_631 = arith.divf %mul3A_628, %max3A_630 : vector<16xf32>
      %bitcast3A_632 = vector.bitcast %div3A_631 : vector<16xf32> to vector<16xi32>
      %ge3A_633 = arith.constant 0 : i32
      %ge3A_634 = vector.broadcast %ge3A_633 : i32 to vector<16xi32>
      %ge3A_635 = arith.cmpi sge, %bitcast3A_632, %ge3A_634 : vector<16xi32>
      %xor3A_636 = arith.constant 2147483647 : i32
      %xor3A_637 = vector.broadcast %xor3A_636 : i32 to vector<16xi32>
      %xor3A_638 = arith.xori %bitcast3A_632, %xor3A_637 : vector<16xi32>
      %select_n3A_639 = arith.select %ge3A_635, %bitcast3A_632, %xor3A_638 : vector<16xi1>, vector<16xi32>
      %mul3A_640 = arith.constant 16 : i32
      %mul3A_641 = arith.muli %add3A_610, %mul3A_640 : i32
      %add3A_642 = arith.constant 0 : i32
      %add3A_643 = arith.addi %add3A_642, %mul3A_641 : i32
      %swap3A_644 = arith.index_cast %add3A_643 : i32 to index
      %swap3A_645 = tpu.vector_load %arg13[%swap3A_644] {strides = array<i32>} : memref<24704xi32, #tpu.memory_space<vmem>>, vector<16xi32>,
      tpu.vector_store %arg13[%swap3A_644], %select_n3A_639 {strides = array<i32>} : memref<24704xi32, #tpu.memory_space<vmem>>, vector<16xi32>,
      %mul3A_646 = arith.mulf %abs3A_627, %get3A_618 : vector<16xf32>
      %swap3A_647 = arith.index_cast %add3A_643 : i32 to index
      %swap3A_648 = tpu.vector_load %arg14[%swap3A_647] {strides = array<i32>} : memref<24704xf32, #tpu.memory_space<vmem>>, vector<16xf32>,
      tpu.vector_store %arg14[%swap3A_647], %mul3A_646 {strides = array<i32>} : memref<24704xf32, #tpu.memory_space<vmem>>, vector<16xf32>,
      %mul3A_649 = arith.mulf %abs3A_627, %get3A_618 : vector<16xf32>
      %add3A_650 = arith.addf %add3A_606, %mul3A_649 : vector<16xf32>
      %mul3A_651 = arith.constant 8 : i32
      %mul3A_652 = arith.muli %scan3A_388, %mul3A_651 : i32
      %add3A_653 = arith.constant 6 : i32
      %add3A_654 = arith.addi %mul3A_652, %add3A_653 : i32
      %mul3A_655 = arith.constant 16 : i32
      %mul3A_656 = arith.muli %add3A_654, %mul3A_655 : i32
      %get3A_657 = arith.index_cast %mul3A_656 : i32 to index
      %get3A_658 = tpu.vector_load %arg6[%get3A_657] {strides = array<i32>} : memref<8192xf32, #tpu.memory_space<vmem>>, vector<16xf32>,
      %get3A_659 = arith.index_cast %mul3A_656 : i32 to index
      %get3A_660 = tpu.vector_load %arg9[%get3A_659] {strides = array<i32>} : memref<8192xf32, #tpu.memory_space<vmem>>, vector<16xf32>,
      %get3A_661 = arith.index_cast %mul3A_656 : i32 to index
      %get3A_662 = tpu.vector_load %arg12[%get3A_661] {strides = array<i32>} : memref<8192xf32, #tpu.memory_space<vmem>>, vector<16xf32>,
      %ge3A_663 = arith.constant 0.000000e+00 : f32
      %ge3A_664 = vector.broadcast %ge3A_663 : f32 to vector<16xf32>
      %ge3A_665 = arith.cmpf oge, %get3A_658, %ge3A_664 : vector<16xf32>
      %jit3A_666 = arith.constant 1.000000e+00 : f32
      %jit3A_667 = arith.constant -1.000000e+00 : f32
      %broadcast_in_dim3A_668 = vector.broadcast %jit3A_666 : f32 to vector<16xf32>
      %broadcast_in_dim3A_669 = vector.broadcast %jit3A_667 : f32 to vector<16xf32>
      %select_n3A_670 = arith.select %ge3A_665, %broadcast_in_dim3A_668, %broadcast_in_dim3A_669 : vector<16xi1>, vector<16xf32>
      %abs3A_671 = math.absf %get3A_658 : vector<16xf32>
      %mul3A_672 = arith.mulf %get3A_660, %select_n3A_670 : vector<16xf32>
      %max3A_673 = vector.broadcast %scan3A : f32 to vector<16xf32>
      %max3A_674 = arith.maximumf %abs3A_671, %max3A_673 : vector<16xf32>
      %div3A_675 = arith.divf %mul3A_672, %max3A_674 : vector<16xf32>
      %bitcast3A_676 = vector.bitcast %div3A_675 : vector<16xf32> to vector<16xi32>
      %ge3A_677 = arith.constant 0 : i32
      %ge3A_678 = vector.broadcast %ge3A_677 : i32 to vector<16xi32>
      %ge3A_679 = arith.cmpi sge, %bitcast3A_676, %ge3A_678 : vector<16xi32>
      %xor3A_680 = arith.constant 2147483647 : i32
      %xor3A_681 = vector.broadcast %xor3A_680 : i32 to vector<16xi32>
      %xor3A_682 = arith.xori %bitcast3A_676, %xor3A_681 : vector<16xi32>
      %select_n3A_683 = arith.select %ge3A_679, %bitcast3A_676, %xor3A_682 : vector<16xi1>, vector<16xi32>
      %mul3A_684 = arith.constant 16 : i32
      %mul3A_685 = arith.muli %add3A_654, %mul3A_684 : i32
      %add3A_686 = arith.constant 0 : i32
      %add3A_687 = arith.addi %add3A_686, %mul3A_685 : i32
      %swap3A_688 = arith.index_cast %add3A_687 : i32 to index
      %swap3A_689 = tpu.vector_load %arg13[%swap3A_688] {strides = array<i32>} : memref<24704xi32, #tpu.memory_space<vmem>>, vector<16xi32>,
      tpu.vector_store %arg13[%swap3A_688], %select_n3A_683 {strides = array<i32>} : memref<24704xi32, #tpu.memory_space<vmem>>, vector<16xi32>,
      %mul3A_690 = arith.mulf %abs3A_671, %get3A_662 : vector<16xf32>
      %swap3A_691 = arith.index_cast %add3A_687 : i32 to index
      %swap3A_692 = tpu.vector_load %arg14[%swap3A_691] {strides = array<i32>} : memref<24704xf32, #tpu.memory_space<vmem>>, vector<16xf32>,
      tpu.vector_store %arg14[%swap3A_691], %mul3A_690 {strides = array<i32>} : memref<24704xf32, #tpu.memory_space<vmem>>, vector<16xf32>,
      %mul3A_693 = arith.mulf %abs3A_671, %get3A_662 : vector<16xf32>
      %add3A_694 = arith.addf %add3A_650, %mul3A_693 : vector<16xf32>
      %mul3A_695 = arith.constant 8 : i32
      %mul3A_696 = arith.muli %scan3A_388, %mul3A_695 : i32
      %add3A_697 = arith.constant 7 : i32
      %add3A_698 = arith.addi %mul3A_696, %add3A_697 : i32
      %mul3A_699 = arith.constant 16 : i32
      %mul3A_700 = arith.muli %add3A_698, %mul3A_699 : i32
      %get3A_701 = arith.index_cast %mul3A_700 : i32 to index
      %get3A_702 = tpu.vector_load %arg6[%get3A_701] {strides = array<i32>} : memref<8192xf32, #tpu.memory_space<vmem>>, vector<16xf32>,
      %get3A_703 = arith.index_cast %mul3A_700 : i32 to index
      %get3A_704 = tpu.vector_load %arg9[%get3A_703] {strides = array<i32>} : memref<8192xf32, #tpu.memory_space<vmem>>, vector<16xf32>,
      %get3A_705 = arith.index_cast %mul3A_700 : i32 to index
      %get3A_706 = tpu.vector_load %arg12[%get3A_705] {strides = array<i32>} : memref<8192xf32, #tpu.memory_space<vmem>>, vector<16xf32>,
      %ge3A_707 = arith.constant 0.000000e+00 : f32
      %ge3A_708 = vector.broadcast %ge3A_707 : f32 to vector<16xf32>
      %ge3A_709 = arith.cmpf oge, %get3A_702, %ge3A_708 : vector<16xf32>
      %jit3A_710 = arith.constant 1.000000e+00 : f32
      %jit3A_711 = arith.constant -1.000000e+00 : f32
      %broadcast_in_dim3A_712 = vector.broadcast %jit3A_710 : f32 to vector<16xf32>
      %broadcast_in_dim3A_713 = vector.broadcast %jit3A_711 : f32 to vector<16xf32>
      %select_n3A_714 = arith.select %ge3A_709, %broadcast_in_dim3A_712, %broadcast_in_dim3A_713 : vector<16xi1>, vector<16xf32>
      %abs3A_715 = math.absf %get3A_702 : vector<16xf32>
      %mul3A_716 = arith.mulf %get3A_704, %select_n3A_714 : vector<16xf32>
      %max3A_717 = vector.broadcast %scan3A : f32 to vector<16xf32>
      %max3A_718 = arith.maximumf %abs3A_715, %max3A_717 : vector<16xf32>
      %div3A_719 = arith.divf %mul3A_716, %max3A_718 : vector<16xf32>
      %bitcast3A_720 = vector.bitcast %div3A_719 : vector<16xf32> to vector<16xi32>
      %ge3A_721 = arith.constant 0 : i32
      %ge3A_722 = vector.broadcast %ge3A_721 : i32 to vector<16xi32>
      %ge3A_723 = arith.cmpi sge, %bitcast3A_720, %ge3A_722 : vector<16xi32>
      %xor3A_724 = arith.constant 2147483647 : i32
      %xor3A_725 = vector.broadcast %xor3A_724 : i32 to vector<16xi32>
      %xor3A_726 = arith.xori %bitcast3A_720, %xor3A_725 : vector<16xi32>
      %select_n3A_727 = arith.select %ge3A_723, %bitcast3A_720, %xor3A_726 : vector<16xi1>, vector<16xi32>
      %mul3A_728 = arith.constant 16 : i32
      %mul3A_729 = arith.muli %add3A_698, %mul3A_728 : i32
      %add3A_730 = arith.constant 0 : i32
      %add3A_731 = arith.addi %add3A_730, %mul3A_729 : i32
      %swap3A_732 = arith.index_cast %add3A_731 : i32 to index
      %swap3A_733 = tpu.vector_load %arg13[%swap3A_732] {strides = array<i32>} : memref<24704xi32, #tpu.memory_space<vmem>>, vector<16xi32>,
      tpu.vector_store %arg13[%swap3A_732], %select_n3A_727 {strides = array<i32>} : memref<24704xi32, #tpu.memory_space<vmem>>, vector<16xi32>,
      %mul3A_734 = arith.mulf %abs3A_715, %get3A_706 : vector<16xf32>
      %swap3A_735 = arith.index_cast %add3A_731 : i32 to index
      %swap3A_736 = tpu.vector_load %arg14[%swap3A_735] {strides = array<i32>} : memref<24704xf32, #tpu.memory_space<vmem>>, vector<16xf32>,
      tpu.vector_store %arg14[%swap3A_735], %mul3A_734 {strides = array<i32>} : memref<24704xf32, #tpu.memory_space<vmem>>, vector<16xf32>,
      %mul3A_737 = arith.mulf %abs3A_715, %get3A_706 : vector<16xf32>
      %add3A_738 = arith.addf %add3A_694, %mul3A_737 : vector<16xf32>
      scf.yield %add3A_738 : vector<16xf32>
    }
    %scan3A_134 = arith.constant 64 : i32
    %scan3A_135 = arith.constant 1.000000e-07 : f32
    %scan3A_136 = arith.constant 0 : i32
    %scan3A_137 = arith.constant 64 : i32
    %scan3A_138 = arith.addi %scan3A_136, %scan3A_137 : i32
    %scan3A_139 = arith.constant 1 : i32
    %scan3A_140 = scf.for %scan3A_388 = %scan3A_136 to %scan3A_138 step %scan3A_139 iter_args(%scan3A_389 = %scan3A_133) -> (vector<16xf32>)  : i32 {
      %mul3A_390 = arith.constant 8 : i32
      %mul3A_391 = arith.muli %scan3A_388, %mul3A_390 : i32
      %add3A_392 = arith.constant 0 : i32
      %add3A_393 = arith.addi %mul3A_391, %add3A_392 : i32
      %mul3A_394 = arith.constant 16 : i32
      %mul3A_395 = arith.muli %add3A_393, %mul3A_394 : i32
      %get3A = arith.index_cast %mul3A_395 : i32 to index
      %get3A_396 = tpu.vector_load %arg7[%get3A] {strides = array<i32>} : memref<8192xf32, #tpu.memory_space<vmem>>, vector<16xf32>,
      %get3A_397 = arith.index_cast %mul3A_395 : i32 to index
      %get3A_398 = tpu.vector_load %arg10[%get3A_397] {strides = array<i32>} : memref<8192xf32, #tpu.memory_space<vmem>>, vector<16xf32>,
      %get3A_399 = arith.index_cast %mul3A_395 : i32 to index
      %get3A_400 = tpu.vector_load %arg12[%get3A_399] {strides = array<i32>} : memref<8192xf32, #tpu.memory_space<vmem>>, vector<16xf32>,
      %ge3A_401 = arith.constant 0.000000e+00 : f32
      %ge3A_402 = vector.broadcast %ge3A_401 : f32 to vector<16xf32>
      %ge3A_403 = arith.cmpf oge, %get3A_396, %ge3A_402 : vector<16xf32>
      %jit3A_404 = arith.constant 1.000000e+00 : f32
      %jit3A_405 = arith.constant -1.000000e+00 : f32
      %broadcast_in_dim3A_406 = vector.broadcast %jit3A_404 : f32 to vector<16xf32>
      %broadcast_in_dim3A_407 = vector.broadcast %jit3A_405 : f32 to vector<16xf32>
      %select_n3A_408 = arith.select %ge3A_403, %broadcast_in_dim3A_406, %broadcast_in_dim3A_407 : vector<16xi1>, vector<16xf32>
      %abs3A = math.absf %get3A_396 : vector<16xf32>
      %mul3A_409 = arith.mulf %get3A_398, %select_n3A_408 : vector<16xf32>
      %max3A = vector.broadcast %scan3A_135 : f32 to vector<16xf32>
      %max3A_410 = arith.maximumf %abs3A, %max3A : vector<16xf32>
      %div3A_411 = arith.divf %mul3A_409, %max3A_410 : vector<16xf32>
      %bitcast3A_412 = vector.bitcast %div3A_411 : vector<16xf32> to vector<16xi32>
      %ge3A_413 = arith.constant 0 : i32
      %ge3A_414 = vector.broadcast %ge3A_413 : i32 to vector<16xi32>
      %ge3A_415 = arith.cmpi sge, %bitcast3A_412, %ge3A_414 : vector<16xi32>
      %xor3A_416 = arith.constant 2147483647 : i32
      %xor3A_417 = vector.broadcast %xor3A_416 : i32 to vector<16xi32>
      %xor3A_418 = arith.xori %bitcast3A_412, %xor3A_417 : vector<16xi32>
      %select_n3A_419 = arith.select %ge3A_415, %bitcast3A_412, %xor3A_418 : vector<16xi1>, vector<16xi32>
      %mul3A_420 = arith.constant 16 : i32
      %mul3A_421 = arith.muli %add3A_393, %mul3A_420 : i32
      %add3A_422 = arith.constant 8192 : i32
      %add3A_423 = arith.addi %add3A_422, %mul3A_421 : i32
      %swap3A_424 = arith.index_cast %add3A_423 : i32 to index
      %swap3A_425 = tpu.vector_load %arg13[%swap3A_424] {strides = array<i32>} : memref<24704xi32, #tpu.memory_space<vmem>>, vector<16xi32>,
      tpu.vector_store %arg13[%swap3A_424], %select_n3A_419 {strides = array<i32>} : memref<24704xi32, #tpu.memory_space<vmem>>, vector<16xi32>,
      %mul3A_426 = arith.mulf %abs3A, %get3A_400 : vector<16xf32>
      %swap3A_427 = arith.index_cast %add3A_423 : i32 to index
      %swap3A_428 = tpu.vector_load %arg14[%swap3A_427] {strides = array<i32>} : memref<24704xf32, #tpu.memory_space<vmem>>, vector<16xf32>,
      tpu.vector_store %arg14[%swap3A_427], %mul3A_426 {strides = array<i32>} : memref<24704xf32, #tpu.memory_space<vmem>>, vector<16xf32>,
      %mul3A_429 = arith.mulf %abs3A, %get3A_400 : vector<16xf32>
      %add3A_430 = arith.addf %scan3A_389, %mul3A_429 : vector<16xf32>
      %mul3A_431 = arith.constant 8 : i32
      %mul3A_432 = arith.muli %scan3A_388, %mul3A_431 : i32
      %add3A_433 = arith.constant 1 : i32
      %add3A_434 = arith.addi %mul3A_432, %add3A_433 : i32
      %mul3A_435 = arith.constant 16 : i32
      %mul3A_436 = arith.muli %add3A_434, %mul3A_435 : i32
      %get3A_437 = arith.index_cast %mul3A_436 : i32 to index
      %get3A_438 = tpu.vector_load %arg7[%get3A_437] {strides = array<i32>} : memref<8192xf32, #tpu.memory_space<vmem>>, vector<16xf32>,
      %get3A_439 = arith.index_cast %mul3A_436 : i32 to index
      %get3A_440 = tpu.vector_load %arg10[%get3A_439] {strides = array<i32>} : memref<8192xf32, #tpu.memory_space<vmem>>, vector<16xf32>,
      %get3A_441 = arith.index_cast %mul3A_436 : i32 to index
      %get3A_442 = tpu.vector_load %arg12[%get3A_441] {strides = array<i32>} : memref<8192xf32, #tpu.memory_space<vmem>>, vector<16xf32>,
      %ge3A_443 = arith.constant 0.000000e+00 : f32
      %ge3A_444 = vector.broadcast %ge3A_443 : f32 to vector<16xf32>
      %ge3A_445 = arith.cmpf oge, %get3A_438, %ge3A_444 : vector<16xf32>
      %jit3A_446 = arith.constant 1.000000e+00 : f32
      %jit3A_447 = arith.constant -1.000000e+00 : f32
      %broadcast_in_dim3A_448 = vector.broadcast %jit3A_446 : f32 to vector<16xf32>
      %broadcast_in_dim3A_449 = vector.broadcast %jit3A_447 : f32 to vector<16xf32>
      %select_n3A_450 = arith.select %ge3A_445, %broadcast_in_dim3A_448, %broadcast_in_dim3A_449 : vector<16xi1>, vector<16xf32>
      %abs3A_451 = math.absf %get3A_438 : vector<16xf32>
      %mul3A_452 = arith.mulf %get3A_440, %select_n3A_450 : vector<16xf32>
      %max3A_453 = vector.broadcast %scan3A_135 : f32 to vector<16xf32>
      %max3A_454 = arith.maximumf %abs3A_451, %max3A_453 : vector<16xf32>
      %div3A_455 = arith.divf %mul3A_452, %max3A_454 : vector<16xf32>
      %bitcast3A_456 = vector.bitcast %div3A_455 : vector<16xf32> to vector<16xi32>
      %ge3A_457 = arith.constant 0 : i32
      %ge3A_458 = vector.broadcast %ge3A_457 : i32 to vector<16xi32>
      %ge3A_459 = arith.cmpi sge, %bitcast3A_456, %ge3A_458 : vector<16xi32>
      %xor3A_460 = arith.constant 2147483647 : i32
      %xor3A_461 = vector.broadcast %xor3A_460 : i32 to vector<16xi32>
      %xor3A_462 = arith.xori %bitcast3A_456, %xor3A_461 : vector<16xi32>
      %select_n3A_463 = arith.select %ge3A_459, %bitcast3A_456, %xor3A_462 : vector<16xi1>, vector<16xi32>
      %mul3A_464 = arith.constant 16 : i32
      %mul3A_465 = arith.muli %add3A_434, %mul3A_464 : i32
      %add3A_466 = arith.constant 8192 : i32
      %add3A_467 = arith.addi %add3A_466, %mul3A_465 : i32
      %swap3A_468 = arith.index_cast %add3A_467 : i32 to index
      %swap3A_469 = tpu.vector_load %arg13[%swap3A_468] {strides = array<i32>} : memref<24704xi32, #tpu.memory_space<vmem>>, vector<16xi32>,
      tpu.vector_store %arg13[%swap3A_468], %select_n3A_463 {strides = array<i32>} : memref<24704xi32, #tpu.memory_space<vmem>>, vector<16xi32>,
      %mul3A_470 = arith.mulf %abs3A_451, %get3A_442 : vector<16xf32>
      %swap3A_471 = arith.index_cast %add3A_467 : i32 to index
      %swap3A_472 = tpu.vector_load %arg14[%swap3A_471] {strides = array<i32>} : memref<24704xf32, #tpu.memory_space<vmem>>, vector<16xf32>,
      tpu.vector_store %arg14[%swap3A_471], %mul3A_470 {strides = array<i32>} : memref<24704xf32, #tpu.memory_space<vmem>>, vector<16xf32>,
      %mul3A_473 = arith.mulf %abs3A_451, %get3A_442 : vector<16xf32>
      %add3A_474 = arith.addf %add3A_430, %mul3A_473 : vector<16xf32>
      %mul3A_475 = arith.constant 8 : i32
      %mul3A_476 = arith.muli %scan3A_388, %mul3A_475 : i32
      %add3A_477 = arith.constant 2 : i32
      %add3A_478 = arith.addi %mul3A_476, %add3A_477 : i32
      %mul3A_479 = arith.constant 16 : i32
      %mul3A_480 = arith.muli %add3A_478, %mul3A_479 : i32
      %get3A_481 = arith.index_cast %mul3A_480 : i32 to index
      %get3A_482 = tpu.vector_load %arg7[%get3A_481] {strides = array<i32>} : memref<8192xf32, #tpu.memory_space<vmem>>, vector<16xf32>,
      %get3A_483 = arith.index_cast %mul3A_480 : i32 to index
      %get3A_484 = tpu.vector_load %arg10[%get3A_483] {strides = array<i32>} : memref<8192xf32, #tpu.memory_space<vmem>>, vector<16xf32>,
      %get3A_485 = arith.index_cast %mul3A_480 : i32 to index
      %get3A_486 = tpu.vector_load %arg12[%get3A_485] {strides = array<i32>} : memref<8192xf32, #tpu.memory_space<vmem>>, vector<16xf32>,
      %ge3A_487 = arith.constant 0.000000e+00 : f32
      %ge3A_488 = vector.broadcast %ge3A_487 : f32 to vector<16xf32>
      %ge3A_489 = arith.cmpf oge, %get3A_482, %ge3A_488 : vector<16xf32>
      %jit3A_490 = arith.constant 1.000000e+00 : f32
      %jit3A_491 = arith.constant -1.000000e+00 : f32
      %broadcast_in_dim3A_492 = vector.broadcast %jit3A_490 : f32 to vector<16xf32>
      %broadcast_in_dim3A_493 = vector.broadcast %jit3A_491 : f32 to vector<16xf32>
      %select_n3A_494 = arith.select %ge3A_489, %broadcast_in_dim3A_492, %broadcast_in_dim3A_493 : vector<16xi1>, vector<16xf32>
      %abs3A_495 = math.absf %get3A_482 : vector<16xf32>
      %mul3A_496 = arith.mulf %get3A_484, %select_n3A_494 : vector<16xf32>
      %max3A_497 = vector.broadcast %scan3A_135 : f32 to vector<16xf32>
      %max3A_498 = arith.maximumf %abs3A_495, %max3A_497 : vector<16xf32>
      %div3A_499 = arith.divf %mul3A_496, %max3A_498 : vector<16xf32>
      %bitcast3A_500 = vector.bitcast %div3A_499 : vector<16xf32> to vector<16xi32>
      %ge3A_501 = arith.constant 0 : i32
      %ge3A_502 = vector.broadcast %ge3A_501 : i32 to vector<16xi32>
      %ge3A_503 = arith.cmpi sge, %bitcast3A_500, %ge3A_502 : vector<16xi32>
      %xor3A_504 = arith.constant 2147483647 : i32
      %xor3A_505 = vector.broadcast %xor3A_504 : i32 to vector<16xi32>
      %xor3A_506 = arith.xori %bitcast3A_500, %xor3A_505 : vector<16xi32>
      %select_n3A_507 = arith.select %ge3A_503, %bitcast3A_500, %xor3A_506 : vector<16xi1>, vector<16xi32>
      %mul3A_508 = arith.constant 16 : i32
      %mul3A_509 = arith.muli %add3A_478, %mul3A_508 : i32
      %add3A_510 = arith.constant 8192 : i32
      %add3A_511 = arith.addi %add3A_510, %mul3A_509 : i32
      %swap3A_512 = arith.index_cast %add3A_511 : i32 to index
      %swap3A_513 = tpu.vector_load %arg13[%swap3A_512] {strides = array<i32>} : memref<24704xi32, #tpu.memory_space<vmem>>, vector<16xi32>,
      tpu.vector_store %arg13[%swap3A_512], %select_n3A_507 {strides = array<i32>} : memref<24704xi32, #tpu.memory_space<vmem>>, vector<16xi32>,
      %mul3A_514 = arith.mulf %abs3A_495, %get3A_486 : vector<16xf32>
      %swap3A_515 = arith.index_cast %add3A_511 : i32 to index
      %swap3A_516 = tpu.vector_load %arg14[%swap3A_515] {strides = array<i32>} : memref<24704xf32, #tpu.memory_space<vmem>>, vector<16xf32>,
      tpu.vector_store %arg14[%swap3A_515], %mul3A_514 {strides = array<i32>} : memref<24704xf32, #tpu.memory_space<vmem>>, vector<16xf32>,
      %mul3A_517 = arith.mulf %abs3A_495, %get3A_486 : vector<16xf32>
      %add3A_518 = arith.addf %add3A_474, %mul3A_517 : vector<16xf32>
      %mul3A_519 = arith.constant 8 : i32
      %mul3A_520 = arith.muli %scan3A_388, %mul3A_519 : i32
      %add3A_521 = arith.constant 3 : i32
      %add3A_522 = arith.addi %mul3A_520, %add3A_521 : i32
      %mul3A_523 = arith.constant 16 : i32
      %mul3A_524 = arith.muli %add3A_522, %mul3A_523 : i32
      %get3A_525 = arith.index_cast %mul3A_524 : i32 to index
      %get3A_526 = tpu.vector_load %arg7[%get3A_525] {strides = array<i32>} : memref<8192xf32, #tpu.memory_space<vmem>>, vector<16xf32>,
      %get3A_527 = arith.index_cast %mul3A_524 : i32 to index
      %get3A_528 = tpu.vector_load %arg10[%get3A_527] {strides = array<i32>} : memref<8192xf32, #tpu.memory_space<vmem>>, vector<16xf32>,
      %get3A_529 = arith.index_cast %mul3A_524 : i32 to index
      %get3A_530 = tpu.vector_load %arg12[%get3A_529] {strides = array<i32>} : memref<8192xf32, #tpu.memory_space<vmem>>, vector<16xf32>,
      %ge3A_531 = arith.constant 0.000000e+00 : f32
      %ge3A_532 = vector.broadcast %ge3A_531 : f32 to vector<16xf32>
      %ge3A_533 = arith.cmpf oge, %get3A_526, %ge3A_532 : vector<16xf32>
      %jit3A_534 = arith.constant 1.000000e+00 : f32
      %jit3A_535 = arith.constant -1.000000e+00 : f32
      %broadcast_in_dim3A_536 = vector.broadcast %jit3A_534 : f32 to vector<16xf32>
      %broadcast_in_dim3A_537 = vector.broadcast %jit3A_535 : f32 to vector<16xf32>
      %select_n3A_538 = arith.select %ge3A_533, %broadcast_in_dim3A_536, %broadcast_in_dim3A_537 : vector<16xi1>, vector<16xf32>
      %abs3A_539 = math.absf %get3A_526 : vector<16xf32>
      %mul3A_540 = arith.mulf %get3A_528, %select_n3A_538 : vector<16xf32>
      %max3A_541 = vector.broadcast %scan3A_135 : f32 to vector<16xf32>
      %max3A_542 = arith.maximumf %abs3A_539, %max3A_541 : vector<16xf32>
      %div3A_543 = arith.divf %mul3A_540, %max3A_542 : vector<16xf32>
      %bitcast3A_544 = vector.bitcast %div3A_543 : vector<16xf32> to vector<16xi32>
      %ge3A_545 = arith.constant 0 : i32
      %ge3A_546 = vector.broadcast %ge3A_545 : i32 to vector<16xi32>
      %ge3A_547 = arith.cmpi sge, %bitcast3A_544, %ge3A_546 : vector<16xi32>
      %xor3A_548 = arith.constant 2147483647 : i32
      %xor3A_549 = vector.broadcast %xor3A_548 : i32 to vector<16xi32>
      %xor3A_550 = arith.xori %bitcast3A_544, %xor3A_549 : vector<16xi32>
      %select_n3A_551 = arith.select %ge3A_547, %bitcast3A_544, %xor3A_550 : vector<16xi1>, vector<16xi32>
      %mul3A_552 = arith.constant 16 : i32
      %mul3A_553 = arith.muli %add3A_522, %mul3A_552 : i32
      %add3A_554 = arith.constant 8192 : i32
      %add3A_555 = arith.addi %add3A_554, %mul3A_553 : i32
      %swap3A_556 = arith.index_cast %add3A_555 : i32 to index
      %swap3A_557 = tpu.vector_load %arg13[%swap3A_556] {strides = array<i32>} : memref<24704xi32, #tpu.memory_space<vmem>>, vector<16xi32>,
      tpu.vector_store %arg13[%swap3A_556], %select_n3A_551 {strides = array<i32>} : memref<24704xi32, #tpu.memory_space<vmem>>, vector<16xi32>,
      %mul3A_558 = arith.mulf %abs3A_539, %get3A_530 : vector<16xf32>
      %swap3A_559 = arith.index_cast %add3A_555 : i32 to index
      %swap3A_560 = tpu.vector_load %arg14[%swap3A_559] {strides = array<i32>} : memref<24704xf32, #tpu.memory_space<vmem>>, vector<16xf32>,
      tpu.vector_store %arg14[%swap3A_559], %mul3A_558 {strides = array<i32>} : memref<24704xf32, #tpu.memory_space<vmem>>, vector<16xf32>,
      %mul3A_561 = arith.mulf %abs3A_539, %get3A_530 : vector<16xf32>
      %add3A_562 = arith.addf %add3A_518, %mul3A_561 : vector<16xf32>
      %mul3A_563 = arith.constant 8 : i32
      %mul3A_564 = arith.muli %scan3A_388, %mul3A_563 : i32
      %add3A_565 = arith.constant 4 : i32
      %add3A_566 = arith.addi %mul3A_564, %add3A_565 : i32
      %mul3A_567 = arith.constant 16 : i32
      %mul3A_568 = arith.muli %add3A_566, %mul3A_567 : i32
      %get3A_569 = arith.index_cast %mul3A_568 : i32 to index
      %get3A_570 = tpu.vector_load %arg7[%get3A_569] {strides = array<i32>} : memref<8192xf32, #tpu.memory_space<vmem>>, vector<16xf32>,
      %get3A_571 = arith.index_cast %mul3A_568 : i32 to index
      %get3A_572 = tpu.vector_load %arg10[%get3A_571] {strides = array<i32>} : memref<8192xf32, #tpu.memory_space<vmem>>, vector<16xf32>,
      %get3A_573 = arith.index_cast %mul3A_568 : i32 to index
      %get3A_574 = tpu.vector_load %arg12[%get3A_573] {strides = array<i32>} : memref<8192xf32, #tpu.memory_space<vmem>>, vector<16xf32>,
      %ge3A_575 = arith.constant 0.000000e+00 : f32
      %ge3A_576 = vector.broadcast %ge3A_575 : f32 to vector<16xf32>
      %ge3A_577 = arith.cmpf oge, %get3A_570, %ge3A_576 : vector<16xf32>
      %jit3A_578 = arith.constant 1.000000e+00 : f32
      %jit3A_579 = arith.constant -1.000000e+00 : f32
      %broadcast_in_dim3A_580 = vector.broadcast %jit3A_578 : f32 to vector<16xf32>
      %broadcast_in_dim3A_581 = vector.broadcast %jit3A_579 : f32 to vector<16xf32>
      %select_n3A_582 = arith.select %ge3A_577, %broadcast_in_dim3A_580, %broadcast_in_dim3A_581 : vector<16xi1>, vector<16xf32>
      %abs3A_583 = math.absf %get3A_570 : vector<16xf32>
      %mul3A_584 = arith.mulf %get3A_572, %select_n3A_582 : vector<16xf32>
      %max3A_585 = vector.broadcast %scan3A_135 : f32 to vector<16xf32>
      %max3A_586 = arith.maximumf %abs3A_583, %max3A_585 : vector<16xf32>
      %div3A_587 = arith.divf %mul3A_584, %max3A_586 : vector<16xf32>
      %bitcast3A_588 = vector.bitcast %div3A_587 : vector<16xf32> to vector<16xi32>
      %ge3A_589 = arith.constant 0 : i32
      %ge3A_590 = vector.broadcast %ge3A_589 : i32 to vector<16xi32>
      %ge3A_591 = arith.cmpi sge, %bitcast3A_588, %ge3A_590 : vector<16xi32>
      %xor3A_592 = arith.constant 2147483647 : i32
      %xor3A_593 = vector.broadcast %xor3A_592 : i32 to vector<16xi32>
      %xor3A_594 = arith.xori %bitcast3A_588, %xor3A_593 : vector<16xi32>
      %select_n3A_595 = arith.select %ge3A_591, %bitcast3A_588, %xor3A_594 : vector<16xi1>, vector<16xi32>
      %mul3A_596 = arith.constant 16 : i32
      %mul3A_597 = arith.muli %add3A_566, %mul3A_596 : i32
      %add3A_598 = arith.constant 8192 : i32
      %add3A_599 = arith.addi %add3A_598, %mul3A_597 : i32
      %swap3A_600 = arith.index_cast %add3A_599 : i32 to index
      %swap3A_601 = tpu.vector_load %arg13[%swap3A_600] {strides = array<i32>} : memref<24704xi32, #tpu.memory_space<vmem>>, vector<16xi32>,
      tpu.vector_store %arg13[%swap3A_600], %select_n3A_595 {strides = array<i32>} : memref<24704xi32, #tpu.memory_space<vmem>>, vector<16xi32>,
      %mul3A_602 = arith.mulf %abs3A_583, %get3A_574 : vector<16xf32>
      %swap3A_603 = arith.index_cast %add3A_599 : i32 to index
      %swap3A_604 = tpu.vector_load %arg14[%swap3A_603] {strides = array<i32>} : memref<24704xf32, #tpu.memory_space<vmem>>, vector<16xf32>,
      tpu.vector_store %arg14[%swap3A_603], %mul3A_602 {strides = array<i32>} : memref<24704xf32, #tpu.memory_space<vmem>>, vector<16xf32>,
      %mul3A_605 = arith.mulf %abs3A_583, %get3A_574 : vector<16xf32>
      %add3A_606 = arith.addf %add3A_562, %mul3A_605 : vector<16xf32>
      %mul3A_607 = arith.constant 8 : i32
      %mul3A_608 = arith.muli %scan3A_388, %mul3A_607 : i32
      %add3A_609 = arith.constant 5 : i32
      %add3A_610 = arith.addi %mul3A_608, %add3A_609 : i32
      %mul3A_611 = arith.constant 16 : i32
      %mul3A_612 = arith.muli %add3A_610, %mul3A_611 : i32
      %get3A_613 = arith.index_cast %mul3A_612 : i32 to index
      %get3A_614 = tpu.vector_load %arg7[%get3A_613] {strides = array<i32>} : memref<8192xf32, #tpu.memory_space<vmem>>, vector<16xf32>,
      %get3A_615 = arith.index_cast %mul3A_612 : i32 to index
      %get3A_616 = tpu.vector_load %arg10[%get3A_615] {strides = array<i32>} : memref<8192xf32, #tpu.memory_space<vmem>>, vector<16xf32>,
      %get3A_617 = arith.index_cast %mul3A_612 : i32 to index
      %get3A_618 = tpu.vector_load %arg12[%get3A_617] {strides = array<i32>} : memref<8192xf32, #tpu.memory_space<vmem>>, vector<16xf32>,
      %ge3A_619 = arith.constant 0.000000e+00 : f32
      %ge3A_620 = vector.broadcast %ge3A_619 : f32 to vector<16xf32>
      %ge3A_621 = arith.cmpf oge, %get3A_614, %ge3A_620 : vector<16xf32>
      %jit3A_622 = arith.constant 1.000000e+00 : f32
      %jit3A_623 = arith.constant -1.000000e+00 : f32
      %broadcast_in_dim3A_624 = vector.broadcast %jit3A_622 : f32 to vector<16xf32>
      %broadcast_in_dim3A_625 = vector.broadcast %jit3A_623 : f32 to vector<16xf32>
      %select_n3A_626 = arith.select %ge3A_621, %broadcast_in_dim3A_624, %broadcast_in_dim3A_625 : vector<16xi1>, vector<16xf32>
      %abs3A_627 = math.absf %get3A_614 : vector<16xf32>
      %mul3A_628 = arith.mulf %get3A_616, %select_n3A_626 : vector<16xf32>
      %max3A_629 = vector.broadcast %scan3A_135 : f32 to vector<16xf32>
      %max3A_630 = arith.maximumf %abs3A_627, %max3A_629 : vector<16xf32>
      %div3A_631 = arith.divf %mul3A_628, %max3A_630 : vector<16xf32>
      %bitcast3A_632 = vector.bitcast %div3A_631 : vector<16xf32> to vector<16xi32>
      %ge3A_633 = arith.constant 0 : i32
      %ge3A_634 = vector.broadcast %ge3A_633 : i32 to vector<16xi32>
      %ge3A_635 = arith.cmpi sge, %bitcast3A_632, %ge3A_634 : vector<16xi32>
      %xor3A_636 = arith.constant 2147483647 : i32
      %xor3A_637 = vector.broadcast %xor3A_636 : i32 to vector<16xi32>
      %xor3A_638 = arith.xori %bitcast3A_632, %xor3A_637 : vector<16xi32>
      %select_n3A_639 = arith.select %ge3A_635, %bitcast3A_632, %xor3A_638 : vector<16xi1>, vector<16xi32>
      %mul3A_640 = arith.constant 16 : i32
      %mul3A_641 = arith.muli %add3A_610, %mul3A_640 : i32
      %add3A_642 = arith.constant 8192 : i32
      %add3A_643 = arith.addi %add3A_642, %mul3A_641 : i32
      %swap3A_644 = arith.index_cast %add3A_643 : i32 to index
      %swap3A_645 = tpu.vector_load %arg13[%swap3A_644] {strides = array<i32>} : memref<24704xi32, #tpu.memory_space<vmem>>, vector<16xi32>,
      tpu.vector_store %arg13[%swap3A_644], %select_n3A_639 {strides = array<i32>} : memref<24704xi32, #tpu.memory_space<vmem>>, vector<16xi32>,
      %mul3A_646 = arith.mulf %abs3A_627, %get3A_618 : vector<16xf32>
      %swap3A_647 = arith.index_cast %add3A_643 : i32 to index
      %swap3A_648 = tpu.vector_load %arg14[%swap3A_647] {strides = array<i32>} : memref<24704xf32, #tpu.memory_space<vmem>>, vector<16xf32>,
      tpu.vector_store %arg14[%swap3A_647], %mul3A_646 {strides = array<i32>} : memref<24704xf32, #tpu.memory_space<vmem>>, vector<16xf32>,
      %mul3A_649 = arith.mulf %abs3A_627, %get3A_618 : vector<16xf32>
      %add3A_650 = arith.addf %add3A_606, %mul3A_649 : vector<16xf32>
      %mul3A_651 = arith.constant 8 : i32
      %mul3A_652 = arith.muli %scan3A_388, %mul3A_651 : i32
      %add3A_653 = arith.constant 6 : i32
      %add3A_654 = arith.addi %mul3A_652, %add3A_653 : i32
      %mul3A_655 = arith.constant 16 : i32
      %mul3A_656 = arith.muli %add3A_654, %mul3A_655 : i32
      %get3A_657 = arith.index_cast %mul3A_656 : i32 to index
      %get3A_658 = tpu.vector_load %arg7[%get3A_657] {strides = array<i32>} : memref<8192xf32, #tpu.memory_space<vmem>>, vector<16xf32>,
      %get3A_659 = arith.index_cast %mul3A_656 : i32 to index
      %get3A_660 = tpu.vector_load %arg10[%get3A_659] {strides = array<i32>} : memref<8192xf32, #tpu.memory_space<vmem>>, vector<16xf32>,
      %get3A_661 = arith.index_cast %mul3A_656 : i32 to index
      %get3A_662 = tpu.vector_load %arg12[%get3A_661] {strides = array<i32>} : memref<8192xf32, #tpu.memory_space<vmem>>, vector<16xf32>,
      %ge3A_663 = arith.constant 0.000000e+00 : f32
      %ge3A_664 = vector.broadcast %ge3A_663 : f32 to vector<16xf32>
      %ge3A_665 = arith.cmpf oge, %get3A_658, %ge3A_664 : vector<16xf32>
      %jit3A_666 = arith.constant 1.000000e+00 : f32
      %jit3A_667 = arith.constant -1.000000e+00 : f32
      %broadcast_in_dim3A_668 = vector.broadcast %jit3A_666 : f32 to vector<16xf32>
      %broadcast_in_dim3A_669 = vector.broadcast %jit3A_667 : f32 to vector<16xf32>
      %select_n3A_670 = arith.select %ge3A_665, %broadcast_in_dim3A_668, %broadcast_in_dim3A_669 : vector<16xi1>, vector<16xf32>
      %abs3A_671 = math.absf %get3A_658 : vector<16xf32>
      %mul3A_672 = arith.mulf %get3A_660, %select_n3A_670 : vector<16xf32>
      %max3A_673 = vector.broadcast %scan3A_135 : f32 to vector<16xf32>
      %max3A_674 = arith.maximumf %abs3A_671, %max3A_673 : vector<16xf32>
      %div3A_675 = arith.divf %mul3A_672, %max3A_674 : vector<16xf32>
      %bitcast3A_676 = vector.bitcast %div3A_675 : vector<16xf32> to vector<16xi32>
      %ge3A_677 = arith.constant 0 : i32
      %ge3A_678 = vector.broadcast %ge3A_677 : i32 to vector<16xi32>
      %ge3A_679 = arith.cmpi sge, %bitcast3A_676, %ge3A_678 : vector<16xi32>
      %xor3A_680 = arith.constant 2147483647 : i32
      %xor3A_681 = vector.broadcast %xor3A_680 : i32 to vector<16xi32>
      %xor3A_682 = arith.xori %bitcast3A_676, %xor3A_681 : vector<16xi32>
      %select_n3A_683 = arith.select %ge3A_679, %bitcast3A_676, %xor3A_682 : vector<16xi1>, vector<16xi32>
      %mul3A_684 = arith.constant 16 : i32
      %mul3A_685 = arith.muli %add3A_654, %mul3A_684 : i32
      %add3A_686 = arith.constant 8192 : i32
      %add3A_687 = arith.addi %add3A_686, %mul3A_685 : i32
      %swap3A_688 = arith.index_cast %add3A_687 : i32 to index
      %swap3A_689 = tpu.vector_load %arg13[%swap3A_688] {strides = array<i32>} : memref<24704xi32, #tpu.memory_space<vmem>>, vector<16xi32>,
      tpu.vector_store %arg13[%swap3A_688], %select_n3A_683 {strides = array<i32>} : memref<24704xi32, #tpu.memory_space<vmem>>, vector<16xi32>,
      %mul3A_690 = arith.mulf %abs3A_671, %get3A_662 : vector<16xf32>
      %swap3A_691 = arith.index_cast %add3A_687 : i32 to index
      %swap3A_692 = tpu.vector_load %arg14[%swap3A_691] {strides = array<i32>} : memref<24704xf32, #tpu.memory_space<vmem>>, vector<16xf32>,
      tpu.vector_store %arg14[%swap3A_691], %mul3A_690 {strides = array<i32>} : memref<24704xf32, #tpu.memory_space<vmem>>, vector<16xf32>,
      %mul3A_693 = arith.mulf %abs3A_671, %get3A_662 : vector<16xf32>
      %add3A_694 = arith.addf %add3A_650, %mul3A_693 : vector<16xf32>
      %mul3A_695 = arith.constant 8 : i32
      %mul3A_696 = arith.muli %scan3A_388, %mul3A_695 : i32
      %add3A_697 = arith.constant 7 : i32
      %add3A_698 = arith.addi %mul3A_696, %add3A_697 : i32
      %mul3A_699 = arith.constant 16 : i32
      %mul3A_700 = arith.muli %add3A_698, %mul3A_699 : i32
      %get3A_701 = arith.index_cast %mul3A_700 : i32 to index
      %get3A_702 = tpu.vector_load %arg7[%get3A_701] {strides = array<i32>} : memref<8192xf32, #tpu.memory_space<vmem>>, vector<16xf32>,
      %get3A_703 = arith.index_cast %mul3A_700 : i32 to index
      %get3A_704 = tpu.vector_load %arg10[%get3A_703] {strides = array<i32>} : memref<8192xf32, #tpu.memory_space<vmem>>, vector<16xf32>,
      %get3A_705 = arith.index_cast %mul3A_700 : i32 to index
      %get3A_706 = tpu.vector_load %arg12[%get3A_705] {strides = array<i32>} : memref<8192xf32, #tpu.memory_space<vmem>>, vector<16xf32>,
      %ge3A_707 = arith.constant 0.000000e+00 : f32
      %ge3A_708 = vector.broadcast %ge3A_707 : f32 to vector<16xf32>
      %ge3A_709 = arith.cmpf oge, %get3A_702, %ge3A_708 : vector<16xf32>
      %jit3A_710 = arith.constant 1.000000e+00 : f32
      %jit3A_711 = arith.constant -1.000000e+00 : f32
      %broadcast_in_dim3A_712 = vector.broadcast %jit3A_710 : f32 to vector<16xf32>
      %broadcast_in_dim3A_713 = vector.broadcast %jit3A_711 : f32 to vector<16xf32>
      %select_n3A_714 = arith.select %ge3A_709, %broadcast_in_dim3A_712, %broadcast_in_dim3A_713 : vector<16xi1>, vector<16xf32>
      %abs3A_715 = math.absf %get3A_702 : vector<16xf32>
      %mul3A_716 = arith.mulf %get3A_704, %select_n3A_714 : vector<16xf32>
      %max3A_717 = vector.broadcast %scan3A_135 : f32 to vector<16xf32>
      %max3A_718 = arith.maximumf %abs3A_715, %max3A_717 : vector<16xf32>
      %div3A_719 = arith.divf %mul3A_716, %max3A_718 : vector<16xf32>
      %bitcast3A_720 = vector.bitcast %div3A_719 : vector<16xf32> to vector<16xi32>
      %ge3A_721 = arith.constant 0 : i32
      %ge3A_722 = vector.broadcast %ge3A_721 : i32 to vector<16xi32>
      %ge3A_723 = arith.cmpi sge, %bitcast3A_720, %ge3A_722 : vector<16xi32>
      %xor3A_724 = arith.constant 2147483647 : i32
      %xor3A_725 = vector.broadcast %xor3A_724 : i32 to vector<16xi32>
      %xor3A_726 = arith.xori %bitcast3A_720, %xor3A_725 : vector<16xi32>
      %select_n3A_727 = arith.select %ge3A_723, %bitcast3A_720, %xor3A_726 : vector<16xi1>, vector<16xi32>
      %mul3A_728 = arith.constant 16 : i32
      %mul3A_729 = arith.muli %add3A_698, %mul3A_728 : i32
      %add3A_730 = arith.constant 8192 : i32
      %add3A_731 = arith.addi %add3A_730, %mul3A_729 : i32
      %swap3A_732 = arith.index_cast %add3A_731 : i32 to index
      %swap3A_733 = tpu.vector_load %arg13[%swap3A_732] {strides = array<i32>} : memref<24704xi32, #tpu.memory_space<vmem>>, vector<16xi32>,
      tpu.vector_store %arg13[%swap3A_732], %select_n3A_727 {strides = array<i32>} : memref<24704xi32, #tpu.memory_space<vmem>>, vector<16xi32>,
      %mul3A_734 = arith.mulf %abs3A_715, %get3A_706 : vector<16xf32>
      %swap3A_735 = arith.index_cast %add3A_731 : i32 to index
      %swap3A_736 = tpu.vector_load %arg14[%swap3A_735] {strides = array<i32>} : memref<24704xf32, #tpu.memory_space<vmem>>, vector<16xf32>,
      tpu.vector_store %arg14[%swap3A_735], %mul3A_734 {strides = array<i32>} : memref<24704xf32, #tpu.memory_space<vmem>>, vector<16xf32>,
      %mul3A_737 = arith.mulf %abs3A_715, %get3A_706 : vector<16xf32>
      %add3A_738 = arith.addf %add3A_694, %mul3A_737 : vector<16xf32>
      scf.yield %add3A_738 : vector<16xf32>
    }
    %scan3A_141 = arith.constant 64 : i32
    %scan3A_142 = arith.constant 1.000000e-07 : f32
    %scan3A_143 = arith.constant 0 : i32
    %scan3A_144 = arith.constant 64 : i32
    %scan3A_145 = arith.addi %scan3A_143, %scan3A_144 : i32
    %scan3A_146 = arith.constant 1 : i32
    %scan3A_147 = scf.for %scan3A_388 = %scan3A_143 to %scan3A_145 step %scan3A_146 iter_args(%scan3A_389 = %scan3A_140) -> (vector<16xf32>)  : i32 {
      %mul3A_390 = arith.constant 8 : i32
      %mul3A_391 = arith.muli %scan3A_388, %mul3A_390 : i32
      %add3A_392 = arith.constant 0 : i32
      %add3A_393 = arith.addi %mul3A_391, %add3A_392 : i32
      %mul3A_394 = arith.constant 16 : i32
      %mul3A_395 = arith.muli %add3A_393, %mul3A_394 : i32
      %get3A = arith.index_cast %mul3A_395 : i32 to index
      %get3A_396 = tpu.vector_load %arg8[%get3A] {strides = array<i32>} : memref<8192xf32, #tpu.memory_space<vmem>>, vector<16xf32>,
      %get3A_397 = arith.index_cast %mul3A_395 : i32 to index
      %get3A_398 = tpu.vector_load %arg11[%get3A_397] {strides = array<i32>} : memref<8192xf32, #tpu.memory_space<vmem>>, vector<16xf32>,
      %get3A_399 = arith.index_cast %mul3A_395 : i32 to index
      %get3A_400 = tpu.vector_load %arg12[%get3A_399] {strides = array<i32>} : memref<8192xf32, #tpu.memory_space<vmem>>, vector<16xf32>,
      %ge3A_401 = arith.constant 0.000000e+00 : f32
      %ge3A_402 = vector.broadcast %ge3A_401 : f32 to vector<16xf32>
      %ge3A_403 = arith.cmpf oge, %get3A_396, %ge3A_402 : vector<16xf32>
      %jit3A_404 = arith.constant 1.000000e+00 : f32
      %jit3A_405 = arith.constant -1.000000e+00 : f32
      %broadcast_in_dim3A_406 = vector.broadcast %jit3A_404 : f32 to vector<16xf32>
      %broadcast_in_dim3A_407 = vector.broadcast %jit3A_405 : f32 to vector<16xf32>
      %select_n3A_408 = arith.select %ge3A_403, %broadcast_in_dim3A_406, %broadcast_in_dim3A_407 : vector<16xi1>, vector<16xf32>
      %abs3A = math.absf %get3A_396 : vector<16xf32>
      %mul3A_409 = arith.mulf %get3A_398, %select_n3A_408 : vector<16xf32>
      %max3A = vector.broadcast %scan3A_142 : f32 to vector<16xf32>
      %max3A_410 = arith.maximumf %abs3A, %max3A : vector<16xf32>
      %div3A_411 = arith.divf %mul3A_409, %max3A_410 : vector<16xf32>
      %bitcast3A_412 = vector.bitcast %div3A_411 : vector<16xf32> to vector<16xi32>
      %ge3A_413 = arith.constant 0 : i32
      %ge3A_414 = vector.broadcast %ge3A_413 : i32 to vector<16xi32>
      %ge3A_415 = arith.cmpi sge, %bitcast3A_412, %ge3A_414 : vector<16xi32>
      %xor3A_416 = arith.constant 2147483647 : i32
      %xor3A_417 = vector.broadcast %xor3A_416 : i32 to vector<16xi32>
      %xor3A_418 = arith.xori %bitcast3A_412, %xor3A_417 : vector<16xi32>
      %select_n3A_419 = arith.select %ge3A_415, %bitcast3A_412, %xor3A_418 : vector<16xi1>, vector<16xi32>
      %mul3A_420 = arith.constant 16 : i32
      %mul3A_421 = arith.muli %add3A_393, %mul3A_420 : i32
      %add3A_422 = arith.constant 16384 : i32
      %add3A_423 = arith.addi %add3A_422, %mul3A_421 : i32
      %swap3A_424 = arith.index_cast %add3A_423 : i32 to index
      %swap3A_425 = tpu.vector_load %arg13[%swap3A_424] {strides = array<i32>} : memref<24704xi32, #tpu.memory_space<vmem>>, vector<16xi32>,
      tpu.vector_store %arg13[%swap3A_424], %select_n3A_419 {strides = array<i32>} : memref<24704xi32, #tpu.memory_space<vmem>>, vector<16xi32>,
      %mul3A_426 = arith.mulf %abs3A, %get3A_400 : vector<16xf32>
      %swap3A_427 = arith.index_cast %add3A_423 : i32 to index
      %swap3A_428 = tpu.vector_load %arg14[%swap3A_427] {strides = array<i32>} : memref<24704xf32, #tpu.memory_space<vmem>>, vector<16xf32>,
      tpu.vector_store %arg14[%swap3A_427], %mul3A_426 {strides = array<i32>} : memref<24704xf32, #tpu.memory_space<vmem>>, vector<16xf32>,
      %mul3A_429 = arith.mulf %abs3A, %get3A_400 : vector<16xf32>
      %add3A_430 = arith.addf %scan3A_389, %mul3A_429 : vector<16xf32>
      %mul3A_431 = arith.constant 8 : i32
      %mul3A_432 = arith.muli %scan3A_388, %mul3A_431 : i32
      %add3A_433 = arith.constant 1 : i32
      %add3A_434 = arith.addi %mul3A_432, %add3A_433 : i32
      %mul3A_435 = arith.constant 16 : i32
      %mul3A_436 = arith.muli %add3A_434, %mul3A_435 : i32
      %get3A_437 = arith.index_cast %mul3A_436 : i32 to index
      %get3A_438 = tpu.vector_load %arg8[%get3A_437] {strides = array<i32>} : memref<8192xf32, #tpu.memory_space<vmem>>, vector<16xf32>,
      %get3A_439 = arith.index_cast %mul3A_436 : i32 to index
      %get3A_440 = tpu.vector_load %arg11[%get3A_439] {strides = array<i32>} : memref<8192xf32, #tpu.memory_space<vmem>>, vector<16xf32>,
      %get3A_441 = arith.index_cast %mul3A_436 : i32 to index
      %get3A_442 = tpu.vector_load %arg12[%get3A_441] {strides = array<i32>} : memref<8192xf32, #tpu.memory_space<vmem>>, vector<16xf32>,
      %ge3A_443 = arith.constant 0.000000e+00 : f32
      %ge3A_444 = vector.broadcast %ge3A_443 : f32 to vector<16xf32>
      %ge3A_445 = arith.cmpf oge, %get3A_438, %ge3A_444 : vector<16xf32>
      %jit3A_446 = arith.constant 1.000000e+00 : f32
      %jit3A_447 = arith.constant -1.000000e+00 : f32
      %broadcast_in_dim3A_448 = vector.broadcast %jit3A_446 : f32 to vector<16xf32>
      %broadcast_in_dim3A_449 = vector.broadcast %jit3A_447 : f32 to vector<16xf32>
      %select_n3A_450 = arith.select %ge3A_445, %broadcast_in_dim3A_448, %broadcast_in_dim3A_449 : vector<16xi1>, vector<16xf32>
      %abs3A_451 = math.absf %get3A_438 : vector<16xf32>
      %mul3A_452 = arith.mulf %get3A_440, %select_n3A_450 : vector<16xf32>
      %max3A_453 = vector.broadcast %scan3A_142 : f32 to vector<16xf32>
      %max3A_454 = arith.maximumf %abs3A_451, %max3A_453 : vector<16xf32>
      %div3A_455 = arith.divf %mul3A_452, %max3A_454 : vector<16xf32>
      %bitcast3A_456 = vector.bitcast %div3A_455 : vector<16xf32> to vector<16xi32>
      %ge3A_457 = arith.constant 0 : i32
      %ge3A_458 = vector.broadcast %ge3A_457 : i32 to vector<16xi32>
      %ge3A_459 = arith.cmpi sge, %bitcast3A_456, %ge3A_458 : vector<16xi32>
      %xor3A_460 = arith.constant 2147483647 : i32
      %xor3A_461 = vector.broadcast %xor3A_460 : i32 to vector<16xi32>
      %xor3A_462 = arith.xori %bitcast3A_456, %xor3A_461 : vector<16xi32>
      %select_n3A_463 = arith.select %ge3A_459, %bitcast3A_456, %xor3A_462 : vector<16xi1>, vector<16xi32>
      %mul3A_464 = arith.constant 16 : i32
      %mul3A_465 = arith.muli %add3A_434, %mul3A_464 : i32
      %add3A_466 = arith.constant 16384 : i32
      %add3A_467 = arith.addi %add3A_466, %mul3A_465 : i32
      %swap3A_468 = arith.index_cast %add3A_467 : i32 to index
      %swap3A_469 = tpu.vector_load %arg13[%swap3A_468] {strides = array<i32>} : memref<24704xi32, #tpu.memory_space<vmem>>, vector<16xi32>,
      tpu.vector_store %arg13[%swap3A_468], %select_n3A_463 {strides = array<i32>} : memref<24704xi32, #tpu.memory_space<vmem>>, vector<16xi32>,
      %mul3A_470 = arith.mulf %abs3A_451, %get3A_442 : vector<16xf32>
      %swap3A_471 = arith.index_cast %add3A_467 : i32 to index
      %swap3A_472 = tpu.vector_load %arg14[%swap3A_471] {strides = array<i32>} : memref<24704xf32, #tpu.memory_space<vmem>>, vector<16xf32>,
      tpu.vector_store %arg14[%swap3A_471], %mul3A_470 {strides = array<i32>} : memref<24704xf32, #tpu.memory_space<vmem>>, vector<16xf32>,
      %mul3A_473 = arith.mulf %abs3A_451, %get3A_442 : vector<16xf32>
      %add3A_474 = arith.addf %add3A_430, %mul3A_473 : vector<16xf32>
      %mul3A_475 = arith.constant 8 : i32
      %mul3A_476 = arith.muli %scan3A_388, %mul3A_475 : i32
      %add3A_477 = arith.constant 2 : i32
      %add3A_478 = arith.addi %mul3A_476, %add3A_477 : i32
      %mul3A_479 = arith.constant 16 : i32
      %mul3A_480 = arith.muli %add3A_478, %mul3A_479 : i32
      %get3A_481 = arith.index_cast %mul3A_480 : i32 to index
      %get3A_482 = tpu.vector_load %arg8[%get3A_481] {strides = array<i32>} : memref<8192xf32, #tpu.memory_space<vmem>>, vector<16xf32>,
      %get3A_483 = arith.index_cast %mul3A_480 : i32 to index
      %get3A_484 = tpu.vector_load %arg11[%get3A_483] {strides = array<i32>} : memref<8192xf32, #tpu.memory_space<vmem>>, vector<16xf32>,
      %get3A_485 = arith.index_cast %mul3A_480 : i32 to index
      %get3A_486 = tpu.vector_load %arg12[%get3A_485] {strides = array<i32>} : memref<8192xf32, #tpu.memory_space<vmem>>, vector<16xf32>,
      %ge3A_487 = arith.constant 0.000000e+00 : f32
      %ge3A_488 = vector.broadcast %ge3A_487 : f32 to vector<16xf32>
      %ge3A_489 = arith.cmpf oge, %get3A_482, %ge3A_488 : vector<16xf32>
      %jit3A_490 = arith.constant 1.000000e+00 : f32
      %jit3A_491 = arith.constant -1.000000e+00 : f32
      %broadcast_in_dim3A_492 = vector.broadcast %jit3A_490 : f32 to vector<16xf32>
      %broadcast_in_dim3A_493 = vector.broadcast %jit3A_491 : f32 to vector<16xf32>
      %select_n3A_494 = arith.select %ge3A_489, %broadcast_in_dim3A_492, %broadcast_in_dim3A_493 : vector<16xi1>, vector<16xf32>
      %abs3A_495 = math.absf %get3A_482 : vector<16xf32>
      %mul3A_496 = arith.mulf %get3A_484, %select_n3A_494 : vector<16xf32>
      %max3A_497 = vector.broadcast %scan3A_142 : f32 to vector<16xf32>
      %max3A_498 = arith.maximumf %abs3A_495, %max3A_497 : vector<16xf32>
      %div3A_499 = arith.divf %mul3A_496, %max3A_498 : vector<16xf32>
      %bitcast3A_500 = vector.bitcast %div3A_499 : vector<16xf32> to vector<16xi32>
      %ge3A_501 = arith.constant 0 : i32
      %ge3A_502 = vector.broadcast %ge3A_501 : i32 to vector<16xi32>
      %ge3A_503 = arith.cmpi sge, %bitcast3A_500, %ge3A_502 : vector<16xi32>
      %xor3A_504 = arith.constant 2147483647 : i32
      %xor3A_505 = vector.broadcast %xor3A_504 : i32 to vector<16xi32>
      %xor3A_506 = arith.xori %bitcast3A_500, %xor3A_505 : vector<16xi32>
      %select_n3A_507 = arith.select %ge3A_503, %bitcast3A_500, %xor3A_506 : vector<16xi1>, vector<16xi32>
      %mul3A_508 = arith.constant 16 : i32
      %mul3A_509 = arith.muli %add3A_478, %mul3A_508 : i32
      %add3A_510 = arith.constant 16384 : i32
      %add3A_511 = arith.addi %add3A_510, %mul3A_509 : i32
      %swap3A_512 = arith.index_cast %add3A_511 : i32 to index
      %swap3A_513 = tpu.vector_load %arg13[%swap3A_512] {strides = array<i32>} : memref<24704xi32, #tpu.memory_space<vmem>>, vector<16xi32>,
      tpu.vector_store %arg13[%swap3A_512], %select_n3A_507 {strides = array<i32>} : memref<24704xi32, #tpu.memory_space<vmem>>, vector<16xi32>,
      %mul3A_514 = arith.mulf %abs3A_495, %get3A_486 : vector<16xf32>
      %swap3A_515 = arith.index_cast %add3A_511 : i32 to index
      %swap3A_516 = tpu.vector_load %arg14[%swap3A_515] {strides = array<i32>} : memref<24704xf32, #tpu.memory_space<vmem>>, vector<16xf32>,
      tpu.vector_store %arg14[%swap3A_515], %mul3A_514 {strides = array<i32>} : memref<24704xf32, #tpu.memory_space<vmem>>, vector<16xf32>,
      %mul3A_517 = arith.mulf %abs3A_495, %get3A_486 : vector<16xf32>
      %add3A_518 = arith.addf %add3A_474, %mul3A_517 : vector<16xf32>
      %mul3A_519 = arith.constant 8 : i32
      %mul3A_520 = arith.muli %scan3A_388, %mul3A_519 : i32
      %add3A_521 = arith.constant 3 : i32
      %add3A_522 = arith.addi %mul3A_520, %add3A_521 : i32
      %mul3A_523 = arith.constant 16 : i32
      %mul3A_524 = arith.muli %add3A_522, %mul3A_523 : i32
      %get3A_525 = arith.index_cast %mul3A_524 : i32 to index
      %get3A_526 = tpu.vector_load %arg8[%get3A_525] {strides = array<i32>} : memref<8192xf32, #tpu.memory_space<vmem>>, vector<16xf32>,
      %get3A_527 = arith.index_cast %mul3A_524 : i32 to index
      %get3A_528 = tpu.vector_load %arg11[%get3A_527] {strides = array<i32>} : memref<8192xf32, #tpu.memory_space<vmem>>, vector<16xf32>,
      %get3A_529 = arith.index_cast %mul3A_524 : i32 to index
      %get3A_530 = tpu.vector_load %arg12[%get3A_529] {strides = array<i32>} : memref<8192xf32, #tpu.memory_space<vmem>>, vector<16xf32>,
      %ge3A_531 = arith.constant 0.000000e+00 : f32
      %ge3A_532 = vector.broadcast %ge3A_531 : f32 to vector<16xf32>
      %ge3A_533 = arith.cmpf oge, %get3A_526, %ge3A_532 : vector<16xf32>
      %jit3A_534 = arith.constant 1.000000e+00 : f32
      %jit3A_535 = arith.constant -1.000000e+00 : f32
      %broadcast_in_dim3A_536 = vector.broadcast %jit3A_534 : f32 to vector<16xf32>
      %broadcast_in_dim3A_537 = vector.broadcast %jit3A_535 : f32 to vector<16xf32>
      %select_n3A_538 = arith.select %ge3A_533, %broadcast_in_dim3A_536, %broadcast_in_dim3A_537 : vector<16xi1>, vector<16xf32>
      %abs3A_539 = math.absf %get3A_526 : vector<16xf32>
      %mul3A_540 = arith.mulf %get3A_528, %select_n3A_538 : vector<16xf32>
      %max3A_541 = vector.broadcast %scan3A_142 : f32 to vector<16xf32>
      %max3A_542 = arith.maximumf %abs3A_539, %max3A_541 : vector<16xf32>
      %div3A_543 = arith.divf %mul3A_540, %max3A_542 : vector<16xf32>
      %bitcast3A_544 = vector.bitcast %div3A_543 : vector<16xf32> to vector<16xi32>
      %ge3A_545 = arith.constant 0 : i32
      %ge3A_546 = vector.broadcast %ge3A_545 : i32 to vector<16xi32>
      %ge3A_547 = arith.cmpi sge, %bitcast3A_544, %ge3A_546 : vector<16xi32>
      %xor3A_548 = arith.constant 2147483647 : i32
      %xor3A_549 = vector.broadcast %xor3A_548 : i32 to vector<16xi32>
      %xor3A_550 = arith.xori %bitcast3A_544, %xor3A_549 : vector<16xi32>
      %select_n3A_551 = arith.select %ge3A_547, %bitcast3A_544, %xor3A_550 : vector<16xi1>, vector<16xi32>
      %mul3A_552 = arith.constant 16 : i32
      %mul3A_553 = arith.muli %add3A_522, %mul3A_552 : i32
      %add3A_554 = arith.constant 16384 : i32
      %add3A_555 = arith.addi %add3A_554, %mul3A_553 : i32
      %swap3A_556 = arith.index_cast %add3A_555 : i32 to index
      %swap3A_557 = tpu.vector_load %arg13[%swap3A_556] {strides = array<i32>} : memref<24704xi32, #tpu.memory_space<vmem>>, vector<16xi32>,
      tpu.vector_store %arg13[%swap3A_556], %select_n3A_551 {strides = array<i32>} : memref<24704xi32, #tpu.memory_space<vmem>>, vector<16xi32>,
      %mul3A_558 = arith.mulf %abs3A_539, %get3A_530 : vector<16xf32>
      %swap3A_559 = arith.index_cast %add3A_555 : i32 to index
      %swap3A_560 = tpu.vector_load %arg14[%swap3A_559] {strides = array<i32>} : memref<24704xf32, #tpu.memory_space<vmem>>, vector<16xf32>,
      tpu.vector_store %arg14[%swap3A_559], %mul3A_558 {strides = array<i32>} : memref<24704xf32, #tpu.memory_space<vmem>>, vector<16xf32>,
      %mul3A_561 = arith.mulf %abs3A_539, %get3A_530 : vector<16xf32>
      %add3A_562 = arith.addf %add3A_518, %mul3A_561 : vector<16xf32>
      %mul3A_563 = arith.constant 8 : i32
      %mul3A_564 = arith.muli %scan3A_388, %mul3A_563 : i32
      %add3A_565 = arith.constant 4 : i32
      %add3A_566 = arith.addi %mul3A_564, %add3A_565 : i32
      %mul3A_567 = arith.constant 16 : i32
      %mul3A_568 = arith.muli %add3A_566, %mul3A_567 : i32
      %get3A_569 = arith.index_cast %mul3A_568 : i32 to index
      %get3A_570 = tpu.vector_load %arg8[%get3A_569] {strides = array<i32>} : memref<8192xf32, #tpu.memory_space<vmem>>, vector<16xf32>,
      %get3A_571 = arith.index_cast %mul3A_568 : i32 to index
      %get3A_572 = tpu.vector_load %arg11[%get3A_571] {strides = array<i32>} : memref<8192xf32, #tpu.memory_space<vmem>>, vector<16xf32>,
      %get3A_573 = arith.index_cast %mul3A_568 : i32 to index
      %get3A_574 = tpu.vector_load %arg12[%get3A_573] {strides = array<i32>} : memref<8192xf32, #tpu.memory_space<vmem>>, vector<16xf32>,
      %ge3A_575 = arith.constant 0.000000e+00 : f32
      %ge3A_576 = vector.broadcast %ge3A_575 : f32 to vector<16xf32>
      %ge3A_577 = arith.cmpf oge, %get3A_570, %ge3A_576 : vector<16xf32>
      %jit3A_578 = arith.constant 1.000000e+00 : f32
      %jit3A_579 = arith.constant -1.000000e+00 : f32
      %broadcast_in_dim3A_580 = vector.broadcast %jit3A_578 : f32 to vector<16xf32>
      %broadcast_in_dim3A_581 = vector.broadcast %jit3A_579 : f32 to vector<16xf32>
      %select_n3A_582 = arith.select %ge3A_577, %broadcast_in_dim3A_580, %broadcast_in_dim3A_581 : vector<16xi1>, vector<16xf32>
      %abs3A_583 = math.absf %get3A_570 : vector<16xf32>
      %mul3A_584 = arith.mulf %get3A_572, %select_n3A_582 : vector<16xf32>
      %max3A_585 = vector.broadcast %scan3A_142 : f32 to vector<16xf32>
      %max3A_586 = arith.maximumf %abs3A_583, %max3A_585 : vector<16xf32>
      %div3A_587 = arith.divf %mul3A_584, %max3A_586 : vector<16xf32>
      %bitcast3A_588 = vector.bitcast %div3A_587 : vector<16xf32> to vector<16xi32>
      %ge3A_589 = arith.constant 0 : i32
      %ge3A_590 = vector.broadcast %ge3A_589 : i32 to vector<16xi32>
      %ge3A_591 = arith.cmpi sge, %bitcast3A_588, %ge3A_590 : vector<16xi32>
      %xor3A_592 = arith.constant 2147483647 : i32
      %xor3A_593 = vector.broadcast %xor3A_592 : i32 to vector<16xi32>
      %xor3A_594 = arith.xori %bitcast3A_588, %xor3A_593 : vector<16xi32>
      %select_n3A_595 = arith.select %ge3A_591, %bitcast3A_588, %xor3A_594 : vector<16xi1>, vector<16xi32>
      %mul3A_596 = arith.constant 16 : i32
      %mul3A_597 = arith.muli %add3A_566, %mul3A_596 : i32
      %add3A_598 = arith.constant 16384 : i32
      %add3A_599 = arith.addi %add3A_598, %mul3A_597 : i32
      %swap3A_600 = arith.index_cast %add3A_599 : i32 to index
      %swap3A_601 = tpu.vector_load %arg13[%swap3A_600] {strides = array<i32>} : memref<24704xi32, #tpu.memory_space<vmem>>, vector<16xi32>,
      tpu.vector_store %arg13[%swap3A_600], %select_n3A_595 {strides = array<i32>} : memref<24704xi32, #tpu.memory_space<vmem>>, vector<16xi32>,
      %mul3A_602 = arith.mulf %abs3A_583, %get3A_574 : vector<16xf32>
      %swap3A_603 = arith.index_cast %add3A_599 : i32 to index
      %swap3A_604 = tpu.vector_load %arg14[%swap3A_603] {strides = array<i32>} : memref<24704xf32, #tpu.memory_space<vmem>>, vector<16xf32>,
      tpu.vector_store %arg14[%swap3A_603], %mul3A_602 {strides = array<i32>} : memref<24704xf32, #tpu.memory_space<vmem>>, vector<16xf32>,
      %mul3A_605 = arith.mulf %abs3A_583, %get3A_574 : vector<16xf32>
      %add3A_606 = arith.addf %add3A_562, %mul3A_605 : vector<16xf32>
      %mul3A_607 = arith.constant 8 : i32
      %mul3A_608 = arith.muli %scan3A_388, %mul3A_607 : i32
      %add3A_609 = arith.constant 5 : i32
      %add3A_610 = arith.addi %mul3A_608, %add3A_609 : i32
      %mul3A_611 = arith.constant 16 : i32
      %mul3A_612 = arith.muli %add3A_610, %mul3A_611 : i32
      %get3A_613 = arith.index_cast %mul3A_612 : i32 to index
      %get3A_614 = tpu.vector_load %arg8[%get3A_613] {strides = array<i32>} : memref<8192xf32, #tpu.memory_space<vmem>>, vector<16xf32>,
      %get3A_615 = arith.index_cast %mul3A_612 : i32 to index
      %get3A_616 = tpu.vector_load %arg11[%get3A_615] {strides = array<i32>} : memref<8192xf32, #tpu.memory_space<vmem>>, vector<16xf32>,
      %get3A_617 = arith.index_cast %mul3A_612 : i32 to index
      %get3A_618 = tpu.vector_load %arg12[%get3A_617] {strides = array<i32>} : memref<8192xf32, #tpu.memory_space<vmem>>, vector<16xf32>,
      %ge3A_619 = arith.constant 0.000000e+00 : f32
      %ge3A_620 = vector.broadcast %ge3A_619 : f32 to vector<16xf32>
      %ge3A_621 = arith.cmpf oge, %get3A_614, %ge3A_620 : vector<16xf32>
      %jit3A_622 = arith.constant 1.000000e+00 : f32
      %jit3A_623 = arith.constant -1.000000e+00 : f32
      %broadcast_in_dim3A_624 = vector.broadcast %jit3A_622 : f32 to vector<16xf32>
      %broadcast_in_dim3A_625 = vector.broadcast %jit3A_623 : f32 to vector<16xf32>
      %select_n3A_626 = arith.select %ge3A_621, %broadcast_in_dim3A_624, %broadcast_in_dim3A_625 : vector<16xi1>, vector<16xf32>
      %abs3A_627 = math.absf %get3A_614 : vector<16xf32>
      %mul3A_628 = arith.mulf %get3A_616, %select_n3A_626 : vector<16xf32>
      %max3A_629 = vector.broadcast %scan3A_142 : f32 to vector<16xf32>
      %max3A_630 = arith.maximumf %abs3A_627, %max3A_629 : vector<16xf32>
      %div3A_631 = arith.divf %mul3A_628, %max3A_630 : vector<16xf32>
      %bitcast3A_632 = vector.bitcast %div3A_631 : vector<16xf32> to vector<16xi32>
      %ge3A_633 = arith.constant 0 : i32
      %ge3A_634 = vector.broadcast %ge3A_633 : i32 to vector<16xi32>
      %ge3A_635 = arith.cmpi sge, %bitcast3A_632, %ge3A_634 : vector<16xi32>
      %xor3A_636 = arith.constant 2147483647 : i32
      %xor3A_637 = vector.broadcast %xor3A_636 : i32 to vector<16xi32>
      %xor3A_638 = arith.xori %bitcast3A_632, %xor3A_637 : vector<16xi32>
      %select_n3A_639 = arith.select %ge3A_635, %bitcast3A_632, %xor3A_638 : vector<16xi1>, vector<16xi32>
      %mul3A_640 = arith.constant 16 : i32
      %mul3A_641 = arith.muli %add3A_610, %mul3A_640 : i32
      %add3A_642 = arith.constant 16384 : i32
      %add3A_643 = arith.addi %add3A_642, %mul3A_641 : i32
      %swap3A_644 = arith.index_cast %add3A_643 : i32 to index
      %swap3A_645 = tpu.vector_load %arg13[%swap3A_644] {strides = array<i32>} : memref<24704xi32, #tpu.memory_space<vmem>>, vector<16xi32>,
      tpu.vector_store %arg13[%swap3A_644], %select_n3A_639 {strides = array<i32>} : memref<24704xi32, #tpu.memory_space<vmem>>, vector<16xi32>,
      %mul3A_646 = arith.mulf %abs3A_627, %get3A_618 : vector<16xf32>
      %swap3A_647 = arith.index_cast %add3A_643 : i32 to index
      %swap3A_648 = tpu.vector_load %arg14[%swap3A_647] {strides = array<i32>} : memref<24704xf32, #tpu.memory_space<vmem>>, vector<16xf32>,
      tpu.vector_store %arg14[%swap3A_647], %mul3A_646 {strides = array<i32>} : memref<24704xf32, #tpu.memory_space<vmem>>, vector<16xf32>,
      %mul3A_649 = arith.mulf %abs3A_627, %get3A_618 : vector<16xf32>
      %add3A_650 = arith.addf %add3A_606, %mul3A_649 : vector<16xf32>
      %mul3A_651 = arith.constant 8 : i32
      %mul3A_652 = arith.muli %scan3A_388, %mul3A_651 : i32
      %add3A_653 = arith.constant 6 : i32
      %add3A_654 = arith.addi %mul3A_652, %add3A_653 : i32
      %mul3A_655 = arith.constant 16 : i32
      %mul3A_656 = arith.muli %add3A_654, %mul3A_655 : i32
      %get3A_657 = arith.index_cast %mul3A_656 : i32 to index
      %get3A_658 = tpu.vector_load %arg8[%get3A_657] {strides = array<i32>} : memref<8192xf32, #tpu.memory_space<vmem>>, vector<16xf32>,
      %get3A_659 = arith.index_cast %mul3A_656 : i32 to index
      %get3A_660 = tpu.vector_load %arg11[%get3A_659] {strides = array<i32>} : memref<8192xf32, #tpu.memory_space<vmem>>, vector<16xf32>,
      %get3A_661 = arith.index_cast %mul3A_656 : i32 to index
      %get3A_662 = tpu.vector_load %arg12[%get3A_661] {strides = array<i32>} : memref<8192xf32, #tpu.memory_space<vmem>>, vector<16xf32>,
      %ge3A_663 = arith.constant 0.000000e+00 : f32
      %ge3A_664 = vector.broadcast %ge3A_663 : f32 to vector<16xf32>
      %ge3A_665 = arith.cmpf oge, %get3A_658, %ge3A_664 : vector<16xf32>
      %jit3A_666 = arith.constant 1.000000e+00 : f32
      %jit3A_667 = arith.constant -1.000000e+00 : f32
      %broadcast_in_dim3A_668 = vector.broadcast %jit3A_666 : f32 to vector<16xf32>
      %broadcast_in_dim3A_669 = vector.broadcast %jit3A_667 : f32 to vector<16xf32>
      %select_n3A_670 = arith.select %ge3A_665, %broadcast_in_dim3A_668, %broadcast_in_dim3A_669 : vector<16xi1>, vector<16xf32>
      %abs3A_671 = math.absf %get3A_658 : vector<16xf32>
      %mul3A_672 = arith.mulf %get3A_660, %select_n3A_670 : vector<16xf32>
      %max3A_673 = vector.broadcast %scan3A_142 : f32 to vector<16xf32>
      %max3A_674 = arith.maximumf %abs3A_671, %max3A_673 : vector<16xf32>
      %div3A_675 = arith.divf %mul3A_672, %max3A_674 : vector<16xf32>
      %bitcast3A_676 = vector.bitcast %div3A_675 : vector<16xf32> to vector<16xi32>
      %ge3A_677 = arith.constant 0 : i32
      %ge3A_678 = vector.broadcast %ge3A_677 : i32 to vector<16xi32>
      %ge3A_679 = arith.cmpi sge, %bitcast3A_676, %ge3A_678 : vector<16xi32>
      %xor3A_680 = arith.constant 2147483647 : i32
      %xor3A_681 = vector.broadcast %xor3A_680 : i32 to vector<16xi32>
      %xor3A_682 = arith.xori %bitcast3A_676, %xor3A_681 : vector<16xi32>
      %select_n3A_683 = arith.select %ge3A_679, %bitcast3A_676, %xor3A_682 : vector<16xi1>, vector<16xi32>
      %mul3A_684 = arith.constant 16 : i32
      %mul3A_685 = arith.muli %add3A_654, %mul3A_684 : i32
      %add3A_686 = arith.constant 16384 : i32
      %add3A_687 = arith.addi %add3A_686, %mul3A_685 : i32
      %swap3A_688 = arith.index_cast %add3A_687 : i32 to index
      %swap3A_689 = tpu.vector_load %arg13[%swap3A_688] {strides = array<i32>} : memref<24704xi32, #tpu.memory_space<vmem>>, vector<16xi32>,
      tpu.vector_store %arg13[%swap3A_688], %select_n3A_683 {strides = array<i32>} : memref<24704xi32, #tpu.memory_space<vmem>>, vector<16xi32>,
      %mul3A_690 = arith.mulf %abs3A_671, %get3A_662 : vector<16xf32>
      %swap3A_691 = arith.index_cast %add3A_687 : i32 to index
      %swap3A_692 = tpu.vector_load %arg14[%swap3A_691] {strides = array<i32>} : memref<24704xf32, #tpu.memory_space<vmem>>, vector<16xf32>,
      tpu.vector_store %arg14[%swap3A_691], %mul3A_690 {strides = array<i32>} : memref<24704xf32, #tpu.memory_space<vmem>>, vector<16xf32>,
      %mul3A_693 = arith.mulf %abs3A_671, %get3A_662 : vector<16xf32>
      %add3A_694 = arith.addf %add3A_650, %mul3A_693 : vector<16xf32>
      %mul3A_695 = arith.constant 8 : i32
      %mul3A_696 = arith.muli %scan3A_388, %mul3A_695 : i32
      %add3A_697 = arith.constant 7 : i32
      %add3A_698 = arith.addi %mul3A_696, %add3A_697 : i32
      %mul3A_699 = arith.constant 16 : i32
      %mul3A_700 = arith.muli %add3A_698, %mul3A_699 : i32
      %get3A_701 = arith.index_cast %mul3A_700 : i32 to index
      %get3A_702 = tpu.vector_load %arg8[%get3A_701] {strides = array<i32>} : memref<8192xf32, #tpu.memory_space<vmem>>, vector<16xf32>,
      %get3A_703 = arith.index_cast %mul3A_700 : i32 to index
      %get3A_704 = tpu.vector_load %arg11[%get3A_703] {strides = array<i32>} : memref<8192xf32, #tpu.memory_space<vmem>>, vector<16xf32>,
      %get3A_705 = arith.index_cast %mul3A_700 : i32 to index
      %get3A_706 = tpu.vector_load %arg12[%get3A_705] {strides = array<i32>} : memref<8192xf32, #tpu.memory_space<vmem>>, vector<16xf32>,
      %ge3A_707 = arith.constant 0.000000e+00 : f32
      %ge3A_708 = vector.broadcast %ge3A_707 : f32 to vector<16xf32>
      %ge3A_709 = arith.cmpf oge, %get3A_702, %ge3A_708 : vector<16xf32>
      %jit3A_710 = arith.constant 1.000000e+00 : f32
      %jit3A_711 = arith.constant -1.000000e+00 : f32
      %broadcast_in_dim3A_712 = vector.broadcast %jit3A_710 : f32 to vector<16xf32>
      %broadcast_in_dim3A_713 = vector.broadcast %jit3A_711 : f32 to vector<16xf32>
      %select_n3A_714 = arith.select %ge3A_709, %broadcast_in_dim3A_712, %broadcast_in_dim3A_713 : vector<16xi1>, vector<16xf32>
      %abs3A_715 = math.absf %get3A_702 : vector<16xf32>
      %mul3A_716 = arith.mulf %get3A_704, %select_n3A_714 : vector<16xf32>
      %max3A_717 = vector.broadcast %scan3A_142 : f32 to vector<16xf32>
      %max3A_718 = arith.maximumf %abs3A_715, %max3A_717 : vector<16xf32>
      %div3A_719 = arith.divf %mul3A_716, %max3A_718 : vector<16xf32>
      %bitcast3A_720 = vector.bitcast %div3A_719 : vector<16xf32> to vector<16xi32>
      %ge3A_721 = arith.constant 0 : i32
      %ge3A_722 = vector.broadcast %ge3A_721 : i32 to vector<16xi32>
      %ge3A_723 = arith.cmpi sge, %bitcast3A_720, %ge3A_722 : vector<16xi32>
      %xor3A_724 = arith.constant 2147483647 : i32
      %xor3A_725 = vector.broadcast %xor3A_724 : i32 to vector<16xi32>
      %xor3A_726 = arith.xori %bitcast3A_720, %xor3A_725 : vector<16xi32>
      %select_n3A_727 = arith.select %ge3A_723, %bitcast3A_720, %xor3A_726 : vector<16xi1>, vector<16xi32>
      %mul3A_728 = arith.constant 16 : i32
      %mul3A_729 = arith.muli %add3A_698, %mul3A_728 : i32
      %add3A_730 = arith.constant 16384 : i32
      %add3A_731 = arith.addi %add3A_730, %mul3A_729 : i32
      %swap3A_732 = arith.index_cast %add3A_731 : i32 to index
      %swap3A_733 = tpu.vector_load %arg13[%swap3A_732] {strides = array<i32>} : memref<24704xi32, #tpu.memory_space<vmem>>, vector<16xi32>,
      tpu.vector_store %arg13[%swap3A_732], %select_n3A_727 {strides = array<i32>} : memref<24704xi32, #tpu.memory_space<vmem>>, vector<16xi32>,
      %mul3A_734 = arith.mulf %abs3A_715, %get3A_706 : vector<16xf32>
      %swap3A_735 = arith.index_cast %add3A_731 : i32 to index
      %swap3A_736 = tpu.vector_load %arg14[%swap3A_735] {strides = array<i32>} : memref<24704xf32, #tpu.memory_space<vmem>>, vector<16xf32>,
      tpu.vector_store %arg14[%swap3A_735], %mul3A_734 {strides = array<i32>} : memref<24704xf32, #tpu.memory_space<vmem>>, vector<16xf32>,
      %mul3A_737 = arith.mulf %abs3A_715, %get3A_706 : vector<16xf32>
      %add3A_738 = arith.addf %add3A_694, %mul3A_737 : vector<16xf32>
      scf.yield %add3A_738 : vector<16xf32>
    }
    %scan3A_148 = arith.constant 64 : i32
    %swap3A = arith.constant 0 : index
    %swap3A_149 = tpu.vector_load %arg15[%swap3A] {strides = array<i32>} : memref<16xf32, #tpu.memory_space<vmem>>, vector<16xf32>,
    tpu.vector_store %arg15[%swap3A], %scan3A_147 {strides = array<i32>} : memref<16xf32, #tpu.memory_space<vmem>>, vector<16xf32>,
    %barrier3A = arith.constant 0 : index
    tpu.barrier barrier_id(%barrier3A)
    %mul3A_150 = arith.constant 16 : i32
    %mul3A_151 = arith.muli %select_n3A_28, %mul3A_150 : i32
    "tpu.region"() ({
      %run_scoped3A = tpu.sem_alloc : memref<!tpu.dma_semaphore, #tpu.memory_space<semaphore_mem>>
      %dma_start3A_388 = tpu.memref_slice %arg18[%select_n3A, %mul3A_151] : memref<2x128xf32, #tpu.memory_space<vmem_shared>> -> memref<1x16xf32, #tpu.memory_space<vmem_shared>>
      %dma_start3A_389 = tpu.memref_squeeze %dma_start3A_388 : memref<1x16xf32, #tpu.memory_space<vmem_shared>> -> memref<16xf32, #tpu.memory_space<vmem_shared>>
      %dma_start3A_390 = tpu.memref_slice %arg18[%select_n3A, %mul3A_151] : memref<2x128xf32, #tpu.memory_space<vmem_shared>> -> memref<1x16xf32, #tpu.memory_space<vmem_shared>>
      %dma_start3A_391 = tpu.memref_squeeze %dma_start3A_390 : memref<1x16xf32, #tpu.memory_space<vmem_shared>> -> memref<16xf32, #tpu.memory_space<vmem_shared>>
      tpu.enqueue_dma source(%arg15 : memref<16xf32, #tpu.memory_space<vmem>>) target(%dma_start3A_391 : memref<16xf32, #tpu.memory_space<vmem_shared>>) target_semaphore(%run_scoped3A : memref<!tpu.dma_semaphore, #tpu.memory_space<semaphore_mem>>)
      %dma_wait3A_392 = tpu.memref_slice %arg18[%select_n3A, %mul3A_151] : memref<2x128xf32, #tpu.memory_space<vmem_shared>> -> memref<1x16xf32, #tpu.memory_space<vmem_shared>>
      %dma_wait3A_393 = tpu.memref_squeeze %dma_wait3A_392 : memref<1x16xf32, #tpu.memory_space<vmem_shared>> -> memref<16xf32, #tpu.memory_space<vmem_shared>>
      %dma_wait3A_394 = tpu.memref_slice %arg18[%select_n3A, %mul3A_151] : memref<2x128xf32, #tpu.memory_space<vmem_shared>> -> memref<1x16xf32, #tpu.memory_space<vmem_shared>>
      %dma_wait3A_395 = tpu.memref_squeeze %dma_wait3A_394 : memref<1x16xf32, #tpu.memory_space<vmem_shared>> -> memref<16xf32, #tpu.memory_space<vmem_shared>>
      tpu.wait_dma2 semaphore(%run_scoped3A : memref<!tpu.dma_semaphore, #tpu.memory_space<semaphore_mem>>) src(%arg15 : memref<16xf32, #tpu.memory_space<vmem>>) dst(%dma_wait3A_395 : memref<16xf32, #tpu.memory_space<vmem_shared>>)
      tpu.yield
    }) : () -> ()
    %barrier3A_152 = arith.constant 0 : index
    tpu.barrier barrier_id(%barrier3A_152)
    "tpu.region"() ({
      %run_scoped3A = tpu.sem_alloc : memref<!tpu.dma_semaphore, #tpu.memory_space<semaphore_mem>>
      %dma_start3A_388 = arith.constant 0 : i32
      %dma_start3A_389 = tpu.memref_slice %arg18[%select_n3A, %dma_start3A_388] : memref<2x128xf32, #tpu.memory_space<vmem_shared>> -> memref<1x128xf32, #tpu.memory_space<vmem_shared>>
      %dma_start3A_390 = tpu.memref_squeeze %dma_start3A_389 : memref<1x128xf32, #tpu.memory_space<vmem_shared>> -> memref<128xf32, #tpu.memory_space<vmem_shared>>
      %dma_start3A_391 = arith.constant 0 : i32
      %dma_start3A_392 = tpu.memref_slice %arg18[%select_n3A, %dma_start3A_391] : memref<2x128xf32, #tpu.memory_space<vmem_shared>> -> memref<1x128xf32, #tpu.memory_space<vmem_shared>>
      %dma_start3A_393 = tpu.memref_squeeze %dma_start3A_392 : memref<1x128xf32, #tpu.memory_space<vmem_shared>> -> memref<128xf32, #tpu.memory_space<vmem_shared>>
      tpu.enqueue_dma source(%dma_start3A_393 : memref<128xf32, #tpu.memory_space<vmem_shared>>) target(%arg16 : memref<128xf32, #tpu.memory_space<vmem>>) target_semaphore(%run_scoped3A : memref<!tpu.dma_semaphore, #tpu.memory_space<semaphore_mem>>)
      %dma_wait3A_394 = arith.constant 0 : i32
      %dma_wait3A_395 = tpu.memref_slice %arg18[%select_n3A, %dma_wait3A_394] : memref<2x128xf32, #tpu.memory_space<vmem_shared>> -> memref<1x128xf32, #tpu.memory_space<vmem_shared>>
      %dma_wait3A_396 = tpu.memref_squeeze %dma_wait3A_395 : memref<1x128xf32, #tpu.memory_space<vmem_shared>> -> memref<128xf32, #tpu.memory_space<vmem_shared>>
      %dma_wait3A_397 = arith.constant 0 : i32
      %dma_wait3A_398 = tpu.memref_slice %arg18[%select_n3A, %dma_wait3A_397] : memref<2x128xf32, #tpu.memory_space<vmem_shared>> -> memref<1x128xf32, #tpu.memory_space<vmem_shared>>
      %dma_wait3A_399 = tpu.memref_squeeze %dma_wait3A_398 : memref<1x128xf32, #tpu.memory_space<vmem_shared>> -> memref<128xf32, #tpu.memory_space<vmem_shared>>
      tpu.wait_dma2 semaphore(%run_scoped3A : memref<!tpu.dma_semaphore, #tpu.memory_space<semaphore_mem>>) src(%dma_wait3A_399 : memref<128xf32, #tpu.memory_space<vmem_shared>>) dst(%arg16 : memref<128xf32, #tpu.memory_space<vmem>>)
      tpu.yield
    }) : () -> ()
    %scan3A_153 = arith.constant 0 : i32
    %scan3A_154 = arith.constant 8 : i32
    %scan3A_155 = arith.addi %scan3A_153, %scan3A_154 : i32
    %scan3A_156 = arith.constant 1 : i32
    %scan3A_157 = scf.for %scan3A_388 = %scan3A_153 to %scan3A_155 step %scan3A_156 iter_args(%scan3A_389 = %broadcast_in_dim3A_128) -> (vector<16xf32>)  : i32 {
      %mul3A_390 = arith.constant 16 : i32
      %mul3A_391 = arith.muli %scan3A_388, %mul3A_390 : i32
      %get3A = arith.index_cast %mul3A_391 : i32 to index
      %get3A_392 = tpu.vector_load %arg16[%get3A] {strides = array<i32>} : memref<128xf32, #tpu.memory_space<vmem>>, vector<16xf32>,
      %add3A_393 = arith.addf %scan3A_389, %get3A_392 : vector<16xf32>
      scf.yield %add3A_393 : vector<16xf32>
    }
    %scan3A_158 = arith.constant 8 : i32
    %reduce_sum3A = arith.constant true
    %reduce_sum3A_159 = vector.broadcast %reduce_sum3A : i1 to vector<16xi1>
    %reduce_sum3A_160 = tpu.scan <sum>, %scan3A_157 masked %reduce_sum3A_159 : vector<16xf32>, vector<16xi1> -> vector<16xf32>
    %reduce_sum3A_161 = vector.extract %reduce_sum3A_160[15] : f32 from vector<16xf32>
    %mul3A_162 = arith.constant 5.000000e-01 : f32
    %mul3A_163 = arith.mulf %reduce_sum3A_161, %mul3A_162 : f32
    %broadcast_in_dim3A_164 = arith.constant 0 : i32
    %broadcast_in_dim3A_165 = vector.broadcast %broadcast_in_dim3A_164 : i32 to vector<16xi32>
    %scan3A_166 = arith.constant 0 : i32
    %scan3A_167 = arith.constant 192 : i32
    %scan3A_168 = arith.addi %scan3A_166, %scan3A_167 : i32
    %scan3A_169 = arith.constant 1 : i32
    %scan3A_170 = scf.for %scan3A_388 = %scan3A_166 to %scan3A_168 step %scan3A_169 iter_args(%scan3A_389 = %broadcast_in_dim3A_128) -> (vector<16xf32>)  : i32 {
      %mul3A_390 = arith.constant 8 : i32
      %mul3A_391 = arith.muli %scan3A_388, %mul3A_390 : i32
      %add3A_392 = arith.constant 0 : i32
      %add3A_393 = arith.addi %mul3A_391, %add3A_392 : i32
      %mul3A_394 = arith.constant 16 : i32
      %mul3A_395 = arith.muli %add3A_393, %mul3A_394 : i32
      %get3A = arith.index_cast %mul3A_395 : i32 to index
      %get3A_396 = tpu.vector_load %arg13[%get3A] {strides = array<i32>} : memref<24704xi32, #tpu.memory_space<vmem>>, vector<16xi32>,
      %get3A_397 = arith.index_cast %mul3A_395 : i32 to index
      %get3A_398 = tpu.vector_load %arg14[%get3A_397] {strides = array<i32>} : memref<24704xf32, #tpu.memory_space<vmem>>, vector<16xf32>,
      %lt3A_399 = arith.cmpi slt, %get3A_396, %broadcast_in_dim3A_165 : vector<16xi32>
      %jit3A_400 = arith.constant 0.000000e+00 : f32
      %broadcast_in_dim3A_401 = vector.broadcast %jit3A_400 : f32 to vector<16xf32>
      %select_n3A_402 = arith.select %lt3A_399, %get3A_398, %broadcast_in_dim3A_401 : vector<16xi1>, vector<16xf32>
      %add3A_403 = arith.addf %scan3A_389, %select_n3A_402 : vector<16xf32>
      %mul3A_404 = arith.constant 8 : i32
      %mul3A_405 = arith.muli %scan3A_388, %mul3A_404 : i32
      %add3A_406 = arith.constant 1 : i32
      %add3A_407 = arith.addi %mul3A_405, %add3A_406 : i32
      %mul3A_408 = arith.constant 16 : i32
      %mul3A_409 = arith.muli %add3A_407, %mul3A_408 : i32
      %get3A_410 = arith.index_cast %mul3A_409 : i32 to index
      %get3A_411 = tpu.vector_load %arg13[%get3A_410] {strides = array<i32>} : memref<24704xi32, #tpu.memory_space<vmem>>, vector<16xi32>,
      %get3A_412 = arith.index_cast %mul3A_409 : i32 to index
      %get3A_413 = tpu.vector_load %arg14[%get3A_412] {strides = array<i32>} : memref<24704xf32, #tpu.memory_space<vmem>>, vector<16xf32>,
      %lt3A_414 = arith.cmpi slt, %get3A_411, %broadcast_in_dim3A_165 : vector<16xi32>
      %jit3A_415 = arith.constant 0.000000e+00 : f32
      %broadcast_in_dim3A_416 = vector.broadcast %jit3A_415 : f32 to vector<16xf32>
      %select_n3A_417 = arith.select %lt3A_414, %get3A_413, %broadcast_in_dim3A_416 : vector<16xi1>, vector<16xf32>
      %add3A_418 = arith.addf %add3A_403, %select_n3A_417 : vector<16xf32>
      %mul3A_419 = arith.constant 8 : i32
      %mul3A_420 = arith.muli %scan3A_388, %mul3A_419 : i32
      %add3A_421 = arith.constant 2 : i32
      %add3A_422 = arith.addi %mul3A_420, %add3A_421 : i32
      %mul3A_423 = arith.constant 16 : i32
      %mul3A_424 = arith.muli %add3A_422, %mul3A_423 : i32
      %get3A_425 = arith.index_cast %mul3A_424 : i32 to index
      %get3A_426 = tpu.vector_load %arg13[%get3A_425] {strides = array<i32>} : memref<24704xi32, #tpu.memory_space<vmem>>, vector<16xi32>,
      %get3A_427 = arith.index_cast %mul3A_424 : i32 to index
      %get3A_428 = tpu.vector_load %arg14[%get3A_427] {strides = array<i32>} : memref<24704xf32, #tpu.memory_space<vmem>>, vector<16xf32>,
      %lt3A_429 = arith.cmpi slt, %get3A_426, %broadcast_in_dim3A_165 : vector<16xi32>
      %jit3A_430 = arith.constant 0.000000e+00 : f32
      %broadcast_in_dim3A_431 = vector.broadcast %jit3A_430 : f32 to vector<16xf32>
      %select_n3A_432 = arith.select %lt3A_429, %get3A_428, %broadcast_in_dim3A_431 : vector<16xi1>, vector<16xf32>
      %add3A_433 = arith.addf %add3A_418, %select_n3A_432 : vector<16xf32>
      %mul3A_434 = arith.constant 8 : i32
      %mul3A_435 = arith.muli %scan3A_388, %mul3A_434 : i32
      %add3A_436 = arith.constant 3 : i32
      %add3A_437 = arith.addi %mul3A_435, %add3A_436 : i32
      %mul3A_438 = arith.constant 16 : i32
      %mul3A_439 = arith.muli %add3A_437, %mul3A_438 : i32
      %get3A_440 = arith.index_cast %mul3A_439 : i32 to index
      %get3A_441 = tpu.vector_load %arg13[%get3A_440] {strides = array<i32>} : memref<24704xi32, #tpu.memory_space<vmem>>, vector<16xi32>,
      %get3A_442 = arith.index_cast %mul3A_439 : i32 to index
      %get3A_443 = tpu.vector_load %arg14[%get3A_442] {strides = array<i32>} : memref<24704xf32, #tpu.memory_space<vmem>>, vector<16xf32>,
      %lt3A_444 = arith.cmpi slt, %get3A_441, %broadcast_in_dim3A_165 : vector<16xi32>
      %jit3A_445 = arith.constant 0.000000e+00 : f32
      %broadcast_in_dim3A_446 = vector.broadcast %jit3A_445 : f32 to vector<16xf32>
      %select_n3A_447 = arith.select %lt3A_444, %get3A_443, %broadcast_in_dim3A_446 : vector<16xi1>, vector<16xf32>
      %add3A_448 = arith.addf %add3A_433, %select_n3A_447 : vector<16xf32>
      %mul3A_449 = arith.constant 8 : i32
      %mul3A_450 = arith.muli %scan3A_388, %mul3A_449 : i32
      %add3A_451 = arith.constant 4 : i32
      %add3A_452 = arith.addi %mul3A_450, %add3A_451 : i32
      %mul3A_453 = arith.constant 16 : i32
      %mul3A_454 = arith.muli %add3A_452, %mul3A_453 : i32
      %get3A_455 = arith.index_cast %mul3A_454 : i32 to index
      %get3A_456 = tpu.vector_load %arg13[%get3A_455] {strides = array<i32>} : memref<24704xi32, #tpu.memory_space<vmem>>, vector<16xi32>,
      %get3A_457 = arith.index_cast %mul3A_454 : i32 to index
      %get3A_458 = tpu.vector_load %arg14[%get3A_457] {strides = array<i32>} : memref<24704xf32, #tpu.memory_space<vmem>>, vector<16xf32>,
      %lt3A_459 = arith.cmpi slt, %get3A_456, %broadcast_in_dim3A_165 : vector<16xi32>
      %jit3A_460 = arith.constant 0.000000e+00 : f32
      %broadcast_in_dim3A_461 = vector.broadcast %jit3A_460 : f32 to vector<16xf32>
      %select_n3A_462 = arith.select %lt3A_459, %get3A_458, %broadcast_in_dim3A_461 : vector<16xi1>, vector<16xf32>
      %add3A_463 = arith.addf %add3A_448, %select_n3A_462 : vector<16xf32>
      %mul3A_464 = arith.constant 8 : i32
      %mul3A_465 = arith.muli %scan3A_388, %mul3A_464 : i32
      %add3A_466 = arith.constant 5 : i32
      %add3A_467 = arith.addi %mul3A_465, %add3A_466 : i32
      %mul3A_468 = arith.constant 16 : i32
      %mul3A_469 = arith.muli %add3A_467, %mul3A_468 : i32
      %get3A_470 = arith.index_cast %mul3A_469 : i32 to index
      %get3A_471 = tpu.vector_load %arg13[%get3A_470] {strides = array<i32>} : memref<24704xi32, #tpu.memory_space<vmem>>, vector<16xi32>,
      %get3A_472 = arith.index_cast %mul3A_469 : i32 to index
      %get3A_473 = tpu.vector_load %arg14[%get3A_472] {strides = array<i32>} : memref<24704xf32, #tpu.memory_space<vmem>>, vector<16xf32>,
      %lt3A_474 = arith.cmpi slt, %get3A_471, %broadcast_in_dim3A_165 : vector<16xi32>
      %jit3A_475 = arith.constant 0.000000e+00 : f32
      %broadcast_in_dim3A_476 = vector.broadcast %jit3A_475 : f32 to vector<16xf32>
      %select_n3A_477 = arith.select %lt3A_474, %get3A_473, %broadcast_in_dim3A_476 : vector<16xi1>, vector<16xf32>
      %add3A_478 = arith.addf %add3A_463, %select_n3A_477 : vector<16xf32>
      %mul3A_479 = arith.constant 8 : i32
      %mul3A_480 = arith.muli %scan3A_388, %mul3A_479 : i32
      %add3A_481 = arith.constant 6 : i32
      %add3A_482 = arith.addi %mul3A_480, %add3A_481 : i32
      %mul3A_483 = arith.constant 16 : i32
      %mul3A_484 = arith.muli %add3A_482, %mul3A_483 : i32
      %get3A_485 = arith.index_cast %mul3A_484 : i32 to index
      %get3A_486 = tpu.vector_load %arg13[%get3A_485] {strides = array<i32>} : memref<24704xi32, #tpu.memory_space<vmem>>, vector<16xi32>,
      %get3A_487 = arith.index_cast %mul3A_484 : i32 to index
      %get3A_488 = tpu.vector_load %arg14[%get3A_487] {strides = array<i32>} : memref<24704xf32, #tpu.memory_space<vmem>>, vector<16xf32>,
      %lt3A_489 = arith.cmpi slt, %get3A_486, %broadcast_in_dim3A_165 : vector<16xi32>
      %jit3A_490 = arith.constant 0.000000e+00 : f32
      %broadcast_in_dim3A_491 = vector.broadcast %jit3A_490 : f32 to vector<16xf32>
      %select_n3A_492 = arith.select %lt3A_489, %get3A_488, %broadcast_in_dim3A_491 : vector<16xi1>, vector<16xf32>
      %add3A_493 = arith.addf %add3A_478, %select_n3A_492 : vector<16xf32>
      %mul3A_494 = arith.constant 8 : i32
      %mul3A_495 = arith.muli %scan3A_388, %mul3A_494 : i32
      %add3A_496 = arith.constant 7 : i32
      %add3A_497 = arith.addi %mul3A_495, %add3A_496 : i32
      %mul3A_498 = arith.constant 16 : i32
      %mul3A_499 = arith.muli %add3A_497, %mul3A_498 : i32
      %get3A_500 = arith.index_cast %mul3A_499 : i32 to index
      %get3A_501 = tpu.vector_load %arg13[%get3A_500] {strides = array<i32>} : memref<24704xi32, #tpu.memory_space<vmem>>, vector<16xi32>,
      %get3A_502 = arith.index_cast %mul3A_499 : i32 to index
      %get3A_503 = tpu.vector_load %arg14[%get3A_502] {strides = array<i32>} : memref<24704xf32, #tpu.memory_space<vmem>>, vector<16xf32>,
      %lt3A_504 = arith.cmpi slt, %get3A_501, %broadcast_in_dim3A_165 : vector<16xi32>
      %jit3A_505 = arith.constant 0.000000e+00 : f32
      %broadcast_in_dim3A_506 = vector.broadcast %jit3A_505 : f32 to vector<16xf32>
      %select_n3A_507 = arith.select %lt3A_504, %get3A_503, %broadcast_in_dim3A_506 : vector<16xi1>, vector<16xf32>
      %add3A_508 = arith.addf %add3A_493, %select_n3A_507 : vector<16xf32>
      scf.yield %add3A_508 : vector<16xf32>
    }
    %scan3A_171 = arith.constant 192 : i32
    %swap3A_172 = arith.constant 0 : index
    %swap3A_173 = tpu.vector_load %arg15[%swap3A_172] {strides = array<i32>} : memref<16xf32, #tpu.memory_space<vmem>>, vector<16xf32>,
    tpu.vector_store %arg15[%swap3A_172], %scan3A_170 {strides = array<i32>} : memref<16xf32, #tpu.memory_space<vmem>>, vector<16xf32>,
    %barrier3A_174 = arith.constant 0 : index
    tpu.barrier barrier_id(%barrier3A_174)
    %mul3A_175 = arith.constant 16 : i32
    %mul3A_176 = arith.muli %select_n3A_28, %mul3A_175 : i32
    "tpu.region"() ({
      %run_scoped3A = tpu.sem_alloc : memref<!tpu.dma_semaphore, #tpu.memory_space<semaphore_mem>>
      %dma_start3A_388 = tpu.memref_slice %arg18[%select_n3A, %mul3A_176] : memref<2x128xf32, #tpu.memory_space<vmem_shared>> -> memref<1x16xf32, #tpu.memory_space<vmem_shared>>
      %dma_start3A_389 = tpu.memref_squeeze %dma_start3A_388 : memref<1x16xf32, #tpu.memory_space<vmem_shared>> -> memref<16xf32, #tpu.memory_space<vmem_shared>>
      %dma_start3A_390 = tpu.memref_slice %arg18[%select_n3A, %mul3A_176] : memref<2x128xf32, #tpu.memory_space<vmem_shared>> -> memref<1x16xf32, #tpu.memory_space<vmem_shared>>
      %dma_start3A_391 = tpu.memref_squeeze %dma_start3A_390 : memref<1x16xf32, #tpu.memory_space<vmem_shared>> -> memref<16xf32, #tpu.memory_space<vmem_shared>>
      tpu.enqueue_dma source(%arg15 : memref<16xf32, #tpu.memory_space<vmem>>) target(%dma_start3A_391 : memref<16xf32, #tpu.memory_space<vmem_shared>>) target_semaphore(%run_scoped3A : memref<!tpu.dma_semaphore, #tpu.memory_space<semaphore_mem>>)
      %dma_wait3A_392 = tpu.memref_slice %arg18[%select_n3A, %mul3A_176] : memref<2x128xf32, #tpu.memory_space<vmem_shared>> -> memref<1x16xf32, #tpu.memory_space<vmem_shared>>
      %dma_wait3A_393 = tpu.memref_squeeze %dma_wait3A_392 : memref<1x16xf32, #tpu.memory_space<vmem_shared>> -> memref<16xf32, #tpu.memory_space<vmem_shared>>
      %dma_wait3A_394 = tpu.memref_slice %arg18[%select_n3A, %mul3A_176] : memref<2x128xf32, #tpu.memory_space<vmem_shared>> -> memref<1x16xf32, #tpu.memory_space<vmem_shared>>
      %dma_wait3A_395 = tpu.memref_squeeze %dma_wait3A_394 : memref<1x16xf32, #tpu.memory_space<vmem_shared>> -> memref<16xf32, #tpu.memory_space<vmem_shared>>
      tpu.wait_dma2 semaphore(%run_scoped3A : memref<!tpu.dma_semaphore, #tpu.memory_space<semaphore_mem>>) src(%arg15 : memref<16xf32, #tpu.memory_space<vmem>>) dst(%dma_wait3A_395 : memref<16xf32, #tpu.memory_space<vmem_shared>>)
      tpu.yield
    }) : () -> ()
    %barrier3A_177 = arith.constant 0 : index
    tpu.barrier barrier_id(%barrier3A_177)
    "tpu.region"() ({
      %run_scoped3A = tpu.sem_alloc : memref<!tpu.dma_semaphore, #tpu.memory_space<semaphore_mem>>
      %dma_start3A_388 = arith.constant 0 : i32
      %dma_start3A_389 = tpu.memref_slice %arg18[%select_n3A, %dma_start3A_388] : memref<2x128xf32, #tpu.memory_space<vmem_shared>> -> memref<1x128xf32, #tpu.memory_space<vmem_shared>>
      %dma_start3A_390 = tpu.memref_squeeze %dma_start3A_389 : memref<1x128xf32, #tpu.memory_space<vmem_shared>> -> memref<128xf32, #tpu.memory_space<vmem_shared>>
      %dma_start3A_391 = arith.constant 0 : i32
      %dma_start3A_392 = tpu.memref_slice %arg18[%select_n3A, %dma_start3A_391] : memref<2x128xf32, #tpu.memory_space<vmem_shared>> -> memref<1x128xf32, #tpu.memory_space<vmem_shared>>
      %dma_start3A_393 = tpu.memref_squeeze %dma_start3A_392 : memref<1x128xf32, #tpu.memory_space<vmem_shared>> -> memref<128xf32, #tpu.memory_space<vmem_shared>>
      tpu.enqueue_dma source(%dma_start3A_393 : memref<128xf32, #tpu.memory_space<vmem_shared>>) target(%arg16 : memref<128xf32, #tpu.memory_space<vmem>>) target_semaphore(%run_scoped3A : memref<!tpu.dma_semaphore, #tpu.memory_space<semaphore_mem>>)
      %dma_wait3A_394 = arith.constant 0 : i32
      %dma_wait3A_395 = tpu.memref_slice %arg18[%select_n3A, %dma_wait3A_394] : memref<2x128xf32, #tpu.memory_space<vmem_shared>> -> memref<1x128xf32, #tpu.memory_space<vmem_shared>>
      %dma_wait3A_396 = tpu.memref_squeeze %dma_wait3A_395 : memref<1x128xf32, #tpu.memory_space<vmem_shared>> -> memref<128xf32, #tpu.memory_space<vmem_shared>>
      %dma_wait3A_397 = arith.constant 0 : i32
      %dma_wait3A_398 = tpu.memref_slice %arg18[%select_n3A, %dma_wait3A_397] : memref<2x128xf32, #tpu.memory_space<vmem_shared>> -> memref<1x128xf32, #tpu.memory_space<vmem_shared>>
      %dma_wait3A_399 = tpu.memref_squeeze %dma_wait3A_398 : memref<1x128xf32, #tpu.memory_space<vmem_shared>> -> memref<128xf32, #tpu.memory_space<vmem_shared>>
      tpu.wait_dma2 semaphore(%run_scoped3A : memref<!tpu.dma_semaphore, #tpu.memory_space<semaphore_mem>>) src(%dma_wait3A_399 : memref<128xf32, #tpu.memory_space<vmem_shared>>) dst(%arg16 : memref<128xf32, #tpu.memory_space<vmem>>)
      tpu.yield
    }) : () -> ()
    %scan3A_178 = arith.constant 0 : i32
    %scan3A_179 = arith.constant 8 : i32
    %scan3A_180 = arith.addi %scan3A_178, %scan3A_179 : i32
    %scan3A_181 = arith.constant 1 : i32
    %scan3A_182 = scf.for %scan3A_388 = %scan3A_178 to %scan3A_180 step %scan3A_181 iter_args(%scan3A_389 = %broadcast_in_dim3A_128) -> (vector<16xf32>)  : i32 {
      %mul3A_390 = arith.constant 16 : i32
      %mul3A_391 = arith.muli %scan3A_388, %mul3A_390 : i32
      %get3A = arith.index_cast %mul3A_391 : i32 to index
      %get3A_392 = tpu.vector_load %arg16[%get3A] {strides = array<i32>} : memref<128xf32, #tpu.memory_space<vmem>>, vector<16xf32>,
      %add3A_393 = arith.addf %scan3A_389, %get3A_392 : vector<16xf32>
      scf.yield %add3A_393 : vector<16xf32>
    }
    %scan3A_183 = arith.constant 8 : i32
    %reduce_sum3A_184 = arith.constant true
    %reduce_sum3A_185 = vector.broadcast %reduce_sum3A_184 : i1 to vector<16xi1>
    %reduce_sum3A_186 = tpu.scan <sum>, %scan3A_182 masked %reduce_sum3A_185 : vector<16xf32>, vector<16xi1> -> vector<16xf32>
    %reduce_sum3A_187 = vector.extract %reduce_sum3A_186[15] : f32 from vector<16xf32>
    %lt3A_188 = arith.cmpf olt, %reduce_sum3A_187, %mul3A_163 : f32
    %jit3A_189 = arith.constant 0 : i32
    %jit3A_190 = arith.constant -2147483648 : i32
    %select_n3A_191 = arith.select %lt3A_188, %jit3A_189, %jit3A_190 : i32
    %jit3A_192 = arith.constant 0.000000e+00 : f32
    %select_n3A_193 = arith.select %lt3A_188, %reduce_sum3A_187, %jit3A_192 : f32
    %scan3A_194 = arith.constant 0 : i32
    %scan3A_195 = arith.constant 7 : i32
    %scan3A_196 = arith.addi %scan3A_194, %scan3A_195 : i32
    %scan3A_197 = arith.constant 1 : i32
    %scan3A_198:2 = scf.for %scan3A_388 = %scan3A_194 to %scan3A_196 step %scan3A_197 iter_args(%scan3A_389 = %select_n3A_191, %scan3A_390 = %select_n3A_193) -> (i32, f32)  : i32 {
      %sub3A_391 = arith.constant 30 : i32
      %sub3A_392 = arith.subi %sub3A_391, %scan3A_388 : i32
      %shift_left3A = arith.constant 1 : i32
      %shift_left3A_393 = arith.shli %shift_left3A, %sub3A_392 : i32
      %add3A_394 = arith.addi %scan3A_389, %shift_left3A_393 : i32
      %broadcast_in_dim3A_395 = vector.broadcast %add3A_394 : i32 to vector<16xi32>
      %scan3A_396 = arith.constant 0 : i32
      %scan3A_397 = arith.constant 192 : i32
      %scan3A_398 = arith.addi %scan3A_396, %scan3A_397 : i32
      %scan3A_399 = arith.constant 1 : i32
      %scan3A_400 = scf.for %scan3A_421 = %scan3A_396 to %scan3A_398 step %scan3A_399 iter_args(%scan3A_422 = %broadcast_in_dim3A_128) -> (vector<16xf32>)  : i32 {
        %mul3A_423 = arith.constant 8 : i32
        %mul3A_424 = arith.muli %scan3A_421, %mul3A_423 : i32
        %add3A_425 = arith.constant 0 : i32
        %add3A_426 = arith.addi %mul3A_424, %add3A_425 : i32
        %mul3A_427 = arith.constant 16 : i32
        %mul3A_428 = arith.muli %add3A_426, %mul3A_427 : i32
        %get3A = arith.index_cast %mul3A_428 : i32 to index
        %get3A_429 = tpu.vector_load %arg13[%get3A] {strides = array<i32>} : memref<24704xi32, #tpu.memory_space<vmem>>, vector<16xi32>,
        %get3A_430 = arith.index_cast %mul3A_428 : i32 to index
        %get3A_431 = tpu.vector_load %arg14[%get3A_430] {strides = array<i32>} : memref<24704xf32, #tpu.memory_space<vmem>>, vector<16xf32>,
        %lt3A_432 = arith.cmpi slt, %get3A_429, %broadcast_in_dim3A_395 : vector<16xi32>
        %jit3A_433 = arith.constant 0.000000e+00 : f32
        %broadcast_in_dim3A_434 = vector.broadcast %jit3A_433 : f32 to vector<16xf32>
        %select_n3A_435 = arith.select %lt3A_432, %get3A_431, %broadcast_in_dim3A_434 : vector<16xi1>, vector<16xf32>
        %add3A_436 = arith.addf %scan3A_422, %select_n3A_435 : vector<16xf32>
        %mul3A_437 = arith.constant 8 : i32
        %mul3A_438 = arith.muli %scan3A_421, %mul3A_437 : i32
        %add3A_439 = arith.constant 1 : i32
        %add3A_440 = arith.addi %mul3A_438, %add3A_439 : i32
        %mul3A_441 = arith.constant 16 : i32
        %mul3A_442 = arith.muli %add3A_440, %mul3A_441 : i32
        %get3A_443 = arith.index_cast %mul3A_442 : i32 to index
        %get3A_444 = tpu.vector_load %arg13[%get3A_443] {strides = array<i32>} : memref<24704xi32, #tpu.memory_space<vmem>>, vector<16xi32>,
        %get3A_445 = arith.index_cast %mul3A_442 : i32 to index
        %get3A_446 = tpu.vector_load %arg14[%get3A_445] {strides = array<i32>} : memref<24704xf32, #tpu.memory_space<vmem>>, vector<16xf32>,
        %lt3A_447 = arith.cmpi slt, %get3A_444, %broadcast_in_dim3A_395 : vector<16xi32>
        %jit3A_448 = arith.constant 0.000000e+00 : f32
        %broadcast_in_dim3A_449 = vector.broadcast %jit3A_448 : f32 to vector<16xf32>
        %select_n3A_450 = arith.select %lt3A_447, %get3A_446, %broadcast_in_dim3A_449 : vector<16xi1>, vector<16xf32>
        %add3A_451 = arith.addf %add3A_436, %select_n3A_450 : vector<16xf32>
        %mul3A_452 = arith.constant 8 : i32
        %mul3A_453 = arith.muli %scan3A_421, %mul3A_452 : i32
        %add3A_454 = arith.constant 2 : i32
        %add3A_455 = arith.addi %mul3A_453, %add3A_454 : i32
        %mul3A_456 = arith.constant 16 : i32
        %mul3A_457 = arith.muli %add3A_455, %mul3A_456 : i32
        %get3A_458 = arith.index_cast %mul3A_457 : i32 to index
        %get3A_459 = tpu.vector_load %arg13[%get3A_458] {strides = array<i32>} : memref<24704xi32, #tpu.memory_space<vmem>>, vector<16xi32>,
        %get3A_460 = arith.index_cast %mul3A_457 : i32 to index
        %get3A_461 = tpu.vector_load %arg14[%get3A_460] {strides = array<i32>} : memref<24704xf32, #tpu.memory_space<vmem>>, vector<16xf32>,
        %lt3A_462 = arith.cmpi slt, %get3A_459, %broadcast_in_dim3A_395 : vector<16xi32>
        %jit3A_463 = arith.constant 0.000000e+00 : f32
        %broadcast_in_dim3A_464 = vector.broadcast %jit3A_463 : f32 to vector<16xf32>
        %select_n3A_465 = arith.select %lt3A_462, %get3A_461, %broadcast_in_dim3A_464 : vector<16xi1>, vector<16xf32>
        %add3A_466 = arith.addf %add3A_451, %select_n3A_465 : vector<16xf32>
        %mul3A_467 = arith.constant 8 : i32
        %mul3A_468 = arith.muli %scan3A_421, %mul3A_467 : i32
        %add3A_469 = arith.constant 3 : i32
        %add3A_470 = arith.addi %mul3A_468, %add3A_469 : i32
        %mul3A_471 = arith.constant 16 : i32
        %mul3A_472 = arith.muli %add3A_470, %mul3A_471 : i32
        %get3A_473 = arith.index_cast %mul3A_472 : i32 to index
        %get3A_474 = tpu.vector_load %arg13[%get3A_473] {strides = array<i32>} : memref<24704xi32, #tpu.memory_space<vmem>>, vector<16xi32>,
        %get3A_475 = arith.index_cast %mul3A_472 : i32 to index
        %get3A_476 = tpu.vector_load %arg14[%get3A_475] {strides = array<i32>} : memref<24704xf32, #tpu.memory_space<vmem>>, vector<16xf32>,
        %lt3A_477 = arith.cmpi slt, %get3A_474, %broadcast_in_dim3A_395 : vector<16xi32>
        %jit3A_478 = arith.constant 0.000000e+00 : f32
        %broadcast_in_dim3A_479 = vector.broadcast %jit3A_478 : f32 to vector<16xf32>
        %select_n3A_480 = arith.select %lt3A_477, %get3A_476, %broadcast_in_dim3A_479 : vector<16xi1>, vector<16xf32>
        %add3A_481 = arith.addf %add3A_466, %select_n3A_480 : vector<16xf32>
        %mul3A_482 = arith.constant 8 : i32
        %mul3A_483 = arith.muli %scan3A_421, %mul3A_482 : i32
        %add3A_484 = arith.constant 4 : i32
        %add3A_485 = arith.addi %mul3A_483, %add3A_484 : i32
        %mul3A_486 = arith.constant 16 : i32
        %mul3A_487 = arith.muli %add3A_485, %mul3A_486 : i32
        %get3A_488 = arith.index_cast %mul3A_487 : i32 to index
        %get3A_489 = tpu.vector_load %arg13[%get3A_488] {strides = array<i32>} : memref<24704xi32, #tpu.memory_space<vmem>>, vector<16xi32>,
        %get3A_490 = arith.index_cast %mul3A_487 : i32 to index
        %get3A_491 = tpu.vector_load %arg14[%get3A_490] {strides = array<i32>} : memref<24704xf32, #tpu.memory_space<vmem>>, vector<16xf32>,
        %lt3A_492 = arith.cmpi slt, %get3A_489, %broadcast_in_dim3A_395 : vector<16xi32>
        %jit3A_493 = arith.constant 0.000000e+00 : f32
        %broadcast_in_dim3A_494 = vector.broadcast %jit3A_493 : f32 to vector<16xf32>
        %select_n3A_495 = arith.select %lt3A_492, %get3A_491, %broadcast_in_dim3A_494 : vector<16xi1>, vector<16xf32>
        %add3A_496 = arith.addf %add3A_481, %select_n3A_495 : vector<16xf32>
        %mul3A_497 = arith.constant 8 : i32
        %mul3A_498 = arith.muli %scan3A_421, %mul3A_497 : i32
        %add3A_499 = arith.constant 5 : i32
        %add3A_500 = arith.addi %mul3A_498, %add3A_499 : i32
        %mul3A_501 = arith.constant 16 : i32
        %mul3A_502 = arith.muli %add3A_500, %mul3A_501 : i32
        %get3A_503 = arith.index_cast %mul3A_502 : i32 to index
        %get3A_504 = tpu.vector_load %arg13[%get3A_503] {strides = array<i32>} : memref<24704xi32, #tpu.memory_space<vmem>>, vector<16xi32>,
        %get3A_505 = arith.index_cast %mul3A_502 : i32 to index
        %get3A_506 = tpu.vector_load %arg14[%get3A_505] {strides = array<i32>} : memref<24704xf32, #tpu.memory_space<vmem>>, vector<16xf32>,
        %lt3A_507 = arith.cmpi slt, %get3A_504, %broadcast_in_dim3A_395 : vector<16xi32>
        %jit3A_508 = arith.constant 0.000000e+00 : f32
        %broadcast_in_dim3A_509 = vector.broadcast %jit3A_508 : f32 to vector<16xf32>
        %select_n3A_510 = arith.select %lt3A_507, %get3A_506, %broadcast_in_dim3A_509 : vector<16xi1>, vector<16xf32>
        %add3A_511 = arith.addf %add3A_496, %select_n3A_510 : vector<16xf32>
        %mul3A_512 = arith.constant 8 : i32
        %mul3A_513 = arith.muli %scan3A_421, %mul3A_512 : i32
        %add3A_514 = arith.constant 6 : i32
        %add3A_515 = arith.addi %mul3A_513, %add3A_514 : i32
        %mul3A_516 = arith.constant 16 : i32
        %mul3A_517 = arith.muli %add3A_515, %mul3A_516 : i32
        %get3A_518 = arith.index_cast %mul3A_517 : i32 to index
        %get3A_519 = tpu.vector_load %arg13[%get3A_518] {strides = array<i32>} : memref<24704xi32, #tpu.memory_space<vmem>>, vector<16xi32>,
        %get3A_520 = arith.index_cast %mul3A_517 : i32 to index
        %get3A_521 = tpu.vector_load %arg14[%get3A_520] {strides = array<i32>} : memref<24704xf32, #tpu.memory_space<vmem>>, vector<16xf32>,
        %lt3A_522 = arith.cmpi slt, %get3A_519, %broadcast_in_dim3A_395 : vector<16xi32>
        %jit3A_523 = arith.constant 0.000000e+00 : f32
        %broadcast_in_dim3A_524 = vector.broadcast %jit3A_523 : f32 to vector<16xf32>
        %select_n3A_525 = arith.select %lt3A_522, %get3A_521, %broadcast_in_dim3A_524 : vector<16xi1>, vector<16xf32>
        %add3A_526 = arith.addf %add3A_511, %select_n3A_525 : vector<16xf32>
        %mul3A_527 = arith.constant 8 : i32
        %mul3A_528 = arith.muli %scan3A_421, %mul3A_527 : i32
        %add3A_529 = arith.constant 7 : i32
        %add3A_530 = arith.addi %mul3A_528, %add3A_529 : i32
        %mul3A_531 = arith.constant 16 : i32
        %mul3A_532 = arith.muli %add3A_530, %mul3A_531 : i32
        %get3A_533 = arith.index_cast %mul3A_532 : i32 to index
        %get3A_534 = tpu.vector_load %arg13[%get3A_533] {strides = array<i32>} : memref<24704xi32, #tpu.memory_space<vmem>>, vector<16xi32>,
        %get3A_535 = arith.index_cast %mul3A_532 : i32 to index
        %get3A_536 = tpu.vector_load %arg14[%get3A_535] {strides = array<i32>} : memref<24704xf32, #tpu.memory_space<vmem>>, vector<16xf32>,
        %lt3A_537 = arith.cmpi slt, %get3A_534, %broadcast_in_dim3A_395 : vector<16xi32>
        %jit3A_538 = arith.constant 0.000000e+00 : f32
        %broadcast_in_dim3A_539 = vector.broadcast %jit3A_538 : f32 to vector<16xf32>
        %select_n3A_540 = arith.select %lt3A_537, %get3A_536, %broadcast_in_dim3A_539 : vector<16xi1>, vector<16xf32>
        %add3A_541 = arith.addf %add3A_526, %select_n3A_540 : vector<16xf32>
        scf.yield %add3A_541 : vector<16xf32>
      }
      %scan3A_401 = arith.constant 192 : i32
      %swap3A_402 = arith.constant 0 : index
      %swap3A_403 = tpu.vector_load %arg15[%swap3A_402] {strides = array<i32>} : memref<16xf32, #tpu.memory_space<vmem>>, vector<16xf32>,
      tpu.vector_store %arg15[%swap3A_402], %scan3A_400 {strides = array<i32>} : memref<16xf32, #tpu.memory_space<vmem>>, vector<16xf32>,
      %barrier3A_404 = arith.constant 0 : index
      tpu.barrier barrier_id(%barrier3A_404)
      %mul3A_405 = arith.constant 16 : i32
      %mul3A_406 = arith.muli %select_n3A_28, %mul3A_405 : i32
      "tpu.region"() ({
        %run_scoped3A = tpu.sem_alloc : memref<!tpu.dma_semaphore, #tpu.memory_space<semaphore_mem>>
        %dma_start3A_421 = tpu.memref_slice %arg18[%select_n3A, %mul3A_406] : memref<2x128xf32, #tpu.memory_space<vmem_shared>> -> memref<1x16xf32, #tpu.memory_space<vmem_shared>>
        %dma_start3A_422 = tpu.memref_squeeze %dma_start3A_421 : memref<1x16xf32, #tpu.memory_space<vmem_shared>> -> memref<16xf32, #tpu.memory_space<vmem_shared>>
        %dma_start3A_423 = tpu.memref_slice %arg18[%select_n3A, %mul3A_406] : memref<2x128xf32, #tpu.memory_space<vmem_shared>> -> memref<1x16xf32, #tpu.memory_space<vmem_shared>>
        %dma_start3A_424 = tpu.memref_squeeze %dma_start3A_423 : memref<1x16xf32, #tpu.memory_space<vmem_shared>> -> memref<16xf32, #tpu.memory_space<vmem_shared>>
        tpu.enqueue_dma source(%arg15 : memref<16xf32, #tpu.memory_space<vmem>>) target(%dma_start3A_424 : memref<16xf32, #tpu.memory_space<vmem_shared>>) target_semaphore(%run_scoped3A : memref<!tpu.dma_semaphore, #tpu.memory_space<semaphore_mem>>)
        %dma_wait3A_425 = tpu.memref_slice %arg18[%select_n3A, %mul3A_406] : memref<2x128xf32, #tpu.memory_space<vmem_shared>> -> memref<1x16xf32, #tpu.memory_space<vmem_shared>>
        %dma_wait3A_426 = tpu.memref_squeeze %dma_wait3A_425 : memref<1x16xf32, #tpu.memory_space<vmem_shared>> -> memref<16xf32, #tpu.memory_space<vmem_shared>>
        %dma_wait3A_427 = tpu.memref_slice %arg18[%select_n3A, %mul3A_406] : memref<2x128xf32, #tpu.memory_space<vmem_shared>> -> memref<1x16xf32, #tpu.memory_space<vmem_shared>>
        %dma_wait3A_428 = tpu.memref_squeeze %dma_wait3A_427 : memref<1x16xf32, #tpu.memory_space<vmem_shared>> -> memref<16xf32, #tpu.memory_space<vmem_shared>>
        tpu.wait_dma2 semaphore(%run_scoped3A : memref<!tpu.dma_semaphore, #tpu.memory_space<semaphore_mem>>) src(%arg15 : memref<16xf32, #tpu.memory_space<vmem>>) dst(%dma_wait3A_428 : memref<16xf32, #tpu.memory_space<vmem_shared>>)
        tpu.yield
      }) : () -> ()
      %barrier3A_407 = arith.constant 0 : index
      tpu.barrier barrier_id(%barrier3A_407)
      "tpu.region"() ({
        %run_scoped3A = tpu.sem_alloc : memref<!tpu.dma_semaphore, #tpu.memory_space<semaphore_mem>>
        %dma_start3A_421 = arith.constant 0 : i32
        %dma_start3A_422 = tpu.memref_slice %arg18[%select_n3A, %dma_start3A_421] : memref<2x128xf32, #tpu.memory_space<vmem_shared>> -> memref<1x128xf32, #tpu.memory_space<vmem_shared>>
        %dma_start3A_423 = tpu.memref_squeeze %dma_start3A_422 : memref<1x128xf32, #tpu.memory_space<vmem_shared>> -> memref<128xf32, #tpu.memory_space<vmem_shared>>
        %dma_start3A_424 = arith.constant 0 : i32
        %dma_start3A_425 = tpu.memref_slice %arg18[%select_n3A, %dma_start3A_424] : memref<2x128xf32, #tpu.memory_space<vmem_shared>> -> memref<1x128xf32, #tpu.memory_space<vmem_shared>>
        %dma_start3A_426 = tpu.memref_squeeze %dma_start3A_425 : memref<1x128xf32, #tpu.memory_space<vmem_shared>> -> memref<128xf32, #tpu.memory_space<vmem_shared>>
        tpu.enqueue_dma source(%dma_start3A_426 : memref<128xf32, #tpu.memory_space<vmem_shared>>) target(%arg16 : memref<128xf32, #tpu.memory_space<vmem>>) target_semaphore(%run_scoped3A : memref<!tpu.dma_semaphore, #tpu.memory_space<semaphore_mem>>)
        %dma_wait3A_427 = arith.constant 0 : i32
        %dma_wait3A_428 = tpu.memref_slice %arg18[%select_n3A, %dma_wait3A_427] : memref<2x128xf32, #tpu.memory_space<vmem_shared>> -> memref<1x128xf32, #tpu.memory_space<vmem_shared>>
        %dma_wait3A_429 = tpu.memref_squeeze %dma_wait3A_428 : memref<1x128xf32, #tpu.memory_space<vmem_shared>> -> memref<128xf32, #tpu.memory_space<vmem_shared>>
        %dma_wait3A_430 = arith.constant 0 : i32
        %dma_wait3A_431 = tpu.memref_slice %arg18[%select_n3A, %dma_wait3A_430] : memref<2x128xf32, #tpu.memory_space<vmem_shared>> -> memref<1x128xf32, #tpu.memory_space<vmem_shared>>
        %dma_wait3A_432 = tpu.memref_squeeze %dma_wait3A_431 : memref<1x128xf32, #tpu.memory_space<vmem_shared>> -> memref<128xf32, #tpu.memory_space<vmem_shared>>
        tpu.wait_dma2 semaphore(%run_scoped3A : memref<!tpu.dma_semaphore, #tpu.memory_space<semaphore_mem>>) src(%dma_wait3A_432 : memref<128xf32, #tpu.memory_space<vmem_shared>>) dst(%arg16 : memref<128xf32, #tpu.memory_space<vmem>>)
        tpu.yield
      }) : () -> ()
      %scan3A_408 = arith.constant 0 : i32
      %scan3A_409 = arith.constant 8 : i32
      %scan3A_410 = arith.addi %scan3A_408, %scan3A_409 : i32
      %scan3A_411 = arith.constant 1 : i32
      %scan3A_412 = scf.for %scan3A_421 = %scan3A_408 to %scan3A_410 step %scan3A_411 iter_args(%scan3A_422 = %broadcast_in_dim3A_128) -> (vector<16xf32>)  : i32 {
        %mul3A_423 = arith.constant 16 : i32
        %mul3A_424 = arith.muli %scan3A_421, %mul3A_423 : i32
        %get3A = arith.index_cast %mul3A_424 : i32 to index
        %get3A_425 = tpu.vector_load %arg16[%get3A] {strides = array<i32>} : memref<128xf32, #tpu.memory_space<vmem>>, vector<16xf32>,
        %add3A_426 = arith.addf %scan3A_422, %get3A_425 : vector<16xf32>
        scf.yield %add3A_426 : vector<16xf32>
      }
      %scan3A_413 = arith.constant 8 : i32
      %reduce_sum3A_414 = arith.constant true
      %reduce_sum3A_415 = vector.broadcast %reduce_sum3A_414 : i1 to vector<16xi1>
      %reduce_sum3A_416 = tpu.scan <sum>, %scan3A_412 masked %reduce_sum3A_415 : vector<16xf32>, vector<16xi1> -> vector<16xf32>
      %reduce_sum3A_417 = vector.extract %reduce_sum3A_416[15] : f32 from vector<16xf32>
      %lt3A_418 = arith.cmpf olt, %reduce_sum3A_417, %mul3A_163 : f32
      %select_n3A_419 = arith.select %lt3A_418, %add3A_394, %scan3A_389 : i32
      %select_n3A_420 = arith.select %lt3A_418, %reduce_sum3A_417, %scan3A_390 : f32
      scf.yield %select_n3A_419, %select_n3A_420 : i32, f32
    }
    %scan3A_199 = arith.constant 7 : i32
    %broadcast_in_dim3A_200 = vector.broadcast %scan3A_198#0 : i32 to vector<16xi32>
    %scan3A_201 = arith.constant 16777216 : i32
    %scan3A_202 = arith.constant 0 : i32
    %scan3A_203 = arith.constant 0 : i32
    %scan3A_204 = arith.constant 1536 : i32
    %scan3A_205 = arith.addi %scan3A_203, %scan3A_204 : i32
    %scan3A_206 = arith.constant 1 : i32
    %scan3A_207 = scf.for %scan3A_388 = %scan3A_203 to %scan3A_205 step %scan3A_206 iter_args(%scan3A_389 = %scan3A_202) -> (i32)  : i32 {
      %mul3A_390 = arith.constant 16 : i32
      %mul3A_391 = arith.muli %scan3A_388, %mul3A_390 : i32
      %get3A = arith.index_cast %mul3A_391 : i32 to index
      %get3A_392 = tpu.vector_load %arg13[%get3A] {strides = array<i32>} : memref<24704xi32, #tpu.memory_space<vmem>>, vector<16xi32>,
      %get3A_393 = arith.index_cast %mul3A_391 : i32 to index
      %get3A_394 = tpu.vector_load %arg14[%get3A_393] {strides = array<i32>} : memref<24704xf32, #tpu.memory_space<vmem>>, vector<16xf32>,
      %ge3A_395 = arith.cmpi sge, %get3A_392, %broadcast_in_dim3A_200 : vector<16xi32>
      %sub3A_396 = arith.subi %get3A_392, %broadcast_in_dim3A_200 : vector<16xi32>
      %lt3A_397 = vector.broadcast %scan3A_201 : i32 to vector<16xi32>
      %lt3A_398 = arith.cmpi slt, %sub3A_396, %lt3A_397 : vector<16xi32>
      %and3A_399 = arith.andi %ge3A_395, %lt3A_398 : vector<16xi1>
      %swap3A_400 = arith.index_cast %scan3A_389 : i32 to index
      %swap3A_401 = tpu.vector_load %arg13[%swap3A_400] masked %and3A_399 {strides = array<i32>} : memref<24704xi32, #tpu.memory_space<vmem>>, vector<16xi32>, vector<16xi1>
      tpu.vector_store %arg13[%swap3A_400], %get3A_392 masked %and3A_399 {strides = array<i32>} : memref<24704xi32, #tpu.memory_space<vmem>>, vector<16xi32>, vector<16xi1>
      %swap3A_402 = arith.index_cast %scan3A_389 : i32 to index
      %swap3A_403 = tpu.vector_load %arg14[%swap3A_402] masked %and3A_399 {strides = array<i32>} : memref<24704xf32, #tpu.memory_space<vmem>>, vector<16xf32>, vector<16xi1>
      tpu.vector_store %arg14[%swap3A_402], %get3A_394 masked %and3A_399 {strides = array<i32>} : memref<24704xf32, #tpu.memory_space<vmem>>, vector<16xf32>, vector<16xi1>
      %all_reduce_population_count3A = tpu.all_reduce %and3A_399 {dim = 0 : i64, kind = #tpu.reduction_kind<sum>} : vector<16xi1> -> vector<16xi32>
      %reduce_max3A = arith.constant true
      %reduce_max3A_404 = vector.broadcast %reduce_max3A : i1 to vector<16xi1>
      %reduce_max3A_405 = arith.constant -2147483648 : i32
      %reduce_max3A_406 = vector.broadcast %reduce_max3A_405 : i32 to vector<16xi32>
      %reduce_max3A_407 = arith.xori %all_reduce_population_count3A, %reduce_max3A_406 : vector<16xi32>
      %reduce_max3A_408 = tpu.scan <max>, %reduce_max3A_407 masked %reduce_max3A_404 : vector<16xi32>, vector<16xi1> -> vector<16xi32>
      %reduce_max3A_409 = arith.xori %reduce_max3A_408, %reduce_max3A_406 : vector<16xi32>
      %reduce_max3A_410 = vector.extract %reduce_max3A_409[15] : i32 from vector<16xi32>
      %add3A_411 = arith.addi %scan3A_389, %reduce_max3A_410 : i32
      scf.yield %add3A_411 : i32
    }
    %scan3A_208 = arith.constant 1536 : i32
    %add3A_209 = arith.constant 0 : i32
    %add3A_210 = arith.addi %scan3A_207, %add3A_209 : i32
    %broadcast_in_dim3A_211 = arith.constant 2147483647 : i32
    %broadcast_in_dim3A_212 = vector.broadcast %broadcast_in_dim3A_211 : i32 to vector<16xi32>
    %swap3A_213 = arith.index_cast %add3A_210 : i32 to index
    %swap3A_214 = tpu.vector_load %arg13[%swap3A_213] {strides = array<i32>} : memref<24704xi32, #tpu.memory_space<vmem>>, vector<16xi32>,
    tpu.vector_store %arg13[%swap3A_213], %broadcast_in_dim3A_212 {strides = array<i32>} : memref<24704xi32, #tpu.memory_space<vmem>>, vector<16xi32>,
    %swap3A_215 = arith.index_cast %add3A_210 : i32 to index
    %swap3A_216 = tpu.vector_load %arg14[%swap3A_215] {strides = array<i32>} : memref<24704xf32, #tpu.memory_space<vmem>>, vector<16xf32>,
    tpu.vector_store %arg14[%swap3A_215], %broadcast_in_dim3A_128 {strides = array<i32>} : memref<24704xf32, #tpu.memory_space<vmem>>, vector<16xf32>,
    %add3A_217 = arith.constant 16 : i32
    %add3A_218 = arith.addi %scan3A_207, %add3A_217 : i32
    %broadcast_in_dim3A_219 = arith.constant 2147483647 : i32
    %broadcast_in_dim3A_220 = vector.broadcast %broadcast_in_dim3A_219 : i32 to vector<16xi32>
    %swap3A_221 = arith.index_cast %add3A_218 : i32 to index
    %swap3A_222 = tpu.vector_load %arg13[%swap3A_221] {strides = array<i32>} : memref<24704xi32, #tpu.memory_space<vmem>>, vector<16xi32>,
    tpu.vector_store %arg13[%swap3A_221], %broadcast_in_dim3A_220 {strides = array<i32>} : memref<24704xi32, #tpu.memory_space<vmem>>, vector<16xi32>,
    %swap3A_223 = arith.index_cast %add3A_218 : i32 to index
    %swap3A_224 = tpu.vector_load %arg14[%swap3A_223] {strides = array<i32>} : memref<24704xf32, #tpu.memory_space<vmem>>, vector<16xf32>,
    tpu.vector_store %arg14[%swap3A_223], %broadcast_in_dim3A_128 {strides = array<i32>} : memref<24704xf32, #tpu.memory_space<vmem>>, vector<16xf32>,
    %add3A_225 = arith.constant 32 : i32
    %add3A_226 = arith.addi %scan3A_207, %add3A_225 : i32
    %broadcast_in_dim3A_227 = arith.constant 2147483647 : i32
    %broadcast_in_dim3A_228 = vector.broadcast %broadcast_in_dim3A_227 : i32 to vector<16xi32>
    %swap3A_229 = arith.index_cast %add3A_226 : i32 to index
    %swap3A_230 = tpu.vector_load %arg13[%swap3A_229] {strides = array<i32>} : memref<24704xi32, #tpu.memory_space<vmem>>, vector<16xi32>,
    tpu.vector_store %arg13[%swap3A_229], %broadcast_in_dim3A_228 {strides = array<i32>} : memref<24704xi32, #tpu.memory_space<vmem>>, vector<16xi32>,
    %swap3A_231 = arith.index_cast %add3A_226 : i32 to index
    %swap3A_232 = tpu.vector_load %arg14[%swap3A_231] {strides = array<i32>} : memref<24704xf32, #tpu.memory_space<vmem>>, vector<16xf32>,
    tpu.vector_store %arg14[%swap3A_231], %broadcast_in_dim3A_128 {strides = array<i32>} : memref<24704xf32, #tpu.memory_space<vmem>>, vector<16xf32>,
    %add3A_233 = arith.constant 48 : i32
    %add3A_234 = arith.addi %scan3A_207, %add3A_233 : i32
    %broadcast_in_dim3A_235 = arith.constant 2147483647 : i32
    %broadcast_in_dim3A_236 = vector.broadcast %broadcast_in_dim3A_235 : i32 to vector<16xi32>
    %swap3A_237 = arith.index_cast %add3A_234 : i32 to index
    %swap3A_238 = tpu.vector_load %arg13[%swap3A_237] {strides = array<i32>} : memref<24704xi32, #tpu.memory_space<vmem>>, vector<16xi32>,
    tpu.vector_store %arg13[%swap3A_237], %broadcast_in_dim3A_236 {strides = array<i32>} : memref<24704xi32, #tpu.memory_space<vmem>>, vector<16xi32>,
    %swap3A_239 = arith.index_cast %add3A_234 : i32 to index
    %swap3A_240 = tpu.vector_load %arg14[%swap3A_239] {strides = array<i32>} : memref<24704xf32, #tpu.memory_space<vmem>>, vector<16xf32>,
    tpu.vector_store %arg14[%swap3A_239], %broadcast_in_dim3A_128 {strides = array<i32>} : memref<24704xf32, #tpu.memory_space<vmem>>, vector<16xf32>,
    %add3A_241 = arith.constant 64 : i32
    %add3A_242 = arith.addi %scan3A_207, %add3A_241 : i32
    %broadcast_in_dim3A_243 = arith.constant 2147483647 : i32
    %broadcast_in_dim3A_244 = vector.broadcast %broadcast_in_dim3A_243 : i32 to vector<16xi32>
    %swap3A_245 = arith.index_cast %add3A_242 : i32 to index
    %swap3A_246 = tpu.vector_load %arg13[%swap3A_245] {strides = array<i32>} : memref<24704xi32, #tpu.memory_space<vmem>>, vector<16xi32>,
    tpu.vector_store %arg13[%swap3A_245], %broadcast_in_dim3A_244 {strides = array<i32>} : memref<24704xi32, #tpu.memory_space<vmem>>, vector<16xi32>,
    %swap3A_247 = arith.index_cast %add3A_242 : i32 to index
    %swap3A_248 = tpu.vector_load %arg14[%swap3A_247] {strides = array<i32>} : memref<24704xf32, #tpu.memory_space<vmem>>, vector<16xf32>,
    tpu.vector_store %arg14[%swap3A_247], %broadcast_in_dim3A_128 {strides = array<i32>} : memref<24704xf32, #tpu.memory_space<vmem>>, vector<16xf32>,
    %add3A_249 = arith.constant 80 : i32
    %add3A_250 = arith.addi %scan3A_207, %add3A_249 : i32
    %broadcast_in_dim3A_251 = arith.constant 2147483647 : i32
    %broadcast_in_dim3A_252 = vector.broadcast %broadcast_in_dim3A_251 : i32 to vector<16xi32>
    %swap3A_253 = arith.index_cast %add3A_250 : i32 to index
    %swap3A_254 = tpu.vector_load %arg13[%swap3A_253] {strides = array<i32>} : memref<24704xi32, #tpu.memory_space<vmem>>, vector<16xi32>,
    tpu.vector_store %arg13[%swap3A_253], %broadcast_in_dim3A_252 {strides = array<i32>} : memref<24704xi32, #tpu.memory_space<vmem>>, vector<16xi32>,
    %swap3A_255 = arith.index_cast %add3A_250 : i32 to index
    %swap3A_256 = tpu.vector_load %arg14[%swap3A_255] {strides = array<i32>} : memref<24704xf32, #tpu.memory_space<vmem>>, vector<16xf32>,
    tpu.vector_store %arg14[%swap3A_255], %broadcast_in_dim3A_128 {strides = array<i32>} : memref<24704xf32, #tpu.memory_space<vmem>>, vector<16xf32>,
    %add3A_257 = arith.constant 96 : i32
    %add3A_258 = arith.addi %scan3A_207, %add3A_257 : i32
    %broadcast_in_dim3A_259 = arith.constant 2147483647 : i32
    %broadcast_in_dim3A_260 = vector.broadcast %broadcast_in_dim3A_259 : i32 to vector<16xi32>
    %swap3A_261 = arith.index_cast %add3A_258 : i32 to index
    %swap3A_262 = tpu.vector_load %arg13[%swap3A_261] {strides = array<i32>} : memref<24704xi32, #tpu.memory_space<vmem>>, vector<16xi32>,
    tpu.vector_store %arg13[%swap3A_261], %broadcast_in_dim3A_260 {strides = array<i32>} : memref<24704xi32, #tpu.memory_space<vmem>>, vector<16xi32>,
    %swap3A_263 = arith.index_cast %add3A_258 : i32 to index
    %swap3A_264 = tpu.vector_load %arg14[%swap3A_263] {strides = array<i32>} : memref<24704xf32, #tpu.memory_space<vmem>>, vector<16xf32>,
    tpu.vector_store %arg14[%swap3A_263], %broadcast_in_dim3A_128 {strides = array<i32>} : memref<24704xf32, #tpu.memory_space<vmem>>, vector<16xf32>,
    %add3A_265 = arith.constant 112 : i32
    %add3A_266 = arith.addi %scan3A_207, %add3A_265 : i32
    %broadcast_in_dim3A_267 = arith.constant 2147483647 : i32
    %broadcast_in_dim3A_268 = vector.broadcast %broadcast_in_dim3A_267 : i32 to vector<16xi32>
    %swap3A_269 = arith.index_cast %add3A_266 : i32 to index
    %swap3A_270 = tpu.vector_load %arg13[%swap3A_269] {strides = array<i32>} : memref<24704xi32, #tpu.memory_space<vmem>>, vector<16xi32>,
    tpu.vector_store %arg13[%swap3A_269], %broadcast_in_dim3A_268 {strides = array<i32>} : memref<24704xi32, #tpu.memory_space<vmem>>, vector<16xi32>,
    %swap3A_271 = arith.index_cast %add3A_266 : i32 to index
    %swap3A_272 = tpu.vector_load %arg14[%swap3A_271] {strides = array<i32>} : memref<24704xf32, #tpu.memory_space<vmem>>, vector<16xf32>,
    tpu.vector_store %arg14[%swap3A_271], %broadcast_in_dim3A_128 {strides = array<i32>} : memref<24704xf32, #tpu.memory_space<vmem>>, vector<16xf32>,
    %add3A_273 = arith.constant 127 : i32
    %add3A_274 = arith.addi %scan3A_207, %add3A_273 : i32
    %jit3A_275 = arith.constant 128 : i32
    %div3A_276 = arith.divsi %add3A_274, %jit3A_275 : i32
    %sign3A_277 = arith.constant 0 : i32
    %sign3A_278 = arith.cmpi sgt, %add3A_274, %sign3A_277 : i32
    %sign3A_279 = arith.extui %sign3A_278 : i1 to i32
    %sign3A_280 = arith.constant 0 : i32
    %sign3A_281 = arith.cmpi slt, %add3A_274, %sign3A_280 : i32
    %sign3A_282 = arith.extui %sign3A_281 : i1 to i32
    %sign3A_283 = arith.subi %sign3A_279, %sign3A_282 : i32
    %sign3A_284 = arith.constant 0 : i32
    %sign3A_285 = arith.cmpi sgt, %jit3A_275, %sign3A_284 : i32
    %sign3A_286 = arith.extui %sign3A_285 : i1 to i32
    %sign3A_287 = arith.constant 0 : i32
    %sign3A_288 = arith.cmpi slt, %jit3A_275, %sign3A_287 : i32
    %sign3A_289 = arith.extui %sign3A_288 : i1 to i32
    %sign3A_290 = arith.subi %sign3A_286, %sign3A_289 : i32
    %ne3A_291 = arith.cmpi ne, %sign3A_283, %sign3A_290 : i32
    %rem3A_292 = arith.remsi %add3A_274, %jit3A_275 : i32
    %ne3A_293 = arith.constant 0 : i32
    %ne3A_294 = arith.cmpi ne, %rem3A_292, %ne3A_293 : i32
    %and3A_295 = arith.andi %ne3A_291, %ne3A_294 : i1
    %sub3A_296 = arith.constant 1 : i32
    %sub3A_297 = arith.subi %div3A_276, %sub3A_296 : i32
    %select_n3A_298 = arith.select %and3A_295, %sub3A_297, %div3A_276 : i32
    %scan3A_299 = arith.constant 0 : i32
    %scan3A_300 = arith.constant 24 : i32
    %scan3A_301 = arith.addi %scan3A_299, %scan3A_300 : i32
    %scan3A_302 = arith.constant 1 : i32
    %scan3A_303 = scf.for %scan3A_388 = %scan3A_299 to %scan3A_301 step %scan3A_302 iter_args(%scan3A_389 = %scan3A_198#0) -> (i32)  : i32 {
      %sub3A_390 = arith.constant 23 : i32
      %sub3A_391 = arith.subi %sub3A_390, %scan3A_388 : i32
      %shift_left3A = arith.constant 1 : i32
      %shift_left3A_392 = arith.shli %shift_left3A, %sub3A_391 : i32
      %add3A_393 = arith.addi %scan3A_389, %shift_left3A_392 : i32
      %broadcast_in_dim3A_394 = vector.broadcast %add3A_393 : i32 to vector<16xi32>
      %while3A = arith.constant 0 : i32
      %while3A_395 = arith.subi %select_n3A_298, %while3A : i32
      %while3A_396 = arith.addi %while3A, %while3A_395 : i32
      %while3A_397 = arith.constant 1 : i32
      %while3A_398 = arith.divsi %while3A_395, %while3A_397 : i32
      %while3A_399 = arith.muli %while3A_398, %while3A_397 : i32
      %while3A_400 = arith.addi %while3A, %while3A_399 : i32
      %while3A_401 = arith.constant 1 : i32
      %while3A_402 = scf.for %while3A_424 = %while3A to %while3A_400 step %while3A_401 iter_args(%while3A_425 = %broadcast_in_dim3A_128) -> (vector<16xf32>)  : i32 {
        %mul3A_426 = arith.constant 8 : i32
        %mul3A_427 = arith.muli %while3A_424, %mul3A_426 : i32
        %add3A_428 = arith.constant 0 : i32
        %add3A_429 = arith.addi %mul3A_427, %add3A_428 : i32
        %mul3A_430 = arith.constant 16 : i32
        %mul3A_431 = arith.muli %add3A_429, %mul3A_430 : i32
        %get3A = arith.index_cast %mul3A_431 : i32 to index
        %get3A_432 = tpu.vector_load %arg13[%get3A] {strides = array<i32>} : memref<24704xi32, #tpu.memory_space<vmem>>, vector<16xi32>,
        %lt3A_433 = arith.cmpi slt, %get3A_432, %broadcast_in_dim3A_394 : vector<16xi32>
        %get3A_434 = arith.index_cast %mul3A_431 : i32 to index
        %get3A_435 = tpu.vector_load %arg14[%get3A_434] {strides = array<i32>} : memref<24704xf32, #tpu.memory_space<vmem>>, vector<16xf32>,
        %jit3A_436 = arith.constant 0.000000e+00 : f32
        %broadcast_in_dim3A_437 = vector.broadcast %jit3A_436 : f32 to vector<16xf32>
        %select_n3A_438 = arith.select %lt3A_433, %get3A_435, %broadcast_in_dim3A_437 : vector<16xi1>, vector<16xf32>
        %add3A_439 = arith.addf %while3A_425, %select_n3A_438 : vector<16xf32>
        %mul3A_440 = arith.constant 8 : i32
        %mul3A_441 = arith.muli %while3A_424, %mul3A_440 : i32
        %add3A_442 = arith.constant 1 : i32
        %add3A_443 = arith.addi %mul3A_441, %add3A_442 : i32
        %mul3A_444 = arith.constant 16 : i32
        %mul3A_445 = arith.muli %add3A_443, %mul3A_444 : i32
        %get3A_446 = arith.index_cast %mul3A_445 : i32 to index
        %get3A_447 = tpu.vector_load %arg13[%get3A_446] {strides = array<i32>} : memref<24704xi32, #tpu.memory_space<vmem>>, vector<16xi32>,
        %lt3A_448 = arith.cmpi slt, %get3A_447, %broadcast_in_dim3A_394 : vector<16xi32>
        %get3A_449 = arith.index_cast %mul3A_445 : i32 to index
        %get3A_450 = tpu.vector_load %arg14[%get3A_449] {strides = array<i32>} : memref<24704xf32, #tpu.memory_space<vmem>>, vector<16xf32>,
        %jit3A_451 = arith.constant 0.000000e+00 : f32
        %broadcast_in_dim3A_452 = vector.broadcast %jit3A_451 : f32 to vector<16xf32>
        %select_n3A_453 = arith.select %lt3A_448, %get3A_450, %broadcast_in_dim3A_452 : vector<16xi1>, vector<16xf32>
        %add3A_454 = arith.addf %add3A_439, %select_n3A_453 : vector<16xf32>
        %mul3A_455 = arith.constant 8 : i32
        %mul3A_456 = arith.muli %while3A_424, %mul3A_455 : i32
        %add3A_457 = arith.constant 2 : i32
        %add3A_458 = arith.addi %mul3A_456, %add3A_457 : i32
        %mul3A_459 = arith.constant 16 : i32
        %mul3A_460 = arith.muli %add3A_458, %mul3A_459 : i32
        %get3A_461 = arith.index_cast %mul3A_460 : i32 to index
        %get3A_462 = tpu.vector_load %arg13[%get3A_461] {strides = array<i32>} : memref<24704xi32, #tpu.memory_space<vmem>>, vector<16xi32>,
        %lt3A_463 = arith.cmpi slt, %get3A_462, %broadcast_in_dim3A_394 : vector<16xi32>
        %get3A_464 = arith.index_cast %mul3A_460 : i32 to index
        %get3A_465 = tpu.vector_load %arg14[%get3A_464] {strides = array<i32>} : memref<24704xf32, #tpu.memory_space<vmem>>, vector<16xf32>,
        %jit3A_466 = arith.constant 0.000000e+00 : f32
        %broadcast_in_dim3A_467 = vector.broadcast %jit3A_466 : f32 to vector<16xf32>
        %select_n3A_468 = arith.select %lt3A_463, %get3A_465, %broadcast_in_dim3A_467 : vector<16xi1>, vector<16xf32>
        %add3A_469 = arith.addf %add3A_454, %select_n3A_468 : vector<16xf32>
        %mul3A_470 = arith.constant 8 : i32
        %mul3A_471 = arith.muli %while3A_424, %mul3A_470 : i32
        %add3A_472 = arith.constant 3 : i32
        %add3A_473 = arith.addi %mul3A_471, %add3A_472 : i32
        %mul3A_474 = arith.constant 16 : i32
        %mul3A_475 = arith.muli %add3A_473, %mul3A_474 : i32
        %get3A_476 = arith.index_cast %mul3A_475 : i32 to index
        %get3A_477 = tpu.vector_load %arg13[%get3A_476] {strides = array<i32>} : memref<24704xi32, #tpu.memory_space<vmem>>, vector<16xi32>,
        %lt3A_478 = arith.cmpi slt, %get3A_477, %broadcast_in_dim3A_394 : vector<16xi32>
        %get3A_479 = arith.index_cast %mul3A_475 : i32 to index
        %get3A_480 = tpu.vector_load %arg14[%get3A_479] {strides = array<i32>} : memref<24704xf32, #tpu.memory_space<vmem>>, vector<16xf32>,
        %jit3A_481 = arith.constant 0.000000e+00 : f32
        %broadcast_in_dim3A_482 = vector.broadcast %jit3A_481 : f32 to vector<16xf32>
        %select_n3A_483 = arith.select %lt3A_478, %get3A_480, %broadcast_in_dim3A_482 : vector<16xi1>, vector<16xf32>
        %add3A_484 = arith.addf %add3A_469, %select_n3A_483 : vector<16xf32>
        %mul3A_485 = arith.constant 8 : i32
        %mul3A_486 = arith.muli %while3A_424, %mul3A_485 : i32
        %add3A_487 = arith.constant 4 : i32
        %add3A_488 = arith.addi %mul3A_486, %add3A_487 : i32
        %mul3A_489 = arith.constant 16 : i32
        %mul3A_490 = arith.muli %add3A_488, %mul3A_489 : i32
        %get3A_491 = arith.index_cast %mul3A_490 : i32 to index
        %get3A_492 = tpu.vector_load %arg13[%get3A_491] {strides = array<i32>} : memref<24704xi32, #tpu.memory_space<vmem>>, vector<16xi32>,
        %lt3A_493 = arith.cmpi slt, %get3A_492, %broadcast_in_dim3A_394 : vector<16xi32>
        %get3A_494 = arith.index_cast %mul3A_490 : i32 to index
        %get3A_495 = tpu.vector_load %arg14[%get3A_494] {strides = array<i32>} : memref<24704xf32, #tpu.memory_space<vmem>>, vector<16xf32>,
        %jit3A_496 = arith.constant 0.000000e+00 : f32
        %broadcast_in_dim3A_497 = vector.broadcast %jit3A_496 : f32 to vector<16xf32>
        %select_n3A_498 = arith.select %lt3A_493, %get3A_495, %broadcast_in_dim3A_497 : vector<16xi1>, vector<16xf32>
        %add3A_499 = arith.addf %add3A_484, %select_n3A_498 : vector<16xf32>
        %mul3A_500 = arith.constant 8 : i32
        %mul3A_501 = arith.muli %while3A_424, %mul3A_500 : i32
        %add3A_502 = arith.constant 5 : i32
        %add3A_503 = arith.addi %mul3A_501, %add3A_502 : i32
        %mul3A_504 = arith.constant 16 : i32
        %mul3A_505 = arith.muli %add3A_503, %mul3A_504 : i32
        %get3A_506 = arith.index_cast %mul3A_505 : i32 to index
        %get3A_507 = tpu.vector_load %arg13[%get3A_506] {strides = array<i32>} : memref<24704xi32, #tpu.memory_space<vmem>>, vector<16xi32>,
        %lt3A_508 = arith.cmpi slt, %get3A_507, %broadcast_in_dim3A_394 : vector<16xi32>
        %get3A_509 = arith.index_cast %mul3A_505 : i32 to index
        %get3A_510 = tpu.vector_load %arg14[%get3A_509] {strides = array<i32>} : memref<24704xf32, #tpu.memory_space<vmem>>, vector<16xf32>,
        %jit3A_511 = arith.constant 0.000000e+00 : f32
        %broadcast_in_dim3A_512 = vector.broadcast %jit3A_511 : f32 to vector<16xf32>
        %select_n3A_513 = arith.select %lt3A_508, %get3A_510, %broadcast_in_dim3A_512 : vector<16xi1>, vector<16xf32>
        %add3A_514 = arith.addf %add3A_499, %select_n3A_513 : vector<16xf32>
        %mul3A_515 = arith.constant 8 : i32
        %mul3A_516 = arith.muli %while3A_424, %mul3A_515 : i32
        %add3A_517 = arith.constant 6 : i32
        %add3A_518 = arith.addi %mul3A_516, %add3A_517 : i32
        %mul3A_519 = arith.constant 16 : i32
        %mul3A_520 = arith.muli %add3A_518, %mul3A_519 : i32
        %get3A_521 = arith.index_cast %mul3A_520 : i32 to index
        %get3A_522 = tpu.vector_load %arg13[%get3A_521] {strides = array<i32>} : memref<24704xi32, #tpu.memory_space<vmem>>, vector<16xi32>,
        %lt3A_523 = arith.cmpi slt, %get3A_522, %broadcast_in_dim3A_394 : vector<16xi32>
        %get3A_524 = arith.index_cast %mul3A_520 : i32 to index
        %get3A_525 = tpu.vector_load %arg14[%get3A_524] {strides = array<i32>} : memref<24704xf32, #tpu.memory_space<vmem>>, vector<16xf32>,
        %jit3A_526 = arith.constant 0.000000e+00 : f32
        %broadcast_in_dim3A_527 = vector.broadcast %jit3A_526 : f32 to vector<16xf32>
        %select_n3A_528 = arith.select %lt3A_523, %get3A_525, %broadcast_in_dim3A_527 : vector<16xi1>, vector<16xf32>
        %add3A_529 = arith.addf %add3A_514, %select_n3A_528 : vector<16xf32>
        %mul3A_530 = arith.constant 8 : i32
        %mul3A_531 = arith.muli %while3A_424, %mul3A_530 : i32
        %add3A_532 = arith.constant 7 : i32
        %add3A_533 = arith.addi %mul3A_531, %add3A_532 : i32
        %mul3A_534 = arith.constant 16 : i32
        %mul3A_535 = arith.muli %add3A_533, %mul3A_534 : i32
        %get3A_536 = arith.index_cast %mul3A_535 : i32 to index
        %get3A_537 = tpu.vector_load %arg13[%get3A_536] {strides = array<i32>} : memref<24704xi32, #tpu.memory_space<vmem>>, vector<16xi32>,
        %lt3A_538 = arith.cmpi slt, %get3A_537, %broadcast_in_dim3A_394 : vector<16xi32>
        %get3A_539 = arith.index_cast %mul3A_535 : i32 to index
        %get3A_540 = tpu.vector_load %arg14[%get3A_539] {strides = array<i32>} : memref<24704xf32, #tpu.memory_space<vmem>>, vector<16xf32>,
        %jit3A_541 = arith.constant 0.000000e+00 : f32
        %broadcast_in_dim3A_542 = vector.broadcast %jit3A_541 : f32 to vector<16xf32>
        %select_n3A_543 = arith.select %lt3A_538, %get3A_540, %broadcast_in_dim3A_542 : vector<16xi1>, vector<16xf32>
        %add3A_544 = arith.addf %add3A_529, %select_n3A_543 : vector<16xf32>
        scf.yield %add3A_544 : vector<16xf32>
      }
      %while3A_403 = arith.constant 1 : i32
      %while3A_404 = scf.for %while3A_424 = %while3A_400 to %while3A_396 step %while3A_403 iter_args(%while3A_425 = %while3A_402) -> (vector<16xf32>)  : i32 {
        %mul3A_426 = arith.constant 8 : i32
        %mul3A_427 = arith.muli %while3A_424, %mul3A_426 : i32
        %add3A_428 = arith.constant 0 : i32
        %add3A_429 = arith.addi %mul3A_427, %add3A_428 : i32
        %mul3A_430 = arith.constant 16 : i32
        %mul3A_431 = arith.muli %add3A_429, %mul3A_430 : i32
        %get3A = arith.index_cast %mul3A_431 : i32 to index
        %get3A_432 = tpu.vector_load %arg13[%get3A] {strides = array<i32>} : memref<24704xi32, #tpu.memory_space<vmem>>, vector<16xi32>,
        %lt3A_433 = arith.cmpi slt, %get3A_432, %broadcast_in_dim3A_394 : vector<16xi32>
        %get3A_434 = arith.index_cast %mul3A_431 : i32 to index
        %get3A_435 = tpu.vector_load %arg14[%get3A_434] {strides = array<i32>} : memref<24704xf32, #tpu.memory_space<vmem>>, vector<16xf32>,
        %jit3A_436 = arith.constant 0.000000e+00 : f32
        %broadcast_in_dim3A_437 = vector.broadcast %jit3A_436 : f32 to vector<16xf32>
        %select_n3A_438 = arith.select %lt3A_433, %get3A_435, %broadcast_in_dim3A_437 : vector<16xi1>, vector<16xf32>
        %add3A_439 = arith.addf %while3A_425, %select_n3A_438 : vector<16xf32>
        %mul3A_440 = arith.constant 8 : i32
        %mul3A_441 = arith.muli %while3A_424, %mul3A_440 : i32
        %add3A_442 = arith.constant 1 : i32
        %add3A_443 = arith.addi %mul3A_441, %add3A_442 : i32
        %mul3A_444 = arith.constant 16 : i32
        %mul3A_445 = arith.muli %add3A_443, %mul3A_444 : i32
        %get3A_446 = arith.index_cast %mul3A_445 : i32 to index
        %get3A_447 = tpu.vector_load %arg13[%get3A_446] {strides = array<i32>} : memref<24704xi32, #tpu.memory_space<vmem>>, vector<16xi32>,
        %lt3A_448 = arith.cmpi slt, %get3A_447, %broadcast_in_dim3A_394 : vector<16xi32>
        %get3A_449 = arith.index_cast %mul3A_445 : i32 to index
        %get3A_450 = tpu.vector_load %arg14[%get3A_449] {strides = array<i32>} : memref<24704xf32, #tpu.memory_space<vmem>>, vector<16xf32>,
        %jit3A_451 = arith.constant 0.000000e+00 : f32
        %broadcast_in_dim3A_452 = vector.broadcast %jit3A_451 : f32 to vector<16xf32>
        %select_n3A_453 = arith.select %lt3A_448, %get3A_450, %broadcast_in_dim3A_452 : vector<16xi1>, vector<16xf32>
        %add3A_454 = arith.addf %add3A_439, %select_n3A_453 : vector<16xf32>
        %mul3A_455 = arith.constant 8 : i32
        %mul3A_456 = arith.muli %while3A_424, %mul3A_455 : i32
        %add3A_457 = arith.constant 2 : i32
        %add3A_458 = arith.addi %mul3A_456, %add3A_457 : i32
        %mul3A_459 = arith.constant 16 : i32
        %mul3A_460 = arith.muli %add3A_458, %mul3A_459 : i32
        %get3A_461 = arith.index_cast %mul3A_460 : i32 to index
        %get3A_462 = tpu.vector_load %arg13[%get3A_461] {strides = array<i32>} : memref<24704xi32, #tpu.memory_space<vmem>>, vector<16xi32>,
        %lt3A_463 = arith.cmpi slt, %get3A_462, %broadcast_in_dim3A_394 : vector<16xi32>
        %get3A_464 = arith.index_cast %mul3A_460 : i32 to index
        %get3A_465 = tpu.vector_load %arg14[%get3A_464] {strides = array<i32>} : memref<24704xf32, #tpu.memory_space<vmem>>, vector<16xf32>,
        %jit3A_466 = arith.constant 0.000000e+00 : f32
        %broadcast_in_dim3A_467 = vector.broadcast %jit3A_466 : f32 to vector<16xf32>
        %select_n3A_468 = arith.select %lt3A_463, %get3A_465, %broadcast_in_dim3A_467 : vector<16xi1>, vector<16xf32>
        %add3A_469 = arith.addf %add3A_454, %select_n3A_468 : vector<16xf32>
        %mul3A_470 = arith.constant 8 : i32
        %mul3A_471 = arith.muli %while3A_424, %mul3A_470 : i32
        %add3A_472 = arith.constant 3 : i32
        %add3A_473 = arith.addi %mul3A_471, %add3A_472 : i32
        %mul3A_474 = arith.constant 16 : i32
        %mul3A_475 = arith.muli %add3A_473, %mul3A_474 : i32
        %get3A_476 = arith.index_cast %mul3A_475 : i32 to index
        %get3A_477 = tpu.vector_load %arg13[%get3A_476] {strides = array<i32>} : memref<24704xi32, #tpu.memory_space<vmem>>, vector<16xi32>,
        %lt3A_478 = arith.cmpi slt, %get3A_477, %broadcast_in_dim3A_394 : vector<16xi32>
        %get3A_479 = arith.index_cast %mul3A_475 : i32 to index
        %get3A_480 = tpu.vector_load %arg14[%get3A_479] {strides = array<i32>} : memref<24704xf32, #tpu.memory_space<vmem>>, vector<16xf32>,
        %jit3A_481 = arith.constant 0.000000e+00 : f32
        %broadcast_in_dim3A_482 = vector.broadcast %jit3A_481 : f32 to vector<16xf32>
        %select_n3A_483 = arith.select %lt3A_478, %get3A_480, %broadcast_in_dim3A_482 : vector<16xi1>, vector<16xf32>
        %add3A_484 = arith.addf %add3A_469, %select_n3A_483 : vector<16xf32>
        %mul3A_485 = arith.constant 8 : i32
        %mul3A_486 = arith.muli %while3A_424, %mul3A_485 : i32
        %add3A_487 = arith.constant 4 : i32
        %add3A_488 = arith.addi %mul3A_486, %add3A_487 : i32
        %mul3A_489 = arith.constant 16 : i32
        %mul3A_490 = arith.muli %add3A_488, %mul3A_489 : i32
        %get3A_491 = arith.index_cast %mul3A_490 : i32 to index
        %get3A_492 = tpu.vector_load %arg13[%get3A_491] {strides = array<i32>} : memref<24704xi32, #tpu.memory_space<vmem>>, vector<16xi32>,
        %lt3A_493 = arith.cmpi slt, %get3A_492, %broadcast_in_dim3A_394 : vector<16xi32>
        %get3A_494 = arith.index_cast %mul3A_490 : i32 to index
        %get3A_495 = tpu.vector_load %arg14[%get3A_494] {strides = array<i32>} : memref<24704xf32, #tpu.memory_space<vmem>>, vector<16xf32>,
        %jit3A_496 = arith.constant 0.000000e+00 : f32
        %broadcast_in_dim3A_497 = vector.broadcast %jit3A_496 : f32 to vector<16xf32>
        %select_n3A_498 = arith.select %lt3A_493, %get3A_495, %broadcast_in_dim3A_497 : vector<16xi1>, vector<16xf32>
        %add3A_499 = arith.addf %add3A_484, %select_n3A_498 : vector<16xf32>
        %mul3A_500 = arith.constant 8 : i32
        %mul3A_501 = arith.muli %while3A_424, %mul3A_500 : i32
        %add3A_502 = arith.constant 5 : i32
        %add3A_503 = arith.addi %mul3A_501, %add3A_502 : i32
        %mul3A_504 = arith.constant 16 : i32
        %mul3A_505 = arith.muli %add3A_503, %mul3A_504 : i32
        %get3A_506 = arith.index_cast %mul3A_505 : i32 to index
        %get3A_507 = tpu.vector_load %arg13[%get3A_506] {strides = array<i32>} : memref<24704xi32, #tpu.memory_space<vmem>>, vector<16xi32>,
        %lt3A_508 = arith.cmpi slt, %get3A_507, %broadcast_in_dim3A_394 : vector<16xi32>
        %get3A_509 = arith.index_cast %mul3A_505 : i32 to index
        %get3A_510 = tpu.vector_load %arg14[%get3A_509] {strides = array<i32>} : memref<24704xf32, #tpu.memory_space<vmem>>, vector<16xf32>,
        %jit3A_511 = arith.constant 0.000000e+00 : f32
        %broadcast_in_dim3A_512 = vector.broadcast %jit3A_511 : f32 to vector<16xf32>
        %select_n3A_513 = arith.select %lt3A_508, %get3A_510, %broadcast_in_dim3A_512 : vector<16xi1>, vector<16xf32>
        %add3A_514 = arith.addf %add3A_499, %select_n3A_513 : vector<16xf32>
        %mul3A_515 = arith.constant 8 : i32
        %mul3A_516 = arith.muli %while3A_424, %mul3A_515 : i32
        %add3A_517 = arith.constant 6 : i32
        %add3A_518 = arith.addi %mul3A_516, %add3A_517 : i32
        %mul3A_519 = arith.constant 16 : i32
        %mul3A_520 = arith.muli %add3A_518, %mul3A_519 : i32
        %get3A_521 = arith.index_cast %mul3A_520 : i32 to index
        %get3A_522 = tpu.vector_load %arg13[%get3A_521] {strides = array<i32>} : memref<24704xi32, #tpu.memory_space<vmem>>, vector<16xi32>,
        %lt3A_523 = arith.cmpi slt, %get3A_522, %broadcast_in_dim3A_394 : vector<16xi32>
        %get3A_524 = arith.index_cast %mul3A_520 : i32 to index
        %get3A_525 = tpu.vector_load %arg14[%get3A_524] {strides = array<i32>} : memref<24704xf32, #tpu.memory_space<vmem>>, vector<16xf32>,
        %jit3A_526 = arith.constant 0.000000e+00 : f32
        %broadcast_in_dim3A_527 = vector.broadcast %jit3A_526 : f32 to vector<16xf32>
        %select_n3A_528 = arith.select %lt3A_523, %get3A_525, %broadcast_in_dim3A_527 : vector<16xi1>, vector<16xf32>
        %add3A_529 = arith.addf %add3A_514, %select_n3A_528 : vector<16xf32>
        %mul3A_530 = arith.constant 8 : i32
        %mul3A_531 = arith.muli %while3A_424, %mul3A_530 : i32
        %add3A_532 = arith.constant 7 : i32
        %add3A_533 = arith.addi %mul3A_531, %add3A_532 : i32
        %mul3A_534 = arith.constant 16 : i32
        %mul3A_535 = arith.muli %add3A_533, %mul3A_534 : i32
        %get3A_536 = arith.index_cast %mul3A_535 : i32 to index
        %get3A_537 = tpu.vector_load %arg13[%get3A_536] {strides = array<i32>} : memref<24704xi32, #tpu.memory_space<vmem>>, vector<16xi32>,
        %lt3A_538 = arith.cmpi slt, %get3A_537, %broadcast_in_dim3A_394 : vector<16xi32>
        %get3A_539 = arith.index_cast %mul3A_535 : i32 to index
        %get3A_540 = tpu.vector_load %arg14[%get3A_539] {strides = array<i32>} : memref<24704xf32, #tpu.memory_space<vmem>>, vector<16xf32>,
        %jit3A_541 = arith.constant 0.000000e+00 : f32
        %broadcast_in_dim3A_542 = vector.broadcast %jit3A_541 : f32 to vector<16xf32>
        %select_n3A_543 = arith.select %lt3A_538, %get3A_540, %broadcast_in_dim3A_542 : vector<16xi1>, vector<16xf32>
        %add3A_544 = arith.addf %add3A_529, %select_n3A_543 : vector<16xf32>
        scf.yield %add3A_544 : vector<16xf32>
      }
      %swap3A_405 = arith.constant 0 : index
      %swap3A_406 = tpu.vector_load %arg15[%swap3A_405] {strides = array<i32>} : memref<16xf32, #tpu.memory_space<vmem>>, vector<16xf32>,
      tpu.vector_store %arg15[%swap3A_405], %while3A_404 {strides = array<i32>} : memref<16xf32, #tpu.memory_space<vmem>>, vector<16xf32>,
      %barrier3A_407 = arith.constant 0 : index
      tpu.barrier barrier_id(%barrier3A_407)
      %mul3A_408 = arith.constant 16 : i32
      %mul3A_409 = arith.muli %select_n3A_28, %mul3A_408 : i32
      "tpu.region"() ({
        %run_scoped3A = tpu.sem_alloc : memref<!tpu.dma_semaphore, #tpu.memory_space<semaphore_mem>>
        %dma_start3A_424 = tpu.memref_slice %arg18[%select_n3A, %mul3A_409] : memref<2x128xf32, #tpu.memory_space<vmem_shared>> -> memref<1x16xf32, #tpu.memory_space<vmem_shared>>
        %dma_start3A_425 = tpu.memref_squeeze %dma_start3A_424 : memref<1x16xf32, #tpu.memory_space<vmem_shared>> -> memref<16xf32, #tpu.memory_space<vmem_shared>>
        %dma_start3A_426 = tpu.memref_slice %arg18[%select_n3A, %mul3A_409] : memref<2x128xf32, #tpu.memory_space<vmem_shared>> -> memref<1x16xf32, #tpu.memory_space<vmem_shared>>
        %dma_start3A_427 = tpu.memref_squeeze %dma_start3A_426 : memref<1x16xf32, #tpu.memory_space<vmem_shared>> -> memref<16xf32, #tpu.memory_space<vmem_shared>>
        tpu.enqueue_dma source(%arg15 : memref<16xf32, #tpu.memory_space<vmem>>) target(%dma_start3A_427 : memref<16xf32, #tpu.memory_space<vmem_shared>>) target_semaphore(%run_scoped3A : memref<!tpu.dma_semaphore, #tpu.memory_space<semaphore_mem>>)
        %dma_wait3A_428 = tpu.memref_slice %arg18[%select_n3A, %mul3A_409] : memref<2x128xf32, #tpu.memory_space<vmem_shared>> -> memref<1x16xf32, #tpu.memory_space<vmem_shared>>
        %dma_wait3A_429 = tpu.memref_squeeze %dma_wait3A_428 : memref<1x16xf32, #tpu.memory_space<vmem_shared>> -> memref<16xf32, #tpu.memory_space<vmem_shared>>
        %dma_wait3A_430 = tpu.memref_slice %arg18[%select_n3A, %mul3A_409] : memref<2x128xf32, #tpu.memory_space<vmem_shared>> -> memref<1x16xf32, #tpu.memory_space<vmem_shared>>
        %dma_wait3A_431 = tpu.memref_squeeze %dma_wait3A_430 : memref<1x16xf32, #tpu.memory_space<vmem_shared>> -> memref<16xf32, #tpu.memory_space<vmem_shared>>
        tpu.wait_dma2 semaphore(%run_scoped3A : memref<!tpu.dma_semaphore, #tpu.memory_space<semaphore_mem>>) src(%arg15 : memref<16xf32, #tpu.memory_space<vmem>>) dst(%dma_wait3A_431 : memref<16xf32, #tpu.memory_space<vmem_shared>>)
        tpu.yield
      }) : () -> ()
      %barrier3A_410 = arith.constant 0 : index
      tpu.barrier barrier_id(%barrier3A_410)
      "tpu.region"() ({
        %run_scoped3A = tpu.sem_alloc : memref<!tpu.dma_semaphore, #tpu.memory_space<semaphore_mem>>
        %dma_start3A_424 = arith.constant 0 : i32
        %dma_start3A_425 = tpu.memref_slice %arg18[%select_n3A, %dma_start3A_424] : memref<2x128xf32, #tpu.memory_space<vmem_shared>> -> memref<1x128xf32, #tpu.memory_space<vmem_shared>>
        %dma_start3A_426 = tpu.memref_squeeze %dma_start3A_425 : memref<1x128xf32, #tpu.memory_space<vmem_shared>> -> memref<128xf32, #tpu.memory_space<vmem_shared>>
        %dma_start3A_427 = arith.constant 0 : i32
        %dma_start3A_428 = tpu.memref_slice %arg18[%select_n3A, %dma_start3A_427] : memref<2x128xf32, #tpu.memory_space<vmem_shared>> -> memref<1x128xf32, #tpu.memory_space<vmem_shared>>
        %dma_start3A_429 = tpu.memref_squeeze %dma_start3A_428 : memref<1x128xf32, #tpu.memory_space<vmem_shared>> -> memref<128xf32, #tpu.memory_space<vmem_shared>>
        tpu.enqueue_dma source(%dma_start3A_429 : memref<128xf32, #tpu.memory_space<vmem_shared>>) target(%arg16 : memref<128xf32, #tpu.memory_space<vmem>>) target_semaphore(%run_scoped3A : memref<!tpu.dma_semaphore, #tpu.memory_space<semaphore_mem>>)
        %dma_wait3A_430 = arith.constant 0 : i32
        %dma_wait3A_431 = tpu.memref_slice %arg18[%select_n3A, %dma_wait3A_430] : memref<2x128xf32, #tpu.memory_space<vmem_shared>> -> memref<1x128xf32, #tpu.memory_space<vmem_shared>>
        %dma_wait3A_432 = tpu.memref_squeeze %dma_wait3A_431 : memref<1x128xf32, #tpu.memory_space<vmem_shared>> -> memref<128xf32, #tpu.memory_space<vmem_shared>>
        %dma_wait3A_433 = arith.constant 0 : i32
        %dma_wait3A_434 = tpu.memref_slice %arg18[%select_n3A, %dma_wait3A_433] : memref<2x128xf32, #tpu.memory_space<vmem_shared>> -> memref<1x128xf32, #tpu.memory_space<vmem_shared>>
        %dma_wait3A_435 = tpu.memref_squeeze %dma_wait3A_434 : memref<1x128xf32, #tpu.memory_space<vmem_shared>> -> memref<128xf32, #tpu.memory_space<vmem_shared>>
        tpu.wait_dma2 semaphore(%run_scoped3A : memref<!tpu.dma_semaphore, #tpu.memory_space<semaphore_mem>>) src(%dma_wait3A_435 : memref<128xf32, #tpu.memory_space<vmem_shared>>) dst(%arg16 : memref<128xf32, #tpu.memory_space<vmem>>)
        tpu.yield
      }) : () -> ()
      %scan3A_411 = arith.constant 0 : i32
      %scan3A_412 = arith.constant 8 : i32
      %scan3A_413 = arith.addi %scan3A_411, %scan3A_412 : i32
      %scan3A_414 = arith.constant 1 : i32
      %scan3A_415 = scf.for %scan3A_424 = %scan3A_411 to %scan3A_413 step %scan3A_414 iter_args(%scan3A_425 = %broadcast_in_dim3A_128) -> (vector<16xf32>)  : i32 {
        %mul3A_426 = arith.constant 16 : i32
        %mul3A_427 = arith.muli %scan3A_424, %mul3A_426 : i32
        %get3A = arith.index_cast %mul3A_427 : i32 to index
        %get3A_428 = tpu.vector_load %arg16[%get3A] {strides = array<i32>} : memref<128xf32, #tpu.memory_space<vmem>>, vector<16xf32>,
        %add3A_429 = arith.addf %scan3A_425, %get3A_428 : vector<16xf32>
        scf.yield %add3A_429 : vector<16xf32>
      }
      %scan3A_416 = arith.constant 8 : i32
      %reduce_sum3A_417 = arith.constant true
      %reduce_sum3A_418 = vector.broadcast %reduce_sum3A_417 : i1 to vector<16xi1>
      %reduce_sum3A_419 = tpu.scan <sum>, %scan3A_415 masked %reduce_sum3A_418 : vector<16xf32>, vector<16xi1> -> vector<16xf32>
      %reduce_sum3A_420 = vector.extract %reduce_sum3A_419[15] : f32 from vector<16xf32>
      %add3A_421 = arith.addf %scan3A_198#1, %reduce_sum3A_420 : f32
      %lt3A_422 = arith.cmpf olt, %add3A_421, %mul3A_163 : f32
      %select_n3A_423 = arith.select %lt3A_422, %add3A_393, %scan3A_389 : i32
      scf.yield %select_n3A_423 : i32
    }
    %scan3A_304 = arith.constant 24 : i32
    %ge3A = arith.constant 0 : i32
    %ge3A_305 = arith.cmpi sge, %scan3A_303, %ge3A : i32
    %xor3A = arith.constant 2147483647 : i32
    %xor3A_306 = arith.xori %scan3A_303, %xor3A : i32
    %select_n3A_307 = arith.select %ge3A_305, %scan3A_303, %xor3A_306 : i32
    %broadcast_in_dim3A_308 = vector.broadcast %select_n3A_307 : i32 to vector<16xi32>
    %bitcast3A = vector.bitcast %broadcast_in_dim3A_308 : vector<16xi32> to vector<16xf32>
    %scan3A_309 = arith.constant 0 : i32
    %scan3A_310 = arith.constant 64 : i32
    %scan3A_311 = arith.addi %scan3A_309, %scan3A_310 : i32
    %scan3A_312 = arith.constant 1 : i32
    %scan3A_313 = scf.for %scan3A_388 = %scan3A_309 to %scan3A_311 step %scan3A_312 iter_args(%scan3A_389 = %broadcast_in_dim3A_128) -> (vector<16xf32>)  : i32 {
      %mul3A_390 = arith.constant 8 : i32
      %mul3A_391 = arith.muli %scan3A_388, %mul3A_390 : i32
      %add3A_392 = arith.constant 0 : i32
      %add3A_393 = arith.addi %mul3A_391, %add3A_392 : i32
      %mul3A_394 = arith.constant 16 : i32
      %mul3A_395 = arith.muli %add3A_393, %mul3A_394 : i32
      %get3A = arith.index_cast %mul3A_395 : i32 to index
      %get3A_396 = tpu.vector_load %arg6[%get3A] {strides = array<i32>} : memref<8192xf32, #tpu.memory_space<vmem>>, vector<16xf32>,
      %get3A_397 = arith.index_cast %mul3A_395 : i32 to index
      %get3A_398 = tpu.vector_load %arg9[%get3A_397] {strides = array<i32>} : memref<8192xf32, #tpu.memory_space<vmem>>, vector<16xf32>,
      %get3A_399 = arith.index_cast %mul3A_395 : i32 to index
      %get3A_400 = tpu.vector_load %arg12[%get3A_399] {strides = array<i32>} : memref<8192xf32, #tpu.memory_space<vmem>>, vector<16xf32>,
      %mul3A_401 = arith.mulf %bitcast3A, %get3A_396 : vector<16xf32>
      %sub3A_402 = arith.subf %mul3A_401, %get3A_398 : vector<16xf32>
      %abs3A = math.absf %sub3A_402 : vector<16xf32>
      %mul3A_403 = arith.mulf %get3A_400, %abs3A : vector<16xf32>
      %add3A_404 = arith.addf %scan3A_389, %mul3A_403 : vector<16xf32>
      %mul3A_405 = arith.constant 8 : i32
      %mul3A_406 = arith.muli %scan3A_388, %mul3A_405 : i32
      %add3A_407 = arith.constant 1 : i32
      %add3A_408 = arith.addi %mul3A_406, %add3A_407 : i32
      %mul3A_409 = arith.constant 16 : i32
      %mul3A_410 = arith.muli %add3A_408, %mul3A_409 : i32
      %get3A_411 = arith.index_cast %mul3A_410 : i32 to index
      %get3A_412 = tpu.vector_load %arg6[%get3A_411] {strides = array<i32>} : memref<8192xf32, #tpu.memory_space<vmem>>, vector<16xf32>,
      %get3A_413 = arith.index_cast %mul3A_410 : i32 to index
      %get3A_414 = tpu.vector_load %arg9[%get3A_413] {strides = array<i32>} : memref<8192xf32, #tpu.memory_space<vmem>>, vector<16xf32>,
      %get3A_415 = arith.index_cast %mul3A_410 : i32 to index
      %get3A_416 = tpu.vector_load %arg12[%get3A_415] {strides = array<i32>} : memref<8192xf32, #tpu.memory_space<vmem>>, vector<16xf32>,
      %mul3A_417 = arith.mulf %bitcast3A, %get3A_412 : vector<16xf32>
      %sub3A_418 = arith.subf %mul3A_417, %get3A_414 : vector<16xf32>
      %abs3A_419 = math.absf %sub3A_418 : vector<16xf32>
      %mul3A_420 = arith.mulf %get3A_416, %abs3A_419 : vector<16xf32>
      %add3A_421 = arith.addf %add3A_404, %mul3A_420 : vector<16xf32>
      %mul3A_422 = arith.constant 8 : i32
      %mul3A_423 = arith.muli %scan3A_388, %mul3A_422 : i32
      %add3A_424 = arith.constant 2 : i32
      %add3A_425 = arith.addi %mul3A_423, %add3A_424 : i32
      %mul3A_426 = arith.constant 16 : i32
      %mul3A_427 = arith.muli %add3A_425, %mul3A_426 : i32
      %get3A_428 = arith.index_cast %mul3A_427 : i32 to index
      %get3A_429 = tpu.vector_load %arg6[%get3A_428] {strides = array<i32>} : memref<8192xf32, #tpu.memory_space<vmem>>, vector<16xf32>,
      %get3A_430 = arith.index_cast %mul3A_427 : i32 to index
      %get3A_431 = tpu.vector_load %arg9[%get3A_430] {strides = array<i32>} : memref<8192xf32, #tpu.memory_space<vmem>>, vector<16xf32>,
      %get3A_432 = arith.index_cast %mul3A_427 : i32 to index
      %get3A_433 = tpu.vector_load %arg12[%get3A_432] {strides = array<i32>} : memref<8192xf32, #tpu.memory_space<vmem>>, vector<16xf32>,
      %mul3A_434 = arith.mulf %bitcast3A, %get3A_429 : vector<16xf32>
      %sub3A_435 = arith.subf %mul3A_434, %get3A_431 : vector<16xf32>
      %abs3A_436 = math.absf %sub3A_435 : vector<16xf32>
      %mul3A_437 = arith.mulf %get3A_433, %abs3A_436 : vector<16xf32>
      %add3A_438 = arith.addf %add3A_421, %mul3A_437 : vector<16xf32>
      %mul3A_439 = arith.constant 8 : i32
      %mul3A_440 = arith.muli %scan3A_388, %mul3A_439 : i32
      %add3A_441 = arith.constant 3 : i32
      %add3A_442 = arith.addi %mul3A_440, %add3A_441 : i32
      %mul3A_443 = arith.constant 16 : i32
      %mul3A_444 = arith.muli %add3A_442, %mul3A_443 : i32
      %get3A_445 = arith.index_cast %mul3A_444 : i32 to index
      %get3A_446 = tpu.vector_load %arg6[%get3A_445] {strides = array<i32>} : memref<8192xf32, #tpu.memory_space<vmem>>, vector<16xf32>,
      %get3A_447 = arith.index_cast %mul3A_444 : i32 to index
      %get3A_448 = tpu.vector_load %arg9[%get3A_447] {strides = array<i32>} : memref<8192xf32, #tpu.memory_space<vmem>>, vector<16xf32>,
      %get3A_449 = arith.index_cast %mul3A_444 : i32 to index
      %get3A_450 = tpu.vector_load %arg12[%get3A_449] {strides = array<i32>} : memref<8192xf32, #tpu.memory_space<vmem>>, vector<16xf32>,
      %mul3A_451 = arith.mulf %bitcast3A, %get3A_446 : vector<16xf32>
      %sub3A_452 = arith.subf %mul3A_451, %get3A_448 : vector<16xf32>
      %abs3A_453 = math.absf %sub3A_452 : vector<16xf32>
      %mul3A_454 = arith.mulf %get3A_450, %abs3A_453 : vector<16xf32>
      %add3A_455 = arith.addf %add3A_438, %mul3A_454 : vector<16xf32>
      %mul3A_456 = arith.constant 8 : i32
      %mul3A_457 = arith.muli %scan3A_388, %mul3A_456 : i32
      %add3A_458 = arith.constant 4 : i32
      %add3A_459 = arith.addi %mul3A_457, %add3A_458 : i32
      %mul3A_460 = arith.constant 16 : i32
      %mul3A_461 = arith.muli %add3A_459, %mul3A_460 : i32
      %get3A_462 = arith.index_cast %mul3A_461 : i32 to index
      %get3A_463 = tpu.vector_load %arg6[%get3A_462] {strides = array<i32>} : memref<8192xf32, #tpu.memory_space<vmem>>, vector<16xf32>,
      %get3A_464 = arith.index_cast %mul3A_461 : i32 to index
      %get3A_465 = tpu.vector_load %arg9[%get3A_464] {strides = array<i32>} : memref<8192xf32, #tpu.memory_space<vmem>>, vector<16xf32>,
      %get3A_466 = arith.index_cast %mul3A_461 : i32 to index
      %get3A_467 = tpu.vector_load %arg12[%get3A_466] {strides = array<i32>} : memref<8192xf32, #tpu.memory_space<vmem>>, vector<16xf32>,
      %mul3A_468 = arith.mulf %bitcast3A, %get3A_463 : vector<16xf32>
      %sub3A_469 = arith.subf %mul3A_468, %get3A_465 : vector<16xf32>
      %abs3A_470 = math.absf %sub3A_469 : vector<16xf32>
      %mul3A_471 = arith.mulf %get3A_467, %abs3A_470 : vector<16xf32>
      %add3A_472 = arith.addf %add3A_455, %mul3A_471 : vector<16xf32>
      %mul3A_473 = arith.constant 8 : i32
      %mul3A_474 = arith.muli %scan3A_388, %mul3A_473 : i32
      %add3A_475 = arith.constant 5 : i32
      %add3A_476 = arith.addi %mul3A_474, %add3A_475 : i32
      %mul3A_477 = arith.constant 16 : i32
      %mul3A_478 = arith.muli %add3A_476, %mul3A_477 : i32
      %get3A_479 = arith.index_cast %mul3A_478 : i32 to index
      %get3A_480 = tpu.vector_load %arg6[%get3A_479] {strides = array<i32>} : memref<8192xf32, #tpu.memory_space<vmem>>, vector<16xf32>,
      %get3A_481 = arith.index_cast %mul3A_478 : i32 to index
      %get3A_482 = tpu.vector_load %arg9[%get3A_481] {strides = array<i32>} : memref<8192xf32, #tpu.memory_space<vmem>>, vector<16xf32>,
      %get3A_483 = arith.index_cast %mul3A_478 : i32 to index
      %get3A_484 = tpu.vector_load %arg12[%get3A_483] {strides = array<i32>} : memref<8192xf32, #tpu.memory_space<vmem>>, vector<16xf32>,
      %mul3A_485 = arith.mulf %bitcast3A, %get3A_480 : vector<16xf32>
      %sub3A_486 = arith.subf %mul3A_485, %get3A_482 : vector<16xf32>
      %abs3A_487 = math.absf %sub3A_486 : vector<16xf32>
      %mul3A_488 = arith.mulf %get3A_484, %abs3A_487 : vector<16xf32>
      %add3A_489 = arith.addf %add3A_472, %mul3A_488 : vector<16xf32>
      %mul3A_490 = arith.constant 8 : i32
      %mul3A_491 = arith.muli %scan3A_388, %mul3A_490 : i32
      %add3A_492 = arith.constant 6 : i32
      %add3A_493 = arith.addi %mul3A_491, %add3A_492 : i32
      %mul3A_494 = arith.constant 16 : i32
      %mul3A_495 = arith.muli %add3A_493, %mul3A_494 : i32
      %get3A_496 = arith.index_cast %mul3A_495 : i32 to index
      %get3A_497 = tpu.vector_load %arg6[%get3A_496] {strides = array<i32>} : memref<8192xf32, #tpu.memory_space<vmem>>, vector<16xf32>,
      %get3A_498 = arith.index_cast %mul3A_495 : i32 to index
      %get3A_499 = tpu.vector_load %arg9[%get3A_498] {strides = array<i32>} : memref<8192xf32, #tpu.memory_space<vmem>>, vector<16xf32>,
      %get3A_500 = arith.index_cast %mul3A_495 : i32 to index
      %get3A_501 = tpu.vector_load %arg12[%get3A_500] {strides = array<i32>} : memref<8192xf32, #tpu.memory_space<vmem>>, vector<16xf32>,
      %mul3A_502 = arith.mulf %bitcast3A, %get3A_497 : vector<16xf32>
      %sub3A_503 = arith.subf %mul3A_502, %get3A_499 : vector<16xf32>
      %abs3A_504 = math.absf %sub3A_503 : vector<16xf32>
      %mul3A_505 = arith.mulf %get3A_501, %abs3A_504 : vector<16xf32>
      %add3A_506 = arith.addf %add3A_489, %mul3A_505 : vector<16xf32>
      %mul3A_507 = arith.constant 8 : i32
      %mul3A_508 = arith.muli %scan3A_388, %mul3A_507 : i32
      %add3A_509 = arith.constant 7 : i32
      %add3A_510 = arith.addi %mul3A_508, %add3A_509 : i32
      %mul3A_511 = arith.constant 16 : i32
      %mul3A_512 = arith.muli %add3A_510, %mul3A_511 : i32
      %get3A_513 = arith.index_cast %mul3A_512 : i32 to index
      %get3A_514 = tpu.vector_load %arg6[%get3A_513] {strides = array<i32>} : memref<8192xf32, #tpu.memory_space<vmem>>, vector<16xf32>,
      %get3A_515 = arith.index_cast %mul3A_512 : i32 to index
      %get3A_516 = tpu.vector_load %arg9[%get3A_515] {strides = array<i32>} : memref<8192xf32, #tpu.memory_space<vmem>>, vector<16xf32>,
      %get3A_517 = arith.index_cast %mul3A_512 : i32 to index
      %get3A_518 = tpu.vector_load %arg12[%get3A_517] {strides = array<i32>} : memref<8192xf32, #tpu.memory_space<vmem>>, vector<16xf32>,
      %mul3A_519 = arith.mulf %bitcast3A, %get3A_514 : vector<16xf32>
      %sub3A_520 = arith.subf %mul3A_519, %get3A_516 : vector<16xf32>
      %abs3A_521 = math.absf %sub3A_520 : vector<16xf32>
      %mul3A_522 = arith.mulf %get3A_518, %abs3A_521 : vector<16xf32>
      %add3A_523 = arith.addf %add3A_506, %mul3A_522 : vector<16xf32>
      scf.yield %add3A_523 : vector<16xf32>
    }
    %scan3A_314 = arith.constant 64 : i32
    %scan3A_315 = arith.constant 0 : i32
    %scan3A_316 = arith.constant 64 : i32
    %scan3A_317 = arith.addi %scan3A_315, %scan3A_316 : i32
    %scan3A_318 = arith.constant 1 : i32
    %scan3A_319 = scf.for %scan3A_388 = %scan3A_315 to %scan3A_317 step %scan3A_318 iter_args(%scan3A_389 = %scan3A_313) -> (vector<16xf32>)  : i32 {
      %mul3A_390 = arith.constant 8 : i32
      %mul3A_391 = arith.muli %scan3A_388, %mul3A_390 : i32
      %add3A_392 = arith.constant 0 : i32
      %add3A_393 = arith.addi %mul3A_391, %add3A_392 : i32
      %mul3A_394 = arith.constant 16 : i32
      %mul3A_395 = arith.muli %add3A_393, %mul3A_394 : i32
      %get3A = arith.index_cast %mul3A_395 : i32 to index
      %get3A_396 = tpu.vector_load %arg7[%get3A] {strides = array<i32>} : memref<8192xf32, #tpu.memory_space<vmem>>, vector<16xf32>,
      %get3A_397 = arith.index_cast %mul3A_395 : i32 to index
      %get3A_398 = tpu.vector_load %arg10[%get3A_397] {strides = array<i32>} : memref<8192xf32, #tpu.memory_space<vmem>>, vector<16xf32>,
      %get3A_399 = arith.index_cast %mul3A_395 : i32 to index
      %get3A_400 = tpu.vector_load %arg12[%get3A_399] {strides = array<i32>} : memref<8192xf32, #tpu.memory_space<vmem>>, vector<16xf32>,
      %mul3A_401 = arith.mulf %bitcast3A, %get3A_396 : vector<16xf32>
      %sub3A_402 = arith.subf %mul3A_401, %get3A_398 : vector<16xf32>
      %abs3A = math.absf %sub3A_402 : vector<16xf32>
      %mul3A_403 = arith.mulf %get3A_400, %abs3A : vector<16xf32>
      %add3A_404 = arith.addf %scan3A_389, %mul3A_403 : vector<16xf32>
      %mul3A_405 = arith.constant 8 : i32
      %mul3A_406 = arith.muli %scan3A_388, %mul3A_405 : i32
      %add3A_407 = arith.constant 1 : i32
      %add3A_408 = arith.addi %mul3A_406, %add3A_407 : i32
      %mul3A_409 = arith.constant 16 : i32
      %mul3A_410 = arith.muli %add3A_408, %mul3A_409 : i32
      %get3A_411 = arith.index_cast %mul3A_410 : i32 to index
      %get3A_412 = tpu.vector_load %arg7[%get3A_411] {strides = array<i32>} : memref<8192xf32, #tpu.memory_space<vmem>>, vector<16xf32>,
      %get3A_413 = arith.index_cast %mul3A_410 : i32 to index
      %get3A_414 = tpu.vector_load %arg10[%get3A_413] {strides = array<i32>} : memref<8192xf32, #tpu.memory_space<vmem>>, vector<16xf32>,
      %get3A_415 = arith.index_cast %mul3A_410 : i32 to index
      %get3A_416 = tpu.vector_load %arg12[%get3A_415] {strides = array<i32>} : memref<8192xf32, #tpu.memory_space<vmem>>, vector<16xf32>,
      %mul3A_417 = arith.mulf %bitcast3A, %get3A_412 : vector<16xf32>
      %sub3A_418 = arith.subf %mul3A_417, %get3A_414 : vector<16xf32>
      %abs3A_419 = math.absf %sub3A_418 : vector<16xf32>
      %mul3A_420 = arith.mulf %get3A_416, %abs3A_419 : vector<16xf32>
      %add3A_421 = arith.addf %add3A_404, %mul3A_420 : vector<16xf32>
      %mul3A_422 = arith.constant 8 : i32
      %mul3A_423 = arith.muli %scan3A_388, %mul3A_422 : i32
      %add3A_424 = arith.constant 2 : i32
      %add3A_425 = arith.addi %mul3A_423, %add3A_424 : i32
      %mul3A_426 = arith.constant 16 : i32
      %mul3A_427 = arith.muli %add3A_425, %mul3A_426 : i32
      %get3A_428 = arith.index_cast %mul3A_427 : i32 to index
      %get3A_429 = tpu.vector_load %arg7[%get3A_428] {strides = array<i32>} : memref<8192xf32, #tpu.memory_space<vmem>>, vector<16xf32>,
      %get3A_430 = arith.index_cast %mul3A_427 : i32 to index
      %get3A_431 = tpu.vector_load %arg10[%get3A_430] {strides = array<i32>} : memref<8192xf32, #tpu.memory_space<vmem>>, vector<16xf32>,
      %get3A_432 = arith.index_cast %mul3A_427 : i32 to index
      %get3A_433 = tpu.vector_load %arg12[%get3A_432] {strides = array<i32>} : memref<8192xf32, #tpu.memory_space<vmem>>, vector<16xf32>,
      %mul3A_434 = arith.mulf %bitcast3A, %get3A_429 : vector<16xf32>
      %sub3A_435 = arith.subf %mul3A_434, %get3A_431 : vector<16xf32>
      %abs3A_436 = math.absf %sub3A_435 : vector<16xf32>
      %mul3A_437 = arith.mulf %get3A_433, %abs3A_436 : vector<16xf32>
      %add3A_438 = arith.addf %add3A_421, %mul3A_437 : vector<16xf32>
      %mul3A_439 = arith.constant 8 : i32
      %mul3A_440 = arith.muli %scan3A_388, %mul3A_439 : i32
      %add3A_441 = arith.constant 3 : i32
      %add3A_442 = arith.addi %mul3A_440, %add3A_441 : i32
      %mul3A_443 = arith.constant 16 : i32
      %mul3A_444 = arith.muli %add3A_442, %mul3A_443 : i32
      %get3A_445 = arith.index_cast %mul3A_444 : i32 to index
      %get3A_446 = tpu.vector_load %arg7[%get3A_445] {strides = array<i32>} : memref<8192xf32, #tpu.memory_space<vmem>>, vector<16xf32>,
      %get3A_447 = arith.index_cast %mul3A_444 : i32 to index
      %get3A_448 = tpu.vector_load %arg10[%get3A_447] {strides = array<i32>} : memref<8192xf32, #tpu.memory_space<vmem>>, vector<16xf32>,
      %get3A_449 = arith.index_cast %mul3A_444 : i32 to index
      %get3A_450 = tpu.vector_load %arg12[%get3A_449] {strides = array<i32>} : memref<8192xf32, #tpu.memory_space<vmem>>, vector<16xf32>,
      %mul3A_451 = arith.mulf %bitcast3A, %get3A_446 : vector<16xf32>
      %sub3A_452 = arith.subf %mul3A_451, %get3A_448 : vector<16xf32>
      %abs3A_453 = math.absf %sub3A_452 : vector<16xf32>
      %mul3A_454 = arith.mulf %get3A_450, %abs3A_453 : vector<16xf32>
      %add3A_455 = arith.addf %add3A_438, %mul3A_454 : vector<16xf32>
      %mul3A_456 = arith.constant 8 : i32
      %mul3A_457 = arith.muli %scan3A_388, %mul3A_456 : i32
      %add3A_458 = arith.constant 4 : i32
      %add3A_459 = arith.addi %mul3A_457, %add3A_458 : i32
      %mul3A_460 = arith.constant 16 : i32
      %mul3A_461 = arith.muli %add3A_459, %mul3A_460 : i32
      %get3A_462 = arith.index_cast %mul3A_461 : i32 to index
      %get3A_463 = tpu.vector_load %arg7[%get3A_462] {strides = array<i32>} : memref<8192xf32, #tpu.memory_space<vmem>>, vector<16xf32>,
      %get3A_464 = arith.index_cast %mul3A_461 : i32 to index
      %get3A_465 = tpu.vector_load %arg10[%get3A_464] {strides = array<i32>} : memref<8192xf32, #tpu.memory_space<vmem>>, vector<16xf32>,
      %get3A_466 = arith.index_cast %mul3A_461 : i32 to index
      %get3A_467 = tpu.vector_load %arg12[%get3A_466] {strides = array<i32>} : memref<8192xf32, #tpu.memory_space<vmem>>, vector<16xf32>,
      %mul3A_468 = arith.mulf %bitcast3A, %get3A_463 : vector<16xf32>
      %sub3A_469 = arith.subf %mul3A_468, %get3A_465 : vector<16xf32>
      %abs3A_470 = math.absf %sub3A_469 : vector<16xf32>
      %mul3A_471 = arith.mulf %get3A_467, %abs3A_470 : vector<16xf32>
      %add3A_472 = arith.addf %add3A_455, %mul3A_471 : vector<16xf32>
      %mul3A_473 = arith.constant 8 : i32
      %mul3A_474 = arith.muli %scan3A_388, %mul3A_473 : i32
      %add3A_475 = arith.constant 5 : i32
      %add3A_476 = arith.addi %mul3A_474, %add3A_475 : i32
      %mul3A_477 = arith.constant 16 : i32
      %mul3A_478 = arith.muli %add3A_476, %mul3A_477 : i32
      %get3A_479 = arith.index_cast %mul3A_478 : i32 to index
      %get3A_480 = tpu.vector_load %arg7[%get3A_479] {strides = array<i32>} : memref<8192xf32, #tpu.memory_space<vmem>>, vector<16xf32>,
      %get3A_481 = arith.index_cast %mul3A_478 : i32 to index
      %get3A_482 = tpu.vector_load %arg10[%get3A_481] {strides = array<i32>} : memref<8192xf32, #tpu.memory_space<vmem>>, vector<16xf32>,
      %get3A_483 = arith.index_cast %mul3A_478 : i32 to index
      %get3A_484 = tpu.vector_load %arg12[%get3A_483] {strides = array<i32>} : memref<8192xf32, #tpu.memory_space<vmem>>, vector<16xf32>,
      %mul3A_485 = arith.mulf %bitcast3A, %get3A_480 : vector<16xf32>
      %sub3A_486 = arith.subf %mul3A_485, %get3A_482 : vector<16xf32>
      %abs3A_487 = math.absf %sub3A_486 : vector<16xf32>
      %mul3A_488 = arith.mulf %get3A_484, %abs3A_487 : vector<16xf32>
      %add3A_489 = arith.addf %add3A_472, %mul3A_488 : vector<16xf32>
      %mul3A_490 = arith.constant 8 : i32
      %mul3A_491 = arith.muli %scan3A_388, %mul3A_490 : i32
      %add3A_492 = arith.constant 6 : i32
      %add3A_493 = arith.addi %mul3A_491, %add3A_492 : i32
      %mul3A_494 = arith.constant 16 : i32
      %mul3A_495 = arith.muli %add3A_493, %mul3A_494 : i32
      %get3A_496 = arith.index_cast %mul3A_495 : i32 to index
      %get3A_497 = tpu.vector_load %arg7[%get3A_496] {strides = array<i32>} : memref<8192xf32, #tpu.memory_space<vmem>>, vector<16xf32>,
      %get3A_498 = arith.index_cast %mul3A_495 : i32 to index
      %get3A_499 = tpu.vector_load %arg10[%get3A_498] {strides = array<i32>} : memref<8192xf32, #tpu.memory_space<vmem>>, vector<16xf32>,
      %get3A_500 = arith.index_cast %mul3A_495 : i32 to index
      %get3A_501 = tpu.vector_load %arg12[%get3A_500] {strides = array<i32>} : memref<8192xf32, #tpu.memory_space<vmem>>, vector<16xf32>,
      %mul3A_502 = arith.mulf %bitcast3A, %get3A_497 : vector<16xf32>
      %sub3A_503 = arith.subf %mul3A_502, %get3A_499 : vector<16xf32>
      %abs3A_504 = math.absf %sub3A_503 : vector<16xf32>
      %mul3A_505 = arith.mulf %get3A_501, %abs3A_504 : vector<16xf32>
      %add3A_506 = arith.addf %add3A_489, %mul3A_505 : vector<16xf32>
      %mul3A_507 = arith.constant 8 : i32
      %mul3A_508 = arith.muli %scan3A_388, %mul3A_507 : i32
      %add3A_509 = arith.constant 7 : i32
      %add3A_510 = arith.addi %mul3A_508, %add3A_509 : i32
      %mul3A_511 = arith.constant 16 : i32
      %mul3A_512 = arith.muli %add3A_510, %mul3A_511 : i32
      %get3A_513 = arith.index_cast %mul3A_512 : i32 to index
      %get3A_514 = tpu.vector_load %arg7[%get3A_513] {strides = array<i32>} : memref<8192xf32, #tpu.memory_space<vmem>>, vector<16xf32>,
      %get3A_515 = arith.index_cast %mul3A_512 : i32 to index
      %get3A_516 = tpu.vector_load %arg10[%get3A_515] {strides = array<i32>} : memref<8192xf32, #tpu.memory_space<vmem>>, vector<16xf32>,
      %get3A_517 = arith.index_cast %mul3A_512 : i32 to index
      %get3A_518 = tpu.vector_load %arg12[%get3A_517] {strides = array<i32>} : memref<8192xf32, #tpu.memory_space<vmem>>, vector<16xf32>,
      %mul3A_519 = arith.mulf %bitcast3A, %get3A_514 : vector<16xf32>
      %sub3A_520 = arith.subf %mul3A_519, %get3A_516 : vector<16xf32>
      %abs3A_521 = math.absf %sub3A_520 : vector<16xf32>
      %mul3A_522 = arith.mulf %get3A_518, %abs3A_521 : vector<16xf32>
      %add3A_523 = arith.addf %add3A_506, %mul3A_522 : vector<16xf32>
      scf.yield %add3A_523 : vector<16xf32>
    }
    %scan3A_320 = arith.constant 64 : i32
    %scan3A_321 = arith.constant 0 : i32
    %scan3A_322 = arith.constant 64 : i32
    %scan3A_323 = arith.addi %scan3A_321, %scan3A_322 : i32
    %scan3A_324 = arith.constant 1 : i32
    %scan3A_325 = scf.for %scan3A_388 = %scan3A_321 to %scan3A_323 step %scan3A_324 iter_args(%scan3A_389 = %scan3A_319) -> (vector<16xf32>)  : i32 {
      %mul3A_390 = arith.constant 8 : i32
      %mul3A_391 = arith.muli %scan3A_388, %mul3A_390 : i32
      %add3A_392 = arith.constant 0 : i32
      %add3A_393 = arith.addi %mul3A_391, %add3A_392 : i32
      %mul3A_394 = arith.constant 16 : i32
      %mul3A_395 = arith.muli %add3A_393, %mul3A_394 : i32
      %get3A = arith.index_cast %mul3A_395 : i32 to index
      %get3A_396 = tpu.vector_load %arg8[%get3A] {strides = array<i32>} : memref<8192xf32, #tpu.memory_space<vmem>>, vector<16xf32>,
      %get3A_397 = arith.index_cast %mul3A_395 : i32 to index
      %get3A_398 = tpu.vector_load %arg11[%get3A_397] {strides = array<i32>} : memref<8192xf32, #tpu.memory_space<vmem>>, vector<16xf32>,
      %get3A_399 = arith.index_cast %mul3A_395 : i32 to index
      %get3A_400 = tpu.vector_load %arg12[%get3A_399] {strides = array<i32>} : memref<8192xf32, #tpu.memory_space<vmem>>, vector<16xf32>,
      %mul3A_401 = arith.mulf %bitcast3A, %get3A_396 : vector<16xf32>
      %sub3A_402 = arith.subf %mul3A_401, %get3A_398 : vector<16xf32>
      %abs3A = math.absf %sub3A_402 : vector<16xf32>
      %mul3A_403 = arith.mulf %get3A_400, %abs3A : vector<16xf32>
      %add3A_404 = arith.addf %scan3A_389, %mul3A_403 : vector<16xf32>
      %mul3A_405 = arith.constant 8 : i32
      %mul3A_406 = arith.muli %scan3A_388, %mul3A_405 : i32
      %add3A_407 = arith.constant 1 : i32
      %add3A_408 = arith.addi %mul3A_406, %add3A_407 : i32
      %mul3A_409 = arith.constant 16 : i32
      %mul3A_410 = arith.muli %add3A_408, %mul3A_409 : i32
      %get3A_411 = arith.index_cast %mul3A_410 : i32 to index
      %get3A_412 = tpu.vector_load %arg8[%get3A_411] {strides = array<i32>} : memref<8192xf32, #tpu.memory_space<vmem>>, vector<16xf32>,
      %get3A_413 = arith.index_cast %mul3A_410 : i32 to index
      %get3A_414 = tpu.vector_load %arg11[%get3A_413] {strides = array<i32>} : memref<8192xf32, #tpu.memory_space<vmem>>, vector<16xf32>,
      %get3A_415 = arith.index_cast %mul3A_410 : i32 to index
      %get3A_416 = tpu.vector_load %arg12[%get3A_415] {strides = array<i32>} : memref<8192xf32, #tpu.memory_space<vmem>>, vector<16xf32>,
      %mul3A_417 = arith.mulf %bitcast3A, %get3A_412 : vector<16xf32>
      %sub3A_418 = arith.subf %mul3A_417, %get3A_414 : vector<16xf32>
      %abs3A_419 = math.absf %sub3A_418 : vector<16xf32>
      %mul3A_420 = arith.mulf %get3A_416, %abs3A_419 : vector<16xf32>
      %add3A_421 = arith.addf %add3A_404, %mul3A_420 : vector<16xf32>
      %mul3A_422 = arith.constant 8 : i32
      %mul3A_423 = arith.muli %scan3A_388, %mul3A_422 : i32
      %add3A_424 = arith.constant 2 : i32
      %add3A_425 = arith.addi %mul3A_423, %add3A_424 : i32
      %mul3A_426 = arith.constant 16 : i32
      %mul3A_427 = arith.muli %add3A_425, %mul3A_426 : i32
      %get3A_428 = arith.index_cast %mul3A_427 : i32 to index
      %get3A_429 = tpu.vector_load %arg8[%get3A_428] {strides = array<i32>} : memref<8192xf32, #tpu.memory_space<vmem>>, vector<16xf32>,
      %get3A_430 = arith.index_cast %mul3A_427 : i32 to index
      %get3A_431 = tpu.vector_load %arg11[%get3A_430] {strides = array<i32>} : memref<8192xf32, #tpu.memory_space<vmem>>, vector<16xf32>,
      %get3A_432 = arith.index_cast %mul3A_427 : i32 to index
      %get3A_433 = tpu.vector_load %arg12[%get3A_432] {strides = array<i32>} : memref<8192xf32, #tpu.memory_space<vmem>>, vector<16xf32>,
      %mul3A_434 = arith.mulf %bitcast3A, %get3A_429 : vector<16xf32>
      %sub3A_435 = arith.subf %mul3A_434, %get3A_431 : vector<16xf32>
      %abs3A_436 = math.absf %sub3A_435 : vector<16xf32>
      %mul3A_437 = arith.mulf %get3A_433, %abs3A_436 : vector<16xf32>
      %add3A_438 = arith.addf %add3A_421, %mul3A_437 : vector<16xf32>
      %mul3A_439 = arith.constant 8 : i32
      %mul3A_440 = arith.muli %scan3A_388, %mul3A_439 : i32
      %add3A_441 = arith.constant 3 : i32
      %add3A_442 = arith.addi %mul3A_440, %add3A_441 : i32
      %mul3A_443 = arith.constant 16 : i32
      %mul3A_444 = arith.muli %add3A_442, %mul3A_443 : i32
      %get3A_445 = arith.index_cast %mul3A_444 : i32 to index
      %get3A_446 = tpu.vector_load %arg8[%get3A_445] {strides = array<i32>} : memref<8192xf32, #tpu.memory_space<vmem>>, vector<16xf32>,
      %get3A_447 = arith.index_cast %mul3A_444 : i32 to index
      %get3A_448 = tpu.vector_load %arg11[%get3A_447] {strides = array<i32>} : memref<8192xf32, #tpu.memory_space<vmem>>, vector<16xf32>,
      %get3A_449 = arith.index_cast %mul3A_444 : i32 to index
      %get3A_450 = tpu.vector_load %arg12[%get3A_449] {strides = array<i32>} : memref<8192xf32, #tpu.memory_space<vmem>>, vector<16xf32>,
      %mul3A_451 = arith.mulf %bitcast3A, %get3A_446 : vector<16xf32>
      %sub3A_452 = arith.subf %mul3A_451, %get3A_448 : vector<16xf32>
      %abs3A_453 = math.absf %sub3A_452 : vector<16xf32>
      %mul3A_454 = arith.mulf %get3A_450, %abs3A_453 : vector<16xf32>
      %add3A_455 = arith.addf %add3A_438, %mul3A_454 : vector<16xf32>
      %mul3A_456 = arith.constant 8 : i32
      %mul3A_457 = arith.muli %scan3A_388, %mul3A_456 : i32
      %add3A_458 = arith.constant 4 : i32
      %add3A_459 = arith.addi %mul3A_457, %add3A_458 : i32
      %mul3A_460 = arith.constant 16 : i32
      %mul3A_461 = arith.muli %add3A_459, %mul3A_460 : i32
      %get3A_462 = arith.index_cast %mul3A_461 : i32 to index
      %get3A_463 = tpu.vector_load %arg8[%get3A_462] {strides = array<i32>} : memref<8192xf32, #tpu.memory_space<vmem>>, vector<16xf32>,
      %get3A_464 = arith.index_cast %mul3A_461 : i32 to index
      %get3A_465 = tpu.vector_load %arg11[%get3A_464] {strides = array<i32>} : memref<8192xf32, #tpu.memory_space<vmem>>, vector<16xf32>,
      %get3A_466 = arith.index_cast %mul3A_461 : i32 to index
      %get3A_467 = tpu.vector_load %arg12[%get3A_466] {strides = array<i32>} : memref<8192xf32, #tpu.memory_space<vmem>>, vector<16xf32>,
      %mul3A_468 = arith.mulf %bitcast3A, %get3A_463 : vector<16xf32>
      %sub3A_469 = arith.subf %mul3A_468, %get3A_465 : vector<16xf32>
      %abs3A_470 = math.absf %sub3A_469 : vector<16xf32>
      %mul3A_471 = arith.mulf %get3A_467, %abs3A_470 : vector<16xf32>
      %add3A_472 = arith.addf %add3A_455, %mul3A_471 : vector<16xf32>
      %mul3A_473 = arith.constant 8 : i32
      %mul3A_474 = arith.muli %scan3A_388, %mul3A_473 : i32
      %add3A_475 = arith.constant 5 : i32
      %add3A_476 = arith.addi %mul3A_474, %add3A_475 : i32
      %mul3A_477 = arith.constant 16 : i32
      %mul3A_478 = arith.muli %add3A_476, %mul3A_477 : i32
      %get3A_479 = arith.index_cast %mul3A_478 : i32 to index
      %get3A_480 = tpu.vector_load %arg8[%get3A_479] {strides = array<i32>} : memref<8192xf32, #tpu.memory_space<vmem>>, vector<16xf32>,
      %get3A_481 = arith.index_cast %mul3A_478 : i32 to index
      %get3A_482 = tpu.vector_load %arg11[%get3A_481] {strides = array<i32>} : memref<8192xf32, #tpu.memory_space<vmem>>, vector<16xf32>,
      %get3A_483 = arith.index_cast %mul3A_478 : i32 to index
      %get3A_484 = tpu.vector_load %arg12[%get3A_483] {strides = array<i32>} : memref<8192xf32, #tpu.memory_space<vmem>>, vector<16xf32>,
      %mul3A_485 = arith.mulf %bitcast3A, %get3A_480 : vector<16xf32>
      %sub3A_486 = arith.subf %mul3A_485, %get3A_482 : vector<16xf32>
      %abs3A_487 = math.absf %sub3A_486 : vector<16xf32>
      %mul3A_488 = arith.mulf %get3A_484, %abs3A_487 : vector<16xf32>
      %add3A_489 = arith.addf %add3A_472, %mul3A_488 : vector<16xf32>
      %mul3A_490 = arith.constant 8 : i32
      %mul3A_491 = arith.muli %scan3A_388, %mul3A_490 : i32
      %add3A_492 = arith.constant 6 : i32
      %add3A_493 = arith.addi %mul3A_491, %add3A_492 : i32
      %mul3A_494 = arith.constant 16 : i32
      %mul3A_495 = arith.muli %add3A_493, %mul3A_494 : i32
      %get3A_496 = arith.index_cast %mul3A_495 : i32 to index
      %get3A_497 = tpu.vector_load %arg8[%get3A_496] {strides = array<i32>} : memref<8192xf32, #tpu.memory_space<vmem>>, vector<16xf32>,
      %get3A_498 = arith.index_cast %mul3A_495 : i32 to index
      %get3A_499 = tpu.vector_load %arg11[%get3A_498] {strides = array<i32>} : memref<8192xf32, #tpu.memory_space<vmem>>, vector<16xf32>,
      %get3A_500 = arith.index_cast %mul3A_495 : i32 to index
      %get3A_501 = tpu.vector_load %arg12[%get3A_500] {strides = array<i32>} : memref<8192xf32, #tpu.memory_space<vmem>>, vector<16xf32>,
      %mul3A_502 = arith.mulf %bitcast3A, %get3A_497 : vector<16xf32>
      %sub3A_503 = arith.subf %mul3A_502, %get3A_499 : vector<16xf32>
      %abs3A_504 = math.absf %sub3A_503 : vector<16xf32>
      %mul3A_505 = arith.mulf %get3A_501, %abs3A_504 : vector<16xf32>
      %add3A_506 = arith.addf %add3A_489, %mul3A_505 : vector<16xf32>
      %mul3A_507 = arith.constant 8 : i32
      %mul3A_508 = arith.muli %scan3A_388, %mul3A_507 : i32
      %add3A_509 = arith.constant 7 : i32
      %add3A_510 = arith.addi %mul3A_508, %add3A_509 : i32
      %mul3A_511 = arith.constant 16 : i32
      %mul3A_512 = arith.muli %add3A_510, %mul3A_511 : i32
      %get3A_513 = arith.index_cast %mul3A_512 : i32 to index
      %get3A_514 = tpu.vector_load %arg8[%get3A_513] {strides = array<i32>} : memref<8192xf32, #tpu.memory_space<vmem>>, vector<16xf32>,
      %get3A_515 = arith.index_cast %mul3A_512 : i32 to index
      %get3A_516 = tpu.vector_load %arg11[%get3A_515] {strides = array<i32>} : memref<8192xf32, #tpu.memory_space<vmem>>, vector<16xf32>,
      %get3A_517 = arith.index_cast %mul3A_512 : i32 to index
      %get3A_518 = tpu.vector_load %arg12[%get3A_517] {strides = array<i32>} : memref<8192xf32, #tpu.memory_space<vmem>>, vector<16xf32>,
      %mul3A_519 = arith.mulf %bitcast3A, %get3A_514 : vector<16xf32>
      %sub3A_520 = arith.subf %mul3A_519, %get3A_516 : vector<16xf32>
      %abs3A_521 = math.absf %sub3A_520 : vector<16xf32>
      %mul3A_522 = arith.mulf %get3A_518, %abs3A_521 : vector<16xf32>
      %add3A_523 = arith.addf %add3A_506, %mul3A_522 : vector<16xf32>
      scf.yield %add3A_523 : vector<16xf32>
    }
    %scan3A_326 = arith.constant 64 : i32
    %scan3A_327 = arith.constant 0 : i32
    %scan3A_328 = arith.constant 512 : i32
    %scan3A_329 = arith.addi %scan3A_327, %scan3A_328 : i32
    %scan3A_330 = arith.constant 1 : i32
    %scan3A_331 = scf.for %scan3A_388 = %scan3A_327 to %scan3A_329 step %scan3A_330 iter_args(%scan3A_389 = %broadcast_in_dim3A_128) -> (vector<16xf32>)  : i32 {
      %mul3A_390 = arith.constant 16 : i32
      %mul3A_391 = arith.muli %scan3A_388, %mul3A_390 : i32
      %get3A = arith.index_cast %mul3A_391 : i32 to index
      %get3A_392 = tpu.vector_load %arg12[%get3A] {strides = array<i32>} : memref<8192xf32, #tpu.memory_space<vmem>>, vector<16xf32>,
      %add3A_393 = arith.addf %scan3A_389, %get3A_392 : vector<16xf32>
      scf.yield %add3A_393 : vector<16xf32>
    }
    %scan3A_332 = arith.constant 512 : i32
    %reduce_sum3A_333 = arith.constant true
    %reduce_sum3A_334 = vector.broadcast %reduce_sum3A_333 : i1 to vector<16xi1>
    %reduce_sum3A_335 = tpu.scan <sum>, %scan3A_325 masked %reduce_sum3A_334 : vector<16xf32>, vector<16xi1> -> vector<16xf32>
    %reduce_sum3A_336 = vector.extract %reduce_sum3A_335[15] : f32 from vector<16xf32>
    %reduce_sum3A_337 = arith.constant true
    %reduce_sum3A_338 = vector.broadcast %reduce_sum3A_337 : i1 to vector<16xi1>
    %reduce_sum3A_339 = tpu.scan <sum>, %scan3A_331 masked %reduce_sum3A_338 : vector<16xf32>, vector<16xi1> -> vector<16xf32>
    %reduce_sum3A_340 = vector.extract %reduce_sum3A_339[15] : f32 from vector<16xf32>
    %eq3A_341 = arith.constant 0 : i32
    %eq3A_342 = vector.broadcast %eq3A_341 : i32 to vector<16xi32>
    %eq3A_343 = arith.cmpi eq, %iota3A, %eq3A_342 : vector<16xi32>
    %eq3A_344 = arith.constant 1 : i32
    %eq3A_345 = vector.broadcast %eq3A_344 : i32 to vector<16xi32>
    %eq3A_346 = arith.cmpi eq, %iota3A, %eq3A_345 : vector<16xi32>
    %jit3A_347 = arith.constant 0.000000e+00 : f32
    %broadcast_in_dim3A_348 = vector.broadcast %reduce_sum3A_340 : f32 to vector<16xf32>
    %broadcast_in_dim3A_349 = vector.broadcast %jit3A_347 : f32 to vector<16xf32>
    %select_n3A_350 = arith.select %eq3A_346, %broadcast_in_dim3A_348, %broadcast_in_dim3A_349 : vector<16xi1>, vector<16xf32>
    %broadcast_in_dim3A_351 = vector.broadcast %reduce_sum3A_336 : f32 to vector<16xf32>
    %select_n3A_352 = arith.select %eq3A_343, %broadcast_in_dim3A_351, %select_n3A_350 : vector<16xi1>, vector<16xf32>
    %swap3A_353 = arith.constant 0 : index
    %swap3A_354 = tpu.vector_load %arg15[%swap3A_353] {strides = array<i32>} : memref<16xf32, #tpu.memory_space<vmem>>, vector<16xf32>,
    tpu.vector_store %arg15[%swap3A_353], %select_n3A_352 {strides = array<i32>} : memref<16xf32, #tpu.memory_space<vmem>>, vector<16xf32>,
    %barrier3A_355 = arith.constant 0 : index
    tpu.barrier barrier_id(%barrier3A_355)
    %mul3A_356 = arith.constant 16 : i32
    %mul3A_357 = arith.muli %select_n3A_28, %mul3A_356 : i32
    "tpu.region"() ({
      %run_scoped3A = tpu.sem_alloc : memref<!tpu.dma_semaphore, #tpu.memory_space<semaphore_mem>>
      %dma_start3A_388 = tpu.memref_slice %arg18[%select_n3A, %mul3A_357] : memref<2x128xf32, #tpu.memory_space<vmem_shared>> -> memref<1x16xf32, #tpu.memory_space<vmem_shared>>
      %dma_start3A_389 = tpu.memref_squeeze %dma_start3A_388 : memref<1x16xf32, #tpu.memory_space<vmem_shared>> -> memref<16xf32, #tpu.memory_space<vmem_shared>>
      %dma_start3A_390 = tpu.memref_slice %arg18[%select_n3A, %mul3A_357] : memref<2x128xf32, #tpu.memory_space<vmem_shared>> -> memref<1x16xf32, #tpu.memory_space<vmem_shared>>
      %dma_start3A_391 = tpu.memref_squeeze %dma_start3A_390 : memref<1x16xf32, #tpu.memory_space<vmem_shared>> -> memref<16xf32, #tpu.memory_space<vmem_shared>>
      tpu.enqueue_dma source(%arg15 : memref<16xf32, #tpu.memory_space<vmem>>) target(%dma_start3A_391 : memref<16xf32, #tpu.memory_space<vmem_shared>>) target_semaphore(%run_scoped3A : memref<!tpu.dma_semaphore, #tpu.memory_space<semaphore_mem>>)
      %dma_wait3A_392 = tpu.memref_slice %arg18[%select_n3A, %mul3A_357] : memref<2x128xf32, #tpu.memory_space<vmem_shared>> -> memref<1x16xf32, #tpu.memory_space<vmem_shared>>
      %dma_wait3A_393 = tpu.memref_squeeze %dma_wait3A_392 : memref<1x16xf32, #tpu.memory_space<vmem_shared>> -> memref<16xf32, #tpu.memory_space<vmem_shared>>
      %dma_wait3A_394 = tpu.memref_slice %arg18[%select_n3A, %mul3A_357] : memref<2x128xf32, #tpu.memory_space<vmem_shared>> -> memref<1x16xf32, #tpu.memory_space<vmem_shared>>
      %dma_wait3A_395 = tpu.memref_squeeze %dma_wait3A_394 : memref<1x16xf32, #tpu.memory_space<vmem_shared>> -> memref<16xf32, #tpu.memory_space<vmem_shared>>
      tpu.wait_dma2 semaphore(%run_scoped3A : memref<!tpu.dma_semaphore, #tpu.memory_space<semaphore_mem>>) src(%arg15 : memref<16xf32, #tpu.memory_space<vmem>>) dst(%dma_wait3A_395 : memref<16xf32, #tpu.memory_space<vmem_shared>>)
      tpu.yield
    }) : () -> ()
    %barrier3A_358 = arith.constant 0 : index
    tpu.barrier barrier_id(%barrier3A_358)
    "tpu.region"() ({
      %run_scoped3A = tpu.sem_alloc : memref<!tpu.dma_semaphore, #tpu.memory_space<semaphore_mem>>
      %dma_start3A_388 = arith.constant 0 : i32
      %dma_start3A_389 = tpu.memref_slice %arg18[%select_n3A, %dma_start3A_388] : memref<2x128xf32, #tpu.memory_space<vmem_shared>> -> memref<1x128xf32, #tpu.memory_space<vmem_shared>>
      %dma_start3A_390 = tpu.memref_squeeze %dma_start3A_389 : memref<1x128xf32, #tpu.memory_space<vmem_shared>> -> memref<128xf32, #tpu.memory_space<vmem_shared>>
      %dma_start3A_391 = arith.constant 0 : i32
      %dma_start3A_392 = tpu.memref_slice %arg18[%select_n3A, %dma_start3A_391] : memref<2x128xf32, #tpu.memory_space<vmem_shared>> -> memref<1x128xf32, #tpu.memory_space<vmem_shared>>
      %dma_start3A_393 = tpu.memref_squeeze %dma_start3A_392 : memref<1x128xf32, #tpu.memory_space<vmem_shared>> -> memref<128xf32, #tpu.memory_space<vmem_shared>>
      tpu.enqueue_dma source(%dma_start3A_393 : memref<128xf32, #tpu.memory_space<vmem_shared>>) target(%arg16 : memref<128xf32, #tpu.memory_space<vmem>>) target_semaphore(%run_scoped3A : memref<!tpu.dma_semaphore, #tpu.memory_space<semaphore_mem>>)
      %dma_wait3A_394 = arith.constant 0 : i32
      %dma_wait3A_395 = tpu.memref_slice %arg18[%select_n3A, %dma_wait3A_394] : memref<2x128xf32, #tpu.memory_space<vmem_shared>> -> memref<1x128xf32, #tpu.memory_space<vmem_shared>>
      %dma_wait3A_396 = tpu.memref_squeeze %dma_wait3A_395 : memref<1x128xf32, #tpu.memory_space<vmem_shared>> -> memref<128xf32, #tpu.memory_space<vmem_shared>>
      %dma_wait3A_397 = arith.constant 0 : i32
      %dma_wait3A_398 = tpu.memref_slice %arg18[%select_n3A, %dma_wait3A_397] : memref<2x128xf32, #tpu.memory_space<vmem_shared>> -> memref<1x128xf32, #tpu.memory_space<vmem_shared>>
      %dma_wait3A_399 = tpu.memref_squeeze %dma_wait3A_398 : memref<1x128xf32, #tpu.memory_space<vmem_shared>> -> memref<128xf32, #tpu.memory_space<vmem_shared>>
      tpu.wait_dma2 semaphore(%run_scoped3A : memref<!tpu.dma_semaphore, #tpu.memory_space<semaphore_mem>>) src(%dma_wait3A_399 : memref<128xf32, #tpu.memory_space<vmem_shared>>) dst(%arg16 : memref<128xf32, #tpu.memory_space<vmem>>)
      tpu.yield
    }) : () -> ()
    %scan3A_359 = arith.constant 0 : i32
    %scan3A_360 = arith.constant 8 : i32
    %scan3A_361 = arith.addi %scan3A_359, %scan3A_360 : i32
    %scan3A_362 = arith.constant 1 : i32
    %scan3A_363 = scf.for %scan3A_388 = %scan3A_359 to %scan3A_361 step %scan3A_362 iter_args(%scan3A_389 = %broadcast_in_dim3A_128) -> (vector<16xf32>)  : i32 {
      %mul3A_390 = arith.constant 16 : i32
      %mul3A_391 = arith.muli %scan3A_388, %mul3A_390 : i32
      %get3A = arith.index_cast %mul3A_391 : i32 to index
      %get3A_392 = tpu.vector_load %arg16[%get3A] {strides = array<i32>} : memref<128xf32, #tpu.memory_space<vmem>>, vector<16xf32>,
      %add3A_393 = arith.addf %scan3A_389, %get3A_392 : vector<16xf32>
      scf.yield %add3A_393 : vector<16xf32>
    }
    %scan3A_364 = arith.constant 8 : i32
    %eq3A_365 = arith.constant 0 : i32
    %eq3A_366 = vector.broadcast %eq3A_365 : i32 to vector<16xi32>
    %eq3A_367 = arith.cmpi eq, %iota3A, %eq3A_366 : vector<16xi32>
    %jit3A_368 = arith.constant 0.000000e+00 : f32
    %broadcast_in_dim3A_369 = vector.broadcast %jit3A_368 : f32 to vector<16xf32>
    %select_n3A_370 = arith.select %eq3A_367, %scan3A_363, %broadcast_in_dim3A_369 : vector<16xi1>, vector<16xf32>
    %reduce_sum3A_371 = arith.constant true
    %reduce_sum3A_372 = vector.broadcast %reduce_sum3A_371 : i1 to vector<16xi1>
    %reduce_sum3A_373 = tpu.scan <sum>, %select_n3A_370 masked %reduce_sum3A_372 : vector<16xf32>, vector<16xi1> -> vector<16xf32>
    %reduce_sum3A_374 = vector.extract %reduce_sum3A_373[15] : f32 from vector<16xf32>
    %eq3A_375 = arith.constant 1 : i32
    %eq3A_376 = vector.broadcast %eq3A_375 : i32 to vector<16xi32>
    %eq3A_377 = arith.cmpi eq, %iota3A, %eq3A_376 : vector<16xi32>
    %jit3A_378 = arith.constant 0.000000e+00 : f32
    %broadcast_in_dim3A_379 = vector.broadcast %jit3A_378 : f32 to vector<16xf32>
    %select_n3A_380 = arith.select %eq3A_377, %scan3A_363, %broadcast_in_dim3A_379 : vector<16xi1>, vector<16xf32>
    %reduce_sum3A_381 = arith.constant true
    %reduce_sum3A_382 = vector.broadcast %reduce_sum3A_381 : i1 to vector<16xi1>
    %reduce_sum3A_383 = tpu.scan <sum>, %select_n3A_380 masked %reduce_sum3A_382 : vector<16xf32>, vector<16xi1> -> vector<16xf32>
    %reduce_sum3A_384 = vector.extract %reduce_sum3A_383[15] : f32 from vector<16xf32>
    %eq3A_385 = arith.constant 0 : i32
    %eq3A_386 = arith.cmpi eq, %select_n3A_28, %eq3A_385 : i32
    %convert_element_type3A = arith.extui %eq3A_386 : i1 to i32
    %cond3A = arith.constant 0 : i32
    %cond3A_387 = arith.cmpi ne, %convert_element_type3A, %cond3A : i32
    scf.if %cond3A_387 {
      %eq3A_388 = arith.constant 0 : i32
      %eq3A_389 = vector.broadcast %eq3A_388 : i32 to vector<16xi32>
      %eq3A_390 = arith.cmpi eq, %iota3A, %eq3A_389 : vector<16xi32>
      %eq3A_391 = arith.constant 1 : i32
      %eq3A_392 = vector.broadcast %eq3A_391 : i32 to vector<16xi32>
      %eq3A_393 = arith.cmpi eq, %iota3A, %eq3A_392 : vector<16xi32>
      %jit3A_394 = arith.constant 0.000000e+00 : f32
      %broadcast_in_dim3A_395 = vector.broadcast %reduce_sum3A_384 : f32 to vector<16xf32>
      %broadcast_in_dim3A_396 = vector.broadcast %jit3A_394 : f32 to vector<16xf32>
      %select_n3A_397 = arith.select %eq3A_393, %broadcast_in_dim3A_395, %broadcast_in_dim3A_396 : vector<16xi1>, vector<16xf32>
      %broadcast_in_dim3A_398 = vector.broadcast %reduce_sum3A_374 : f32 to vector<16xf32>
      %select_n3A_399 = arith.select %eq3A_390, %broadcast_in_dim3A_398, %select_n3A_397 : vector<16xi1>, vector<16xf32>
      %swap3A_400 = arith.constant 0 : index
      %swap3A_401 = tpu.vector_load %arg17[%swap3A_400] {strides = array<i32>} : memref<16xf32, #tpu.memory_space<vmem>>, vector<16xf32>,
      tpu.vector_store %arg17[%swap3A_400], %select_n3A_399 {strides = array<i32>} : memref<16xf32, #tpu.memory_space<vmem>>, vector<16xf32>,
      %mul3A_402 = arith.constant 16 : i32
      %mul3A_403 = arith.muli %add3A_30, %mul3A_402 : i32
      "tpu.region"() ({
        %run_scoped3A = tpu.sem_alloc : memref<!tpu.dma_semaphore, #tpu.memory_space<semaphore_mem>>
        %dma_start3A_404 = tpu.memref_slice %arg5[%mul3A_403] : memref<64xf32, #tpu.memory_space<hbm>> -> memref<16xf32, #tpu.memory_space<hbm>>
        %dma_start3A_405 = tpu.memref_slice %arg5[%mul3A_403] : memref<64xf32, #tpu.memory_space<hbm>> -> memref<16xf32, #tpu.memory_space<hbm>>
        tpu.enqueue_dma source(%arg17 : memref<16xf32, #tpu.memory_space<vmem>>) target(%dma_start3A_405 : memref<16xf32, #tpu.memory_space<hbm>>) target_semaphore(%run_scoped3A : memref<!tpu.dma_semaphore, #tpu.memory_space<semaphore_mem>>)
        %dma_wait3A_406 = tpu.memref_slice %arg5[%mul3A_403] : memref<64xf32, #tpu.memory_space<hbm>> -> memref<16xf32, #tpu.memory_space<hbm>>
        %dma_wait3A_407 = tpu.memref_slice %arg5[%mul3A_403] : memref<64xf32, #tpu.memory_space<hbm>> -> memref<16xf32, #tpu.memory_space<hbm>>
        tpu.wait_dma2 semaphore(%run_scoped3A : memref<!tpu.dma_semaphore, #tpu.memory_space<semaphore_mem>>) src(%arg17 : memref<16xf32, #tpu.memory_space<vmem>>) dst(%dma_wait3A_407 : memref<16xf32, #tpu.memory_space<hbm>>)
        tpu.yield
      }) : () -> ()
    } else {
    }
    return
  }
}

</mosaic_0001>

<sc_bundles>
// kernel: kernel.3.cloned.1.call-start
scs
__scs_entry_jumppad:
0x0: {  	(pc) =	sbr.rel $0x88, $3  }
0x1: {  	(tag) =	ssettag $0x0;
	lr =	simm.s32 $0x1  }
0x2: {  	[smem:$0x3F9E] =	sst lr;
	_ =	strace $0xD0000000  }
0x3: {  	_ = 	snop  }
0x4: {  	_ = 	snop  }
0x5: {  	_ = 	snop  }
0x6: {  	_ = 	snop  }
0x7: {  	_ = 	snop  }
__scs_overlays_trampoline_lowered:
0x8: {  	[smem:$0x3FAD] =	sst s0  }
0x9: {  	[smem:$0x3FAE] =	sst s1  }
0xa: {  	[smem:$0x3FAF] =	sst s2  }
0xb: {  	[smem:$0x3FB0] =	sst s3  }
0xc: {  	[smem:$0x3FB1] =	sst s4  }
0xd: {  	[smem:$0x3FB2] =	sst s5  }
0xe: {  	[smem:$0x3FB3] =	sst s6  }
0xf: {  	[smem:$0x3FB4] =	sst s7  }
0x10: {  	[smem:$0x3FB5] =	sst s8  }
0x11: {  	[smem:$0x3FB6] =	sst s9;
	s0 =	simm.s32 @!p0 $0x0  }
0x12: {  	s1 =	sld [smem:$0x3F9C];
	s0 =	simm.s32 @p0 $0x1  }
0x13: {  	[smem:$0x3FB7] =	sst s0;
	s0 =	simm.s32 @!p1 $0x0  }
0x14: {  	s2 =	sld [smem:$0x3F9B];
	s0 =	simm.s32 @p1 $0x1  }
0x15: {  	[smem:$0x3FB8] =	sst s0;
	s0 =	simm.s32 @!p2 $0x0  }
0x16: {  	s3 =	sld [smem:$0x3FDB];
	s0 =	simm.s32 @p2 $0x1  }
0x17: {  	s4 =	simm.s32 $0x1BF5;
	[smem:$0x3FBA] =	sst s0  }
0x18: {  	s0 =	sld [smem:$0x3F9D];
	_ =	swait.ge [sflag:s4], $0x0  }
0x19: {  	s7 =	sld [smem:$0x3F9E]  }
0x1a: {  	s8 =	sadd.s32 $0xFFFFE003, lr  }
0x1b: {  	s9 =	sadd.s32 $0xFFFFFEF7, lr;
	s5 =	simm.s32 $0xFFFFFFFF;
	p2 =	slt.u32 s8, $0xFFFFF086  }
0x1c: {  	p1 =	slt.u32 s9, $0xF7A;
	s5 =	simm.s32 @!p2 $0x0  }
0x1d: {  	s5 =	simm.s32 @p1 $0x1;
	p0 =	seq.s32 s7, s2  }
0x1e: {  	s7 =	smul.u32 @!p0 $0xF7A, s2;
	p2 =	seq.s32 @!p0 s5, $0x0  }
0x1f: {  	s9 =	smul.u32 $0xF7A, s1;
	s8 =	simm.s32 @!p0 $0x1BF5;
	p2 =	por !p2, p0  }
0x20: {  	[sflag:s8] =	ssyncset.s32 @!p0 $0xFFFFF086;
	s6 =	sadd.s32 @!p0 s3, s7;
	s7 =	simm.s32 @!p0 $0x108  }
0x21: {  	s3 =	sadd.s32 s3, s9;
	s6 =	sadd.s32 @!p0 $0x88, s6;
	s7 =	simm.s32 @p2 $0x1082  }
0x22: {  	[simem:s7], [sflag:s8] =	dma.local @!p0 [hbm:s6], $0xF7A  }
0x23: {  	s9 =	sor.u32 $0xD0000000, s2;
	s6 =	simm.s32 $0x108;
	_ =	swait.ge @!p0 [sflag:s8], $0x0  }
0x24: {  	s3 =	sadd.s32 $0x88, s3;
	s6 =	simm.s32 @!p1 $0x1082;
	[sflag:s4] =	ssyncset.s32 $0xFFFFF086  }
0x25: {  	[simem:s6], [sflag:s4] =	dma.local [hbm:s3], $0xF7A  }
0x26: {  	[smem:$0x3F9E] =	sst s1;
	(tag) =	ssettag s2;
	_ =	strace s9  }
0x27: {  	s1 =	sld [smem:$0x3FAE]  }
0x28: {  	s2 =	sld [smem:$0x3FAF]  }
0x29: {  	s4 =	sld [smem:$0x3FB1]  }
0x2a: {  	p0 =	seq.s32 s5, $0x0;
	s5 =	sld [smem:$0x3FB2]  }
0x2b: {  	s6 =	sld [smem:$0x3FB3]  }
0x2c: {  	s7 =	sld [smem:$0x3FB4]  }
0x2d: {  	s3 =	simm.s32 $0x108;
	s8 =	sld [smem:$0x3FB5]  }
0x2e: {  	s3 =	simm.s32 @!p0 $0x1082;
	s9 =	sld [smem:$0x3FB6]  }
0x2f: {  	lr =	sadd.s32 s0, s3;
	s0 =	sld [smem:$0x3FAD]  }
0x30: {  	s3 =	sld [smem:$0x3FB0]  }
0x31: {  	[smem:$0x3FB9] =	sst s10  }
0x32: {  	s10 =	sld [smem:$0x3FB7];
	_ =	sdelay $0x3  }
0x33: {  	p0 =	seq.s32 s10, $0x1;
	s10 =	sld [smem:$0x3FB9];
	_ =	sdelay $0x3  }
0x34: {  	[smem:$0x3FB9] =	sst s10  }
0x35: {  	s10 =	sld [smem:$0x3FB8];
	_ =	sdelay $0x3  }
0x36: {  	p1 =	seq.s32 s10, $0x1;
	s10 =	sld [smem:$0x3FB9];
	_ =	sdelay $0x3  }
0x37: {  	[smem:$0x3FB9] =	sst s10  }
0x38: {  	s10 =	sld [smem:$0x3FBA]  }
0x39: {  	_ = 	snop;
	(pc) =	sbr.ind lr, $3  }
0x3a: {  	_ = 	snop  }
0x3b: {  	_ = 	snop  }
0x3c: {  	p2 =	seq.s32 s10, $0x1;
	s10 =	sld [smem:$0x3FB9]  }
0x3d: {  	_ =	shalt  }
0x3e: {  	_ =	shalt  }
0x3f: {  	_ =	shalt  }
0x40: {  	_ =	shalt  }
0x41: {  	_ =	shalt  }
0x42: {  	_ =	shalt  }
0x43: {  	_ =	shalt  }
0x44: {  	_ =	shalt  }
0x45: {  	_ =	shalt  }
0x46: {  	_ =	shalt  }
0x47: {  	_ =	shalt  }
0x48: {  	_ =	shalt  }
0x49: {  	_ =	shalt  }
0x4a: {  	_ =	shalt  }
0x4b: {  	_ =	shalt  }
0x4c: {  	_ =	shalt  }
0x4d: {  	_ =	shalt  }
0x4e: {  	_ =	shalt  }
0x4f: {  	_ =	shalt  }
0x50: {  	_ =	shalt  }
0x51: {  	_ =	shalt  }
0x52: {  	_ =	shalt  }
0x53: {  	_ =	shalt  }
0x54: {  	_ =	shalt  }
0x55: {  	_ =	shalt  }
0x56: {  	_ =	shalt  }
0x57: {  	_ =	shalt  }
0x58: {  	_ =	shalt  }
0x59: {  	_ =	shalt  }
0x5a: {  	_ =	shalt  }
0x5b: {  	_ =	shalt  }
0x5c: {  	_ =	shalt  }
0x5d: {  	_ =	shalt  }
0x5e: {  	_ =	shalt  }
0x5f: {  	_ =	shalt  }
0x60: {  	_ =	shalt  }
0x61: {  	_ =	shalt  }
0x62: {  	_ =	shalt  }
0x63: {  	_ =	shalt  }
0x64: {  	_ =	shalt  }
0x65: {  	_ =	shalt  }
0x66: {  	_ =	shalt  }
0x67: {  	_ =	shalt  }
0x68: {  	_ =	shalt  }
0x69: {  	_ =	shalt  }
0x6a: {  	_ =	shalt  }
0x6b: {  	_ =	shalt  }
0x6c: {  	_ =	shalt  }
0x6d: {  	_ =	shalt  }
0x6e: {  	_ =	shalt  }
0x6f: {  	_ =	shalt  }
0x70: {  	_ =	shalt  }
0x71: {  	_ =	shalt  }
0x72: {  	_ =	shalt  }
0x73: {  	_ =	shalt  }
0x74: {  	_ =	shalt  }
0x75: {  	_ =	shalt  }
0x76: {  	_ =	shalt  }
0x77: {  	_ =	shalt  }
0x78: {  	_ =	shalt  }
0x79: {  	_ =	shalt  }
0x7a: {  	_ =	shalt  }
0x7b: {  	_ =	shalt  }
0x7c: {  	_ =	shalt  }
0x7d: {  	_ =	shalt  }
0x7e: {  	_ =	shalt  }
0x7f: {  	_ =	shalt  }
0x80: {  	_ =	shalt  }
0x81: {  	_ =	shalt  }
0x82: {  	_ =	shalt  }
0x83: {  	_ =	shalt  }
0x84: {  	_ =	shalt  }
0x85: {  	_ =	shalt  }
0x86: {  	_ =	shalt  }
0x87: {  	_ =	shalt  }
.Lfunc_end0:
.L_simem_size_0:
called_computation_lowered:
.L_overlay_start_0:
0x88: {  	s2 =	sld [smem:$0x3FD9]  }
0x89: {  	s3 =	sld [smem:$0x3FFE];
	_ =	sdelay $0x1  }
0x8a: {  	s1 =	srdreg.scid  }
0x8b: {  	s0 =	sand.u32 $0x1, s1  }
0x8c: {  	s17 =	sshll.u32 s0, $0xA;
	s2 =	sadd.s32 s3, s2  }
0x8d: {  	s2 =	sadd.s32 s2, s17  }
0x8e: {  	[smem:$0x3FC5] =	sst s2  }
0x8f: {  	_ = 	snop  }
0x90: {  	s2 =	sld [smem:$0x3FC7]  }
0x91: {  	s18 =	sld [smem:$0x3FD0];
	(tm) =	ssettm $0x1  }
0x92: {  	s4 =	sld [smem:$0x3FFB];
	_ =	sdelay $0x3  }
0x93: {  	_ =	strace s4  }
0x94: {  	s4 =	sld [smem:$0x3FFC];
	_ =	sdelay $0x3  }
0x95: {  	_ =	strace s4  }
0x96: {  	s4 =	sld [smem:$0x3FFD];
	_ =	sdelay $0x3  }
0x97: {  	_ =	strace s4  }
0x98: {  	_ =	strace $0x8FFFFFFF  }
0x99: {  	s19 =	sld [smem:$0x3FDB];
	_ =	sdelay $0x1  }
0x9a: {  	s5 =	simm.s32 $_scs_section_size  }
0x9b: {  	s6 =	simm.s32 $_size__tile_overlayer_lowered;
	s7 =	simm.s32 $_tile_overlayer_lowered  }
0x9c: {  	s22 =	simm.s32 $0x1BFF;
	s21 =	sshll.u32 s7, $0x1;
	s4 =	sadd.s32 s5, s19  }
0x9d: {  	s8 =	simm.s32 $0x0;
	s20 =	sshll.u32 s6, $0x1;
	s6 =	sadd.s32 s21, s4  }
0x9e: {  	[timem:s8], [sflag:s22] =	dma.local [hbm:s6], s20  }
0x9f: {  	_ =	swait.ge [sflag:s22], s20  }
0xa0: {  	s5 =	ssub.s32 $0x0, s20;
	[sflag:s22] =	ssyncset.done $0x0  }
0xa1: {  	[sflag:s22] =	ssyncadd.s32 s5;
	_ =	sdelay $0x1  }
0xa2: {  	s23 =	simm.s32 $0x1B8B  }
0xa3: {  	_ =	swait.ge [sflag:s23], $0x1  }
0xa4: {  	[sflag:s23] =	ssyncset.done $0x0  }
0xa5: {  	s25 =	simm.s32 $0x1B8E;
	s24 =	sld [smem:$0x3FFE];
	[sflag:s23] =	ssyncadd.s32 $0xFFFFFFFF  }
0xa6: {  	s26 =	simm.s32 $execute0_lowered;
	[smem:$0x3FD2] =	sst s25  }
0xa7: {  	s6 =	sshll.u32 s26, $0x1;
	_ =	strace $0x80000046;
	[dreg:$0x1] =	wrdreg $0xFFFFFFFF  }
0xa8: {  	s28 =	simm.s32 $_size_execute0_lowered;
	s4 =	sadd.s32 s4, s6;
	[dreg:$0x0] =	wrdreg $0x0  }
0xa9: {  	s6 =	sshll.u32 s28, $0x1;
	[dreg:$0x2] =	wrdreg s4  }
0xaa: {  	[dreg:$0x3] =	wrdreg s6  }
0xab: {  	[dreg:$0x4] =	wrdreg $0xC0  }
0xac: {  	_ =	task [dreg:s8], $0x5FFFF  }
0xad: {  	[dreg:$0x1] =	wrdreg $0xFFFFFFFF  }
0xae: {  	[dreg:$0x0] =	wrdreg $0x60  }
0xaf: {  	[dreg:$0x2] =	wrdreg s24  }
0xb0: {  	[dreg:$0x3] =	wrdreg s2  }
0xb1: {  	[dreg:$0x4] =	wrdreg s18  }
0xb2: {  	[dreg:$0x5] =	wrdreg $0x1A2800  }
0xb3: {  	[dreg:$0x6] =	wrdreg $0x9  }
0xb4: {  	_ =	task.clear_ibuf [dreg:s8], $0x7FFFF;
	_ =	strace $0x90000046  }
0xb5: {  	s29 =	simm.s32 $0x9;
	_ =	strace $0x80000048  }
0xb6: {  	_ =	swait.ge [sflag:s29], $0x1  }
0xb7: {  	[sflag:s29] =	ssyncadd.s32 $0xFFFFFFFF  }
0xb8: {  	_ =	strace $0x90000048  }
0xb9: {  	_ =	sfence  }
0xba: {  	s30 =	sld [smem:$0x0];
	_ =	sdelay $0x2  }
0xbb: {  	s31 =	sshll.u32 s1, $0xD;
	s1 =	sshrl.u32 s1, $0x2  }
0xbc: {  	s3 =	sand.u32 $0x4000, s31;
	s1 =	sadd.s32 s1, s30  }
0xbd: {  	s0 =	sor.u32 s3, s0;
	s1 =	sshll.u32 s1, $0x11  }
0xbe: {  	s0 =	sor.u32 s1, s0  }
0xbf: {  	s0 =	sadd.s32 $0x8F2B, s0  }
0xc0: {  	[sflag:s0] =	ssyncadd.remote.s32 $0x1  }
0xc1: {  	_ =	sfence.sel $0xFFFF  }
0xc2: {  	[dreg:$0x0] =	wrdreg $0xFFFFFFFF;
	(pc) =	sbr.abs _section_cstart, $3  }
0xc3: {  	[dreg:$0x1] =	wrdreg $0xFFFFFFFF  }
0xc4: {  	_ =	task.clear_ibuf [dreg:s8], $0x2FFFF;
	_ =	strace $0x9FFFFFFF  }
0xc5: {  	(tm) =	ssettm $0x7FFFFFFF  }
tec
execute0_lowered:
.L_overlay_start_1:
0x0: {  	(tag) =	ssettag $0x1  }
0x1: {  	s0 =	rddreg [dreg:$0x0]  }
0x2: {  	s1 =	rddreg [dreg:$0x1]  }
0x3: {  	s2 =	srdreg.scid;
	s12 =	rddreg [dreg:$0x2]  }
0x4: {  	s6 =	stileid.u32;
	s9 =	rddreg [dreg:$0x3]  }
0x5: {  	s28 =	simm.s32 $0x40000000;
	s29 =	simm.s32 $0x800000;
	s30 =	simm.s32 $0x0  }
0x6: {  	s3 =	sand.u32 $0x1, s2;
	s10 =	sshrl.u32 s6, $0x3;
	s2 =	simm.s32 $0x0  }
0x7: {  	s7 =	sadd.s32 $0x200, s0;
	s0 =	sadd.s32 $0x20200, s0;
	s16 =	sand.u32 $0x7, s6  }
0x8: {  	s4 =	sshll.u32 s3, $0x1;
	[smem:$0x7FF] =	sst s2;
	s3 =	ssub.s32 $0x2, s3  }
0x9: {  	s8 =	sshll.u32 s16, $0x10;
	s24 =	sshll.u32 s16, $0xC;
	s26 =	sshll.u32 s10, $0x7  }
0xa: {  	s31 =	sshll.u32 s16, $0x4;
	p0 =	sne.s32 s16, $0x0;
	s11 =	sor.u32 s10, s4  }
0xb: {  	_ =	strace $0x80000047;
	s18 =	sshrl.u32 s3, $0x1;
	s4 =	smul.u32 $0x30000, s11  }
0xc: {  	s9 =	sadd.s32 s26, s9;
	s26 =	simm.s32 $0x1A180;
	s5 =	smul.u32 $0x180, s11  }
0xd: {  	s17 =	smul.u32 $0x3, s11;
	s13 =	ssub.s32 s3, s18;
	s15 =	sshll.u32 s11, $0x1  }
0xe: {  	s25 =	sshll.u32 s11, $0x4;
	s11 =	sadd.s32 s31, s9;
	s12 =	sadd.s32 s12, s15  }
0xf: {  	s13 =	smax.u32 s13, $0x1;
	s15 =	simm.s32 $0x400;
	s4 =	sor.u32 s4, s5  }
0x10: {  	s20 =	sadd.s32 $0x1, s17;
	s6 =	sadd.s32 $0x2, s17;
	s4 =	sand.u32 $0x80380, s4  }
0x11: {  	s21 =	sshll.u32 s20, $0x10;
	s22 =	sshll.u32 s6, $0x10;
	s6 =	sshll.u32 s6, $0x7  }
0x12: {  	s19 =	sor.u32 s8, s4;
	s4 =	sshll.u32 s20, $0x7;
	s5 =	sor.u32 s22, s6  }
0x13: {  	s22 =	simm.s32 $0xC000;
	s4 =	sor.u32 s21, s4;
	s14 =	sshrl.u32 s19, $0x3  }
0x14: {  	s5 =	sand.u32 $0x7FF80380, s5;
	s4 =	sand.u32 $0x7FF80380, s4;
	s3 =	sadd.s32 s7, s14  }
0x15: {  	s23 =	sor.u32 s8, s4;
	s4 =	sadd.s32 s0, s14;
	s8 =	sor.u32 s8, s5  }
0x16: {  	s14 =	simm.s32 $0x80;
	s6 =	sshrl.u32 s23, $0x3;
	s8 =	sshrl.u32 s8, $0x3  }
0x17: {  	s23 =	simm.s32 $0x1;
	s5 =	sadd.s32 s7, s6;
	s6 =	sadd.s32 s0, s6  }
0x18: {  	v0 =	vimm.s32 $0x7FFFFFFF;
	s7 =	sadd.s32 s7, s8;
	s8 =	sadd.s32 s0, s8;
	s0 =	sadd.s32 s1, s24  }
0x19: {  	v1 =	vimm.f32 $0.0e+00;
	vm0 =	vcmask $0x704;
	vm1 =	vcmask $0x3F04;
	s24 =	simm.s32 $0x1A100;
	s10 =	sadd.s32 s25, s0;
	s25 =	simm.s32 $0x2  }
.LBB2_1:
0x1a: {  	[tilespmem:s2], [sflag:$0x1] =	stream.strided.gather [hbm4b:s3+s14], $0x2000, s15, s14, $0x38;
	[tilespmem:$0x1A290] =	vst v63  }
0x1b: {  	s0 =	simm.s32 $0x6000  }
0x1c: {  	[tilespmem:s0], [sflag:$0x1] =	stream.strided.gather [hbm4b:s4+s14], $0x2000, s15, s14, $0x38;
	[tilespmem:$0x1A290] =	vst v63  }
0x1d: {  	s18 =	simm.s32 $0x2000  }
0x1e: {  	[tilespmem:s18], [sflag:$0x1] =	stream.strided.gather [hbm4b:s5+s14], $0x2000, s15, s14, $0x38;
	[tilespmem:$0x1A290] =	vst v63  }
0x1f: {  	s19 =	simm.s32 $0x8000  }
0x20: {  	[tilespmem:s19], [sflag:$0x1] =	stream.strided.gather [hbm4b:s6+s14], $0x2000, s15, s14, $0x38;
	[tilespmem:$0x1A290] =	vst v63  }
0x21: {  	s20 =	simm.s32 $0x4000  }
0x22: {  	[tilespmem:s20], [sflag:$0x1] =	stream.strided.gather [hbm4b:s7+s14], $0x2000, s15, s14, $0x38;
	[tilespmem:$0x1A290] =	vst v63  }
0x23: {  	s21 =	simm.s32 $0xA000  }
0x24: {  	[tilespmem:s21], [sflag:$0x1] =	stream.strided.gather [hbm4b:s8+s14], $0x2000, s15, s14, $0x38;
	[tilespmem:$0x1A290] =	vst v63  }
0x25: {  	s31 =	simm.s32 $0x200  }
0x26: {  	[tilespmem:s22], [sflag:$0x1] =	stream.strided.gather [hbm4b:s10+s14], $0x2000, s31, s14, $0x38;
	[tilespmem:$0x1A290] =	vst v63  }
0x27: {  	_ =	swait.ge [sflag:s23], $0x2000  }
0x28: {  	[sflag:s23] =	ssyncset.done $0x0  }
0x29: {  	[sflag:s23] =	ssyncadd.s32 $0xFFFFE000  }
0x2a: {  	_ =	swait.ge [sflag:s23], $0x2000  }
0x2b: {  	[sflag:s23] =	ssyncset.done $0x0  }
0x2c: {  	[sflag:s23] =	ssyncadd.s32 $0xFFFFE000  }
0x2d: {  	_ =	swait.ge [sflag:s23], $0x2000  }
0x2e: {  	[sflag:s23] =	ssyncset.done $0x0  }
0x2f: {  	[sflag:s23] =	ssyncadd.s32 $0xFFFFE000  }
0x30: {  	_ =	swait.ge [sflag:s23], $0x2000  }
0x31: {  	[sflag:s23] =	ssyncset.done $0x0  }
0x32: {  	[sflag:s23] =	ssyncadd.s32 $0xFFFFE000  }
0x33: {  	_ =	swait.ge [sflag:s23], $0x2000  }
0x34: {  	[sflag:s23] =	ssyncset.done $0x0  }
0x35: {  	[sflag:s23] =	ssyncadd.s32 $0xFFFFE000  }
0x36: {  	_ =	swait.ge [sflag:s23], $0x2000  }
0x37: {  	[sflag:s23] =	ssyncset.done $0x0  }
0x38: {  	[sflag:s23] =	ssyncadd.s32 $0xFFFFE000  }
0x39: {  	_ =	swait.ge [sflag:s23], $0x2000  }
0x3a: {  	[sflag:s23] =	ssyncset.done $0x0  }
0x3b: {  	s0 =	simm.s32 $0x0;
	[sflag:s23] =	ssyncadd.s32 $0xFFFFE000  }
0x3c: {  	v2 =	vld [tilespmem:s0+$0x0]  }
0x3d: {  	v3 =	vld [tilespmem:s0+$0xC000]  }
0x3e: {  	v4 =	vld [tilespmem:s0+$0x10]  }
0x3f: {  	v5 =	vld [tilespmem:s0+$0xC010]  }
0x40: {  	v6 =	vld [tilespmem:s0+$0x20]  }
0x41: {  	v8 =	vld [tilespmem:s0+$0x30]  }
0x42: {  	v7 =	vld [tilespmem:s0+$0xC020];
	v10 =	vand.u32 $0x7FFFFFFF, v2  }
0x43: {  	v3 =	vmul.f32 v3, v10  }
0x44: {  	v9 =	vld [tilespmem:s0+$0xC030];
	v13 =	vand.u32 $0x7FFFFFFF, v4  }
0x45: {  	v11 =	vld [tilespmem:s0+$0x40];
	v15 =	vand.u32 $0x7FFFFFFF, v6;
	v5 =	vmul.f32 v5, v13;
	[tilespmem:s0+$0x14080] =	vst v3;
	v3 =	vadd.f32 v3, v1  }
0x46: {  	v12 =	vld [tilespmem:s0+$0xC040];
	v17 =	vand.u32 $0x7FFFFFFF, v8;
	vm4 =	vge.f32 v2, $0.0e+00;
	v2 =	vmax.f32 v10, $1.000000010e-07  }
0x47: {  	v14 =	vld [tilespmem:s0+$0x50];
	v7 =	vmul.f32 v7, v15;
	(erf) = vrcp.f32 v2;
	v2 =	vadd.f32 v5, v3  }
0x48: {  	v16 =	vld [tilespmem:s0+$0xC050];
	vm2 =	vge.f32 v4, $0.0e+00;
	vm3 =	vge.f32 v6, $0.0e+00;
	vm5 =	vge.f32 v8, $0.0e+00  }
0x49: {  	v18 =	vld [tilespmem:s0+$0x60];
	v9 =	vmul.f32 v9, v17;
	v3 =	vmax.f32 v13, $1.000000010e-07;
	v2 =	vadd.f32 v7, v2  }
0x4a: {  	v4 =	vld [tilespmem:s0+$0xC060];
	v6 =	vmax.f32 v15, $1.000000010e-07;
	[tilespmem:s0+$0x14090] =	vst v5;
	(erf) = vrcp.f32 v3;
	v3 =	vand.u32 $0x7FFFFFFF, v11  }
0x4b: {  	[tilespmem:s0+$0x140A0] =	vst v7;
	v7 =	vmul.f32 v12, v3;
	(erf) = vrcp.f32 v6;
	v2 =	vadd.f32 v9, v2  }
0x4c: {  	[tilespmem:s0+$0x140B0] =	vst v9;
	v5 =	vld [tilespmem:s0+$0x70];
	v6 =	vmax.f32 v17, $1.000000010e-07;
	v3 =	vmax.f32 v3, $1.000000010e-07;
	v9 =	vand.u32 $0x7FFFFFFF, v14  }
0x4d: {  	v10 =	vld [tilespmem:s0+$0xC070];
	(erf) = vrcp.f32 v6;
	v6 =	vmul.f32 v16, v9;
	v2 =	vadd.f32 v7, v2  }
0x4e: {  	v8 =	vld [tilespmem:s0+$0x6000];
	(erf) = vrcp.f32 v3;
	v3 =	vmax.f32 v9, $1.000000010e-07;
	v9 =	vand.u32 $0x7FFFFFFF, v18  }
0x4f: {  	vm6 =	vge.f32 v11, $0.0e+00;
	v11 =	vld [tilespmem:s0+$0x6010];
	v4 =	vmul.f32 v4, v9;
	v2 =	vadd.f32 v6, v2  }
0x50: {  	vm7 =	vge.f32 v14, $0.0e+00;
	[tilespmem:s0+$0x140C0] =	vst v7;
	v7 =	vld [tilespmem:s0+$0x6020];
	(erf) = vrcp.f32 v3  }
0x51: {  	v3 =	vmax.f32 v9, $1.000000010e-07;
	v9 =	vld [tilespmem:s0+$0x6030];
	[tilespmem:s0+$0x140D0] =	vst v6;
	v6 =	vand.u32 $0x7FFFFFFF, v5;
	v2 =	vadd.f32 v4, v2  }
0x52: {  	v12 =	vld [tilespmem:s0+$0x6040];
	(erf) = vrcp.f32 v3;
	v3 =	vmax.f32 v6, $1.000000010e-07;
	v13 =	vmul.f32 v10, v6  }
0x53: {  	vm9 =	vge.f32 v5, $0.0e+00;
	[tilespmem:s0+$0x140E0] =	vst v4;
	v5 =	vld [tilespmem:s0+$0x6050];
	v4 =	vxor.u32 $0x80000000, v8;
	(erf) = vrcp.f32 v3  }
0x54: {  	v14 =	vld [tilespmem:s0+$0x6060];
	v6 =	vpop (erf);
	v4 =	vsel vm4, v8, v4;
	v8 =	vxor.u32 $0x80000000, v11;
	v3 =	vadd.f32 v13, v2  }
0x55: {  	v4 =	vmul.f32 v6, v4;
	v6 =	vsel vm2, v11, v8;
	v8 =	vxor.u32 $0x80000000, v7;
	v2 =	vpop (erf)  }
0x56: {  	v15 =	vld [tilespmem:s0+$0x6070];
	v10 =	vpop (erf);
	v6 =	vmul.f32 v2, v6;
	v2 =	vsel vm3, v7, v8;
	v8 =	vxor.u32 $0x80000000, v9  }
0x57: {  	v11 =	vpop (erf);
	v7 =	vmul.f32 v10, v2;
	v2 =	vsel vm5, v9, v8;
	v8 =	vxor.u32 $0x80000000, v12  }
0x58: {  	v10 =	vpop (erf);
	v9 =	vmul.f32 v11, v2;
	v2 =	vsel vm6, v12, v8;
	v8 =	vxor.u32 $0x80000000, v5  }
0x59: {  	v10 =	vmul.f32 v10, v2;
	v2 =	vsel vm7, v5, v8;
	v5 =	vxor.u32 $0x80000000, v14  }
0x5a: {  	vm8 =	vge.f32 v18, $0.0e+00  }
0x5b: {  	vm2 =	vlt.s32 v4, $0x0;
	v12 =	vxor.u32 $0x80000000, v15;
	vm3 =	vlt.s32 v6, $0x0;
	v11 =	vpop (erf)  }
0x5c: {  	[tilespmem:s0+$0x140F0] =	vst v13;
	v13 =	vxor.u32 $0x7FFFFFFF, v7;
	v8 =	vmul.f32 v11, v2;
	v2 =	vsel vm8, v14, v5;
	v5 =	vpop (erf)  }
0x5d: {  	vm4 =	vlt.s32 v7, $0x0;
	v5 =	vmul.f32 v5, v2;
	v2 =	vsel vm9, v15, v12;
	v14 =	vpop (erf)  }
0x5e: {  	s1 =	simm.s32 $0x80;
	s16 =	simm.s32 $0x400;
	v11 =	vxor.u32 $0x7FFFFFFF, v4;
	v12 =	vxor.u32 $0x7FFFFFFF, v6;
	v2 =	vmul.f32 v14, v2  }
.LBB2_2:
0x5f: {  	p1 =	sne.s32 s16, $0x7E00;
	v14 =	vld [tilespmem:s1+$0x0];
	v15 =	vxor.u32 $0x7FFFFFFF, v9;
	vm5 =	vlt.s32 v9, $0x0;
	v16 =	vxor.u32 $0x7FFFFFFF, v10  }
0x60: {  	vm6 =	vlt.s32 v10, $0x0;
	v18 =	vxor.u32 $0x7FFFFFFF, v8;
	vm7 =	vlt.s32 v8, $0x0;
	v17 =	vld [tilespmem:s1+$0xC000]  }
0x61: {  	v20 =	vxor.u32 $0x7FFFFFFF, v5;
	vm8 =	vlt.s32 v5, $0x0;
	v21 =	vxor.u32 $0x7FFFFFFF, v2;
	v19 =	vld [tilespmem:s1+$0x10]  }
0x62: {  	v4 =	vsel vm2, v11, v4;
	v6 =	vsel vm3, v12, v6;
	vm2 =	vlt.s32 v2, $0x0;
	v22 =	vld [tilespmem:s1+$0xC010]  }
0x63: {  	v11 =	vld [tilespmem:s1+$0x20];
	[tilespmem:s0+$0xE000] =	vst v4;
	v4 =	vsel vm4, v13, v7;
	v7 =	vsel vm5, v15, v9;
	v9 =	vsel vm6, v16, v10  }
0x64: {  	vm3 =	vge.f32 v14, $0.0e+00;
	v10 =	vand.u32 $0x7FFFFFFF, v14;
	v12 =	vld [tilespmem:s1+$0xC020];
	[tilespmem:s0+$0xE010] =	vst v6;
	v6 =	vsel vm7, v18, v8  }
0x65: {  	v8 =	vmax.f32 v10, $1.000000010e-07;
	v10 =	vmul.f32 v17, v10;
	v13 =	vld [tilespmem:s1+$0x30];
	[tilespmem:s0+$0xE020] =	vst v4;
	v4 =	vsel vm8, v20, v5  }
0x66: {  	vm4 =	vge.f32 v19, $0.0e+00;
	v5 =	vand.u32 $0x7FFFFFFF, v19;
	v14 =	vld [tilespmem:s1+$0xC030];
	(erf) = vrcp.f32 v8;
	[tilespmem:s0+$0xE030] =	vst v7  }
0x67: {  	v3 =	vadd.f32 v10, v3;
	v7 =	vmax.f32 v5, $1.000000010e-07;
	v5 =	vmul.f32 v22, v5;
	v8 =	vld [tilespmem:s1+$0x40];
	[tilespmem:s0+$0xE040] =	vst v9  }
0x68: {  	vm5 =	vge.f32 v11, $0.0e+00;
	v9 =	vand.u32 $0x7FFFFFFF, v11;
	v11 =	vld [tilespmem:s1+$0xC040];
	(erf) = vrcp.f32 v7;
	[tilespmem:s0+$0xE050] =	vst v6  }
0x69: {  	v3 =	vadd.f32 v5, v3;
	v6 =	vmax.f32 v9, $1.000000010e-07;
	v7 =	vmul.f32 v12, v9;
	v9 =	vld [tilespmem:s1+$0x50];
	[tilespmem:s0+$0xE060] =	vst v4  }
0x6a: {  	[tilespmem:s1+$0x14080] =	vst v10;
	vm6 =	vge.f32 v13, $0.0e+00;
	v4 =	vand.u32 $0x7FFFFFFF, v13;
	v10 =	vld [tilespmem:s1+$0xC050];
	(erf) = vrcp.f32 v6  }
0x6b: {  	[tilespmem:s1+$0x14090] =	vst v5;
	v3 =	vadd.f32 v7, v3;
	v5 =	vmax.f32 v4, $1.000000010e-07;
	v4 =	vmul.f32 v14, v4;
	v6 =	vld [tilespmem:s1+$0x60]  }
0x6c: {  	[tilespmem:s1+$0x140A0] =	vst v7;
	vm7 =	vge.f32 v8, $0.0e+00;
	v7 =	vand.u32 $0x7FFFFFFF, v8;
	v8 =	vld [tilespmem:s1+$0xC060];
	(erf) = vrcp.f32 v5  }
0x6d: {  	[tilespmem:s1+$0x140B0] =	vst v4;
	v3 =	vadd.f32 v4, v3;
	v4 =	vmax.f32 v7, $1.000000010e-07;
	v5 =	vmul.f32 v11, v7;
	v7 =	vld [tilespmem:s1+$0x70]  }
0x6e: {  	vm8 =	vge.f32 v9, $0.0e+00;
	v9 =	vand.u32 $0x7FFFFFFF, v9;
	v11 =	vld [tilespmem:s1+$0xC070];
	(erf) = vrcp.f32 v4  }
0x6f: {  	v4 =	vld [tilespmem:s1+$0x6000];
	[tilespmem:s1+$0x140C0] =	vst v5;
	v3 =	vadd.f32 v5, v3;
	v5 =	vmax.f32 v9, $1.000000010e-07;
	v9 =	vmul.f32 v10, v9;
	v10 =	vpop (erf)  }
0x70: {  	v12 =	vld [tilespmem:s1+$0x6010];
	vm9 =	vge.f32 v6, $0.0e+00;
	v6 =	vand.u32 $0x7FFFFFFF, v6;
	(erf) = vrcp.f32 v5  }
0x71: {  	v5 =	vld [tilespmem:s1+$0x6020];
	[tilespmem:s1+$0x140D0] =	vst v9;
	v3 =	vadd.f32 v9, v3;
	v15 =	vmax.f32 v6, $1.000000010e-07;
	v6 =	vmul.f32 v8, v6;
	v8 =	vpop (erf)  }
0x72: {  	v13 =	vld [tilespmem:s1+$0x6030];
	vm10 =	vge.f32 v7, $0.0e+00;
	v7 =	vand.u32 $0x7FFFFFFF, v7;
	(erf) = vrcp.f32 v15  }
0x73: {  	v14 =	vld [tilespmem:s1+$0x6040];
	[tilespmem:s1+$0x140E0] =	vst v6;
	v3 =	vadd.f32 v6, v3;
	v6 =	vmax.f32 v7, $1.000000010e-07;
	v7 =	vmul.f32 v11, v7;
	v9 =	vpop (erf)  }
0x74: {  	v2 =	vsel vm2, v21, v2;
	v11 =	vxor.u32 $0x80000000, v4;
	v15 =	vld [tilespmem:s1+$0x6050];
	(erf) = vrcp.f32 v6  }
0x75: {  	v4 =	vsel vm3, v4, v11;
	v6 =	vxor.u32 $0x80000000, v12;
	v11 =	vld [tilespmem:s1+$0x6060];
	v3 =	vadd.f32 v7, v3;
	v16 =	vpop (erf);
	[tilespmem:s0+$0xE070] =	vst v2;
	s0 =	smov.u32 s1  }
0x76: {  	v4 =	vmul.f32 v10, v4;
	v2 =	vsel vm4, v12, v6;
	v10 =	vxor.u32 $0x80000000, v5;
	v12 =	vld [tilespmem:s0+$0x6070];
	[tilespmem:s0+$0x140F0] =	vst v7  }
0x77: {  	v6 =	vmul.f32 v8, v2;
	v2 =	vsel vm5, v5, v10;
	v5 =	vxor.u32 $0x80000000, v13;
	v8 =	vpop (erf)  }
0x78: {  	v7 =	vmul.f32 v9, v2;
	v2 =	vsel vm6, v13, v5;
	v5 =	vxor.u32 $0x80000000, v14  }
0x79: {  	v9 =	vmul.f32 v16, v2;
	v2 =	vsel vm7, v14, v5;
	v16 =	vxor.u32 $0x80000000, v15;
	v13 =	vpop (erf)  }
.Ltmp0:
0x7a: {  	v10 =	vmul.f32 v8, v2;
	v2 =	vsel vm8, v15, v16;
	v14 =	vxor.u32 $0x80000000, v11;
	(pc) =	sbr.rel @p1 .LBB2_2-.Ltmp0, $4  }
0x7b: {  	v8 =	vmul.f32 v13, v2;
	v2 =	vsel vm9, v11, v14;
	v13 =	vxor.u32 $0x80000000, v12;
	v5 =	vpop (erf)  }
0x7c: {  	v11 =	vxor.u32 $0x7FFFFFFF, v4;
	v5 =	vmul.f32 v5, v2;
	v2 =	vsel vm10, v12, v13  }
0x7d: {  	vm2 =	vlt.s32 v4, $0x0;
	vm3 =	vlt.s32 v6, $0x0;
	v12 =	vxor.u32 $0x7FFFFFFF, v6;
	v14 =	vpop (erf)  }
0x7e: {  	s1 =	sshra.s32 s16, $0x2;
	s16 =	sadd.s32 $0x200, s16;
	vm4 =	vlt.s32 v7, $0x0;
	v13 =	vxor.u32 $0x7FFFFFFF, v7;
	v2 =	vmul.f32 v14, v2  }
0x7f: {  	v14 =	vld [tilespmem:s1+$0x0]  }
0x80: {  	v15 =	vld [tilespmem:s1+$0xC000]  }
0x81: {  	v16 =	vld [tilespmem:s1+$0x10]  }
0x82: {  	v17 =	vld [tilespmem:s1+$0xC010];
	v4 =	vsel vm2, v11, v4  }
0x83: {  	v50 =	vld [tilespmem:s1+$0x20];
	[tilespmem:s0+$0xE000] =	vst v4;
	v4 =	vsel vm3, v12, v6  }
0x84: {  	v53 =	vxor.u32 $0x7FFFFFFF, v9;
	vm2 =	vlt.s32 v9, $0x0;
	v51 =	vld [tilespmem:s1+$0xC020];
	[tilespmem:s0+$0xE010] =	vst v4;
	v4 =	vsel vm4, v13, v7  }
0x85: {  	v55 =	vxor.u32 $0x7FFFFFFF, v10;
	v52 =	vld [tilespmem:s1+$0x30];
	[tilespmem:s0+$0xE020] =	vst v4;
	v4 =	vsel vm2, v53, v9;
	vm2 =	vlt.s32 v10, $0x0  }
0x86: {  	v57 =	vxor.u32 $0x7FFFFFFF, v8;
	v54 =	vld [tilespmem:s1+$0xC030];
	[tilespmem:s0+$0xE030] =	vst v4;
	v4 =	vsel vm2, v55, v10;
	vm2 =	vlt.s32 v8, $0x0  }
0x87: {  	v59 =	vxor.u32 $0x7FFFFFFF, v5;
	v56 =	vld [tilespmem:s1+$0x40];
	[tilespmem:s0+$0xE040] =	vst v4;
	v4 =	vsel vm2, v57, v8;
	vm2 =	vlt.s32 v5, $0x0  }
0x88: {  	v21 =	vxor.u32 $0x7FFFFFFF, v2;
	vm3 =	vlt.s32 v2, $0x0;
	v58 =	vld [tilespmem:s1+$0xC040];
	[tilespmem:s0+$0xE050] =	vst v4;
	v5 =	vsel vm2, v59, v5  }
0x89: {  	v2 =	vsel vm3, v21, v2;
	v60 =	vand.u32 $0x7FFFFFFF, v14;
	v61 =	vld [tilespmem:s1+$0x50];
	[tilespmem:s0+$0xE060] =	vst v5  }
0x8a: {  	v62 =	vand.u32 $0x7FFFFFFF, v16;
	v63 =	vand.u32 $0x7FFFFFFF, v50;
	vm15 =	vge.f32 v14, $0.0e+00;
	v20 =	vld [tilespmem:s1+$0x60]  }
0x8b: {  	vm6 =	vge.f32 v50, $0.0e+00;
	v4 =	vmul.f32 v15, v60;
	v24 =	vmax.f32 v60, $1.000000010e-07;
	v25 =	vld [tilespmem:s1+$0xC060]  }
0x8c: {  	v26 =	vmax.f32 v62, $1.000000010e-07;
	vm2 =	vge.f32 v16, $0.0e+00;
	v5 =	vmul.f32 v17, v62;
	v27 =	vld [tilespmem:s1+$0x70]  }
0x8d: {  	v28 =	vmax.f32 v63, $1.000000010e-07;
	v6 =	vmul.f32 v51, v63;
	(erf) = vrcp.f32 v24;
	v31 =	vld [tilespmem:s1+$0x6000]  }
0x8e: {  	v19 =	vand.u32 $0x7FFFFFFF, v52;
	v3 =	vadd.f32 v4, v3;
	(erf) = vrcp.f32 v26;
	v34 =	vld [tilespmem:s1+$0x6010]  }
0x8f: {  	[tilespmem:s1+$0x14080] =	vst v4;
	vm5 =	vge.f32 v52, $0.0e+00;
	v36 =	vld [tilespmem:s1+$0x6030];
	v4 =	vmul.f32 v54, v19;
	(erf) = vrcp.f32 v28  }
0x90: {  	v39 =	vld [tilespmem:s1+$0x6050];
	[tilespmem:s1+$0x14090] =	vst v5;
	v32 =	vmax.f32 v19, $1.000000010e-07;
	v3 =	vadd.f32 v5, v3;
	v5 =	vand.u32 $0x7FFFFFFF, v56  }
0x91: {  	v42 =	vld [tilespmem:s1+$0x6060];
	(erf) = vrcp.f32 v32;
	v29 =	vmul.f32 v58, v5;
	v5 =	vmax.f32 v5, $1.000000010e-07  }
0x92: {  	v30 =	vld [tilespmem:s1+$0xC070];
	vm7 =	vge.f32 v56, $0.0e+00;
	v3 =	vadd.f32 v6, v3;
	(erf) = vrcp.f32 v5  }
0x93: {  	vm10 =	vge.f32 v61, $0.0e+00;
	v35 =	vand.u32 $0x7FFFFFFF, v20;
	vm9 =	vge.f32 v20, $0.0e+00  }
0x94: {  	v18 =	vld [tilespmem:s1+$0xC050];
	vm8 =	vge.f32 v27, $0.0e+00;
	v9 =	vand.u32 $0x7FFFFFFF, v27;
	v38 =	vxor.u32 $0x80000000, v31  }
0x95: {  	v44 =	vxor.u32 $0x80000000, v34;
	v48 =	vxor.u32 $0x80000000, v36;
	v52 =	vxor.u32 $0x80000000, v39  }
0x96: {  	[tilespmem:s1+$0x140B0] =	vst v4;
	v5 =	vld [tilespmem:s1+$0x6020];
	v54 =	vxor.u32 $0x80000000, v42;
	v3 =	vadd.f32 v4, v3;
	v4 =	vand.u32 $0x7FFFFFFF, v61  }
0x97: {  	[tilespmem:s1+$0x140A0] =	vst v6;
	v6 =	vmul.f32 v25, v35;
	v37 =	vmax.f32 v9, $1.000000010e-07;
	v8 =	vmul.f32 v30, v9  }
0x98: {  	v41 =	vsel vm15, v31, v38;
	v13 =	vsel vm2, v34, v44;
	v11 =	vsel vm10, v39, v52  }
0x99: {  	[tilespmem:s1+$0x140C0] =	vst v29;
	v33 =	vmul.f32 v18, v4;
	v4 =	vmax.f32 v4, $1.000000010e-07;
	v3 =	vadd.f32 v29, v3  }
0x9a: {  	v7 =	vsel vm9, v42, v54;
	(erf) = vrcp.f32 v4;
	v4 =	vmax.f32 v35, $1.000000010e-07;
	[tilespmem:s1+$0x140E0] =	vst v6;
	v40 =	vpop (erf)  }
0x9b: {  	[tilespmem:s1+$0x140D0] =	vst v33;
	(erf) = vrcp.f32 v4;
	v4 =	vld [tilespmem:s1+$0x6040];
	v43 =	vpop (erf);
	v45 =	vxor.u32 $0x80000000, v5;
	v3 =	vadd.f32 v33, v3  }
0x9c: {  	(erf) = vrcp.f32 v37;
	[tilespmem:s0+$0xE070] =	vst v2;
	v2 =	vmul.f32 v40, v41;
	v46 =	vpop (erf);
	v5 =	vsel vm6, v5, v45  }
0x9d: {  	v9 =	vmul.f32 v43, v13;
	v5 =	vmul.f32 v46, v5;
	v3 =	vadd.f32 v6, v3  }
0x9e: {  	v47 =	vld [tilespmem:s1+$0x6070];
	v49 =	vpop (erf);
	v6 =	vsel vm5, v36, v48;
	v58 =	vxor.u32 $0x7FFFFFFF, v2;
	vm2 =	vlt.s32 v2, $0x0  }
0x9f: {  	v60 =	vxor.u32 $0x7FFFFFFF, v9;
	vm3 =	vlt.s32 v9, $0x0;
	v6 =	vmul.f32 v49, v6  }
0xa0: {  	v62 =	vxor.u32 $0x7FFFFFFF, v5;
	v2 =	vsel vm2, v58, v2;
	v51 =	vxor.u32 $0x80000000, v4  }
0xa1: {  	v50 =	vpop (erf);
	vm2 =	vlt.s32 v5, $0x0;
	v9 =	vsel vm3, v60, v9;
	v4 =	vsel vm7, v4, v51  }
0xa2: {  	[tilespmem:s1+$0xE000] =	vst v2;
	v2 =	vxor.u32 $0x7FFFFFFF, v6;
	vm3 =	vlt.s32 v6, $0x0;
	v4 =	vmul.f32 v50, v4  }
0xa3: {  	[tilespmem:s1+$0x140F0] =	vst v8;
	v5 =	vsel vm2, v62, v5;
	v57 =	vxor.u32 $0x80000000, v47;
	v2 =	vsel vm3, v2, v6;
	v53 =	vpop (erf)  }
0xa4: {  	[tilespmem:s1+$0xE010] =	vst v9;
	v55 =	vmul.f32 v53, v11;
	v56 =	vpop (erf);
	v63 =	vxor.u32 $0x7FFFFFFF, v4;
	vm2 =	vlt.s32 v4, $0x0  }
0xa5: {  	p2 =	por $0x1, $0x1;
	[tilespmem:s1+$0xE020] =	vst v5;
	v59 =	vsel vm8, v47, v57;
	v7 =	vmul.f32 v56, v7;
	v61 =	vpop (erf);
	v4 =	vsel vm2, v63, v4  }
.Ltmp1:
0xa6: {  	[tilespmem:s1+$0xE030] =	vst v2;
	v11 =	vmul.f32 v61, v59;
	v5 =	vxor.u32 $0x7FFFFFFF, v55;
	vm3 =	vlt.s32 v55, $0x0;
	(pc) =	sbr.rel @!p2 .LBB2_4-.Ltmp1, $4  }
0xa7: {  	[tilespmem:s1+$0xE040] =	vst v4;
	v2 =	vxor.u32 $0x7FFFFFFF, v7;
	vm2 =	vlt.s32 v7, $0x0;
	v5 =	vsel vm3, v5, v55  }
0xa8: {  	v4 =	vxor.u32 $0x7FFFFFFF, v11;
	vm3 =	vlt.s32 v11, $0x0;
	v2 =	vsel vm2, v2, v7;
	[tilespmem:s1+$0xE050] =	vst v5  }
0xa9: {  	[tilespmem:s1+$0xE060] =	vst v2;
	v2 =	vsel vm3, v4, v11  }
0xaa: {  	s31 =	simm.s32 $0x0;
	p1 =	por $0x0, $0x0;
	v3 =	vadd.f32 v8, v3;
	[tilespmem:s1+$0xE070] =	vst v2  }
0xab: {  	v2 =	vld [tilespmem:s31+$0x2000]  }
0xac: {  	v4 =	vld [tilespmem:s31+$0xC000]  }
0xad: {  	v5 =	vld [tilespmem:s31+$0x2010]  }
0xae: {  	v7 =	vld [tilespmem:s31+$0x2020]  }
0xaf: {  	v9 =	vld [tilespmem:s31+$0x2030]  }
0xb0: {  	v6 =	vld [tilespmem:s31+$0xC010];
	_ =	sdelay $0x1  }
0xb1: {  	v8 =	vld [tilespmem:s31+$0xC020];
	v11 =	vand.u32 $0x7FFFFFFF, v2  }
0xb2: {  	v10 =	vld [tilespmem:s31+$0xC030];
	v14 =	vand.u32 $0x7FFFFFFF, v5;
	v4 =	vmul.f32 v4, v11  }
0xb3: {  	v12 =	vld [tilespmem:s31+$0x2040];
	v16 =	vand.u32 $0x7FFFFFFF, v7;
	v18 =	vand.u32 $0x7FFFFFFF, v9;
	vm4 =	vge.f32 v2, $0.0e+00  }
0xb4: {  	v13 =	vld [tilespmem:s31+$0xC040];
	vm2 =	vge.f32 v5, $0.0e+00;
	v6 =	vmul.f32 v6, v14;
	v3 =	vadd.f32 v4, v3  }
0xb5: {  	vm3 =	vge.f32 v7, $0.0e+00;
	vm5 =	vge.f32 v9, $0.0e+00;
	v2 =	vmax.f32 v11, $1.000000010e-07  }
0xb6: {  	v15 =	vld [tilespmem:s31+$0x2050];
	v8 =	vmul.f32 v8, v16;
	(erf) = vrcp.f32 v2;
	v2 =	vadd.f32 v6, v3  }
0xb7: {  	v17 =	vld [tilespmem:s31+$0xC050];
	v7 =	vmax.f32 v16, $1.000000010e-07;
	[tilespmem:s31+$0x16080] =	vst v4;
	v4 =	vmul.f32 v10, v18;
	v3 =	vmax.f32 v14, $1.000000010e-07  }
0xb8: {  	v19 =	vld [tilespmem:s31+$0x2060];
	(erf) = vrcp.f32 v3;
	v3 =	vand.u32 $0x7FFFFFFF, v12;
	v2 =	vadd.f32 v8, v2  }
0xb9: {  	v5 =	vld [tilespmem:s31+$0xC060];
	[tilespmem:s31+$0x160A0] =	vst v8;
	v8 =	vmul.f32 v13, v3;
	(erf) = vrcp.f32 v7;
	v7 =	vmax.f32 v18, $1.000000010e-07  }
0xba: {  	v9 =	vld [tilespmem:s31+$0x8000];
	[tilespmem:s31+$0x16090] =	vst v6;
	v3 =	vmax.f32 v3, $1.000000010e-07;
	(erf) = vrcp.f32 v7;
	v2 =	vadd.f32 v4, v2  }
0xbb: {  	[tilespmem:s31+$0x160B0] =	vst v4;
	v6 =	vld [tilespmem:s31+$0x2070];
	v4 =	vand.u32 $0x7FFFFFFF, v15;
	(erf) = vrcp.f32 v3  }
0xbc: {  	v11 =	vld [tilespmem:s31+$0x8010];
	v7 =	vmul.f32 v17, v4;
	v3 =	vmax.f32 v4, $1.000000010e-07;
	v2 =	vadd.f32 v8, v2  }
0xbd: {  	v10 =	vld [tilespmem:s31+$0xC070];
	v4 =	vand.u32 $0x7FFFFFFF, v19;
	(erf) = vrcp.f32 v3  }
0xbe: {  	[tilespmem:s31+$0x160C0] =	vst v8;
	v8 =	vld [tilespmem:s31+$0x8020];
	v3 =	vmax.f32 v4, $1.000000010e-07;
	v4 =	vmul.f32 v5, v4;
	v2 =	vadd.f32 v7, v2  }
0xbf: {  	vm6 =	vge.f32 v12, $0.0e+00  }
0xc0: {  	vm7 =	vge.f32 v15, $0.0e+00;
	v5 =	vld [tilespmem:s31+$0x8030];
	[tilespmem:s31+$0x160D0] =	vst v7;
	v7 =	vand.u32 $0x7FFFFFFF, v6;
	v2 =	vadd.f32 v4, v2  }
0xc1: {  	v12 =	vld [tilespmem:s31+$0x8040];
	vm9 =	vge.f32 v6, $0.0e+00;
	(erf) = vrcp.f32 v3;
	v3 =	vmax.f32 v7, $1.000000010e-07  }
0xc2: {  	[tilespmem:s31+$0x160E0] =	vst v4;
	v6 =	vld [tilespmem:s31+$0x8050];
	v13 =	vmul.f32 v10, v7;
	v4 =	vxor.u32 $0x80000000, v9;
	(erf) = vrcp.f32 v3  }
0xc3: {  	v14 =	vld [tilespmem:s31+$0x8060];
	v7 =	vpop (erf);
	v4 =	vsel vm4, v9, v4;
	v9 =	vxor.u32 $0x80000000, v11;
	v10 =	vxor.u32 $0x80000000, v8  }
0xc4: {  	v3 =	vadd.f32 v13, v2;
	v4 =	vmul.f32 v7, v4;
	v7 =	vsel vm2, v11, v9;
	v2 =	vpop (erf)  }
0xc5: {  	v11 =	vpop (erf);
	v9 =	vmul.f32 v2, v7;
	v2 =	vsel vm3, v8, v10;
	v7 =	vxor.u32 $0x80000000, v5  }
0xc6: {  	v15 =	vld [tilespmem:s31+$0x8070];
	v8 =	vpop (erf);
	v10 =	vmul.f32 v11, v2;
	v2 =	vsel vm5, v5, v7;
	v7 =	vxor.u32 $0x80000000, v12  }
0xc7: {  	v11 =	vpop (erf);
	v5 =	vmul.f32 v8, v2;
	v2 =	vsel vm6, v12, v7;
	v7 =	vxor.u32 $0x80000000, v6  }
0xc8: {  	p4 =	por $0x1, $0x1;
	v8 =	vmul.f32 v11, v2;
	v2 =	vsel vm7, v6, v7;
	v6 =	vxor.u32 $0x80000000, v14  }
.Ltmp2:
0xc9: {  	vm8 =	vge.f32 v19, $0.0e+00;
	(pc) =	sbr.rel @!p4 .LBB2_6-.Ltmp2, $4  }
0xca: {  	vm2 =	vlt.s32 v4, $0x0;
	vm3 =	vlt.s32 v9, $0x0;
	v12 =	vpop (erf);
	v11 =	vxor.u32 $0x7FFFFFFF, v4  }
0xcb: {  	v7 =	vmul.f32 v12, v2;
	v2 =	vsel vm8, v14, v6;
	v12 =	vxor.u32 $0x80000000, v15;
	v6 =	vpop (erf)  }
0xcc: {  	s0 =	simm.s32 $0x80;
	[tilespmem:s31+$0x160F0] =	vst v13;
	v13 =	vxor.u32 $0x7FFFFFFF, v10;
	v6 =	vmul.f32 v6, v2;
	v2 =	vsel vm9, v15, v12;
	v14 =	vpop (erf)  }
0xcd: {  	s16 =	simm.s32 $0x400;
	p3 =	por $0x1, $0x1;
	s1 =	simm.s32 $0x0;
	vm4 =	vlt.s32 v10, $0x0;
	v12 =	vxor.u32 $0x7FFFFFFF, v9;
	v2 =	vmul.f32 v14, v2  }
.LBB2_7:
0xce: {  	p4 =	sne.s32 s16, $0x7E00;
	v14 =	vld [tilespmem:s0+$0x2000];
	v15 =	vxor.u32 $0x7FFFFFFF, v5;
	vm5 =	vlt.s32 v5, $0x0;
	v16 =	vxor.u32 $0x7FFFFFFF, v8  }
0xcf: {  	vm6 =	vlt.s32 v8, $0x0;
	v18 =	vxor.u32 $0x7FFFFFFF, v7;
	vm7 =	vlt.s32 v7, $0x0;
	v17 =	vld [tilespmem:s0+$0xC000]  }
0xd0: {  	v20 =	vxor.u32 $0x7FFFFFFF, v6;
	vm8 =	vlt.s32 v6, $0x0;
	v21 =	vxor.u32 $0x7FFFFFFF, v2;
	v19 =	vld [tilespmem:s0+$0x2010]  }
0xd1: {  	v4 =	vsel vm2, v11, v4;
	v9 =	vsel vm3, v12, v9;
	vm2 =	vlt.s32 v2, $0x0;
	v22 =	vld [tilespmem:s0+$0xC010]  }
0xd2: {  	v5 =	vsel vm5, v15, v5;
	v8 =	vsel vm6, v16, v8;
	v11 =	vld [tilespmem:s0+$0x2020];
	[tilespmem:s1+$0x10000] =	vst v4;
	v4 =	vsel vm4, v13, v10  }
0xd3: {  	v7 =	vsel vm7, v18, v7;
	vm3 =	vge.f32 v14, $0.0e+00;
	v10 =	vand.u32 $0x7FFFFFFF, v14;
	v12 =	vld [tilespmem:s0+$0xC020];
	[tilespmem:s1+$0x10010] =	vst v9  }
0xd4: {  	v9 =	vmax.f32 v10, $1.000000010e-07;
	v10 =	vmul.f32 v17, v10;
	v13 =	vld [tilespmem:s0+$0x2030];
	[tilespmem:s1+$0x10020] =	vst v4;
	v4 =	vsel vm8, v20, v6  }
0xd5: {  	vm4 =	vge.f32 v19, $0.0e+00;
	v6 =	vand.u32 $0x7FFFFFFF, v19;
	v14 =	vld [tilespmem:s0+$0xC030];
	(erf) = vrcp.f32 v9;
	[tilespmem:s1+$0x10030] =	vst v5  }
0xd6: {  	v3 =	vadd.f32 v10, v3;
	v5 =	vmax.f32 v6, $1.000000010e-07;
	v6 =	vmul.f32 v22, v6;
	v9 =	vld [tilespmem:s0+$0x2040];
	[tilespmem:s1+$0x10040] =	vst v8  }
0xd7: {  	vm5 =	vge.f32 v11, $0.0e+00;
	v8 =	vand.u32 $0x7FFFFFFF, v11;
	v11 =	vld [tilespmem:s0+$0xC040];
	(erf) = vrcp.f32 v5;
	[tilespmem:s1+$0x10050] =	vst v7  }
0xd8: {  	v3 =	vadd.f32 v6, v3;
	v5 =	vmax.f32 v8, $1.000000010e-07;
	v7 =	vmul.f32 v12, v8;
	v8 =	vld [tilespmem:s0+$0x2050];
	[tilespmem:s1+$0x10060] =	vst v4  }
0xd9: {  	[tilespmem:s0+$0x16080] =	vst v10;
	vm6 =	vge.f32 v13, $0.0e+00;
	v4 =	vand.u32 $0x7FFFFFFF, v13;
	v10 =	vld [tilespmem:s0+$0xC050];
	(erf) = vrcp.f32 v5  }
0xda: {  	[tilespmem:s0+$0x16090] =	vst v6;
	v3 =	vadd.f32 v7, v3;
	v5 =	vmax.f32 v4, $1.000000010e-07;
	v4 =	vmul.f32 v14, v4;
	v6 =	vld [tilespmem:s0+$0x2060]  }
0xdb: {  	[tilespmem:s0+$0x160A0] =	vst v7;
	vm7 =	vge.f32 v9, $0.0e+00;
	v7 =	vand.u32 $0x7FFFFFFF, v9;
	v9 =	vld [tilespmem:s0+$0xC060];
	(erf) = vrcp.f32 v5  }
0xdc: {  	[tilespmem:s0+$0x160B0] =	vst v4;
	v3 =	vadd.f32 v4, v3;
	v4 =	vmax.f32 v7, $1.000000010e-07;
	v5 =	vmul.f32 v11, v7;
	v7 =	vld [tilespmem:s0+$0x2070]  }
0xdd: {  	vm8 =	vge.f32 v8, $0.0e+00;
	v8 =	vand.u32 $0x7FFFFFFF, v8;
	v11 =	vld [tilespmem:s0+$0xC070];
	(erf) = vrcp.f32 v4  }
0xde: {  	v4 =	vld [tilespmem:s0+$0x8000];
	[tilespmem:s0+$0x160C0] =	vst v5;
	v3 =	vadd.f32 v5, v3;
	v5 =	vmax.f32 v8, $1.000000010e-07;
	v8 =	vmul.f32 v10, v8;
	v10 =	vpop (erf)  }
0xdf: {  	v12 =	vld [tilespmem:s0+$0x8010];
	vm9 =	vge.f32 v6, $0.0e+00;
	v6 =	vand.u32 $0x7FFFFFFF, v6;
	(erf) = vrcp.f32 v5  }
0xe0: {  	v5 =	vld [tilespmem:s0+$0x8020];
	[tilespmem:s0+$0x160D0] =	vst v8;
	v3 =	vadd.f32 v8, v3;
	v8 =	vmax.f32 v6, $1.000000010e-07;
	v6 =	vmul.f32 v9, v6;
	v9 =	vpop (erf)  }
0xe1: {  	v13 =	vld [tilespmem:s0+$0x8030];
	vm10 =	vge.f32 v7, $0.0e+00;
	v7 =	vand.u32 $0x7FFFFFFF, v7;
	(erf) = vrcp.f32 v8  }
0xe2: {  	v8 =	vld [tilespmem:s0+$0x8040];
	[tilespmem:s0+$0x160E0] =	vst v6;
	v3 =	vadd.f32 v6, v3;
	v6 =	vmax.f32 v7, $1.000000010e-07;
	v7 =	vmul.f32 v11, v7;
	v11 =	vpop (erf)  }
0xe3: {  	v2 =	vsel vm2, v21, v2;
	v14 =	vxor.u32 $0x80000000, v4;
	v15 =	vld [tilespmem:s0+$0x8050];
	(erf) = vrcp.f32 v6  }
0xe4: {  	v4 =	vsel vm3, v4, v14;
	v17 =	vxor.u32 $0x80000000, v12;
	v14 =	vld [tilespmem:s0+$0x8060];
	v3 =	vadd.f32 v7, v3;
	v16 =	vpop (erf);
	[tilespmem:s1+$0x10070] =	vst v2;
	s1 =	smov.u32 s0  }
0xe5: {  	v4 =	vmul.f32 v10, v4;
	v2 =	vsel vm4, v12, v17;
	v10 =	vxor.u32 $0x80000000, v5;
	v12 =	vld [tilespmem:s1+$0x8070];
	[tilespmem:s1+$0x160F0] =	vst v7  }
0xe6: {  	v9 =	vmul.f32 v9, v2;
	v2 =	vsel vm5, v5, v10;
	v5 =	vxor.u32 $0x80000000, v13;
	v6 =	vpop (erf)  }
0xe7: {  	v10 =	vmul.f32 v11, v2;
	v2 =	vsel vm6, v13, v5;
	v7 =	vxor.u32 $0x80000000, v8  }
0xe8: {  	v5 =	vmul.f32 v16, v2;
	v2 =	vsel vm7, v8, v7;
	v7 =	vxor.u32 $0x80000000, v15;
	v11 =	vpop (erf)  }
.Ltmp3:
0xe9: {  	v8 =	vmul.f32 v6, v2;
	v2 =	vsel vm8, v15, v7;
	v15 =	vxor.u32 $0x80000000, v14;
	(pc) =	sbr.rel @p4 .LBB2_7-.Ltmp3, $4  }
0xea: {  	v7 =	vmul.f32 v11, v2;
	v2 =	vsel vm9, v14, v15;
	v13 =	vxor.u32 $0x80000000, v12;
	v6 =	vpop (erf)  }
0xeb: {  	v11 =	vxor.u32 $0x7FFFFFFF, v4;
	v6 =	vmul.f32 v6, v2;
	v2 =	vsel vm10, v12, v13  }
0xec: {  	vm2 =	vlt.s32 v4, $0x0;
	vm3 =	vlt.s32 v9, $0x0;
	v12 =	vxor.u32 $0x7FFFFFFF, v9;
	v14 =	vpop (erf)  }
0xed: {  	s0 =	sshra.s32 s16, $0x2;
	s16 =	sadd.s32 $0x200, s16;
	vm4 =	vlt.s32 v10, $0x0;
	v13 =	vxor.u32 $0x7FFFFFFF, v10;
	v2 =	vmul.f32 v14, v2  }
.LBB2_8:
0xee: {  	v14 =	vld [tilespmem:s0+$0x2000]  }
0xef: {  	v15 =	vld [tilespmem:s0+$0xC000]  }
0xf0: {  	v16 =	vld [tilespmem:s0+$0x2010]  }
0xf1: {  	v17 =	vld [tilespmem:s0+$0xC010];
	v4 =	vsel @p3 vm2, v11, v4  }
0xf2: {  	v57 =	vld [tilespmem:s0+$0x2020];
	vm2 =	vlt.s32 @p3 v5, $0x0;
	[tilespmem:s1+$0x10000] =	vst @p3 v4;
	v4 =	vsel @p3 vm3, v12, v9;
	v12 =	vxor.u32 @p3 $0x7FFFFFFF, v5  }
0xf3: {  	v21 =	vxor.u32 @p3 $0x7FFFFFFF, v2;
	vm3 =	vlt.s32 @p3 v2, $0x0;
	v58 =	vld [tilespmem:s0+$0xC020];
	[tilespmem:s1+$0x10010] =	vst @p3 v4;
	v4 =	vsel @p3 vm4, v13, v10  }
0xf4: {  	v59 =	vld [tilespmem:s0+$0x2030];
	[tilespmem:s1+$0x10020] =	vst @p3 v4;
	v4 =	vsel @p3 vm2, v12, v5;
	v12 =	vxor.u32 @p3 $0x7FFFFFFF, v8;
	vm2 =	vlt.s32 @p3 v8, $0x0  }
0xf5: {  	v5 =	vld [tilespmem:s0+$0xC030];
	[tilespmem:s1+$0x10030] =	vst @p3 v4;
	v4 =	vsel @p3 vm2, v12, v8;
	v12 =	vxor.u32 @p3 $0x7FFFFFFF, v7;
	vm2 =	vlt.s32 @p3 v7, $0x0  }
0xf6: {  	v60 =	vld [tilespmem:s0+$0x2040];
	[tilespmem:s1+$0x10040] =	vst @p3 v4;
	v4 =	vsel @p3 vm2, v12, v7;
	v12 =	vxor.u32 @p3 $0x7FFFFFFF, v6;
	vm2 =	vlt.s32 @p3 v6, $0x0  }
0xf7: {  	v2 =	vsel @p3 vm3, v21, v2;
	v62 =	vand.u32 $0x7FFFFFFF, v14;
	v61 =	vld [tilespmem:s0+$0xC040];
	[tilespmem:s1+$0x10050] =	vst @p3 v4;
	v6 =	vsel @p3 vm2, v12, v6  }
0xf8: {  	v24 =	vand.u32 $0x7FFFFFFF, v16;
	v26 =	vand.u32 $0x7FFFFFFF, v57;
	vm15 =	vge.f32 v14, $0.0e+00;
	v63 =	vld [tilespmem:s0+$0x2050];
	[tilespmem:s1+$0x10060] =	vst @p3 v6  }
0xf9: {  	vm6 =	vge.f32 v57, $0.0e+00;
	v4 =	vmul.f32 v15, v62;
	v25 =	vmul.f32 v17, v24;
	v20 =	vld [tilespmem:s0+$0x2060]  }
0xfa: {  	vm2 =	vge.f32 v16, $0.0e+00;
	v29 =	vmax.f32 v26, $1.000000010e-07;
	v9 =	vmul.f32 v58, v26;
	v28 =	vld [tilespmem:s0+$0x2070]  }
0xfb: {  	v19 =	vand.u32 $0x7FFFFFFF, v59;
	v3 =	vadd.f32 v4, v3;
	vm5 =	vge.f32 v59, $0.0e+00;
	v31 =	vld [tilespmem:s0+$0x8000]  }
0xfc: {  	[tilespmem:s0+$0x16080] =	vst v4;
	v34 =	vld [tilespmem:s0+$0x8010];
	v4 =	vmul.f32 v5, v19;
	v5 =	vmax.f32 v62, $1.000000010e-07;
	v32 =	vmax.f32 v19, $1.000000010e-07  }
0xfd: {  	v36 =	vld [tilespmem:s0+$0x8030];
	(erf) = vrcp.f32 v5;
	v5 =	vmax.f32 v24, $1.000000010e-07;
	v3 =	vadd.f32 v25, v3  }
0xfe: {  	v39 =	vld [tilespmem:s0+$0x8050];
	vm7 =	vge.f32 v60, $0.0e+00;
	(erf) = vrcp.f32 v5;
	v5 =	vand.u32 $0x7FFFFFFF, v60  }
0xff: {  	v18 =	vld [tilespmem:s0+$0xC050];
	v3 =	vadd.f32 v9, v3;
	v7 =	vmul.f32 v61, v5;
	(erf) = vrcp.f32 v29  }
0x100: {  	v30 =	vld [tilespmem:s0+$0xC070];
	v5 =	vmax.f32 v5, $1.000000010e-07;
	vm10 =	vge.f32 v63, $0.0e+00;
	(erf) = vrcp.f32 v32  }
0x101: {  	v27 =	vld [tilespmem:s0+$0xC060];
	v35 =	vand.u32 $0x7FFFFFFF, v20;
	vm9 =	vge.f32 v20, $0.0e+00;
	vm8 =	vge.f32 v28, $0.0e+00  }
0x102: {  	v42 =	vld [tilespmem:s0+$0x8060];
	v6 =	vand.u32 $0x7FFFFFFF, v28;
	v38 =	vxor.u32 $0x80000000, v31;
	v44 =	vxor.u32 $0x80000000, v34  }
0x103: {  	v48 =	vxor.u32 $0x80000000, v36;
	v52 =	vxor.u32 $0x80000000, v39;
	v3 =	vadd.f32 v4, v3  }
0x104: {  	[tilespmem:s0+$0x160B0] =	vst v4;
	v4 =	vand.u32 $0x7FFFFFFF, v63;
	(erf) = vrcp.f32 v5;
	v37 =	vmax.f32 v6, $1.000000010e-07  }
0x105: {  	[tilespmem:s0+$0x16090] =	vst v25;
	v5 =	vld [tilespmem:s0+$0x8020];
	v6 =	vmul.f32 v30, v6;
	v33 =	vmul.f32 v18, v4;
	v4 =	vmax.f32 v4, $1.000000010e-07  }
0x106: {  	[tilespmem:s0+$0x160A0] =	vst v9;
	v3 =	vadd.f32 v7, v3;
	(erf) = vrcp.f32 v4;
	v4 =	vmax.f32 v35, $1.000000010e-07  }
0x107: {  	v54 =	vxor.u32 $0x80000000, v42;
	[tilespmem:s0+$0x160C0] =	vst v7;
	v7 =	vmul.f32 v27, v35;
	(erf) = vrcp.f32 v4;
	v4 =	vld [tilespmem:s0+$0x8040]  }
0x108: {  	v41 =	vsel vm15, v31, v38;
	v13 =	vsel vm2, v34, v44;
	[tilespmem:s0+$0x160D0] =	vst v33;
	v3 =	vadd.f32 v33, v3  }
0x109: {  	v11 =	vsel vm10, v39, v52;
	v9 =	vsel vm9, v42, v54;
	[tilespmem:s0+$0x160E0] =	vst v7;
	v40 =	vpop (erf);
	(erf) = vrcp.f32 v37  }
0x10a: {  	[tilespmem:s1+$0x10070] =	vst @p3 v2;
	v45 =	vxor.u32 $0x80000000, v5;
	v3 =	vadd.f32 v7, v3;
	v43 =	vpop (erf);
	v2 =	vmul.f32 v40, v41  }
0x10b: {  	v47 =	vld [tilespmem:s0+$0x8070];
	v5 =	vsel vm6, v5, v45;
	v7 =	vsel vm5, v36, v48;
	v46 =	vpop (erf);
	v10 =	vmul.f32 v43, v13  }
0x10c: {  	v49 =	vpop (erf);
	v5 =	vmul.f32 v46, v5;
	v51 =	vxor.u32 $0x80000000, v4;
	v58 =	vxor.u32 $0x7FFFFFFF, v2  }
0x10d: {  	vm2 =	vlt.s32 v2, $0x0;
	v7 =	vmul.f32 v49, v7;
	v4 =	vsel vm7, v4, v51  }
0x10e: {  	v50 =	vpop (erf);
	v60 =	vxor.u32 $0x7FFFFFFF, v10;
	vm3 =	vlt.s32 v10, $0x0;
	v2 =	vsel vm2, v58, v2  }
0x10f: {  	v4 =	vmul.f32 v50, v4;
	v62 =	vxor.u32 $0x7FFFFFFF, v5;
	vm2 =	vlt.s32 v5, $0x0  }
0x110: {  	v10 =	vsel vm3, v60, v10;
	[tilespmem:s0+$0x10000] =	vst v2;
	v53 =	vpop (erf);
	v57 =	vxor.u32 $0x80000000, v47;
	v2 =	vxor.u32 $0x7FFFFFFF, v7  }
0x111: {  	[tilespmem:s0+$0x160F0] =	vst v6;
	vm3 =	vlt.s32 v7, $0x0;
	v5 =	vsel vm2, v62, v5;
	v55 =	vmul.f32 v53, v11  }
0x112: {  	[tilespmem:s0+$0x10010] =	vst v10;
	v56 =	vpop (erf);
	v59 =	vsel vm8, v47, v57;
	v63 =	vxor.u32 $0x7FFFFFFF, v4;
	vm2 =	vlt.s32 v4, $0x0  }
0x113: {  	v2 =	vsel vm3, v2, v7;
	[tilespmem:s0+$0x10020] =	vst v5;
	v9 =	vmul.f32 v56, v9;
	v4 =	vsel vm2, v63, v4;
	v61 =	vpop (erf)  }
.Ltmp4:
0x114: {  	[tilespmem:s0+$0x10030] =	vst v2;
	v5 =	vxor.u32 $0x7FFFFFFF, v55;
	vm3 =	vlt.s32 v55, $0x0;
	v11 =	vmul.f32 v61, v59;
	(pc) =	sbr.rel @!p2 .LBB2_9-.Ltmp4, $4  }
0x115: {  	[tilespmem:s0+$0x10040] =	vst v4;
	v2 =	vxor.u32 $0x7FFFFFFF, v9;
	vm2 =	vlt.s32 v9, $0x0;
	v5 =	vsel vm3, v5, v55  }
0x116: {  	v2 =	vsel vm2, v2, v9;
	[tilespmem:s0+$0x10050] =	vst v5;
	v4 =	vxor.u32 $0x7FFFFFFF, v11;
	vm3 =	vlt.s32 v11, $0x0  }
0x117: {  	[tilespmem:s0+$0x10060] =	vst v2;
	v2 =	vsel vm3, v4, v11  }
0x118: {  	v3 =	vadd.f32 v6, v3;
	[tilespmem:s0+$0x10070] =	vst v2  }
0x119: {  	v2 =	vld [tilespmem:s31+$0x4000]  }
0x11a: {  	v4 =	vld [tilespmem:s31+$0xC000]  }
0x11b: {  	v5 =	vld [tilespmem:s31+$0x4010]  }
0x11c: {  	v7 =	vld [tilespmem:s31+$0x4020]  }
0x11d: {  	v9 =	vld [tilespmem:s31+$0x4030]  }
0x11e: {  	v6 =	vld [tilespmem:s31+$0xC010];
	_ =	sdelay $0x1  }
0x11f: {  	v8 =	vld [tilespmem:s31+$0xC020];
	v11 =	vand.u32 $0x7FFFFFFF, v2  }
0x120: {  	v10 =	vld [tilespmem:s31+$0xC030];
	v14 =	vand.u32 $0x7FFFFFFF, v5;
	v4 =	vmul.f32 v4, v11  }
0x121: {  	v12 =	vld [tilespmem:s31+$0x4040];
	v16 =	vand.u32 $0x7FFFFFFF, v7;
	v18 =	vand.u32 $0x7FFFFFFF, v9;
	vm4 =	vge.f32 v2, $0.0e+00  }
0x122: {  	v13 =	vld [tilespmem:s31+$0xC040];
	vm2 =	vge.f32 v5, $0.0e+00;
	v6 =	vmul.f32 v6, v14;
	v3 =	vadd.f32 v4, v3  }
0x123: {  	vm3 =	vge.f32 v7, $0.0e+00;
	vm5 =	vge.f32 v9, $0.0e+00;
	v2 =	vmax.f32 v11, $1.000000010e-07  }
0x124: {  	v15 =	vld [tilespmem:s31+$0x4050];
	v8 =	vmul.f32 v8, v16;
	(erf) = vrcp.f32 v2;
	v2 =	vadd.f32 v6, v3  }
0x125: {  	v17 =	vld [tilespmem:s31+$0xC050];
	v7 =	vmax.f32 v16, $1.000000010e-07;
	[tilespmem:s31+$0x18080] =	vst v4;
	v4 =	vmul.f32 v10, v18;
	v3 =	vmax.f32 v14, $1.000000010e-07  }
0x126: {  	v19 =	vld [tilespmem:s31+$0x4060];
	(erf) = vrcp.f32 v3;
	v3 =	vand.u32 $0x7FFFFFFF, v12;
	v2 =	vadd.f32 v8, v2  }
0x127: {  	v5 =	vld [tilespmem:s31+$0xC060];
	[tilespmem:s31+$0x180A0] =	vst v8;
	v8 =	vmul.f32 v13, v3;
	(erf) = vrcp.f32 v7;
	v7 =	vmax.f32 v18, $1.000000010e-07  }
0x128: {  	v9 =	vld [tilespmem:s31+$0xA000];
	[tilespmem:s31+$0x18090] =	vst v6;
	v3 =	vmax.f32 v3, $1.000000010e-07;
	(erf) = vrcp.f32 v7;
	v2 =	vadd.f32 v4, v2  }
0x129: {  	[tilespmem:s31+$0x180B0] =	vst v4;
	v6 =	vld [tilespmem:s31+$0x4070];
	v4 =	vand.u32 $0x7FFFFFFF, v15;
	(erf) = vrcp.f32 v3  }
0x12a: {  	v11 =	vld [tilespmem:s31+$0xA010];
	v7 =	vmul.f32 v17, v4;
	v3 =	vmax.f32 v4, $1.000000010e-07;
	v2 =	vadd.f32 v8, v2  }
0x12b: {  	v10 =	vld [tilespmem:s31+$0xC070];
	v4 =	vand.u32 $0x7FFFFFFF, v19;
	(erf) = vrcp.f32 v3  }
0x12c: {  	[tilespmem:s31+$0x180C0] =	vst v8;
	v8 =	vld [tilespmem:s31+$0xA020];
	v3 =	vmax.f32 v4, $1.000000010e-07;
	v4 =	vmul.f32 v5, v4;
	v2 =	vadd.f32 v7, v2  }
0x12d: {  	vm6 =	vge.f32 v12, $0.0e+00  }
0x12e: {  	vm7 =	vge.f32 v15, $0.0e+00;
	v5 =	vld [tilespmem:s31+$0xA030];
	[tilespmem:s31+$0x180D0] =	vst v7;
	v7 =	vand.u32 $0x7FFFFFFF, v6;
	v2 =	vadd.f32 v4, v2  }
0x12f: {  	v12 =	vld [tilespmem:s31+$0xA040];
	vm9 =	vge.f32 v6, $0.0e+00;
	(erf) = vrcp.f32 v3;
	v3 =	vmax.f32 v7, $1.000000010e-07  }
0x130: {  	[tilespmem:s31+$0x180E0] =	vst v4;
	v6 =	vld [tilespmem:s31+$0xA050];
	v13 =	vmul.f32 v10, v7;
	v4 =	vxor.u32 $0x80000000, v9;
	(erf) = vrcp.f32 v3  }
0x131: {  	v14 =	vld [tilespmem:s31+$0xA060];
	v7 =	vpop (erf);
	v4 =	vsel vm4, v9, v4;
	v9 =	vxor.u32 $0x80000000, v11;
	v10 =	vxor.u32 $0x80000000, v8  }
0x132: {  	v3 =	vadd.f32 v13, v2;
	v4 =	vmul.f32 v7, v4;
	v7 =	vsel vm2, v11, v9;
	v2 =	vpop (erf)  }
0x133: {  	v11 =	vpop (erf);
	v9 =	vmul.f32 v2, v7;
	v2 =	vsel vm3, v8, v10;
	v7 =	vxor.u32 $0x80000000, v5  }
0x134: {  	v15 =	vld [tilespmem:s31+$0xA070];
	v8 =	vpop (erf);
	v10 =	vmul.f32 v11, v2;
	v2 =	vsel vm5, v5, v7;
	v7 =	vxor.u32 $0x80000000, v12  }
0x135: {  	v11 =	vpop (erf);
	v5 =	vmul.f32 v8, v2;
	v2 =	vsel vm6, v12, v7;
	v7 =	vxor.u32 $0x80000000, v6  }
0x136: {  	p2 =	por $0x1, $0x1;
	v8 =	vmul.f32 v11, v2;
	v2 =	vsel vm7, v6, v7;
	v6 =	vxor.u32 $0x80000000, v14  }
.Ltmp5:
0x137: {  	vm8 =	vge.f32 v19, $0.0e+00;
	(pc) =	sbr.rel @!p2 .LBB2_12-.Ltmp5, $4  }
0x138: {  	vm2 =	vlt.s32 v4, $0x0;
	vm3 =	vlt.s32 v9, $0x0;
	v12 =	vpop (erf);
	v11 =	vxor.u32 $0x7FFFFFFF, v4  }
0x139: {  	v7 =	vmul.f32 v12, v2;
	v2 =	vsel vm8, v14, v6;
	v12 =	vxor.u32 $0x80000000, v15;
	v6 =	vpop (erf)  }
0x13a: {  	[tilespmem:s31+$0x180F0] =	vst v13;
	v13 =	vxor.u32 $0x7FFFFFFF, v10;
	v6 =	vmul.f32 v6, v2;
	v2 =	vsel vm9, v15, v12;
	v14 =	vpop (erf)  }
0x13b: {  	s0 =	simm.s32 $0x80;
	s1 =	simm.s32 $0x400;
	p1 =	por $0x1, $0x1;
	vm4 =	vlt.s32 v10, $0x0;
	v12 =	vxor.u32 $0x7FFFFFFF, v9;
	v2 =	vmul.f32 v14, v2  }
.LBB2_11:
0x13c: {  	p2 =	sne.s32 s1, $0x7E00;
	v14 =	vld [tilespmem:s0+$0x4000];
	v15 =	vxor.u32 $0x7FFFFFFF, v5;
	vm5 =	vlt.s32 v5, $0x0;
	v16 =	vxor.u32 $0x7FFFFFFF, v8  }
0x13d: {  	vm6 =	vlt.s32 v8, $0x0;
	v18 =	vxor.u32 $0x7FFFFFFF, v7;
	vm7 =	vlt.s32 v7, $0x0;
	v17 =	vld [tilespmem:s0+$0xC000]  }
0x13e: {  	v20 =	vxor.u32 $0x7FFFFFFF, v6;
	vm8 =	vlt.s32 v6, $0x0;
	v21 =	vxor.u32 $0x7FFFFFFF, v2;
	v19 =	vld [tilespmem:s0+$0x4010]  }
0x13f: {  	v4 =	vsel vm2, v11, v4;
	v9 =	vsel vm3, v12, v9;
	vm2 =	vlt.s32 v2, $0x0;
	v22 =	vld [tilespmem:s0+$0xC010]  }
0x140: {  	v5 =	vsel vm5, v15, v5;
	v8 =	vsel vm6, v16, v8;
	v11 =	vld [tilespmem:s0+$0x4020];
	[tilespmem:s31+$0x12000] =	vst v4;
	v4 =	vsel vm4, v13, v10  }
0x141: {  	v7 =	vsel vm7, v18, v7;
	vm3 =	vge.f32 v14, $0.0e+00;
	v10 =	vand.u32 $0x7FFFFFFF, v14;
	v12 =	vld [tilespmem:s0+$0xC020];
	[tilespmem:s31+$0x12010] =	vst v9  }
0x142: {  	v9 =	vmax.f32 v10, $1.000000010e-07;
	v10 =	vmul.f32 v17, v10;
	v13 =	vld [tilespmem:s0+$0x4030];
	[tilespmem:s31+$0x12020] =	vst v4;
	v4 =	vsel vm8, v20, v6  }
0x143: {  	vm4 =	vge.f32 v19, $0.0e+00;
	v6 =	vand.u32 $0x7FFFFFFF, v19;
	v14 =	vld [tilespmem:s0+$0xC030];
	(erf) = vrcp.f32 v9;
	[tilespmem:s31+$0x12030] =	vst v5  }
0x144: {  	v3 =	vadd.f32 v10, v3;
	v5 =	vmax.f32 v6, $1.000000010e-07;
	v6 =	vmul.f32 v22, v6;
	v9 =	vld [tilespmem:s0+$0x4040];
	[tilespmem:s31+$0x12040] =	vst v8  }
0x145: {  	vm5 =	vge.f32 v11, $0.0e+00;
	v8 =	vand.u32 $0x7FFFFFFF, v11;
	v11 =	vld [tilespmem:s0+$0xC040];
	(erf) = vrcp.f32 v5;
	[tilespmem:s31+$0x12050] =	vst v7  }
0x146: {  	v3 =	vadd.f32 v6, v3;
	v5 =	vmax.f32 v8, $1.000000010e-07;
	v7 =	vmul.f32 v12, v8;
	v8 =	vld [tilespmem:s0+$0x4050];
	[tilespmem:s31+$0x12060] =	vst v4  }
0x147: {  	[tilespmem:s0+$0x18080] =	vst v10;
	vm6 =	vge.f32 v13, $0.0e+00;
	v4 =	vand.u32 $0x7FFFFFFF, v13;
	v10 =	vld [tilespmem:s0+$0xC050];
	(erf) = vrcp.f32 v5  }
0x148: {  	[tilespmem:s0+$0x18090] =	vst v6;
	v3 =	vadd.f32 v7, v3;
	v5 =	vmax.f32 v4, $1.000000010e-07;
	v4 =	vmul.f32 v14, v4;
	v6 =	vld [tilespmem:s0+$0x4060]  }
0x149: {  	[tilespmem:s0+$0x180A0] =	vst v7;
	vm7 =	vge.f32 v9, $0.0e+00;
	v7 =	vand.u32 $0x7FFFFFFF, v9;
	v9 =	vld [tilespmem:s0+$0xC060];
	(erf) = vrcp.f32 v5  }
0x14a: {  	[tilespmem:s0+$0x180B0] =	vst v4;
	v3 =	vadd.f32 v4, v3;
	v4 =	vmax.f32 v7, $1.000000010e-07;
	v5 =	vmul.f32 v11, v7;
	v7 =	vld [tilespmem:s0+$0x4070]  }
0x14b: {  	vm8 =	vge.f32 v8, $0.0e+00;
	v8 =	vand.u32 $0x7FFFFFFF, v8;
	v11 =	vld [tilespmem:s0+$0xC070];
	(erf) = vrcp.f32 v4  }
0x14c: {  	v4 =	vld [tilespmem:s0+$0xA000];
	[tilespmem:s0+$0x180C0] =	vst v5;
	v3 =	vadd.f32 v5, v3;
	v5 =	vmax.f32 v8, $1.000000010e-07;
	v8 =	vmul.f32 v10, v8;
	v10 =	vpop (erf)  }
0x14d: {  	v12 =	vld [tilespmem:s0+$0xA010];
	vm9 =	vge.f32 v6, $0.0e+00;
	v6 =	vand.u32 $0x7FFFFFFF, v6;
	(erf) = vrcp.f32 v5  }
0x14e: {  	v5 =	vld [tilespmem:s0+$0xA020];
	[tilespmem:s0+$0x180D0] =	vst v8;
	v3 =	vadd.f32 v8, v3;
	v8 =	vmax.f32 v6, $1.000000010e-07;
	v6 =	vmul.f32 v9, v6;
	v9 =	vpop (erf)  }
0x14f: {  	v13 =	vld [tilespmem:s0+$0xA030];
	vm10 =	vge.f32 v7, $0.0e+00;
	v7 =	vand.u32 $0x7FFFFFFF, v7;
	(erf) = vrcp.f32 v8  }
0x150: {  	v8 =	vld [tilespmem:s0+$0xA040];
	[tilespmem:s0+$0x180E0] =	vst v6;
	v3 =	vadd.f32 v6, v3;
	v6 =	vmax.f32 v7, $1.000000010e-07;
	v7 =	vmul.f32 v11, v7;
	v11 =	vpop (erf)  }
0x151: {  	v2 =	vsel vm2, v21, v2;
	v14 =	vxor.u32 $0x80000000, v4;
	v15 =	vld [tilespmem:s0+$0xA050];
	(erf) = vrcp.f32 v6  }
0x152: {  	v4 =	vsel vm3, v4, v14;
	v17 =	vxor.u32 $0x80000000, v12;
	v14 =	vld [tilespmem:s0+$0xA060];
	v3 =	vadd.f32 v7, v3;
	v16 =	vpop (erf);
	[tilespmem:s31+$0x12070] =	vst v2;
	s31 =	smov.u32 s0  }
0x153: {  	v4 =	vmul.f32 v10, v4;
	v2 =	vsel vm4, v12, v17;
	v10 =	vxor.u32 $0x80000000, v5;
	v12 =	vld [tilespmem:s31+$0xA070];
	[tilespmem:s31+$0x180F0] =	vst v7  }
0x154: {  	v9 =	vmul.f32 v9, v2;
	v2 =	vsel vm5, v5, v10;
	v5 =	vxor.u32 $0x80000000, v13;
	v6 =	vpop (erf)  }
0x155: {  	v10 =	vmul.f32 v11, v2;
	v2 =	vsel vm6, v13, v5;
	v7 =	vxor.u32 $0x80000000, v8  }
0x156: {  	v5 =	vmul.f32 v16, v2;
	v2 =	vsel vm7, v8, v7;
	v7 =	vxor.u32 $0x80000000, v15;
	v11 =	vpop (erf)  }
.Ltmp6:
0x157: {  	v8 =	vmul.f32 v6, v2;
	v2 =	vsel vm8, v15, v7;
	v15 =	vxor.u32 $0x80000000, v14;
	(pc) =	sbr.rel @p2 .LBB2_11-.Ltmp6, $4  }
0x158: {  	v7 =	vmul.f32 v11, v2;
	v2 =	vsel vm9, v14, v15;
	v13 =	vxor.u32 $0x80000000, v12;
	v6 =	vpop (erf)  }
0x159: {  	v11 =	vxor.u32 $0x7FFFFFFF, v4;
	v6 =	vmul.f32 v6, v2;
	v2 =	vsel vm10, v12, v13  }
0x15a: {  	vm2 =	vlt.s32 v4, $0x0;
	vm3 =	vlt.s32 v9, $0x0;
	v12 =	vxor.u32 $0x7FFFFFFF, v9;
	v14 =	vpop (erf)  }
0x15b: {  	s0 =	sshra.s32 s1, $0x2;
	s1 =	sadd.s32 $0x200, s1;
	vm4 =	vlt.s32 v10, $0x0;
	v13 =	vxor.u32 $0x7FFFFFFF, v10;
	v2 =	vmul.f32 v14, v2  }
.LBB2_12:
0x15c: {  	v14 =	vld [tilespmem:s0+$0x4000]  }
0x15d: {  	v15 =	vld [tilespmem:s0+$0xC000]  }
0x15e: {  	v16 =	vld [tilespmem:s0+$0x4010]  }
0x15f: {  	v17 =	vld [tilespmem:s0+$0xC010];
	v4 =	vsel @p1 vm2, v11, v4  }
0x160: {  	v11 =	vld [tilespmem:s0+$0x4020];
	vm2 =	vlt.s32 @p1 v5, $0x0;
	[tilespmem:s31+$0x12000] =	vst @p1 v4;
	v4 =	vsel @p1 vm3, v12, v9;
	v12 =	vxor.u32 @p1 $0x7FFFFFFF, v5  }
0x161: {  	v21 =	vxor.u32 @p1 $0x7FFFFFFF, v2;
	vm3 =	vlt.s32 @p1 v2, $0x0;
	v9 =	vld [tilespmem:s0+$0xC020];
	[tilespmem:s31+$0x12010] =	vst @p1 v4;
	v4 =	vsel @p1 vm4, v13, v10  }
0x162: {  	v10 =	vld [tilespmem:s0+$0x4030];
	[tilespmem:s31+$0x12020] =	vst @p1 v4;
	v4 =	vsel @p1 vm2, v12, v5;
	v12 =	vxor.u32 @p1 $0x7FFFFFFF, v8;
	vm2 =	vlt.s32 @p1 v8, $0x0  }
0x163: {  	v5 =	vld [tilespmem:s0+$0xC030];
	[tilespmem:s31+$0x12030] =	vst @p1 v4;
	v4 =	vsel @p1 vm2, v12, v8;
	v12 =	vxor.u32 @p1 $0x7FFFFFFF, v7;
	vm2 =	vlt.s32 @p1 v7, $0x0  }
0x164: {  	v2 =	vsel @p1 vm3, v21, v2;
	v8 =	vld [tilespmem:s0+$0x4040];
	[tilespmem:s31+$0x12040] =	vst @p1 v4;
	v4 =	vsel @p1 vm2, v12, v7;
	v13 =	vand.u32 $0x7FFFFFFF, v14  }
0x165: {  	v12 =	vxor.u32 @p1 $0x7FFFFFFF, v6;
	vm2 =	vlt.s32 @p1 v6, $0x0;
	v7 =	vld [tilespmem:s0+$0xC040];
	[tilespmem:s31+$0x12050] =	vst @p1 v4;
	v4 =	vmul.f32 v15, v13  }
0x166: {  	vm15 =	vge.f32 v14, $0.0e+00;
	v6 =	vsel @p1 vm2, v12, v6;
	v15 =	vand.u32 $0x7FFFFFFF, v16  }
0x167: {  	v12 =	vld [tilespmem:s0+$0x4050];
	[tilespmem:s31+$0x12060] =	vst @p1 v6;
	v6 =	vmul.f32 v17, v15;
	v17 =	vand.u32 $0x7FFFFFFF, v11;
	v3 =	vadd.f32 v4, v3  }
0x168: {  	vm6 =	vge.f32 v11, $0.0e+00;
	v9 =	vmul.f32 v9, v17;
	v19 =	vand.u32 $0x7FFFFFFF, v10  }
0x169: {  	[tilespmem:s0+$0x18080] =	vst v4;
	v4 =	vmul.f32 v5, v19;
	v5 =	vmax.f32 v13, $1.000000010e-07;
	v3 =	vadd.f32 v6, v3  }
0x16a: {  	v18 =	vld [tilespmem:s0+$0xC050];
	v14 =	vmax.f32 v17, $1.000000010e-07;
	(erf) = vrcp.f32 v5;
	v5 =	vmax.f32 v15, $1.000000010e-07  }
0x16b: {  	v20 =	vld [tilespmem:s0+$0x4060];
	(erf) = vrcp.f32 v5;
	v5 =	vand.u32 $0x7FFFFFFF, v8;
	v3 =	vadd.f32 v9, v3  }
0x16c: {  	v13 =	vld [tilespmem:s0+$0xC060];
	v11 =	vmax.f32 v19, $1.000000010e-07;
	v7 =	vmul.f32 v7, v5;
	(erf) = vrcp.f32 v14  }
0x16d: {  	[tilespmem:s0+$0x18090] =	vst v6;
	v6 =	vld [tilespmem:s0+$0x4070];
	v5 =	vmax.f32 v5, $1.000000010e-07;
	(erf) = vrcp.f32 v11;
	v3 =	vadd.f32 v4, v3  }
0x16e: {  	vm5 =	vge.f32 v10, $0.0e+00;
	v10 =	vld [tilespmem:s0+$0xA000];
	[tilespmem:s0+$0x180B0] =	vst v4;
	v4 =	vand.u32 $0x7FFFFFFF, v12;
	(erf) = vrcp.f32 v5  }
0x16f: {  	[tilespmem:s0+$0x180A0] =	vst v9;
	v9 =	vld [tilespmem:s0+$0xC070];
	v11 =	vmul.f32 v18, v4;
	v4 =	vmax.f32 v4, $1.000000010e-07;
	v3 =	vadd.f32 v7, v3  }
0x170: {  	vm2 =	vge.f32 v16, $0.0e+00;
	v14 =	vld [tilespmem:s0+$0xA010];
	[tilespmem:s0+$0x180C0] =	vst v7;
	v7 =	vand.u32 $0x7FFFFFFF, v20;
	(erf) = vrcp.f32 v4  }
0x171: {  	v5 =	vld [tilespmem:s0+$0xA020];
	v4 =	vmax.f32 v7, $1.000000010e-07;
	v7 =	vmul.f32 v13, v7;
	v3 =	vadd.f32 v11, v3  }
0x172: {  	vm7 =	vge.f32 v8, $0.0e+00;
	v8 =	vld [tilespmem:s0+$0xA030];
	vm10 =	vge.f32 v12, $0.0e+00;
	vm8 =	vge.f32 v6, $0.0e+00  }
0x173: {  	v6 =	vand.u32 $0x7FFFFFFF, v6;
	[tilespmem:s0+$0x180D0] =	vst v11;
	(erf) = vrcp.f32 v4;
	v11 =	vld [tilespmem:s0+$0xA050];
	v3 =	vadd.f32 v7, v3  }
0x174: {  	v4 =	vld [tilespmem:s0+$0xA040];
	[tilespmem:s0+$0x180E0] =	vst v7;
	v7 =	vmax.f32 v6, $1.000000010e-07;
	v6 =	vmul.f32 v9, v6;
	v9 =	vxor.u32 $0x80000000, v10  }
0x175: {  	v13 =	vxor.u32 $0x80000000, v14;
	v12 =	vpop (erf);
	(erf) = vrcp.f32 v7;
	v7 =	vsel vm15, v10, v9  }
0x176: {  	v13 =	vsel vm2, v14, v13;
	v9 =	vld [tilespmem:s0+$0xA060];
	v10 =	vpop (erf);
	[tilespmem:s31+$0x12070] =	vst @p1 v2;
	v2 =	vmul.f32 v12, v7;
	v7 =	vxor.u32 $0x80000000, v5  }
0x177: {  	vm9 =	vge.f32 v20, $0.0e+00;
	v12 =	vpop (erf);
	v10 =	vmul.f32 v10, v13;
	v5 =	vsel vm6, v5, v7  }
0x178: {  	v14 =	vld [tilespmem:s0+$0xA070];
	v7 =	vxor.u32 $0x80000000, v8;
	v13 =	vxor.u32 $0x80000000, v11;
	v5 =	vmul.f32 v12, v5  }
0x179: {  	v15 =	vpop (erf);
	v7 =	vsel vm5, v8, v7;
	v12 =	vxor.u32 $0x80000000, v4;
	v11 =	vsel vm10, v11, v13  }
0x17a: {  	v8 =	vpop (erf);
	vm2 =	vlt.s32 v2, $0x0;
	vm3 =	vlt.s32 v10, $0x0;
	v4 =	vsel vm7, v4, v12  }
0x17b: {  	v7 =	vmul.f32 v15, v7;
	v13 =	vxor.u32 $0x80000000, v9;
	v4 =	vmul.f32 v8, v4  }
0x17c: {  	v15 =	vxor.u32 $0x7FFFFFFF, v5;
	v12 =	vpop (erf);
	v9 =	vsel vm9, v9, v13;
	v13 =	vxor.u32 $0x7FFFFFFF, v2  }
0x17d: {  	v8 =	vmul.f32 v12, v11;
	v11 =	vpop (erf);
	v12 =	vxor.u32 $0x80000000, v14;
	v2 =	vsel vm2, v13, v2  }
0x17e: {  	[tilespmem:s0+$0x180F0] =	vst v6;
	vm2 =	vlt.s32 v5, $0x0;
	v9 =	vmul.f32 v11, v9;
	v11 =	vsel vm8, v14, v12  }
0x17f: {  	v12 =	vxor.u32 $0x7FFFFFFF, v10;
	[tilespmem:s0+$0x12000] =	vst v2;
	v2 =	vxor.u32 $0x7FFFFFFF, v7;
	v5 =	vsel vm2, v15, v5  }
0x180: {  	vm2 =	vlt.s32 v4, $0x0;
	v10 =	vsel vm3, v12, v10;
	vm3 =	vlt.s32 v7, $0x0;
	[tilespmem:s0+$0x12020] =	vst v5  }
0x181: {  	v14 =	vpop (erf);
	v5 =	vxor.u32 $0x7FFFFFFF, v8;
	[tilespmem:s0+$0x12010] =	vst v10;
	v10 =	vxor.u32 $0x7FFFFFFF, v4;
	v2 =	vsel vm3, v2, v7  }
0x182: {  	v11 =	vmul.f32 v14, v11;
	vm3 =	vlt.s32 v8, $0x0;
	v4 =	vsel vm2, v10, v4;
	[tilespmem:s0+$0x12030] =	vst v2  }
0x183: {  	v2 =	vxor.u32 $0x7FFFFFFF, v9;
	vm2 =	vlt.s32 v9, $0x0;
	v5 =	vsel vm3, v5, v8;
	[tilespmem:s0+$0x12040] =	vst v4  }
0x184: {  	v4 =	vxor.u32 $0x7FFFFFFF, v11;
	vm3 =	vlt.s32 v11, $0x0;
	v2 =	vsel vm2, v2, v9;
	[tilespmem:s0+$0x12050] =	vst v5  }
0x185: {  	v3 =	vadd.f32 v6, v3;
	[tilespmem:s0+$0x12060] =	vst v2;
	v2 =	vsel vm3, v4, v11  }
0x186: {  	[tilespmem:s0+$0x12070] =	vst v2  }
0x187: {  	[tilespmem:$0x1A100] =	vst v3  }
0x188: {  	[bflag:$0x0] =	sbarrier.arrive $0xFFFF  }
0x189: {  	[spmem:s11] =	stream.linear.scatter [tilespmem:s24], [sflag:$0x2], $0x10, $0x38;
	[tilespmem:$0x1A290] =	vst v63  }
0x18a: {  	_ =	swait.ge [sflag:s25], $0x10  }
0x18b: {  	[sflag:s25] =	ssyncset.done $0x0  }
0x18c: {  	[sflag:s25] =	ssyncadd.s32 $0xFFFFFFF0  }
0x18d: {  	[bflag:$0x0] =	sbarrier.arrive $0xFFFF  }
0x18e: {  	[tilespmem:s26], [sflag:$0x2] =	stream.linear.gather [spmem:s9], $0x80, $0x38;
	[tilespmem:$0x1A290] =	vst v63  }
0x18f: {  	_ =	swait.ge [sflag:s25], $0x80  }
0x190: {  	[sflag:s25] =	ssyncset.done $0x0  }
0x191: {  	[sflag:s25] =	ssyncadd.s32 $0xFFFFFF80  }
0x192: {  	v9 =	vld [tilespmem:$0x1A180]  }
0x193: {  	v8 =	vld [tilespmem:$0x1A190]  }
0x194: {  	v7 =	vld [tilespmem:$0x1A1A0]  }
0x195: {  	v6 =	vld [tilespmem:$0x1A1B0]  }
0x196: {  	v5 =	vld [tilespmem:$0x1A1C0]  }
0x197: {  	v4 =	vld [tilespmem:$0x1A1D0]  }
0x198: {  	v3 =	vld [tilespmem:$0x1A1E0]  }
0x199: {  	s16 =	simm.s32 $0x0;
	v2 =	vld [tilespmem:$0x1A1F0]  }
0x19a: {  	v10 =	vld [tilespmem:s16+$0xE000]  }
0x19b: {  	v11 =	vld [tilespmem:s16+$0x14080]  }
0x19c: {  	v12 =	vld [tilespmem:s16+$0xE010]  }
0x19d: {  	v13 =	vld [tilespmem:s16+$0x14090]  }
0x19e: {  	v14 =	vld [tilespmem:s16+$0xE020]  }
0x19f: {  	vm2 =	vlt.s32 v10, $0x0;
	v10 =	vld [tilespmem:s16+$0x140A0]  }
0x1a0: {  	v15 =	vimm.f32 $0.0e+00;
	v16 =	vld [tilespmem:s16+$0xE030];
	v11 =	vnsel vm2, $0x0, v11  }
0x1a1: {  	vm2 =	vlt.s32 v12, $0x0;
	v11 =	vadd.f32 v11, v15;
	v15 =	vld [tilespmem:s16+$0x140B0]  }
0x1a2: {  	v12 =	vnsel vm2, $0x0, v13;
	v13 =	vld [tilespmem:s16+$0xE040]  }
0x1a3: {  	vm2 =	vlt.s32 v14, $0x0;
	v14 =	vld [tilespmem:s16+$0x140C0];
	v11 =	vadd.f32 v12, v11  }
0x1a4: {  	v17 =	vld [tilespmem:s16+$0xE050];
	v10 =	vnsel vm2, $0x0, v10  }
0x1a5: {  	v12 =	vld [tilespmem:s16+$0x140D0];
	vm2 =	vlt.s32 v16, $0x0;
	v11 =	vadd.f32 v10, v11  }
0x1a6: {  	v10 =	vld [tilespmem:s16+$0xE060];
	v15 =	vnsel vm2, $0x0, v15  }
0x1a7: {  	vm2 =	vlt.s32 v13, $0x0;
	v13 =	vld [tilespmem:s16+$0x140E0];
	v15 =	vadd.f32 v15, v11  }
0x1a8: {  	v14 =	vnsel vm2, $0x0, v14;
	v11 =	vld [tilespmem:s16+$0xE070]  }
0x1a9: {  	s1 =	simm.s32 $0x400;
	s0 =	simm.s32 $0x80;
	vm2 =	vlt.s32 v17, $0x0;
	v15 =	vadd.f32 v14, v15;
	v14 =	vld [tilespmem:s16+$0x140F0]  }
.LBB2_13:
0x1aa: {  	p1 =	sne.s32 s1, $0x17E00;
	v16 =	vld [tilespmem:s0+$0xE000];
	v12 =	vnsel vm2, $0x0, v12  }
0x1ab: {  	v17 =	vld [tilespmem:s0+$0x14080];
	v12 =	vadd.f32 v12, v15;
	vm2 =	vlt.s32 v10, $0x0  }
0x1ac: {  	v10 =	vld [tilespmem:s0+$0xE010];
	v13 =	vnsel vm2, $0x0, v13  }
0x1ad: {  	v15 =	vld [tilespmem:s0+$0x14090];
	v12 =	vadd.f32 v13, v12;
	vm2 =	vlt.s32 v11, $0x0  }
0x1ae: {  	v11 =	vld [tilespmem:s0+$0xE020];
	v13 =	vnsel vm2, $0x0, v14  }
0x1af: {  	vm2 =	vlt.s32 v16, $0x0;
	v14 =	vld [tilespmem:s0+$0x140A0];
	v12 =	vadd.f32 v13, v12  }
0x1b0: {  	v13 =	vnsel vm2, $0x0, v17;
	v16 =	vld [tilespmem:s0+$0xE030]  }
0x1b1: {  	v12 =	vadd.f32 v13, v12;
	vm2 =	vlt.s32 v10, $0x0;
	v10 =	vld [tilespmem:s0+$0x140B0]  }
0x1b2: {  	v13 =	vnsel vm2, $0x0, v15;
	v15 =	vld [tilespmem:s0+$0xE040]  }
0x1b3: {  	v12 =	vadd.f32 v13, v12;
	vm2 =	vlt.s32 v11, $0x0;
	v11 =	vld [tilespmem:s0+$0x140C0]  }
0x1b4: {  	v13 =	vnsel vm2, $0x0, v14;
	v14 =	vld [tilespmem:s0+$0xE050]  }
.Ltmp7:
0x1b5: {  	v13 =	vadd.f32 v13, v12;
	vm2 =	vlt.s32 v16, $0x0;
	v12 =	vld [tilespmem:s0+$0x140D0];
	(pc) =	sbr.rel @p1 .LBB2_13-.Ltmp7, $4  }
0x1b6: {  	v16 =	vnsel vm2, $0x0, v10;
	v10 =	vld [tilespmem:s0+$0xE060]  }
0x1b7: {  	v16 =	vadd.f32 v16, v13;
	vm2 =	vlt.s32 v15, $0x0;
	v13 =	vld [tilespmem:s0+$0x140E0]  }
0x1b8: {  	v15 =	vnsel vm2, $0x0, v11;
	v11 =	vld [tilespmem:s0+$0xE070]  }
0x1b9: {  	v15 =	vadd.f32 v15, v16;
	vm2 =	vlt.s32 v14, $0x0;
	v14 =	vld [tilespmem:s0+$0x140F0];
	s0 =	sshra.s32 s1, $0x2;
	s1 =	sadd.s32 $0x200, s1  }
0x1ba: {  	v16 =	vld [tilespmem:s0+$0xE000];
	v12 =	vnsel vm2, $0x0, v12  }
0x1bb: {  	v17 =	vld [tilespmem:s0+$0x14080];
	v12 =	vadd.f32 v12, v15;
	vm2 =	vlt.s32 v10, $0x0  }
0x1bc: {  	v37 =	vld [tilespmem:s0+$0xE010];
	v13 =	vnsel vm2, $0x0, v13  }
0x1bd: {  	v38 =	vld [tilespmem:s0+$0x14090];
	v12 =	vadd.f32 v13, v12;
	vm2 =	vlt.s32 v11, $0x0  }
0x1be: {  	v39 =	vld [tilespmem:s0+$0xE020];
	v40 =	vnsel vm2, $0x0, v14  }
0x1bf: {  	v41 =	vld [tilespmem:s0+$0x140A0];
	vm2 =	vlt.s32 v16, $0x0;
	v12 =	vadd.f32 v40, v12  }
0x1c0: {  	v43 =	vld [tilespmem:s0+$0xE030];
	v42 =	vnsel vm2, $0x0, v17  }
0x1c1: {  	v44 =	vld [tilespmem:s0+$0x140B0];
	vm2 =	vlt.s32 v37, $0x0;
	v12 =	vadd.f32 v42, v12  }
0x1c2: {  	v46 =	vld [tilespmem:s0+$0xE040];
	v45 =	vnsel vm2, $0x0, v38  }
0x1c3: {  	v47 =	vld [tilespmem:s0+$0x140C0];
	vm2 =	vlt.s32 v39, $0x0;
	v12 =	vadd.f32 v45, v12  }
0x1c4: {  	v49 =	vld [tilespmem:s0+$0xE050];
	v48 =	vnsel vm2, $0x0, v41  }
0x1c5: {  	v50 =	vld [tilespmem:s0+$0x140D0];
	vm2 =	vlt.s32 v43, $0x0;
	v12 =	vadd.f32 v48, v12  }
0x1c6: {  	v51 =	vld [tilespmem:s0+$0xE060];
	v10 =	vnsel vm2, $0x0, v44  }
0x1c7: {  	v52 =	vld [tilespmem:s0+$0x140E0];
	vm2 =	vlt.s32 v46, $0x0;
	v10 =	vadd.f32 v10, v12  }
0x1c8: {  	v53 =	vld [tilespmem:s0+$0xE070];
	v11 =	vnsel vm2, $0x0, v47  }
0x1c9: {  	v54 =	vld [tilespmem:s0+$0x140F0];
	vm2 =	vlt.s32 v49, $0x0;
	v10 =	vadd.f32 v11, v10  }
0x1ca: {  	v13 =	vnsel vm2, $0x0, v50  }
0x1cb: {  	vm2 =	vlt.s32 v51, $0x0;
	v10 =	vadd.f32 v13, v10  }
0x1cc: {  	v12 =	vnsel vm2, $0x0, v52  }
0x1cd: {  	vm2 =	vlt.s32 v53, $0x0;
	v10 =	vadd.f32 v12, v10  }
0x1ce: {  	v11 =	vnsel vm2, $0x0, v54  }
0x1cf: {  	v10 =	vadd.f32 v11, v10;
	_ =	sdelay $0x1  }
0x1d0: {  	[tilespmem:$0x1A100] =	vst v10  }
0x1d1: {  	[bflag:$0x0] =	sbarrier.arrive $0xFFFF  }
0x1d2: {  	[spmem:s11] =	stream.linear.scatter [tilespmem:s24], [sflag:$0x2], $0x10, $0x38;
	[tilespmem:$0x1A290] =	vst v63  }
0x1d3: {  	_ =	swait.ge [sflag:s25], $0x10  }
0x1d4: {  	[sflag:s25] =	ssyncset.done $0x0  }
0x1d5: {  	[sflag:s25] =	ssyncadd.s32 $0xFFFFFFF0  }
0x1d6: {  	[bflag:$0x0] =	sbarrier.arrive $0xFFFF  }
0x1d7: {  	[tilespmem:s26], [sflag:$0x2] =	stream.linear.gather [spmem:s9], $0x80, $0x38;
	[tilespmem:$0x1A290] =	vst v63  }
0x1d8: {  	_ =	swait.ge [sflag:s25], $0x80  }
0x1d9: {  	[sflag:s25] =	ssyncset.done $0x0  }
0x1da: {  	[sflag:s25] =	ssyncadd.s32 $0xFFFFFF80  }
0x1db: {  	v55 =	vld [tilespmem:$0x1A180];
	_ =	sdelay $0x1  }
0x1dc: {  	v56 =	vld [tilespmem:$0x1A190]  }
0x1dd: {  	v9 =	vadd.f32 $0.0e+00, v9  }
0x1de: {  	v57 =	vld [tilespmem:$0x1A1A0]  }
0x1df: {  	v8 =	vadd.f32 v8, v9;
	v10 =	vadd.f32 $0.0e+00, v55  }
0x1e0: {  	v58 =	vld [tilespmem:$0x1A1B0]  }
0x1e1: {  	v7 =	vadd.f32 v7, v8;
	v10 =	vadd.f32 v56, v10  }
0x1e2: {  	v59 =	vld [tilespmem:$0x1A1C0]  }
0x1e3: {  	v6 =	vadd.f32 v6, v7;
	v10 =	vadd.f32 v57, v10  }
0x1e4: {  	v60 =	vld [tilespmem:$0x1A1D0]  }
0x1e5: {  	v5 =	vadd.f32 v5, v6;
	v9 =	vadd.f32 v58, v10  }
0x1e6: {  	v61 =	vld [tilespmem:$0x1A1E0]  }
0x1e7: {  	v4 =	vadd.f32 v4, v5;
	v8 =	vadd.f32 v59, v9  }
0x1e8: {  	v62 =	vld [tilespmem:$0x1A1F0]  }
0x1e9: {  	v3 =	vadd.f32 v3, v4;
	v7 =	vadd.f32 v60, v8;
	_ =	sdelay $0x1  }
0x1ea: {  	v2 =	vadd.f32 v2, v3;
	v63 =	vadd.f32 v61, v7;
	_ =	sdelay $0x1  }
0x1eb: {  	(xrf2) =	vadd.scan.msk.f32 $0xffff, v2;
	v3 =	vadd.f32 v62, v63;
	_ =	sdelay $0x1  }
0x1ec: {  	(xrf2) =	vadd.scan.msk.f32 $0xffff, v3;
	_ =	sdelay $0x7  }
0x1ed: {  	v2, _, _ =	vpop (xrf2)  }
0x1ee: {  	(v2sf) =	vpush v2, $0xF  }
0x1ef: {  	v2, _, _ =	vpop (xrf2)  }
0x1f0: {  	(v2sf) =	vpush v2, $0xF;
	_ =	sdelay $0xc  }
0x1f1: {  	s21 =	spop (v2sf)  }
0x1f2: {  	s1 =	smul.f32 $5.000000000e-01, s21  }
0x1f3: {  	s0 =	spop (v2sf)  }
0x1f4: {  	p1 =	slt.f32 s0, s1  }
0x1f5: {  	s31 =	simm.s32 $0x0  }
0x1f6: {  	s16 =	simm.s32 $0x0;
	s31 =	simm.s32 @!p1 $0x80000000;
	s0 =	simm.s32 @!p1 $0x0  }
.LBB2_15:
0x1f7: {  	s20 =	simm.s32 $0x0  }
0x1f8: {  	v3 =	vld [tilespmem:s20+$0xE000]  }
0x1f9: {  	v4 =	vld [tilespmem:s20+$0x14080]  }
0x1fa: {  	s17 =	sshrl.u32 s28, s16;
	v5 =	vld [tilespmem:s20+$0xE010]  }
0x1fb: {  	s17 =	sadd.s32 s17, s31;
	v6 =	vld [tilespmem:s20+$0x14090]  }
0x1fc: {  	v7 =	vld [tilespmem:s20+$0xE020];
	v2 =	vmov s17  }
0x1fd: {  	vm2 =	vlt.s32 v3, v2;
	v3 =	vld [tilespmem:s20+$0x140A0]  }
0x1fe: {  	v8 =	vimm.f32 $0.0e+00;
	v9 =	vld [tilespmem:s20+$0xE030];
	v4 =	vnsel vm2, $0x0, v4  }
0x1ff: {  	vm2 =	vlt.s32 v5, v2;
	v4 =	vadd.f32 v4, v8;
	v8 =	vld [tilespmem:s20+$0x140B0]  }
0x200: {  	v5 =	vnsel vm2, $0x0, v6;
	v6 =	vld [tilespmem:s20+$0xE040]  }
0x201: {  	vm2 =	vlt.s32 v7, v2;
	v7 =	vld [tilespmem:s20+$0x140C0];
	v4 =	vadd.f32 v5, v4  }
0x202: {  	v10 =	vld [tilespmem:s20+$0xE050];
	v3 =	vnsel vm2, $0x0, v3  }
0x203: {  	v5 =	vld [tilespmem:s20+$0x140D0];
	vm2 =	vlt.s32 v9, v2;
	v4 =	vadd.f32 v3, v4  }
0x204: {  	v3 =	vld [tilespmem:s20+$0xE060];
	v8 =	vnsel vm2, $0x0, v8  }
0x205: {  	vm2 =	vlt.s32 v6, v2;
	v6 =	vld [tilespmem:s20+$0x140E0];
	v8 =	vadd.f32 v8, v4  }
0x206: {  	v7 =	vnsel vm2, $0x0, v7;
	v4 =	vld [tilespmem:s20+$0xE070]  }
0x207: {  	s18 =	simm.s32 $0x80;
	s19 =	simm.s32 $0x400;
	vm2 =	vlt.s32 v10, v2;
	v8 =	vadd.f32 v7, v8;
	v7 =	vld [tilespmem:s20+$0x140F0]  }
.LBB2_16:
0x208: {  	p1 =	sne.s32 s19, $0x17E00;
	v9 =	vld [tilespmem:s18+$0xE000];
	v5 =	vnsel vm2, $0x0, v5  }
0x209: {  	v10 =	vld [tilespmem:s18+$0x14080];
	v5 =	vadd.f32 v5, v8;
	vm2 =	vlt.s32 v3, v2  }
0x20a: {  	v3 =	vld [tilespmem:s18+$0xE010];
	v6 =	vnsel vm2, $0x0, v6  }
0x20b: {  	v8 =	vld [tilespmem:s18+$0x14090];
	v5 =	vadd.f32 v6, v5;
	vm2 =	vlt.s32 v4, v2  }
0x20c: {  	v4 =	vld [tilespmem:s18+$0xE020];
	v6 =	vnsel vm2, $0x0, v7  }
0x20d: {  	vm2 =	vlt.s32 v9, v2;
	v7 =	vld [tilespmem:s18+$0x140A0];
	v5 =	vadd.f32 v6, v5  }
0x20e: {  	v6 =	vnsel vm2, $0x0, v10;
	v9 =	vld [tilespmem:s18+$0xE030]  }
0x20f: {  	v5 =	vadd.f32 v6, v5;
	vm2 =	vlt.s32 v3, v2;
	v3 =	vld [tilespmem:s18+$0x140B0]  }
0x210: {  	v6 =	vnsel vm2, $0x0, v8;
	v8 =	vld [tilespmem:s18+$0xE040]  }
0x211: {  	v5 =	vadd.f32 v6, v5;
	vm2 =	vlt.s32 v4, v2;
	v4 =	vld [tilespmem:s18+$0x140C0]  }
0x212: {  	v6 =	vnsel vm2, $0x0, v7;
	v7 =	vld [tilespmem:s18+$0xE050]  }
.Ltmp8:
0x213: {  	v6 =	vadd.f32 v6, v5;
	vm2 =	vlt.s32 v9, v2;
	v5 =	vld [tilespmem:s18+$0x140D0];
	(pc) =	sbr.rel @p1 .LBB2_16-.Ltmp8, $4  }
0x214: {  	v9 =	vnsel vm2, $0x0, v3;
	v3 =	vld [tilespmem:s18+$0xE060]  }
0x215: {  	v9 =	vadd.f32 v9, v6;
	vm2 =	vlt.s32 v8, v2;
	v6 =	vld [tilespmem:s18+$0x140E0]  }
0x216: {  	v8 =	vnsel vm2, $0x0, v4;
	v4 =	vld [tilespmem:s18+$0xE070]  }
0x217: {  	v8 =	vadd.f32 v8, v9;
	vm2 =	vlt.s32 v7, v2;
	v7 =	vld [tilespmem:s18+$0x140F0];
	s18 =	sshra.s32 s19, $0x2;
	s19 =	sadd.s32 $0x200, s19  }
0x218: {  	v9 =	vld [tilespmem:s18+$0xE000];
	v5 =	vnsel vm2, $0x0, v5  }
0x219: {  	v10 =	vld [tilespmem:s18+$0x14080];
	v5 =	vadd.f32 v5, v8;
	vm2 =	vlt.s32 v3, v2  }
0x21a: {  	v3 =	vld [tilespmem:s18+$0xE010];
	v6 =	vnsel vm2, $0x0, v6  }
0x21b: {  	v44 =	vld [tilespmem:s18+$0x14090];
	v5 =	vadd.f32 v6, v5;
	vm2 =	vlt.s32 v4, v2  }
0x21c: {  	v45 =	vld [tilespmem:s18+$0xE020];
	v46 =	vnsel vm2, $0x0, v7  }
0x21d: {  	v47 =	vld [tilespmem:s18+$0x140A0];
	vm2 =	vlt.s32 v9, v2;
	v5 =	vadd.f32 v46, v5  }
0x21e: {  	v49 =	vld [tilespmem:s18+$0xE030];
	v48 =	vnsel vm2, $0x0, v10  }
0x21f: {  	vm2 =	vlt.s32 v3, v2;
	v3 =	vld [tilespmem:s18+$0x140B0];
	v5 =	vadd.f32 v48, v5  }
0x220: {  	v51 =	vld [tilespmem:s18+$0xE040];
	v50 =	vnsel vm2, $0x0, v44  }
0x221: {  	v52 =	vld [tilespmem:s18+$0x140C0];
	vm2 =	vlt.s32 v45, v2;
	v5 =	vadd.f32 v50, v5  }
0x222: {  	v54 =	vld [tilespmem:s18+$0xE050];
	v53 =	vnsel vm2, $0x0, v47  }
0x223: {  	v55 =	vld [tilespmem:s18+$0x140D0];
	vm2 =	vlt.s32 v49, v2;
	v5 =	vadd.f32 v53, v5  }
0x224: {  	v56 =	vld [tilespmem:s18+$0xE060];
	v3 =	vnsel vm2, $0x0, v3  }
0x225: {  	v57 =	vld [tilespmem:s18+$0x140E0];
	vm2 =	vlt.s32 v51, v2;
	v3 =	vadd.f32 v3, v5  }
0x226: {  	v58 =	vld [tilespmem:s18+$0xE070];
	v4 =	vnsel vm2, $0x0, v52  }
0x227: {  	v59 =	vld [tilespmem:s18+$0x140F0];
	vm2 =	vlt.s32 v54, v2;
	v3 =	vadd.f32 v4, v3  }
0x228: {  	v6 =	vnsel vm2, $0x0, v55  }
0x229: {  	vm2 =	vlt.s32 v56, v2;
	v3 =	vadd.f32 v6, v3  }
0x22a: {  	v5 =	vnsel vm2, $0x0, v57  }
0x22b: {  	vm2 =	vlt.s32 v58, v2;
	v3 =	vadd.f32 v5, v3  }
0x22c: {  	v2 =	vnsel vm2, $0x0, v59  }
0x22d: {  	v2 =	vadd.f32 v2, v3;
	_ =	sdelay $0x1  }
0x22e: {  	[tilespmem:$0x1A100] =	vst v2  }
0x22f: {  	[bflag:$0x0] =	sbarrier.arrive $0xFFFF  }
0x230: {  	[spmem:s11] =	stream.linear.scatter [tilespmem:s24], [sflag:$0x2], $0x10, $0x38;
	[tilespmem:$0x1A290] =	vst v63  }
0x231: {  	_ =	swait.ge [sflag:s25], $0x10  }
0x232: {  	[sflag:s25] =	ssyncset.done $0x0  }
0x233: {  	[sflag:s25] =	ssyncadd.s32 $0xFFFFFFF0  }
0x234: {  	[bflag:$0x0] =	sbarrier.arrive $0xFFFF  }
0x235: {  	[tilespmem:s26], [sflag:$0x2] =	stream.linear.gather [spmem:s9], $0x80, $0x38;
	[tilespmem:$0x1A290] =	vst v63  }
0x236: {  	_ =	swait.ge [sflag:s25], $0x80  }
0x237: {  	[sflag:s25] =	ssyncset.done $0x0  }
0x238: {  	[sflag:s25] =	ssyncadd.s32 $0xFFFFFF80  }
0x239: {  	v2 =	vld [tilespmem:$0x1A180];
	_ =	sdelay $0x1  }
0x23a: {  	v3 =	vld [tilespmem:$0x1A190];
	_ =	sdelay $0x1  }
0x23b: {  	v60 =	vld [tilespmem:$0x1A1A0]  }
0x23c: {  	v2 =	vadd.f32 $0.0e+00, v2  }
0x23d: {  	v61 =	vld [tilespmem:$0x1A1B0]  }
0x23e: {  	v2 =	vadd.f32 v3, v2  }
0x23f: {  	v3 =	vld [tilespmem:$0x1A1C0]  }
0x240: {  	v2 =	vadd.f32 v60, v2  }
0x241: {  	v62 =	vld [tilespmem:$0x1A1D0]  }
0x242: {  	v2 =	vadd.f32 v61, v2  }
0x243: {  	v63 =	vld [tilespmem:$0x1A1E0]  }
0x244: {  	v2 =	vadd.f32 v3, v2  }
0x245: {  	v3 =	vld [tilespmem:$0x1A1F0]  }
0x246: {  	v2 =	vadd.f32 v62, v2;
	_ =	sdelay $0x1  }
0x247: {  	v2 =	vadd.f32 v63, v2;
	_ =	sdelay $0x1  }
0x248: {  	v2 =	vadd.f32 v3, v2;
	_ =	sdelay $0x1  }
0x249: {  	(xrf2) =	vadd.scan.msk.f32 $0xffff, v2;
	_ =	sdelay $0x9  }
0x24a: {  	v2, _, _ =	vpop (xrf2)  }
0x24b: {  	(v2sf) =	vpush v2, $0xF;
	_ =	sdelay $0xb  }
0x24c: {  	s16 =	sadd.s32 $0x1, s16  }
0x24d: {  	p2 =	sne.s32 s16, $0x7  }
.Ltmp9:
0x24e: {  	_ = 	snop;
	(pc) =	sbr.rel @p2 .LBB2_15-.Ltmp9, $3  }
0x24f: {  	s18 =	spop (v2sf)  }
0x250: {  	p1 =	slt.f32 s18, s1;
	_ =	sdelay $0x1  }
0x251: {  	s31 =	smov.u32 @p1 s17;
	s0 =	smov.u32 @p1 s18  }
0x252: {  	s16 =	simm.s32 $0x0  }
0x253: {  	v3 =	vld [tilespmem:s16+$0xE000];
	_ =	sdelay $0x3  }
0x254: {  	v2 =	vmov s31  }
0x255: {  	v4 =	vsub.s32 v3, v2  }
0x256: {  	vm2 =	vge.s32 v3, v2;
	vm3 =	vlt.s32 v4, $0x1000000  }
0x257: {  	vm2 =	vmand vm2, vm3  }
0x258: {  	v62 =	vmpcnt.ones.xlane vm2;
	_ =	sdelay $0x1  }
0x259: {  	v4 =	vxor.u32 $0x80000000, v62  }
0x25a: {  	(xrf0) =	vmax.scan.msk.u32 $0xffff, v4;
	_ =	sdelay $0x1  }
0x25b: {  	v63 =	vld [tilespmem:s16+$0x14080];
	_ =	sdelay $0x2  }
0x25c: {  	s16 =	simm.s32 $0x0  }
0x25d: {  	[tilespmem:s16+$0xE000] =	vst.msk vm2, v3;
	v3, _, _ =	vpop (xrf0)  }
0x25e: {  	s17 =	simm.s32 $0x10;
	s18 =	simm.s32 $0x80;
	[tilespmem:s16+$0x14080] =	vst.msk vm2, v63;
	(v2sf) =	vpush v3, $0xF  }
.LBB2_19:
0x25f: {  	p1 =	sne.s32 s18, $0x17FC0;
	v3 =	vld [tilespmem:s17+$0xE000];
	_ =	sdelay $0x4  }
0x260: {  	v4 =	vsub.s32 v3, v2  }
0x261: {  	vm2 =	vge.s32 v3, v2;
	vm3 =	vlt.s32 v4, $0x1000000  }
0x262: {  	vm2 =	vmand vm2, vm3  }
0x263: {  	v4 =	vmpcnt.ones.xlane vm2;
	_ =	sdelay $0x1  }
0x264: {  	v4 =	vxor.u32 $0x80000000, v4  }
0x265: {  	(xrf0) =	vmax.scan.msk.u32 $0xffff, v4;
	_ =	sdelay $0x1  }
0x266: {  	v4 =	vld [tilespmem:s17+$0x14080]  }
.Ltmp10:
0x267: {  	s17 =	spop (v2sf);
	(pc) =	sbr.rel @p1 .LBB2_19-.Ltmp10, $4  }
0x268: {  	s16 =	sadd.s32 s17, s16  }
0x269: {  	s16 =	sadd.s32 $0x80000000, s16  }
0x26a: {  	[tilespmem:s16+$0xE000] =	vst.msk vm2, v3;
	v3, _, _ =	vpop (xrf0)  }
0x26b: {  	s17 =	sshra.s32 s18, $0x2;
	s18 =	sadd.s32 $0x40, s18;
	[tilespmem:s16+$0x14080] =	vst.msk vm2, v4;
	(v2sf) =	vpush v3, $0xF  }
0x26c: {  	v3 =	vld [tilespmem:s17+$0xE000];
	_ =	sdelay $0x4  }
0x26d: {  	v4 =	vsub.s32 v3, v2  }
0x26e: {  	vm2 =	vge.s32 v3, v2;
	vm3 =	vlt.s32 v4, $0x1000000  }
0x26f: {  	vm2 =	vmand vm2, vm3  }
0x270: {  	v2 =	vmpcnt.ones.xlane vm2;
	_ =	sdelay $0x1  }
0x271: {  	v2 =	vxor.u32 $0x80000000, v2  }
0x272: {  	(xrf0) =	vmax.scan.msk.u32 $0xffff, v2;
	_ =	sdelay $0x5  }
0x273: {  	v2, _, _ =	vpop (xrf0)  }
0x274: {  	(v2sf) =	vpush v2, $0xF;
	_ =	sdelay $0xb  }
0x275: {  	v2 =	vld [tilespmem:s17+$0x14080]  }
0x276: {  	s18 =	spop (v2sf)  }
0x277: {  	s16 =	sadd.s32 s18, s16  }
0x278: {  	s16 =	sadd.s32 $0x80000000, s16;
	s19 =	spop (v2sf)  }
0x279: {  	[tilespmem:s16+$0xE000] =	vst.msk vm2, v3;
	s17 =	sadd.s32 s19, s16  }
0x27a: {  	[tilespmem:s16+$0x14080] =	vst.msk vm2, v2;
	s17 =	sadd.s32 $0x80000000, s17  }
0x27b: {  	[tilespmem:s17+$0xE000] =	vst v0  }
0x27c: {  	[tilespmem:s17+$0x14080] =	vst v1  }
0x27d: {  	[tilespmem:s17+$0xE010] =	vst v0  }
0x27e: {  	[tilespmem:s17+$0x14090] =	vst v1  }
0x27f: {  	[tilespmem:s17+$0xE020] =	vst v0  }
0x280: {  	[tilespmem:s17+$0x140A0] =	vst v1  }
0x281: {  	[tilespmem:s17+$0xE030] =	vst v0  }
0x282: {  	[tilespmem:s17+$0x140B0] =	vst v1  }
0x283: {  	[tilespmem:s17+$0xE040] =	vst v0;
	s20 =	sadd.s32 $0x7F, s17  }
0x284: {  	[tilespmem:s17+$0x140C0] =	vst v1;
	s18 =	sand.u32 $0x7F, s20  }
0x285: {  	[tilespmem:s17+$0xE050] =	vst v0;
	s21 =	sshra.s32 s20, $0x1F;
	p2 =	slt.s32 s20, $0x1;
	p1 =	sne.s32 s18, $0x0  }
.Ltmp11:
0x286: {  	[tilespmem:s17+$0x140D0] =	vst v1;
	s18 =	sshrl.u32 s21, $0x19;
	p1 =	por !p2, !p1;
	(pc) =	sbr.rel .LBB2_21-.Ltmp11, $4  }
0x287: {  	[tilespmem:s17+$0xE060] =	vst v0;
	s16 =	sadd.s32 s18, s20;
	s18 =	simm.s32 $0x1;
	p1 =	por !p1, !p1  }
0x288: {  	[tilespmem:s17+$0x140E0] =	vst v1;
	s16 =	sshra.s32 s16, $0x7;
	s18 =	simm.s32 @!p1 $0x0  }
0x289: {  	[tilespmem:s17+$0xE070] =	vst v0;
	s16 =	ssub.s32 s16, s18  }
0x28a: {  	[tilespmem:s17+$0x140F0] =	vst v1;
	s17 =	simm.s32 $0x0;
	p1 =	slt.s32 s16, $0x1  }
.LBB2_23:
0x28b: {  	_ = 	snop  }
.LBB2_26:
0x28c: {  	v9 =	vadd.f32 @p2 v10, v9;
	vm2 =	vlt.s32 @p2 v5, v2  }
0x28d: {  	v5 =	vld [tilespmem:s20+$0xFFFFFFC0];
	v6 =	vnsel @p2 vm2, $0x0, v6  }
0x28e: {  	v53 =	vld [tilespmem:s19+$0xFFFFFFD0];
	vm2 =	vlt.s32 @p2 v7, v2;
	v6 =	vadd.f32 @p2 v6, v9  }
0x28f: {  	v54 =	vld [tilespmem:s20+$0xFFFFFFD0];
	v8 =	vnsel @p2 vm2, $0x0, v8  }
0x290: {  	v55 =	vld [tilespmem:s19+$0xFFFFFFE0];
	v6 =	vadd.f32 @p2 v8, v6  }
0x291: {  	vm2 =	vlt.s32 v4, v2;
	v4 =	vld [tilespmem:s20+$0xFFFFFFE0]  }
0x292: {  	v56 =	vld [tilespmem:s19+$0xFFFFFFF0];
	v5 =	vnsel vm2, $0x0, v5;
	v3 =	vpsel p2, v6, v3  }
0x293: {  	vm2 =	vlt.s32 v53, v2;
	v3 =	vadd.f32 v5, v3;
	v5 =	vld [tilespmem:s20+$0xFFFFFFF0]  }
0x294: {  	v58 =	vld [tilespmem:s19+$0x0];
	v57 =	vnsel vm2, $0x0, v54  }
0x295: {  	v59 =	vld [tilespmem:s20+$0x0];
	vm2 =	vlt.s32 v55, v2;
	v3 =	vadd.f32 v57, v3  }
0x296: {  	v60 =	vld [tilespmem:s19+$0x10];
	v4 =	vnsel vm2, $0x0, v4  }
0x297: {  	vm2 =	vlt.s32 v56, v2;
	v3 =	vadd.f32 v4, v3;
	v4 =	vld [tilespmem:s20+$0x10]  }
0x298: {  	v61 =	vld [tilespmem:s19+$0x20];
	v5 =	vnsel vm2, $0x0, v5  }
0x299: {  	vm2 =	vlt.s32 v58, v2;
	v3 =	vadd.f32 v5, v3;
	v5 =	vld [tilespmem:s20+$0x20]  }
0x29a: {  	v62 =	vld [tilespmem:s19+$0x30];
	v6 =	vnsel vm2, $0x0, v59  }
0x29b: {  	v63 =	vld [tilespmem:s20+$0x30];
	vm2 =	vlt.s32 v60, v2;
	v3 =	vadd.f32 v6, v3  }
0x29c: {  	v4 =	vnsel vm2, $0x0, v4  }
0x29d: {  	vm2 =	vlt.s32 v61, v2;
	v3 =	vadd.f32 v4, v3  }
0x29e: {  	v4 =	vnsel vm2, $0x0, v5  }
0x29f: {  	vm2 =	vlt.s32 v62, v2;
	v3 =	vadd.f32 v4, v3  }
0x2a0: {  	v2 =	vnsel vm2, $0x0, v63  }
0x2a1: {  	v3 =	vadd.f32 v2, v3  }
.LBB2_27:
0x2a2: {  	_ = 	snop  }
0x2a3: {  	[tilespmem:$0x1A100] =	vst v3  }
0x2a4: {  	[bflag:$0x0] =	sbarrier.arrive $0xFFFF  }
0x2a5: {  	[spmem:s11] =	stream.linear.scatter [tilespmem:s24], [sflag:$0x2], $0x10, $0x38;
	[tilespmem:$0x1A290] =	vst v63  }
0x2a6: {  	_ =	swait.ge [sflag:s25], $0x10  }
0x2a7: {  	[sflag:s25] =	ssyncset.done $0x0  }
0x2a8: {  	[sflag:s25] =	ssyncadd.s32 $0xFFFFFFF0  }
0x2a9: {  	[bflag:$0x0] =	sbarrier.arrive $0xFFFF  }
0x2aa: {  	[tilespmem:s26], [sflag:$0x2] =	stream.linear.gather [spmem:s9], $0x80, $0x38;
	[tilespmem:$0x1A290] =	vst v63  }
0x2ab: {  	_ =	swait.ge [sflag:s25], $0x80  }
0x2ac: {  	[sflag:s25] =	ssyncset.done $0x0  }
0x2ad: {  	[sflag:s25] =	ssyncadd.s32 $0xFFFFFF80  }
0x2ae: {  	v2 =	vld [tilespmem:$0x1A180];
	_ =	sdelay $0x1  }
0x2af: {  	v3 =	vld [tilespmem:$0x1A190];
	_ =	sdelay $0x1  }
0x2b0: {  	v4 =	vld [tilespmem:$0x1A1A0]  }
0x2b1: {  	v2 =	vadd.f32 $0.0e+00, v2  }
0x2b2: {  	v5 =	vld [tilespmem:$0x1A1B0]  }
0x2b3: {  	v2 =	vadd.f32 v3, v2  }
0x2b4: {  	v3 =	vld [tilespmem:$0x1A1C0]  }
0x2b5: {  	v2 =	vadd.f32 v4, v2  }
0x2b6: {  	v62 =	vld [tilespmem:$0x1A1D0]  }
0x2b7: {  	v2 =	vadd.f32 v5, v2  }
0x2b8: {  	v63 =	vld [tilespmem:$0x1A1E0]  }
0x2b9: {  	v2 =	vadd.f32 v3, v2  }
0x2ba: {  	v3 =	vld [tilespmem:$0x1A1F0]  }
0x2bb: {  	v2 =	vadd.f32 v62, v2;
	_ =	sdelay $0x1  }
0x2bc: {  	v2 =	vadd.f32 v63, v2;
	_ =	sdelay $0x1  }
0x2bd: {  	v2 =	vadd.f32 v3, v2;
	_ =	sdelay $0x1  }
0x2be: {  	(xrf2) =	vadd.scan.msk.f32 $0xffff, v2;
	_ =	sdelay $0x9  }
0x2bf: {  	v2, _, _ =	vpop (xrf2)  }
0x2c0: {  	(v2sf) =	vpush v2, $0xF;
	_ =	sdelay $0xd  }
0x2c1: {  	s17 =	sadd.s32 $0x1, s17  }
0x2c2: {  	p3 =	sne.s32 s17, $0x18;
	s19 =	spop (v2sf)  }
.Ltmp12:
0x2c3: {  	s19 =	sadd.f32 s19, s0;
	(pc) =	sbr.rel @!p3 .LBB2_28-.Ltmp12, $3  }
0x2c4: {  	_ = 	snop  }
0x2c5: {  	p2 =	slt.f32 s19, s1;
	_ =	sdelay $0x1  }
0x2c6: {  	s31 =	smov.u32 @p2 s18  }
.LBB2_21:
.Ltmp13:
0x2c7: {  	(pc) =	sbr.rel @p1 .LBB2_27-.Ltmp13, $3  }
0x2c8: {  	_ =	sdelay $0x1  }
0x2c9: {  	s18 =	sshrl.u32 s29, s17  }
0x2ca: {  	v3 =	vimm.f32 $0.0e+00;
	s18 =	sadd.s32 s18, s31  }
0x2cb: {  	p3 =	sne.s32 s16, $0x1  }
.Ltmp14:
0x2cc: {  	_ = 	snop;
	(pc) =	sbr.rel @!p3 .LBB2_23-.Ltmp14, $3  }
0x2cd: {  	_ =	sdelay $0x1  }
0x2ce: {  	s19 =	simm.s32 $0xE040  }
0x2cf: {  	v2 =	vmov s18;
	s20 =	simm.s32 $0x140C0;
	s21 =	sadd.s32 $0xFFFFFFFF, s16;
	p2 =	por $0x0, $0x0;
	v4 =	vld [tilespmem:s19+$0xFFFFFFC0]  }
0x2d0: {  	v5 =	vld [tilespmem:s20+$0xFFFFFFC0]  }
0x2d1: {  	v6 =	vld [tilespmem:s19+$0xFFFFFFD0]  }
0x2d2: {  	v7 =	vld [tilespmem:s20+$0xFFFFFFD0]  }
0x2d3: {  	v8 =	vld [tilespmem:s19+$0xFFFFFFE0]  }
0x2d4: {  	v9 =	vld [tilespmem:s20+$0xFFFFFFE0];
	vm2 =	vlt.s32 v4, v2  }
0x2d5: {  	v4 =	vld [tilespmem:s19+$0xFFFFFFF0];
	v5 =	vnsel vm2, $0x0, v5  }
0x2d6: {  	v10 =	vld [tilespmem:s20+$0xFFFFFFF0];
	vm2 =	vlt.s32 v6, v2;
	v5 =	vadd.f32 v5, v3  }
0x2d7: {  	v11 =	vld [tilespmem:s19+$0x0];
	v6 =	vnsel vm2, $0x0, v7  }
0x2d8: {  	v12 =	vld [tilespmem:s20+$0x0];
	vm2 =	vlt.s32 v8, v2;
	v5 =	vadd.f32 v6, v5  }
0x2d9: {  	v8 =	vld [tilespmem:s19+$0x10];
	v6 =	vnsel vm2, $0x0, v9  }
0x2da: {  	v13 =	vld [tilespmem:s20+$0x10];
	p3 =	sne.s32 s21, $0x1;
	vm2 =	vlt.s32 v4, v2;
	v7 =	vadd.f32 v6, v5  }
.Ltmp15:
0x2db: {  	v5 =	vld [tilespmem:s19+$0x20];
	v4 =	vnsel vm2, $0x0, v10;
	(pc) =	sbr.rel @!p3 .LBB2_26-.Ltmp15, $4  }
0x2dc: {  	v6 =	vld [tilespmem:s20+$0x20];
	vm2 =	vlt.s32 v11, v2;
	v4 =	vadd.f32 v4, v7  }
0x2dd: {  	v9 =	vnsel vm2, $0x0, v12;
	v7 =	vld [tilespmem:s19+$0x30]  }
0x2de: {  	vm2 =	vlt.s32 v8, v2;
	v8 =	vld [tilespmem:s20+$0x30];
	s19 =	simm.s32 $0xE0C0;
	v9 =	vadd.f32 v9, v4  }
0x2df: {  	s21 =	sadd.s32 $0xFFFFFFFF, s21;
	p2 =	por $0x1, $0x1;
	s20 =	simm.s32 $0x14140;
	v10 =	vnsel vm2, $0x0, v13;
	v4 =	vld [tilespmem:s19+$0xFFFFFFC0]  }
.LBB2_25:
0x2e0: {  	p3 =	sne.s32 s21, $0x1;
	v11 =	vld [tilespmem:s20+$0xFFFFFFC0];
	v9 =	vadd.f32 v10, v9;
	vm2 =	vlt.s32 v5, v2  }
0x2e1: {  	v5 =	vld [tilespmem:s19+$0xFFFFFFD0];
	v6 =	vnsel vm2, $0x0, v6  }
0x2e2: {  	vm2 =	vlt.s32 v7, v2;
	v10 =	vld [tilespmem:s20+$0xFFFFFFD0];
	v6 =	vadd.f32 v6, v9  }
0x2e3: {  	v8 =	vnsel vm2, $0x0, v8;
	v7 =	vld [tilespmem:s19+$0xFFFFFFE0]  }
0x2e4: {  	vm2 =	vlt.s32 v4, v2;
	v4 =	vld [tilespmem:s20+$0xFFFFFFE0];
	v6 =	vadd.f32 v8, v6  }
0x2e5: {  	v8 =	vnsel vm2, $0x0, v11;
	v9 =	vld [tilespmem:s19+$0xFFFFFFF0]  }
0x2e6: {  	v6 =	vadd.f32 v8, v6;
	vm2 =	vlt.s32 v5, v2;
	v5 =	vld [tilespmem:s20+$0xFFFFFFF0]  }
0x2e7: {  	v8 =	vnsel vm2, $0x0, v10;
	v10 =	vld [tilespmem:s19+$0x0]  }
0x2e8: {  	v6 =	vadd.f32 v8, v6;
	vm2 =	vlt.s32 v7, v2;
	v7 =	vld [tilespmem:s20+$0x0]  }
0x2e9: {  	v4 =	vnsel vm2, $0x0, v4;
	v8 =	vld [tilespmem:s19+$0x10]  }
0x2ea: {  	v4 =	vadd.f32 v4, v6;
	vm2 =	vlt.s32 v9, v2;
	v11 =	vld [tilespmem:s20+$0x10]  }
.Ltmp16:
0x2eb: {  	v6 =	vnsel vm2, $0x0, v5;
	v5 =	vld [tilespmem:s19+$0x20];
	(pc) =	sbr.rel @p3 .LBB2_25-.Ltmp16, $4  }
0x2ec: {  	v4 =	vadd.f32 v6, v4;
	vm2 =	vlt.s32 v10, v2;
	v6 =	vld [tilespmem:s20+$0x20]  }
0x2ed: {  	v9 =	vnsel vm2, $0x0, v7;
	v7 =	vld [tilespmem:s19+$0x30]  }
0x2ee: {  	s19 =	sadd.s32 $0x80, s19;
	v9 =	vadd.f32 v9, v4;
	vm2 =	vlt.s32 v8, v2;
	v8 =	vld [tilespmem:s20+$0x30]  }
0x2ef: {  	s21 =	sadd.s32 $0xFFFFFFFF, s21;
	s20 =	sadd.s32 $0x80, s20;
	v4 =	vld [tilespmem:s19+$0xFFFFFFC0];
	v10 =	vnsel vm2, $0x0, v11  }
.Ltmp17:
0x2f0: {  	_ = 	snop;
	(pc) =	sbr.rel .LBB2_26-.Ltmp17, $1  }
0x2f1: {  	_ =	sdelay $0x3  }
.LBB2_28:
0x2f2: {  	s0 =	simm.s32 $0x0  }
0x2f3: {  	v4 =	vld [tilespmem:s0+$0x6060]  }
0x2f4: {  	v3 =	vld [tilespmem:s0+$0x6050]  }
0x2f5: {  	v5 =	vld [tilespmem:s0+$0x6040]  }
0x2f6: {  	v6 =	vld [tilespmem:s0+$0x6030]  }
0x2f7: {  	v7 =	vld [tilespmem:s0+$0x6020]  }
0x2f8: {  	s1 =	sxor.u32 $0x7FFFFFFF, s31;
	p1 =	slt.s32 s31, $0x0;
	v8 =	vld [tilespmem:s0+$0x0]  }
0x2f9: {  	v9 =	vld [tilespmem:s0+$0x6000];
	s31 =	smov.u32 @p1 s1  }
0x2fa: {  	v10 =	vld [tilespmem:s0+$0x10];
	v2 =	vmov s31  }
0x2fb: {  	v11 =	vld [tilespmem:s0+$0x6010];
	v2 =	vbroadcast v2, $0x0  }
0x2fc: {  	v12 =	vld [tilespmem:s0+$0x20]  }
0x2fd: {  	v13 =	vld [tilespmem:s0+$0xC000];
	v8 =	vmul.f32 v8, v2  }
0x2fe: {  	v14 =	vld [tilespmem:s0+$0x30]  }
0x2ff: {  	v15 =	vld [tilespmem:s0+$0xC010];
	v8 =	vsub.f32 v8, v9;
	v9 =	vmul.f32 v10, v2  }
0x300: {  	v10 =	vld [tilespmem:s0+$0x40]  }
0x301: {  	v16 =	vld [tilespmem:s0+$0xC020];
	v8 =	vand.u32 $0x7FFFFFFF, v8;
	v9 =	vsub.f32 v9, v11;
	v11 =	vmul.f32 v12, v2  }
0x302: {  	v17 =	vimm.f32 $0.0e+00;
	v57 =	vld [tilespmem:s0+$0x50];
	v8 =	vmul.f32 v8, v13  }
0x303: {  	v58 =	vld [tilespmem:s0+$0xC030];
	v9 =	vand.u32 $0x7FFFFFFF, v9;
	v7 =	vsub.f32 v11, v7;
	v11 =	vmul.f32 v14, v2  }
0x304: {  	v59 =	vld [tilespmem:s0+$0x60];
	v8 =	vadd.f32 v8, v17;
	v9 =	vmul.f32 v9, v15  }
0x305: {  	v60 =	vld [tilespmem:s0+$0xC040];
	v10 =	vmul.f32 v10, v2;
	v7 =	vand.u32 $0x7FFFFFFF, v7;
	v6 =	vsub.f32 v11, v6  }
0x306: {  	v11 =	vld [tilespmem:s0+$0x70];
	v8 =	vadd.f32 v9, v8;
	v7 =	vmul.f32 v7, v16  }
0x307: {  	v9 =	vld [tilespmem:s0+$0xC050];
	v5 =	vsub.f32 v10, v5;
	v10 =	vmul.f32 v57, v2;
	v6 =	vand.u32 $0x7FFFFFFF, v6  }
0x308: {  	v61 =	vld [tilespmem:s0+$0x6070];
	v7 =	vadd.f32 v7, v8;
	v6 =	vmul.f32 v6, v58  }
0x309: {  	v62 =	vld [tilespmem:s0+$0xC060];
	v14 =	vmul.f32 v59, v2;
	v5 =	vand.u32 $0x7FFFFFFF, v5;
	v10 =	vsub.f32 v10, v3  }
0x30a: {  	s1 =	simm.s32 $0x80;
	v8 =	vld [tilespmem:s0+$0xC070];
	v5 =	vmul.f32 v5, v60;
	v6 =	vadd.f32 v6, v7  }
0x30b: {  	v3 =	vld [tilespmem:s1+$0x6060];
	v7 =	vmul.f32 v11, v2;
	v10 =	vand.u32 $0x7FFFFFFF, v10;
	v11 =	vsub.f32 v14, v4  }
0x30c: {  	v4 =	vld [tilespmem:s1+$0x6050];
	v9 =	vmul.f32 v10, v9;
	v63 =	vadd.f32 v5, v6  }
0x30d: {  	v5 =	vld [tilespmem:s1+$0x6040];
	v12 =	vsub.f32 v7, v61;
	v7 =	vand.u32 $0x7FFFFFFF, v11  }
0x30e: {  	v6 =	vld [tilespmem:s1+$0x6030];
	v10 =	vmul.f32 v7, v62;
	v9 =	vadd.f32 v9, v63  }
0x30f: {  	s16 =	simm.s32 $0x400;
	v7 =	vld [tilespmem:s1+$0x6020];
	v11 =	vand.u32 $0x7FFFFFFF, v12  }
.LBB2_29:
0x310: {  	p1 =	sne.s32 s16, $0x7E00;
	v12 =	vld [tilespmem:s1+$0x0];
	v9 =	vadd.f32 v10, v9;
	v8 =	vmul.f32 v11, v8  }
0x311: {  	v10 =	vld [tilespmem:s1+$0x6000]  }
0x312: {  	v11 =	vld [tilespmem:s1+$0x10];
	v8 =	vadd.f32 v8, v9  }
0x313: {  	v9 =	vld [tilespmem:s1+$0x6010]  }
0x314: {  	v13 =	vld [tilespmem:s1+$0x20]  }
0x315: {  	v14 =	vld [tilespmem:s1+$0xC000];
	v12 =	vmul.f32 v12, v2  }
0x316: {  	v15 =	vld [tilespmem:s1+$0x30]  }
0x317: {  	v10 =	vsub.f32 v12, v10;
	v12 =	vld [tilespmem:s1+$0xC010];
	v11 =	vmul.f32 v11, v2  }
0x318: {  	v16 =	vld [tilespmem:s1+$0x40]  }
0x319: {  	v10 =	vand.u32 $0x7FFFFFFF, v10;
	v9 =	vsub.f32 v11, v9;
	v11 =	vld [tilespmem:s1+$0xC020];
	v13 =	vmul.f32 v13, v2  }
0x31a: {  	v10 =	vmul.f32 v10, v14;
	v14 =	vld [tilespmem:s1+$0x50]  }
0x31b: {  	v9 =	vand.u32 $0x7FFFFFFF, v9;
	v7 =	vsub.f32 v13, v7;
	v13 =	vld [tilespmem:s1+$0xC030];
	v15 =	vmul.f32 v15, v2  }
0x31c: {  	v8 =	vadd.f32 v10, v8;
	v9 =	vmul.f32 v9, v12;
	v10 =	vld [tilespmem:s1+$0x60]  }
0x31d: {  	v7 =	vand.u32 $0x7FFFFFFF, v7;
	v6 =	vsub.f32 v15, v6;
	v12 =	vld [tilespmem:s1+$0xC040];
	v15 =	vmul.f32 v16, v2  }
0x31e: {  	v8 =	vadd.f32 v9, v8;
	v7 =	vmul.f32 v7, v11;
	v9 =	vld [tilespmem:s1+$0x70]  }
0x31f: {  	v6 =	vand.u32 $0x7FFFFFFF, v6;
	v5 =	vsub.f32 v15, v5;
	v11 =	vld [tilespmem:s1+$0xC050];
	v14 =	vmul.f32 v14, v2  }
0x320: {  	v7 =	vadd.f32 v7, v8;
	v6 =	vmul.f32 v6, v13;
	v13 =	vld [tilespmem:s1+$0x6070]  }
0x321: {  	v5 =	vand.u32 $0x7FFFFFFF, v5;
	v4 =	vsub.f32 v14, v4;
	v14 =	vld [tilespmem:s1+$0xC060];
	v10 =	vmul.f32 v10, v2  }
0x322: {  	v6 =	vadd.f32 v6, v7;
	v5 =	vmul.f32 v5, v12;
	v8 =	vld [tilespmem:s1+$0xC070];
	s1 =	sshra.s32 s16, $0x2  }
.Ltmp18:
0x323: {  	v7 =	vand.u32 $0x7FFFFFFF, v4;
	v10 =	vsub.f32 v10, v3;
	v3 =	vld [tilespmem:s1+$0x6060];
	v9 =	vmul.f32 v9, v2;
	(pc) =	sbr.rel @p1 .LBB2_29-.Ltmp18, $4  }
0x324: {  	v4 =	vld [tilespmem:s1+$0x6050];
	v12 =	vadd.f32 v5, v6;
	v7 =	vmul.f32 v7, v11  }
0x325: {  	v5 =	vld [tilespmem:s1+$0x6040];
	v10 =	vand.u32 $0x7FFFFFFF, v10;
	v11 =	vsub.f32 v9, v13  }
0x326: {  	v6 =	vld [tilespmem:s1+$0x6030];
	v9 =	vadd.f32 v7, v12;
	v10 =	vmul.f32 v10, v14  }
0x327: {  	s16 =	sadd.s32 $0x200, s16;
	v7 =	vld [tilespmem:s1+$0x6020];
	v11 =	vand.u32 $0x7FFFFFFF, v11  }
0x328: {  	v12 =	vld [tilespmem:s1+$0x0]  }
0x329: {  	v13 =	vld [tilespmem:s1+$0x6000]  }
0x32a: {  	v14 =	vld [tilespmem:s1+$0x10]  }
0x32b: {  	v15 =	vld [tilespmem:s1+$0x6010]  }
0x32c: {  	v16 =	vld [tilespmem:s1+$0x20]  }
0x32d: {  	v17 =	vld [tilespmem:s1+$0xC000]  }
0x32e: {  	v18 =	vld [tilespmem:s1+$0x30]  }
0x32f: {  	v19 =	vld [tilespmem:s1+$0xC010]  }
0x330: {  	v20 =	vld [tilespmem:s1+$0x40]  }
0x331: {  	v21 =	vld [tilespmem:s1+$0xC020]  }
0x332: {  	v22 =	vld [tilespmem:s1+$0x50]  }
0x333: {  	v23 =	vld [tilespmem:s1+$0xC030]  }
0x334: {  	v24 =	vld [tilespmem:s1+$0x60]  }
0x335: {  	v25 =	vld [tilespmem:s1+$0xC040];
	v12 =	vmul.f32 v12, v2  }
0x336: {  	v26 =	vld [tilespmem:s1+$0x70]  }
0x337: {  	v27 =	vld [tilespmem:s1+$0xC050];
	v37 =	vmul.f32 v14, v2;
	v12 =	vsub.f32 v12, v13  }
0x338: {  	v38 =	vld [tilespmem:s1+$0x6070];
	v9 =	vadd.f32 v10, v9;
	v8 =	vmul.f32 v11, v8  }
0x339: {  	v10 =	vld [tilespmem:s1+$0xC060];
	v40 =	vmul.f32 v16, v2;
	v39 =	vsub.f32 v37, v15;
	v11 =	vand.u32 $0x7FFFFFFF, v12  }
0x33a: {  	v41 =	vld [tilespmem:s1+$0xC070];
	v8 =	vadd.f32 v8, v9;
	v9 =	vmul.f32 v11, v17  }
0x33b: {  	v43 =	vld [tilespmem:s0+$0x8050];
	v42 =	vmul.f32 v18, v2;
	v7 =	vsub.f32 v40, v7;
	v12 =	vand.u32 $0x7FFFFFFF, v39  }
0x33c: {  	v44 =	vld [tilespmem:s0+$0x8040];
	v8 =	vadd.f32 v9, v8;
	v9 =	vmul.f32 v12, v19  }
0x33d: {  	v46 =	vld [tilespmem:s0+$0x8030];
	v45 =	vmul.f32 v20, v2;
	v6 =	vsub.f32 v42, v6;
	v7 =	vand.u32 $0x7FFFFFFF, v7  }
0x33e: {  	v48 =	vld [tilespmem:s0+$0x2000];
	v7 =	vmul.f32 v7, v21;
	v8 =	vadd.f32 v9, v8  }
0x33f: {  	v50 =	vld [tilespmem:s0+$0x2010];
	v47 =	vmul.f32 v22, v2;
	v5 =	vsub.f32 v45, v5;
	v6 =	vand.u32 $0x7FFFFFFF, v6  }
0x340: {  	v52 =	vld [tilespmem:s0+$0x2020];
	v6 =	vmul.f32 v6, v23;
	v7 =	vadd.f32 v7, v8  }
0x341: {  	v54 =	vld [tilespmem:s0+$0x2030];
	v49 =	vmul.f32 v24, v2;
	v4 =	vsub.f32 v47, v4;
	v5 =	vand.u32 $0x7FFFFFFF, v5  }
0x342: {  	v5 =	vmul.f32 v5, v25;
	v8 =	vld [tilespmem:s0+$0x8000];
	v6 =	vadd.f32 v6, v7  }
0x343: {  	v56 =	vld [tilespmem:s0+$0x2040];
	v51 =	vmul.f32 v26, v2;
	v3 =	vsub.f32 v49, v3;
	v4 =	vand.u32 $0x7FFFFFFF, v4  }
0x344: {  	v4 =	vmul.f32 v4, v27;
	v7 =	vld [tilespmem:s0+$0x8010];
	v5 =	vadd.f32 v5, v6  }
0x345: {  	v53 =	vmul.f32 v48, v2;
	v13 =	vsub.f32 v51, v38;
	v3 =	vand.u32 $0x7FFFFFFF, v3;
	v6 =	vld [tilespmem:s0+$0xC000]  }
0x346: {  	v3 =	vmul.f32 v3, v10;
	v9 =	vld [tilespmem:s0+$0x8020];
	v4 =	vadd.f32 v4, v5  }
0x347: {  	v55 =	vmul.f32 v50, v2;
	v10 =	vand.u32 $0x7FFFFFFF, v13;
	v8 =	vsub.f32 v53, v8;
	v5 =	vld [tilespmem:s0+$0xC010]  }
0x348: {  	v58 =	vld [tilespmem:s0+$0x2050];
	v3 =	vadd.f32 v3, v4;
	v4 =	vmul.f32 v10, v41  }
0x349: {  	v57 =	vmul.f32 v52, v2;
	v8 =	vand.u32 $0x7FFFFFFF, v8;
	v7 =	vsub.f32 v55, v7;
	v10 =	vld [tilespmem:s0+$0xC020]  }
0x34a: {  	v59 =	vld [tilespmem:s0+$0x2060];
	v3 =	vadd.f32 v4, v3;
	v4 =	vmul.f32 v8, v6  }
0x34b: {  	v7 =	vand.u32 $0x7FFFFFFF, v7;
	v6 =	vld [tilespmem:s0+$0xC030];
	v8 =	vsub.f32 v57, v9;
	v9 =	vmul.f32 v54, v2  }
0x34c: {  	v60 =	vld [tilespmem:s0+$0x2070];
	v3 =	vadd.f32 v4, v3;
	v4 =	vmul.f32 v7, v5  }
0x34d: {  	v5 =	vld [tilespmem:s0+$0xC040];
	v7 =	vand.u32 $0x7FFFFFFF, v8;
	v8 =	vsub.f32 v9, v46;
	v9 =	vmul.f32 v56, v2  }
0x34e: {  	v11 =	vld [tilespmem:s0+$0x8060];
	v3 =	vadd.f32 v4, v3;
	v4 =	vmul.f32 v7, v10  }
0x34f: {  	v7 =	vld [tilespmem:s0+$0xC050];
	v8 =	vand.u32 $0x7FFFFFFF, v8;
	v9 =	vsub.f32 v9, v44;
	v10 =	vmul.f32 v58, v2  }
0x350: {  	v61 =	vld [tilespmem:s0+$0x8070];
	v3 =	vadd.f32 v4, v3;
	v4 =	vmul.f32 v8, v6  }
0x351: {  	v62 =	vld [tilespmem:s0+$0xC060];
	v6 =	vand.u32 $0x7FFFFFFF, v9;
	v9 =	vsub.f32 v10, v43;
	v10 =	vmul.f32 v59, v2  }
0x352: {  	s1 =	simm.s32 $0x80;
	v8 =	vld [tilespmem:s0+$0xC070];
	v5 =	vmul.f32 v6, v5;
	v63 =	vadd.f32 v4, v3  }
0x353: {  	v6 =	vmul.f32 v60, v2;
	v3 =	vld [tilespmem:s1+$0x8060];
	v9 =	vand.u32 $0x7FFFFFFF, v9;
	v10 =	vsub.f32 v10, v11  }
0x354: {  	v4 =	vld [tilespmem:s1+$0x8050];
	v7 =	vmul.f32 v9, v7;
	v11 =	vadd.f32 v5, v63  }
0x355: {  	v12 =	vsub.f32 v6, v61;
	v6 =	vld [tilespmem:s1+$0x8030];
	v10 =	vand.u32 $0x7FFFFFFF, v10  }
0x356: {  	v5 =	vld [tilespmem:s1+$0x8040];
	v10 =	vmul.f32 v10, v62;
	v9 =	vadd.f32 v7, v11  }
0x357: {  	s0 =	simm.s32 $0x400;
	v7 =	vld [tilespmem:s1+$0x8020];
	v11 =	vand.u32 $0x7FFFFFFF, v12  }
.LBB2_31:
0x358: {  	p1 =	sne.s32 s0, $0x7E00;
	v12 =	vld [tilespmem:s1+$0x2000];
	v9 =	vadd.f32 v10, v9;
	v8 =	vmul.f32 v11, v8  }
0x359: {  	v10 =	vld [tilespmem:s1+$0x8000]  }
0x35a: {  	v11 =	vld [tilespmem:s1+$0x2010];
	v8 =	vadd.f32 v8, v9  }
0x35b: {  	v9 =	vld [tilespmem:s1+$0x8010]  }
0x35c: {  	v13 =	vld [tilespmem:s1+$0x2020]  }
0x35d: {  	v14 =	vld [tilespmem:s1+$0xC000];
	v12 =	vmul.f32 v12, v2  }
0x35e: {  	v15 =	vld [tilespmem:s1+$0x2030]  }
0x35f: {  	v10 =	vsub.f32 v12, v10;
	v12 =	vld [tilespmem:s1+$0xC010];
	v11 =	vmul.f32 v11, v2  }
0x360: {  	v16 =	vld [tilespmem:s1+$0x2040]  }
0x361: {  	v10 =	vand.u32 $0x7FFFFFFF, v10;
	v9 =	vsub.f32 v11, v9;
	v11 =	vld [tilespmem:s1+$0xC020];
	v13 =	vmul.f32 v13, v2  }
0x362: {  	v10 =	vmul.f32 v10, v14;
	v14 =	vld [tilespmem:s1+$0x2050]  }
0x363: {  	v9 =	vand.u32 $0x7FFFFFFF, v9;
	v7 =	vsub.f32 v13, v7;
	v13 =	vld [tilespmem:s1+$0xC030];
	v15 =	vmul.f32 v15, v2  }
0x364: {  	v8 =	vadd.f32 v10, v8;
	v9 =	vmul.f32 v9, v12;
	v10 =	vld [tilespmem:s1+$0x2060]  }
0x365: {  	v7 =	vand.u32 $0x7FFFFFFF, v7;
	v6 =	vsub.f32 v15, v6;
	v12 =	vld [tilespmem:s1+$0xC040];
	v15 =	vmul.f32 v16, v2  }
0x366: {  	v8 =	vadd.f32 v9, v8;
	v7 =	vmul.f32 v7, v11;
	v9 =	vld [tilespmem:s1+$0x2070]  }
0x367: {  	v6 =	vand.u32 $0x7FFFFFFF, v6;
	v5 =	vsub.f32 v15, v5;
	v11 =	vld [tilespmem:s1+$0xC050];
	v14 =	vmul.f32 v14, v2  }
0x368: {  	v7 =	vadd.f32 v7, v8;
	v6 =	vmul.f32 v6, v13;
	v13 =	vld [tilespmem:s1+$0x8070]  }
0x369: {  	v5 =	vand.u32 $0x7FFFFFFF, v5;
	v4 =	vsub.f32 v14, v4;
	v14 =	vld [tilespmem:s1+$0xC060];
	v10 =	vmul.f32 v10, v2  }
0x36a: {  	v6 =	vadd.f32 v6, v7;
	v5 =	vmul.f32 v5, v12;
	v8 =	vld [tilespmem:s1+$0xC070];
	s1 =	sshra.s32 s0, $0x2  }
.Ltmp19:
0x36b: {  	v7 =	vand.u32 $0x7FFFFFFF, v4;
	v10 =	vsub.f32 v10, v3;
	v3 =	vld [tilespmem:s1+$0x8060];
	v9 =	vmul.f32 v9, v2;
	(pc) =	sbr.rel @p1 .LBB2_31-.Ltmp19, $4  }
0x36c: {  	v4 =	vld [tilespmem:s1+$0x8050];
	v12 =	vadd.f32 v5, v6;
	v7 =	vmul.f32 v7, v11  }
0x36d: {  	v5 =	vld [tilespmem:s1+$0x8040];
	v10 =	vand.u32 $0x7FFFFFFF, v10;
	v11 =	vsub.f32 v9, v13  }
0x36e: {  	v6 =	vld [tilespmem:s1+$0x8030];
	v9 =	vadd.f32 v7, v12;
	v10 =	vmul.f32 v10, v14  }
0x36f: {  	s0 =	sadd.s32 $0x200, s0;
	v7 =	vld [tilespmem:s1+$0x8020];
	v11 =	vand.u32 $0x7FFFFFFF, v11  }
0x370: {  	v12 =	vld [tilespmem:s1+$0x2000]  }
0x371: {  	v13 =	vld [tilespmem:s1+$0x8000]  }
0x372: {  	v14 =	vld [tilespmem:s1+$0x2010]  }
0x373: {  	v15 =	vld [tilespmem:s1+$0x8010]  }
0x374: {  	v16 =	vld [tilespmem:s1+$0x2020]  }
0x375: {  	v17 =	vld [tilespmem:s1+$0xC000]  }
0x376: {  	v18 =	vld [tilespmem:s1+$0x2030]  }
0x377: {  	v19 =	vld [tilespmem:s1+$0xC010]  }
0x378: {  	v20 =	vld [tilespmem:s1+$0x2040]  }
0x379: {  	v21 =	vld [tilespmem:s1+$0xC020]  }
0x37a: {  	v22 =	vld [tilespmem:s1+$0x2050]  }
0x37b: {  	v23 =	vld [tilespmem:s1+$0xC030]  }
0x37c: {  	v24 =	vld [tilespmem:s1+$0x2060]  }
0x37d: {  	v25 =	vld [tilespmem:s1+$0xC040];
	v12 =	vmul.f32 v12, v2  }
0x37e: {  	v26 =	vld [tilespmem:s1+$0x2070]  }
0x37f: {  	v27 =	vld [tilespmem:s1+$0xC050];
	v37 =	vmul.f32 v14, v2;
	v12 =	vsub.f32 v12, v13  }
0x380: {  	v38 =	vld [tilespmem:s1+$0x8070];
	v9 =	vadd.f32 v10, v9;
	v8 =	vmul.f32 v11, v8  }
0x381: {  	v10 =	vld [tilespmem:s1+$0xC060];
	v40 =	vmul.f32 v16, v2;
	v39 =	vsub.f32 v37, v15;
	v11 =	vand.u32 $0x7FFFFFFF, v12  }
0x382: {  	v41 =	vld [tilespmem:s1+$0xC070];
	s0 =	simm.s32 $0x0;
	v8 =	vadd.f32 v8, v9;
	v9 =	vmul.f32 v11, v17  }
0x383: {  	v43 =	vld [tilespmem:s0+$0xA050];
	v42 =	vmul.f32 v18, v2;
	v7 =	vsub.f32 v40, v7;
	v12 =	vand.u32 $0x7FFFFFFF, v39  }
0x384: {  	v44 =	vld [tilespmem:s0+$0xA040];
	v8 =	vadd.f32 v9, v8;
	v9 =	vmul.f32 v12, v19  }
0x385: {  	v46 =	vld [tilespmem:s0+$0xA030];
	v45 =	vmul.f32 v20, v2;
	v6 =	vsub.f32 v42, v6;
	v7 =	vand.u32 $0x7FFFFFFF, v7  }
0x386: {  	v48 =	vld [tilespmem:s0+$0x4000];
	v7 =	vmul.f32 v7, v21;
	v8 =	vadd.f32 v9, v8  }
0x387: {  	v50 =	vld [tilespmem:s0+$0x4010];
	v47 =	vmul.f32 v22, v2;
	v5 =	vsub.f32 v45, v5;
	v6 =	vand.u32 $0x7FFFFFFF, v6  }
0x388: {  	v52 =	vld [tilespmem:s0+$0x4020];
	v6 =	vmul.f32 v6, v23;
	v7 =	vadd.f32 v7, v8  }
0x389: {  	v54 =	vld [tilespmem:s0+$0x4030];
	v49 =	vmul.f32 v24, v2;
	v4 =	vsub.f32 v47, v4;
	v5 =	vand.u32 $0x7FFFFFFF, v5  }
0x38a: {  	v5 =	vmul.f32 v5, v25;
	v8 =	vld [tilespmem:s0+$0xA000];
	v6 =	vadd.f32 v6, v7  }
0x38b: {  	v56 =	vld [tilespmem:s0+$0x4040];
	v51 =	vmul.f32 v26, v2;
	v3 =	vsub.f32 v49, v3;
	v4 =	vand.u32 $0x7FFFFFFF, v4  }
0x38c: {  	v4 =	vmul.f32 v4, v27;
	v7 =	vld [tilespmem:s0+$0xA010];
	v5 =	vadd.f32 v5, v6  }
0x38d: {  	v53 =	vmul.f32 v48, v2;
	v13 =	vsub.f32 v51, v38;
	v3 =	vand.u32 $0x7FFFFFFF, v3;
	v6 =	vld [tilespmem:s0+$0xC000]  }
0x38e: {  	v3 =	vmul.f32 v3, v10;
	v9 =	vld [tilespmem:s0+$0xA020];
	v4 =	vadd.f32 v4, v5  }
0x38f: {  	v55 =	vmul.f32 v50, v2;
	v10 =	vand.u32 $0x7FFFFFFF, v13;
	v8 =	vsub.f32 v53, v8;
	v5 =	vld [tilespmem:s0+$0xC010]  }
0x390: {  	v58 =	vld [tilespmem:s0+$0x4050];
	v3 =	vadd.f32 v3, v4;
	v4 =	vmul.f32 v10, v41  }
0x391: {  	v57 =	vmul.f32 v52, v2;
	v8 =	vand.u32 $0x7FFFFFFF, v8;
	v7 =	vsub.f32 v55, v7;
	v10 =	vld [tilespmem:s0+$0xC020]  }
0x392: {  	v59 =	vld [tilespmem:s0+$0x4060];
	v3 =	vadd.f32 v4, v3;
	v4 =	vmul.f32 v8, v6  }
0x393: {  	v7 =	vand.u32 $0x7FFFFFFF, v7;
	v6 =	vld [tilespmem:s0+$0xC030];
	v8 =	vsub.f32 v57, v9;
	v9 =	vmul.f32 v54, v2  }
0x394: {  	v60 =	vld [tilespmem:s0+$0x4070];
	v3 =	vadd.f32 v4, v3;
	v4 =	vmul.f32 v7, v5  }
0x395: {  	v5 =	vld [tilespmem:s0+$0xC040];
	v7 =	vand.u32 $0x7FFFFFFF, v8;
	v8 =	vsub.f32 v9, v46;
	v9 =	vmul.f32 v56, v2  }
0x396: {  	v11 =	vld [tilespmem:s0+$0xA060];
	v3 =	vadd.f32 v4, v3;
	v4 =	vmul.f32 v7, v10  }
0x397: {  	v7 =	vld [tilespmem:s0+$0xC050];
	v8 =	vand.u32 $0x7FFFFFFF, v8;
	v9 =	vsub.f32 v9, v44;
	v10 =	vmul.f32 v58, v2  }
0x398: {  	v61 =	vld [tilespmem:s0+$0xA070];
	v3 =	vadd.f32 v4, v3;
	v4 =	vmul.f32 v8, v6  }
0x399: {  	v62 =	vld [tilespmem:s0+$0xC060];
	v6 =	vand.u32 $0x7FFFFFFF, v9;
	v9 =	vsub.f32 v10, v43;
	v10 =	vmul.f32 v59, v2  }
0x39a: {  	s1 =	simm.s32 $0x80;
	v8 =	vld [tilespmem:s0+$0xC070];
	v5 =	vmul.f32 v6, v5;
	v63 =	vadd.f32 v4, v3  }
0x39b: {  	v6 =	vmul.f32 v60, v2;
	v3 =	vld [tilespmem:s1+$0xA060];
	v9 =	vand.u32 $0x7FFFFFFF, v9;
	v10 =	vsub.f32 v10, v11  }
0x39c: {  	v4 =	vld [tilespmem:s1+$0xA050];
	v7 =	vmul.f32 v9, v7;
	v11 =	vadd.f32 v5, v63  }
0x39d: {  	v12 =	vsub.f32 v6, v61;
	v6 =	vld [tilespmem:s1+$0xA030];
	v10 =	vand.u32 $0x7FFFFFFF, v10  }
0x39e: {  	v5 =	vld [tilespmem:s1+$0xA040];
	v10 =	vmul.f32 v10, v62;
	v9 =	vadd.f32 v7, v11  }
0x39f: {  	s16 =	simm.s32 $0x400;
	v7 =	vld [tilespmem:s1+$0xA020];
	v11 =	vand.u32 $0x7FFFFFFF, v12  }
.LBB2_33:
0x3a0: {  	p1 =	sne.s32 s16, $0x7E00;
	v12 =	vld [tilespmem:s1+$0x4000];
	v9 =	vadd.f32 v10, v9;
	v8 =	vmul.f32 v11, v8  }
0x3a1: {  	v10 =	vld [tilespmem:s1+$0xA000]  }
0x3a2: {  	v11 =	vld [tilespmem:s1+$0x4010];
	v8 =	vadd.f32 v8, v9  }
0x3a3: {  	v9 =	vld [tilespmem:s1+$0xA010]  }
0x3a4: {  	v13 =	vld [tilespmem:s1+$0x4020]  }
0x3a5: {  	v14 =	vld [tilespmem:s1+$0xC000];
	v12 =	vmul.f32 v12, v2  }
0x3a6: {  	v15 =	vld [tilespmem:s1+$0x4030]  }
0x3a7: {  	v10 =	vsub.f32 v12, v10;
	v12 =	vld [tilespmem:s1+$0xC010];
	v11 =	vmul.f32 v11, v2  }
0x3a8: {  	v16 =	vld [tilespmem:s1+$0x4040]  }
0x3a9: {  	v10 =	vand.u32 $0x7FFFFFFF, v10;
	v9 =	vsub.f32 v11, v9;
	v11 =	vld [tilespmem:s1+$0xC020];
	v13 =	vmul.f32 v13, v2  }
0x3aa: {  	v10 =	vmul.f32 v10, v14;
	v14 =	vld [tilespmem:s1+$0x4050]  }
0x3ab: {  	v9 =	vand.u32 $0x7FFFFFFF, v9;
	v7 =	vsub.f32 v13, v7;
	v13 =	vld [tilespmem:s1+$0xC030];
	v15 =	vmul.f32 v15, v2  }
0x3ac: {  	v8 =	vadd.f32 v10, v8;
	v9 =	vmul.f32 v9, v12;
	v10 =	vld [tilespmem:s1+$0x4060]  }
0x3ad: {  	v7 =	vand.u32 $0x7FFFFFFF, v7;
	v6 =	vsub.f32 v15, v6;
	v12 =	vld [tilespmem:s1+$0xC040];
	v15 =	vmul.f32 v16, v2  }
0x3ae: {  	v8 =	vadd.f32 v9, v8;
	v7 =	vmul.f32 v7, v11;
	v9 =	vld [tilespmem:s1+$0x4070]  }
0x3af: {  	v6 =	vand.u32 $0x7FFFFFFF, v6;
	v5 =	vsub.f32 v15, v5;
	v11 =	vld [tilespmem:s1+$0xC050];
	v14 =	vmul.f32 v14, v2  }
0x3b0: {  	v7 =	vadd.f32 v7, v8;
	v6 =	vmul.f32 v6, v13;
	v13 =	vld [tilespmem:s1+$0xA070]  }
0x3b1: {  	v5 =	vand.u32 $0x7FFFFFFF, v5;
	v4 =	vsub.f32 v14, v4;
	v14 =	vld [tilespmem:s1+$0xC060];
	v10 =	vmul.f32 v10, v2  }
0x3b2: {  	v6 =	vadd.f32 v6, v7;
	v5 =	vmul.f32 v5, v12;
	v8 =	vld [tilespmem:s1+$0xC070];
	s1 =	sshra.s32 s16, $0x2  }
.Ltmp20:
0x3b3: {  	v7 =	vand.u32 $0x7FFFFFFF, v4;
	v10 =	vsub.f32 v10, v3;
	v3 =	vld [tilespmem:s1+$0xA060];
	v9 =	vmul.f32 v9, v2;
	(pc) =	sbr.rel @p1 .LBB2_33-.Ltmp20, $4  }
0x3b4: {  	v4 =	vld [tilespmem:s1+$0xA050];
	v12 =	vadd.f32 v5, v6;
	v7 =	vmul.f32 v7, v11  }
0x3b5: {  	v5 =	vld [tilespmem:s1+$0xA040];
	v10 =	vand.u32 $0x7FFFFFFF, v10;
	v11 =	vsub.f32 v9, v13  }
0x3b6: {  	v6 =	vld [tilespmem:s1+$0xA030];
	v9 =	vadd.f32 v7, v12;
	v10 =	vmul.f32 v10, v14  }
0x3b7: {  	s16 =	sadd.s32 $0x200, s16;
	v7 =	vld [tilespmem:s1+$0xA020];
	v11 =	vand.u32 $0x7FFFFFFF, v11  }
0x3b8: {  	v12 =	vld [tilespmem:s1+$0x4000]  }
0x3b9: {  	v13 =	vld [tilespmem:s1+$0xA000]  }
0x3ba: {  	v14 =	vld [tilespmem:s1+$0x4010]  }
0x3bb: {  	v15 =	vld [tilespmem:s1+$0xA010]  }
0x3bc: {  	v16 =	vld [tilespmem:s1+$0x4020]  }
0x3bd: {  	v17 =	vld [tilespmem:s1+$0xC000];
	v12 =	vmul.f32 v12, v2  }
0x3be: {  	v18 =	vld [tilespmem:s1+$0x4030]  }
0x3bf: {  	v47 =	vld [tilespmem:s1+$0xC010];
	v14 =	vmul.f32 v14, v2;
	v12 =	vsub.f32 v12, v13  }
0x3c0: {  	v9 =	vadd.f32 v10, v9;
	v8 =	vmul.f32 v11, v8;
	v48 =	vld [tilespmem:s1+$0x4040]  }
0x3c1: {  	v51 =	vld [tilespmem:s1+$0xC020];
	v52 =	vmul.f32 v16, v2;
	v50 =	vsub.f32 v14, v15;
	v49 =	vand.u32 $0x7FFFFFFF, v12  }
0x3c2: {  	v54 =	vld [tilespmem:s1+$0x4050];
	v8 =	vadd.f32 v8, v9;
	v53 =	vmul.f32 v49, v17  }
0x3c3: {  	v55 =	vld [tilespmem:s1+$0xC030];
	v56 =	vmul.f32 v18, v2;
	v7 =	vsub.f32 v52, v7;
	v12 =	vand.u32 $0x7FFFFFFF, v50  }
0x3c4: {  	v58 =	vld [tilespmem:s1+$0x4060];
	v57 =	vmul.f32 v12, v47;
	v8 =	vadd.f32 v53, v8  }
0x3c5: {  	v59 =	vld [tilespmem:s1+$0xC040];
	v10 =	vmul.f32 v48, v2;
	v6 =	vsub.f32 v56, v6;
	v7 =	vand.u32 $0x7FFFFFFF, v7  }
0x3c6: {  	v60 =	vld [tilespmem:s1+$0x4070];
	v7 =	vmul.f32 v7, v51;
	v8 =	vadd.f32 v57, v8  }
0x3c7: {  	v61 =	vld [tilespmem:s1+$0xC050];
	v11 =	vmul.f32 v54, v2;
	v5 =	vsub.f32 v10, v5;
	v6 =	vand.u32 $0x7FFFFFFF, v6  }
0x3c8: {  	v62 =	vld [tilespmem:s1+$0xA070];
	v6 =	vmul.f32 v6, v55;
	v7 =	vadd.f32 v7, v8  }
0x3c9: {  	v63 =	vld [tilespmem:s1+$0xC060];
	v4 =	vsub.f32 v11, v4;
	v5 =	vand.u32 $0x7FFFFFFF, v5;
	v12 =	vmul.f32 v58, v2  }
0x3ca: {  	v5 =	vmul.f32 v5, v59;
	v6 =	vadd.f32 v6, v7  }
0x3cb: {  	v4 =	vand.u32 $0x7FFFFFFF, v4;
	v2 =	vmul.f32 v60, v2;
	v3 =	vsub.f32 v12, v3;
	v7 =	vld [tilespmem:s1+$0xC070]  }
0x3cc: {  	v4 =	vmul.f32 v4, v61;
	v5 =	vadd.f32 v5, v6  }
0x3cd: {  	v2 =	vsub.f32 v2, v62;
	v3 =	vand.u32 $0x7FFFFFFF, v3  }
0x3ce: {  	v3 =	vmul.f32 v3, v63;
	v4 =	vadd.f32 v4, v5  }
0x3cf: {  	v2 =	vand.u32 $0x7FFFFFFF, v2  }
0x3d0: {  	v2 =	vmul.f32 v2, v7;
	v3 =	vadd.f32 v3, v4;
	_ =	sdelay $0x1  }
0x3d1: {  	s1 =	simm.s32 $0x40;
	v4 =	vld [tilespmem:s0+$0xC000];
	v2 =	vadd.f32 v2, v3;
	v3 =	vimm.f32 $0.0e+00  }
.LBB2_35:
0x3d2: {  	p1 =	sne.s32 s1, $0x7FC0  }
.Ltmp21:
0x3d3: {  	_ = 	snop;
	(pc) =	sbr.rel @p1 .LBB2_35-.Ltmp21, $3  }
0x3d4: {  	_ =	sdelay $0x1  }
0x3d5: {  	s0 =	sshra.s32 s1, $0x2;
	s1 =	sadd.s32 $0x40, s1;
	v3 =	vadd.f32 v4, v3  }
0x3d6: {  	v4 =	vld [tilespmem:s0+$0xC000]  }
0x3d7: {  	_ =	sdelay $0x3  }
0x3d8: {  	v3 =	vadd.f32 v4, v3  }
0x3d9: {  	(xrf2) =	vadd.scan.msk.f32 $0xffff, v2  }
0x3da: {  	(xrf2) =	vadd.scan.msk.f32 $0xffff, v3;
	_ =	sdelay $0x8  }
0x3db: {  	v2, _, _ =	vpop (xrf2)  }
0x3dc: {  	v3, _, _ =	vpop (xrf2)  }
0x3dd: {  	v3 =	vbroadcast v3, $0xF  }
0x3de: {  	v2 =	vbroadcast v2, $0xF  }
0x3df: {  	v3 =	vnsel vm0, $0x0, v3  }
0x3e0: {  	v2 =	vsel vm1, v3, v2  }
0x3e1: {  	[tilespmem:$0x1A100] =	vst v2  }
0x3e2: {  	[bflag:$0x0] =	sbarrier.arrive $0xFFFF  }
0x3e3: {  	[spmem:s11] =	stream.linear.scatter [tilespmem:s24], [sflag:$0x2], $0x10, $0x38;
	[tilespmem:$0x1A290] =	vst v63  }
0x3e4: {  	_ =	swait.ge [sflag:s25], $0x10  }
0x3e5: {  	[sflag:s25] =	ssyncset.done $0x0  }
0x3e6: {  	[sflag:s25] =	ssyncadd.s32 $0xFFFFFFF0  }
0x3e7: {  	[bflag:$0x0] =	sbarrier.arrive $0xFFFF  }
0x3e8: {  	[tilespmem:s26], [sflag:$0x2] =	stream.linear.gather [spmem:s9], $0x80, $0x38;
	[tilespmem:$0x1A290] =	vst v63  }
0x3e9: {  	_ =	swait.ge [sflag:s25], $0x80  }
0x3ea: {  	[sflag:s25] =	ssyncset.done $0x0  }
0x3eb: {  	[sflag:s25] =	ssyncadd.s32 $0xFFFFFF80  }
0x3ec: {  	v2 =	vld @!p0 [tilespmem:$0x1A180];
	_ =	sdelay $0x1  }
0x3ed: {  	v3 =	vld @!p0 [tilespmem:$0x1A190];
	_ =	sdelay $0x1  }
0x3ee: {  	v4 =	vld @!p0 [tilespmem:$0x1A1A0]  }
0x3ef: {  	v2 =	vadd.f32 @!p0 $0.0e+00, v2  }
0x3f0: {  	v5 =	vld @!p0 [tilespmem:$0x1A1B0]  }
0x3f1: {  	v2 =	vadd.f32 @!p0 v3, v2  }
0x3f2: {  	v3 =	vld @!p0 [tilespmem:$0x1A1C0]  }
0x3f3: {  	v2 =	vadd.f32 @!p0 v4, v2  }
0x3f4: {  	v4 =	vld @!p0 [tilespmem:$0x1A1D0]  }
0x3f5: {  	v2 =	vadd.f32 @!p0 v5, v2  }
0x3f6: {  	v5 =	vld @!p0 [tilespmem:$0x1A1E0]  }
0x3f7: {  	v2 =	vadd.f32 @!p0 v3, v2  }
0x3f8: {  	v3 =	vld @!p0 [tilespmem:$0x1A1F0]  }
0x3f9: {  	v2 =	vadd.f32 @!p0 v4, v2;
	_ =	sdelay $0x1  }
0x3fa: {  	v2 =	vadd.f32 @!p0 v5, v2;
	_ =	sdelay $0x1  }
0x3fb: {  	v2 =	vadd.f32 @!p0 v3, v2  }
0x3fc: {  	vm2 =	vcmask @!p0 $0x308  }
0x3fd: {  	v3 =	vsel @!p0 vm2, $0x0, v2;
	vm2 =	vmmov @!p0 $0x1  }
0x3fe: {  	(xrf2) =	vadd.scan.msk.f32 @!p0 $0xffff, v3;
	v2 =	vnsel @!p0 vm2, $0x0, v2  }
0x3ff: {  	(xrf2) =	vadd.scan.msk.f32 @!p0 $0xffff, v2;
	_ =	sdelay $0x8  }
0x400: {  	v2, _, _ =	vpop @!p0 (xrf2)  }
0x401: {  	v3, _, _ =	vpop @!p0 (xrf2);
	v2 =	vbroadcast @!p0 v2, $0xF  }
0x402: {  	vm2 =	vcmask @!p0 $0x704;
	v3 =	vbroadcast @!p0 v3, $0xF  }
0x403: {  	v2 =	vnsel @!p0 vm2, $0x0, v2;
	vm2 =	vcmask @!p0 $0x3F04  }
0x404: {  	s30 =	sadd.s32 $0x1, s30;
	v2 =	vsel @!p0 vm2, v2, v3  }
0x405: {  	s0 =	simm.s32 @!p0 $0x0;
	s1 =	simm.s32 @!p0 $0x1A200;
	p1 =	sne.s32 s30, s13;
	[tilespmem:$0x1A200] =	vst @!p0 v2  }
0x406: {  	[hbm4b:s12+s0] =	stream.linear.scatter @!p0 [tilespmem:s1], [sflag:$0x2], $0x10, $0x38;
	[tilespmem:$0x1A290] =	vst v63  }
.Ltmp22:
0x407: {  	_ = 	snop;
	(pc) =	sbr.rel @p1 .LBB2_1-.Ltmp22, $4  }
.Ltmp23:
0x408: {  	s0 =	simm.s32 @!p0 $0x2;
	(pc) =	sbr.rel @!p1 .LBB2_37-.Ltmp23, $4  }
0x409: {  	_ =	swait.ge @!p0 [sflag:s0], $0x10  }
0x40a: {  	[sflag:s0] =	ssyncset.done @!p0 $0x0  }
0x40b: {  	[sflag:s0] =	ssyncadd.s32 @!p0 $0xFFFFFFF0  }
0x40c: {  	_ = 	snop  }
.LBB2_4:
.Ltmp24:
0x40d: {  	(pc) =	sbr.rel .LBB2_8-.Ltmp24, $2  }
0x40e: {  	_ =	sdelay $0x2  }
0x40f: {  	s0 =	simm.s32 $0x0;
	p3 =	por $0x0, $0x0  }
.LBB2_9:
.Ltmp25:
0x410: {  	(pc) =	sbr.rel .LBB2_12-.Ltmp25, $2  }
0x411: {  	_ =	sdelay $0x2  }
0x412: {  	s0 =	simm.s32 $0x0  }
.LBB2_6:
.Ltmp26:
0x413: {  	(pc) =	sbr.rel .LBB2_8-.Ltmp26, $2  }
0x414: {  	_ =	sdelay $0x2  }
0x415: {  	s1 =	simm.s32 $0x0  }
.LBB2_37:
0x416: {  	_ =	sfence.sel $0x180000  }
0x417: {  	[bflag:$0x0] =	sbarrier.arrive $0xFFFF  }
0x418: {  	_ =	strace $0x90000047  }
0x419: {  	s0 =	stileid.u32;
	[bflag:$0x2] =	sbarrier.arrive $0xFFFF  }
0x41a: {  	p0 =	sne.s32 s0, $0x0;
	s0 =	rddreg [dreg:$0x4]  }
0x41b: {  	s0 =	sadd.s32 @!p0 $0x100000, s0  }
0x41c: {  	[sflag:s0] =	ssyncadd.tile.s32 @!p0 $0x1;
	_ =	shalt  }
.Lfunc_end2:
_tile_overlayer_lowered:
.L_overlay_start_2:
0x41d: {  	(tag) =	ssettag $0x2  }
0x41e: {  	s0 =	rddreg [dreg:$0x0];
	s2 =	stileid.u32  }
0x41f: {  	s1 =	rddreg [dreg:$0x1];
	p0 =	sne.s32 s2, $0x0  }
0x420: {  	s3 =	rddreg [dreg:$0x2];
	[bflag:$0x3] =	sbarrier.arrive $0xFFFF;
	s2 =	simm.s32 @!p0 $0x1C02  }
0x421: {  	[timem:s3], [sflag:s2] =	dma.local @!p0 [hbm:s0], s1  }
0x422: {  	s0 =	simm.s32 @!p0 $0x2  }
0x423: {  	_ =	swait.ge @!p0 [sflag:s0], s1  }
0x424: {  	s1 =	ssub.s32 @!p0 $0x0, s1;
	[sflag:s0] =	ssyncset.done @!p0 $0x0  }
0x425: {  	[sflag:s0] =	ssyncadd.s32 @!p0 s1  }
0x426: {  	[bflag:$0x3] =	sbarrier.arrive $0xFFFF  }
0x427: {  	_ =	shalt  }

</sc_bundles>
